<compile_context>
chip_gen: v7x
topology: tpu7x:2x2x1
jax: 0.10.2.dev20260603
libtpu: 0.0.44.dev20260713+nightly
codegen_flags: <defaults>
</compile_context>

<pallas_src>
import functools

import jax
import jax.numpy as jnp
from jax import lax
from jax.experimental import pallas as pl
from jax.experimental.pallas import tpu as pltpu
from jax.experimental.pallas import tpu_sc as plsc

N = 10000
E = 160000
F_IN = 16
H = 256
L = 128
B = 64
EPS = 1e-5

NC = 2
NS = 16
NPAD = 10240
EPAD = 163840
BK = 1024
NB = NPAD // BK
RPT = NPAD // NS
CH = 80
EALLOC = EPAD + 2 * CH

def _mesh():
  return plsc.VectorSubcoreMesh(
      core_axis_name="c", subcore_axis_name="s", num_cores=NC, num_subcores=NS)



NROWS = 2
NIDX = 4


def _sc_pass(table, src_idx, dst_idx, *, edge_split, gather, init):
  if edge_split:
    ept = EPAD // NC // NS
  else:
    ept = EPAD // NS
  nch = ept // CH
  tot = ((nch + 2 + NIDX - 1) // NIDX) * NIDX

  scratch = [
      pltpu.VMEM((NIDX, CH), jnp.int32),
      pltpu.VMEM((NIDX, CH), jnp.int32),
      pltpu.VMEM((NROWS, CH, 128), jnp.float32),
      pltpu.VMEM_SHARED((NPAD, 128), jnp.float32),
  ] + [pltpu.SemaphoreType.DMA] * (NIDX + 2 * NROWS)

  @functools.partial(
      pl.kernel,
      out_type=jax.ShapeDtypeStruct((NC * NPAD, 128), jnp.float32),
      mesh=_mesh(),
      scratch_types=scratch,
  )
  def k(tab_hbm, src_hbm, dst_hbm, out_hbm, idxs_v, idxd_v, rows_v, acc_sh,
        *sems):
    sem_idx = sems[0:NIDX]
    sem_gat = sems[NIDX:NIDX + NROWS]
    sem_sca = sems[NIDX + NROWS:NIDX + 2 * NROWS]
    c = lax.axis_index("c")
    s = lax.axis_index("s")

    def fill_rows0(val):
      v = jnp.full((16,), val, jnp.float32)

      @pl.loop(0, CH)
      def _(i):
        @pl.loop(0, 128, step=16)
        def _(q):
          rows_v[0, i, pl.ds(q, 16)] = v

    if init == 'self':
      pltpu.sync_copy(tab_hbm.at[pl.ds(c * NPAD + s * RPT, RPT)],
                      acc_sh.at[pl.ds(s * RPT, RPT)])
    else:
      fill_rows0(0.0)

      @pl.loop(0, RPT, step=CH)
      def _(r):
        pltpu.sync_copy(rows_v.at[0], acc_sh.at[pl.ds(s * RPT + r, CH)])

    if not gather:
      fill_rows0(1.0)

    plsc.subcore_barrier()

    if edge_split:
      sbase = c * (EPAD // NC) + s * ept
      dbase = sbase
    else:
      sbase = c * EALLOC + s * ept
      dbase = s * ept

    def idx_issue(g, i):
      pltpu.async_copy(dst_hbm.at[pl.ds(dbase + g * CH, CH)], idxd_v.at[i],
                       sem_idx[i])
      if gather:
        pltpu.async_copy(src_hbm.at[pl.ds(sbase + g * CH, CH)], idxs_v.at[i],
                         sem_idx[i])

    def idx_wait(g, i):
      pltpu.make_async_copy(dst_hbm.at[pl.ds(dbase + g * CH, CH)],
                            idxd_v.at[i], sem_idx[i]).wait()
      if gather:
        pltpu.make_async_copy(src_hbm.at[pl.ds(sbase + g * CH, CH)],
                              idxs_v.at[i], sem_idx[i]).wait()

    def gat_issue(i, r):
      pltpu.async_copy(tab_hbm.at[idxs_v.at[i]], rows_v.at[r], sem_gat[r])

    def gat_wait(i, r):
      pltpu.make_async_copy(tab_hbm.at[idxs_v.at[i]], rows_v.at[r],
                            sem_gat[r]).wait()

    def sca_issue(i, r):
      rb = r if gather else 0
      pltpu.async_copy(rows_v.at[rb], acc_sh.at[idxd_v.at[i]], sem_sca[r],
                       add=True)

    def sca_wait(i, r):
      rb = r if gather else 0
      pltpu.make_async_copy(rows_v.at[rb], acc_sh.at[idxd_v.at[i]],
                            sem_sca[r]).wait()

    for i in range(NIDX):
      idx_issue(i, i)

    @pl.loop(0, tot, step=NIDX)
    def _(G):
      for kk in range(NIDX):
        g = G + kk
        i0 = kk
        i1 = (kk - 1) % NIDX
        i2 = (kk - 2) % NIDX
        r0 = kk % NROWS
        r1 = (kk - 1) % NROWS

        if gather:
          @pl.when(jnp.logical_and(g >= 2, g <= nch + 1))
          def _():
            sca_wait(i2, r0)

          @pl.when(g < nch)
          def _():
            idx_wait(g, i0)
            gat_issue(i0, r0)

          @pl.when(jnp.logical_and(g >= 1, g <= nch))
          def _():
            gat_wait(i1, r1)
            sca_issue(i1, r1)

          @pl.when(jnp.logical_and(g >= 2, g + 2 < nch))
          def _():
            idx_issue(g + 2, i2)
        else:
          @pl.when(jnp.logical_and(g >= 2, g <= nch + 1))
          def _():
            sca_wait(i2, r0)

          @pl.when(g < nch)
          def _():
            idx_wait(g, i0)
            sca_issue(i0, r0)

          @pl.when(jnp.logical_and(g >= 2, g + 2 < nch))
          def _():
            idx_issue(g + 2, i2)

    plsc.subcore_barrier()
    pltpu.sync_copy(acc_sh.at[pl.ds(s * RPT, RPT)],
                    out_hbm.at[pl.ds(c * NPAD + s * RPT, RPT)])

  return k(table, src_idx, dst_idx)


def _sc_degree(dst_pad):
  dummy = jnp.zeros((8, 128), jnp.float32)
  return _sc_pass(dummy, dst_pad, dst_pad, edge_split=True, gather=False,
                  init='zero')


def _sc_prop128(hs, src2_pad, dst_pad):
  return _sc_pass(hs, src2_pad, dst_pad, edge_split=False, gather=True,
                  init='self')



def _row_mask(i):
  gidx = lax.broadcasted_iota(jnp.int32, (BK, 1), 0) + i * BK
  return gidx < N


def _tc_prep_mm1(degacc, x_pad, W1):

  def body(deg_ref, x_ref, w_ref, dinv_ref, us_ref):
    def blk(i, _):
      r = pl.ds(i * BK, BK)
      r2 = pl.ds(NPAD + i * BK, BK)
      d = deg_ref[r, 0:1] + deg_ref[r2, 0:1] + 1.0
      dv = jnp.where(_row_mask(i), lax.rsqrt(d), 0.0)
      dinv_ref[r, :] = dv
      u = jnp.dot(x_ref[r, :], w_ref[...],
                  preferred_element_type=jnp.float32)
      us = u * dv
      us_ref[r, :] = us[:, 0:128]
      us_ref[r2, :] = us[:, 128:256]
      return 0

    lax.fori_loop(0, NB, blk, 0)

  return pl.pallas_call(
      body,
      out_shape=(jax.ShapeDtypeStruct((NPAD, 1), jnp.float32),
                 jax.ShapeDtypeStruct((2 * NPAD, 128), jnp.float32)),
  )(degacc, x_pad, W1)


def _bn_pass1(acc_ref, dinv_ref, b_ref, z_ref):

  def blk(i, s1):
    r = pl.ds(i * BK, BK)
    r2 = pl.ds(NPAD + i * BK, BK)
    dv = dinv_ref[r, :]
    z = jnp.concatenate([acc_ref[r, :] * dv, acc_ref[r2, :] * dv], axis=1)
    z = z + b_ref[...]
    zm = jnp.where(_row_mask(i), z, 0.0)
    z_ref[r, :] = z
    return s1 + jnp.sum(zm, axis=0, keepdims=True)

  zeros = jnp.zeros((1, H), jnp.float32)
  s1 = lax.fori_loop(0, NB, blk, zeros)
  mu = s1 * (1.0 / N)

  def blk2(i, s2):
    r = pl.ds(i * BK, BK)
    d = jnp.where(_row_mask(i), z_ref[r, :] - mu, 0.0)
    return s2 + jnp.sum(d * d, axis=0, keepdims=True)

  s2 = lax.fori_loop(0, NB, blk2, zeros)
  return mu, s2


def _bn_coeffs(mu, s2, g_ref, bt_ref):
  var = s2 * (1.0 / N)
  scale = g_ref[...] * lax.rsqrt(var + EPS)
  return scale, bt_ref[...] - mu * scale


def _tc_post_mm(acc, dinv, b, g, bt, Wn):

  def body(acc_ref, dinv_ref, b_ref, g_ref, bt_ref, w_ref, out_ref, z_ref):
    mu, s2 = _bn_pass1(acc_ref, dinv_ref, b_ref, z_ref)
    scale, shift = _bn_coeffs(mu, s2, g_ref, bt_ref)

    def blk2(i, _):
      r = pl.ds(i * BK, BK)
      r2 = pl.ds(NPAD + i * BK, BK)
      h = jnp.maximum(z_ref[r, :] * scale + shift, 0.0)
      u = jnp.dot(h, w_ref[...], preferred_element_type=jnp.float32)
      us = u * dinv_ref[r, :]
      out_ref[r, :] = us[:, 0:128]
      out_ref[r2, :] = us[:, 128:256]
      return 0

    lax.fori_loop(0, NB, blk2, 0)

  return pl.pallas_call(
      body,
      out_shape=jax.ShapeDtypeStruct((2 * NPAD, 128), jnp.float32),
      scratch_shapes=[pltpu.VMEM((NPAD, H), jnp.float32)],
  )(acc, dinv, b, g, bt, Wn)


def _tc_post_pool(acc, dinv, b, g, bt, batch_pad, Wl1, bl1, Wl2, bl2, Wl3,
                  bl3):

  def body(acc_ref, dinv_ref, b_ref, g_ref, bt_ref, bt2_ref, w1_ref, b1_ref,
           w2_ref, b2_ref, w3_ref, b3_ref, out_ref, z_ref):
    mu, s2 = _bn_pass1(acc_ref, dinv_ref, b_ref, z_ref)
    scale, shift = _bn_coeffs(mu, s2, g_ref, bt_ref)

    ones = jnp.ones((BK, 1), jnp.float32)
    dn = (((0,), (0,)), ((), ()))

    def blk2(i, carry):
      ps, cnt = carry
      r = pl.ds(i * BK, BK)
      h = jnp.maximum(z_ref[r, :] * scale + shift, 0.0)
      oh = (bt2_ref[r, :] == lax.broadcasted_iota(jnp.int32, (BK, B), 1)
            ).astype(jnp.float32)
      ps = ps + lax.dot_general(oh, h, dn, preferred_element_type=jnp.float32,
                                precision=lax.Precision.HIGHEST)
      cnt = cnt + lax.dot_general(oh, ones, dn,
                                  preferred_element_type=jnp.float32,
                                  precision=lax.Precision.HIGHEST)
      return ps, cnt

    ps, cnt = lax.fori_loop(
        0, NB, blk2,
        (jnp.zeros((B, H), jnp.float32), jnp.zeros((B, 1), jnp.float32)))
    pooled = ps / jnp.maximum(cnt, 1.0)
    z1 = jnp.maximum(
        jnp.dot(pooled, w1_ref[...], preferred_element_type=jnp.float32)
        + b1_ref[...], 0.0)
    z2 = jnp.maximum(
        jnp.dot(z1, w2_ref[...], preferred_element_type=jnp.float32)
        + b2_ref[...], 0.0)
    out_ref[...] = (jnp.dot(z2, w3_ref[...],
                            preferred_element_type=jnp.float32) + b3_ref[...])

  return pl.pallas_call(
      body,
      out_shape=jax.ShapeDtypeStruct((B, 1), jnp.float32),
      scratch_shapes=[pltpu.VMEM((NPAD, H), jnp.float32)],
  )(acc, dinv, b, g, bt, batch_pad, Wl1, bl1, Wl2, bl2, Wl3, bl3)



def kernel(x, edge_index, batch, W1, b1, g1, bt1, W2, b2, g2, bt2,
           W3, b3, g3, bt3, Wl1, bl1, Wl2, bl2, Wl3, bl3):
  src = edge_index[0]
  dst = edge_index[1]

  pad = jnp.full((EALLOC - E,), N, jnp.int32)
  src_pad = jnp.concatenate([src, pad])
  dst_pad = jnp.concatenate([dst, pad])
  src2_pad = jnp.concatenate([src_pad, src_pad + NPAD])

  x_pad = jnp.zeros((NPAD, F_IN), jnp.float32).at[0:N, :].set(x)
  batch_pad = jnp.full((NPAD, 1), B, jnp.int32).at[0:N, 0].set(batch)

  b1r, g1r, bt1r = b1.reshape(1, H), g1.reshape(1, H), bt1.reshape(1, H)
  b2r, g2r, bt2r = b2.reshape(1, H), g2.reshape(1, H), bt2.reshape(1, H)
  b3r, g3r, bt3r = b3.reshape(1, H), g3.reshape(1, H), bt3.reshape(1, H)

  degacc = _sc_degree(dst_pad)
  dinv, us1 = _tc_prep_mm1(degacc, x_pad, W1)

  acc1 = _sc_prop128(us1, src2_pad, dst_pad)
  us2 = _tc_post_mm(acc1, dinv, b1r, g1r, bt1r, W2)

  acc2 = _sc_prop128(us2, src2_pad, dst_pad)
  us3 = _tc_post_mm(acc2, dinv, b2r, g2r, bt2r, W3)

  acc3 = _sc_prop128(us3, src2_pad, dst_pad)
  out = _tc_post_pool(acc3, dinv, b3r, g3r, bt3r, batch_pad,
                      Wl1, bl1.reshape(1, L), Wl2, bl2.reshape(1, L),
                      Wl3, bl3.reshape(1, 1))
  return out.reshape(-1)

# --- scband reference (transcript-rebuilt; emitter-appended) ---
"""Pipeline reference for scband-gcn-8873402433678 (READ-ONLY COPY).

The authoritative reference and input builder live on the scoring server;
editing this copy changes nothing except your own understanding.
"""

import jax, jax.numpy as jnp
import numpy as np

N = 10000
E = 160000
F_IN = 16
H = 256
L = 128
B = 64
EPS = 1e-5


def setup_inputs(seed: int = 0) -> dict:
    key = jax.random.key(seed)
    ks = jax.random.split(key, 20)
    x = jax.random.normal(ks[0], (N, F_IN), dtype=jnp.float32)
    edge_index = jax.random.randint(ks[1], (2, E), 0, N, dtype=jnp.int32)
    batch = jnp.sort(jax.random.randint(ks[2], (N,), 0, B, dtype=jnp.int32))
    def lin(k, fan_in, shape):
        return (jax.random.normal(k, shape, dtype=jnp.float32) / np.sqrt(fan_in)).astype(jnp.float32)
    W1 = lin(ks[3], F_IN, (F_IN, H)); b1 = jnp.zeros((H,), jnp.float32)
    g1 = jnp.ones((H,), jnp.float32); bt1 = jnp.zeros((H,), jnp.float32)
    W2 = lin(ks[4], H, (H, H)); b2 = jnp.zeros((H,), jnp.float32)
    g2 = jnp.ones((H,), jnp.float32); bt2 = jnp.zeros((H,), jnp.float32)
    W3 = lin(ks[5], H, (H, H)); b3 = jnp.zeros((H,), jnp.float32)
    g3 = jnp.ones((H,), jnp.float32); bt3 = jnp.zeros((H,), jnp.float32)
    Wl1 = lin(ks[6], H, (H, L)); bl1 = jnp.zeros((L,), jnp.float32)
    Wl2 = lin(ks[7], L, (L, L)); bl2 = jnp.zeros((L,), jnp.float32)
    Wl3 = lin(ks[8], L, (L, 1)); bl3 = jnp.zeros((1,), jnp.float32)
    return {"x": x, "edge_index": edge_index, "batch": batch,
            "W1": W1, "b1": b1, "g1": g1, "bt1": bt1,
            "W2": W2, "b2": b2, "g2": g2, "bt2": bt2,
            "W3": W3, "b3": b3, "g3": g3, "bt3": bt3,
            "Wl1": Wl1, "bl1": bl1, "Wl2": Wl2, "bl2": bl2, "Wl3": Wl3, "bl3": bl3}


def _gcn_conv(x, edge_index, W, b):
    # GCNConv: x' = D^-1/2 (A + I) D^-1/2 (x W) + b
    h = x @ W
    src = edge_index[0]
    dst = edge_index[1]
    loop = jnp.arange(N, dtype=src.dtype)
    src = jnp.concatenate([src, loop])
    dst = jnp.concatenate([dst, loop])
    deg = jnp.zeros((N,), jnp.float32).at[dst].add(1.0)
    dinv = jnp.where(deg > 0, 1.0 / jnp.sqrt(deg), 0.0)
    norm = dinv[src] * dinv[dst]
    msg = h[src] * norm[:, None]
    agg = jax.ops.segment_sum(msg, dst, num_segments=N)
    return agg + b


def _bn(x, g, bt):
    mu = jnp.mean(x, axis=0)
    var = jnp.var(x, axis=0)
    return (x - mu) / jnp.sqrt(var + EPS) * g + bt


def reference(x, edge_index, batch, W1, b1, g1, bt1, W2, b2, g2, bt2, W3, b3, g3, bt3, Wl1, bl1, Wl2, bl2, Wl3, bl3):
    h = jax.nn.relu(_bn(_gcn_conv(x, edge_index, W1, b1), g1, bt1))
    h = jax.nn.relu(_bn(_gcn_conv(h, edge_index, W2, b2), g2, bt2))
    h = jax.nn.relu(_bn(_gcn_conv(h, edge_index, W3, b3), g3, bt3))
    # global_mean_pool over batch segment ids
    sums = jax.ops.segment_sum(h, batch, num_segments=B)
    cnts = jax.ops.segment_sum(jnp.ones((N,), jnp.float32), batch, num_segments=B)
    pooled = sums / jnp.maximum(cnts, 1.0)[:, None]
    z = jax.nn.relu(pooled @ Wl1 + bl1)
    z = jax.nn.relu(z @ Wl2 + bl2)
    z = z @ Wl3 + bl3
    return jnp.reshape(z, (-1,))

if __name__ == "__main__":
    import jax
    _d = setup_inputs()
    print(jax.jit(kernel)(*tuple(_d.values())))

</pallas_src>

<mosaic_0001>
#map = affine_map<(d0, d1) -> (0, 0)>
#map1 = affine_map<(d0, d1) -> (0)>
module attributes {stable_mosaic.version = 14 : i64} {
  func.func @k(%arg0: i32, %arg1: i32, %arg2: memref<8x128xf32, #tpu.memory_space<hbm>>, %arg3: memref<164000xi32, #tpu.memory_space<hbm>>, %arg4: memref<164000xi32, #tpu.memory_space<hbm>>, %arg5: memref<20480x128xf32, #tpu.memory_space<hbm>>, %arg6: memref<4x80xi32, #tpu.memory_space<vmem>>, %arg7: memref<4x80xi32, #tpu.memory_space<vmem>>, %arg8: memref<2x80x128xf32, #tpu.memory_space<vmem>>, %arg9: memref<10240x128xf32, #tpu.memory_space<vmem_shared>>, %arg10: memref<!tpu.dma_semaphore, #tpu.memory_space<semaphore_mem>>, %arg11: memref<!tpu.dma_semaphore, #tpu.memory_space<semaphore_mem>>, %arg12: memref<!tpu.dma_semaphore, #tpu.memory_space<semaphore_mem>>, %arg13: memref<!tpu.dma_semaphore, #tpu.memory_space<semaphore_mem>>, %arg14: memref<!tpu.dma_semaphore, #tpu.memory_space<semaphore_mem>>, %arg15: memref<!tpu.dma_semaphore, #tpu.memory_space<semaphore_mem>>, %arg16: memref<!tpu.dma_semaphore, #tpu.memory_space<semaphore_mem>>, %arg17: memref<!tpu.dma_semaphore, #tpu.memory_space<semaphore_mem>>) attributes {dimension_semantics = [#tpu.dimension_semantics<core_parallel>, #tpu.dimension_semantics<subcore_parallel>], iteration_bounds = array<i64: 2, 16>, scalar_prefetch = 0 : i64, scratch_operands = 12 : i64, tpu.core_type = #tpu.core_type<sc_vector_subcore>, window_params = [{transform_indices = #map}, {transform_indices = #map1}, {transform_indices = #map1}, {transform_indices = #map}]} {
    %broadcast_in_dim3A = arith.constant 0.000000e+00 : f32
    %broadcast_in_dim3A_0 = vector.broadcast %broadcast_in_dim3A : f32 to vector<16xf32>
    %scan3A = arith.constant 0 : i32
    %scan3A_1 = arith.constant 80 : i32
    %scan3A_2 = arith.addi %scan3A, %scan3A_1 : i32
    %scan3A_3 = arith.constant 1 : i32
    scf.for %scan3A_76 = %scan3A to %scan3A_2 step %scan3A_3  : i32 {
      %mul3A_77 = arith.constant 1 : i32
      %mul3A_78 = arith.muli %scan3A_76, %mul3A_77 : i32
      %add3A_79 = arith.constant 0 : i32
      %add3A_80 = arith.addi %add3A_79, %mul3A_78 : i32
      %scan3A_81 = arith.constant 0 : i32
      %scan3A_82 = arith.constant 8 : i32
      %scan3A_83 = arith.addi %scan3A_81, %scan3A_82 : i32
      %scan3A_84 = arith.constant 1 : i32
      scf.for %scan3A_86 = %scan3A_81 to %scan3A_83 step %scan3A_84  : i32 {
        %mul3A_87 = arith.constant 16 : i32
        %mul3A_88 = arith.muli %scan3A_86, %mul3A_87 : i32
        %add3A_89 = arith.constant 0 : i32
        %add3A_90 = arith.addi %add3A_89, %mul3A_88 : i32
        %swap3A = arith.constant 0 : i32
        %swap3A_91 = arith.index_cast %swap3A : i32 to index
        %swap3A_92 = arith.index_cast %add3A_80 : i32 to index
        %swap3A_93 = arith.index_cast %add3A_90 : i32 to index
        %swap3A_94 = tpu.vector_load %arg8[%swap3A_91, %swap3A_92, %swap3A_93] {strides = array<i32>} : memref<2x80x128xf32, #tpu.memory_space<vmem>>, vector<1x1x16xf32>,
        %swap3A_95 = vector.shape_cast %swap3A_94 : vector<1x1x16xf32> to vector<16xf32>
        %swap3A_96 = vector.shape_cast %broadcast_in_dim3A_0 : vector<16xf32> to vector<1x1x16xf32>
        tpu.vector_store %arg8[%swap3A_91, %swap3A_92, %swap3A_93], %swap3A_96 {strides = array<i32>} : memref<2x80x128xf32, #tpu.memory_space<vmem>>, vector<1x1x16xf32>,
      }
      %scan3A_85 = arith.constant 8 : i32
    }
    %scan3A_4 = arith.constant 80 : i32
    %scan3A_5 = arith.constant 0 : i32
    %scan3A_6 = arith.constant 8 : i32
    %scan3A_7 = arith.addi %scan3A_5, %scan3A_6 : i32
    %scan3A_8 = arith.constant 1 : i32
    scf.for %scan3A_76 = %scan3A_5 to %scan3A_7 step %scan3A_8  : i32 {
      %mul3A_77 = arith.constant 80 : i32
      %mul3A_78 = arith.muli %scan3A_76, %mul3A_77 : i32
      %add3A_79 = arith.constant 0 : i32
      %add3A_80 = arith.addi %add3A_79, %mul3A_78 : i32
      %mul3A_81 = arith.constant 640 : i32
      %mul3A_82 = arith.muli %arg1, %mul3A_81 : i32
      %add3A_83 = arith.addi %mul3A_82, %add3A_80 : i32
      %run_scoped3A = arith.constant 0 : i32
      "tpu.region"() ({
        %run_scoped3A_84 = tpu.sem_alloc : memref<!tpu.dma_semaphore, #tpu.memory_space<semaphore_mem>>
        %dma_start3A_85 = arith.constant 0 : i32
        %dma_start3A_86 = arith.constant 0 : i32
        %dma_start3A_87 = tpu.memref_slice %arg8[%run_scoped3A, %dma_start3A_85, %dma_start3A_86] : memref<2x80x128xf32, #tpu.memory_space<vmem>> -> memref<1x80x128xf32, #tpu.memory_space<vmem>>
        %dma_start3A_88 = tpu.memref_squeeze %dma_start3A_87 : memref<1x80x128xf32, #tpu.memory_space<vmem>> -> memref<80x128xf32, #tpu.memory_space<vmem>>
        %dma_start3A_89 = arith.constant 0 : i32
        %dma_start3A_90 = tpu.memref_slice %arg9[%add3A_83, %dma_start3A_89] : memref<10240x128xf32, #tpu.memory_space<vmem_shared>> -> memref<80x128xf32, #tpu.memory_space<vmem_shared>>
        %dma_start3A_91 = arith.constant 0 : i32
        %dma_start3A_92 = tpu.memref_slice %arg9[%add3A_83, %dma_start3A_91] : memref<10240x128xf32, #tpu.memory_space<vmem_shared>> -> memref<80x128xf32, #tpu.memory_space<vmem_shared>>
        %dma_start3A_93 = arith.constant 0 : i32
        %dma_start3A_94 = arith.constant 0 : i32
        %dma_start3A_95 = tpu.memref_slice %arg8[%run_scoped3A, %dma_start3A_93, %dma_start3A_94] : memref<2x80x128xf32, #tpu.memory_space<vmem>> -> memref<1x80x128xf32, #tpu.memory_space<vmem>>
        %dma_start3A_96 = tpu.memref_squeeze %dma_start3A_95 : memref<1x80x128xf32, #tpu.memory_space<vmem>> -> memref<80x128xf32, #tpu.memory_space<vmem>>
        tpu.enqueue_dma source(%dma_start3A_96 : memref<80x128xf32, #tpu.memory_space<vmem>>) target(%dma_start3A_92 : memref<80x128xf32, #tpu.memory_space<vmem_shared>>) target_semaphore(%run_scoped3A_84 : memref<!tpu.dma_semaphore, #tpu.memory_space<semaphore_mem>>)
        %dma_wait3A = arith.constant 0 : i32
        %dma_wait3A_97 = arith.constant 0 : i32
        %dma_wait3A_98 = tpu.memref_slice %arg8[%run_scoped3A, %dma_wait3A, %dma_wait3A_97] : memref<2x80x128xf32, #tpu.memory_space<vmem>> -> memref<1x80x128xf32, #tpu.memory_space<vmem>>
        %dma_wait3A_99 = tpu.memref_squeeze %dma_wait3A_98 : memref<1x80x128xf32, #tpu.memory_space<vmem>> -> memref<80x128xf32, #tpu.memory_space<vmem>>
        %dma_wait3A_100 = arith.constant 0 : i32
        %dma_wait3A_101 = tpu.memref_slice %arg9[%add3A_83, %dma_wait3A_100] : memref<10240x128xf32, #tpu.memory_space<vmem_shared>> -> memref<80x128xf32, #tpu.memory_space<vmem_shared>>
        %dma_wait3A_102 = arith.constant 0 : i32
        %dma_wait3A_103 = tpu.memref_slice %arg9[%add3A_83, %dma_wait3A_102] : memref<10240x128xf32, #tpu.memory_space<vmem_shared>> -> memref<80x128xf32, #tpu.memory_space<vmem_shared>>
        %dma_wait3A_104 = arith.constant 0 : i32
        %dma_wait3A_105 = arith.constant 0 : i32
        %dma_wait3A_106 = tpu.memref_slice %arg8[%run_scoped3A, %dma_wait3A_104, %dma_wait3A_105] : memref<2x80x128xf32, #tpu.memory_space<vmem>> -> memref<1x80x128xf32, #tpu.memory_space<vmem>>
        %dma_wait3A_107 = tpu.memref_squeeze %dma_wait3A_106 : memref<1x80x128xf32, #tpu.memory_space<vmem>> -> memref<80x128xf32, #tpu.memory_space<vmem>>
        tpu.wait_dma2 semaphore(%run_scoped3A_84 : memref<!tpu.dma_semaphore, #tpu.memory_space<semaphore_mem>>) src(%dma_wait3A_107 : memref<80x128xf32, #tpu.memory_space<vmem>>) dst(%dma_wait3A_103 : memref<80x128xf32, #tpu.memory_space<vmem_shared>>)
        tpu.yield
      }) : () -> ()
    }
    %scan3A_9 = arith.constant 8 : i32
    %broadcast_in_dim3A_10 = arith.constant 1.000000e+00 : f32
    %broadcast_in_dim3A_11 = vector.broadcast %broadcast_in_dim3A_10 : f32 to vector<16xf32>
    %scan3A_12 = arith.constant 0 : i32
    %scan3A_13 = arith.constant 80 : i32
    %scan3A_14 = arith.addi %scan3A_12, %scan3A_13 : i32
    %scan3A_15 = arith.constant 1 : i32
    scf.for %scan3A_76 = %scan3A_12 to %scan3A_14 step %scan3A_15  : i32 {
      %mul3A_77 = arith.constant 1 : i32
      %mul3A_78 = arith.muli %scan3A_76, %mul3A_77 : i32
      %add3A_79 = arith.constant 0 : i32
      %add3A_80 = arith.addi %add3A_79, %mul3A_78 : i32
      %scan3A_81 = arith.constant 0 : i32
      %scan3A_82 = arith.constant 8 : i32
      %scan3A_83 = arith.addi %scan3A_81, %scan3A_82 : i32
      %scan3A_84 = arith.constant 1 : i32
      scf.for %scan3A_86 = %scan3A_81 to %scan3A_83 step %scan3A_84  : i32 {
        %mul3A_87 = arith.constant 16 : i32
        %mul3A_88 = arith.muli %scan3A_86, %mul3A_87 : i32
        %add3A_89 = arith.constant 0 : i32
        %add3A_90 = arith.addi %add3A_89, %mul3A_88 : i32
        %swap3A = arith.constant 0 : i32
        %swap3A_91 = arith.index_cast %swap3A : i32 to index
        %swap3A_92 = arith.index_cast %add3A_80 : i32 to index
        %swap3A_93 = arith.index_cast %add3A_90 : i32 to index
        %swap3A_94 = tpu.vector_load %arg8[%swap3A_91, %swap3A_92, %swap3A_93] {strides = array<i32>} : memref<2x80x128xf32, #tpu.memory_space<vmem>>, vector<1x1x16xf32>,
        %swap3A_95 = vector.shape_cast %swap3A_94 : vector<1x1x16xf32> to vector<16xf32>
        %swap3A_96 = vector.shape_cast %broadcast_in_dim3A_11 : vector<16xf32> to vector<1x1x16xf32>
        tpu.vector_store %arg8[%swap3A_91, %swap3A_92, %swap3A_93], %swap3A_96 {strides = array<i32>} : memref<2x80x128xf32, #tpu.memory_space<vmem>>, vector<1x1x16xf32>,
      }
      %scan3A_85 = arith.constant 8 : i32
    }
    %scan3A_16 = arith.constant 80 : i32
    %barrier3A = arith.constant 0 : index
    tpu.barrier barrier_id(%barrier3A)
    %mul3A = arith.constant 81920 : i32
    %mul3A_17 = arith.muli %arg0, %mul3A : i32
    %mul3A_18 = arith.constant 5120 : i32
    %mul3A_19 = arith.muli %arg1, %mul3A_18 : i32
    %add3A = arith.addi %mul3A_17, %mul3A_19 : i32
    %add3A_20 = arith.constant 0 : i32
    %add3A_21 = arith.addi %add3A, %add3A_20 : i32
    %dma_start3A = arith.constant 0 : i32
    %dma_start3A_22 = arith.constant 0 : i32
    %dma_start3A_23 = tpu.memref_slice %arg7[%dma_start3A, %dma_start3A_22] : memref<4x80xi32, #tpu.memory_space<vmem>> -> memref<1x80xi32, #tpu.memory_space<vmem>>
    %dma_start3A_24 = tpu.memref_squeeze %dma_start3A_23 : memref<1x80xi32, #tpu.memory_space<vmem>> -> memref<80xi32, #tpu.memory_space<vmem>>
    %dma_start3A_25 = tpu.memref_slice %arg4[%add3A_21] : memref<164000xi32, #tpu.memory_space<hbm>> -> memref<80xi32, #tpu.memory_space<hbm>>
    %dma_start3A_26 = arith.constant 0 : i32
    %dma_start3A_27 = tpu.memref_slice %arg7[%dma_start3A, %dma_start3A_26] : memref<4x80xi32, #tpu.memory_space<vmem>> -> memref<1x80xi32, #tpu.memory_space<vmem>>
    %dma_start3A_28 = tpu.memref_squeeze %dma_start3A_27 : memref<1x80xi32, #tpu.memory_space<vmem>> -> memref<80xi32, #tpu.memory_space<vmem>>
    %dma_start3A_29 = tpu.memref_slice %arg4[%add3A_21] : memref<164000xi32, #tpu.memory_space<hbm>> -> memref<80xi32, #tpu.memory_space<hbm>>
    tpu.enqueue_dma source(%dma_start3A_29 : memref<80xi32, #tpu.memory_space<hbm>>) target(%dma_start3A_28 : memref<80xi32, #tpu.memory_space<vmem>>) target_semaphore(%arg10 : memref<!tpu.dma_semaphore, #tpu.memory_space<semaphore_mem>>)
    %add3A_30 = arith.constant 80 : i32
    %add3A_31 = arith.addi %add3A, %add3A_30 : i32
    %dma_start3A_32 = arith.constant 1 : i32
    %dma_start3A_33 = arith.constant 0 : i32
    %dma_start3A_34 = tpu.memref_slice %arg7[%dma_start3A_32, %dma_start3A_33] : memref<4x80xi32, #tpu.memory_space<vmem>> -> memref<1x80xi32, #tpu.memory_space<vmem>>
    %dma_start3A_35 = tpu.memref_squeeze %dma_start3A_34 : memref<1x80xi32, #tpu.memory_space<vmem>> -> memref<80xi32, #tpu.memory_space<vmem>>
    %dma_start3A_36 = tpu.memref_slice %arg4[%add3A_31] : memref<164000xi32, #tpu.memory_space<hbm>> -> memref<80xi32, #tpu.memory_space<hbm>>
    %dma_start3A_37 = arith.constant 0 : i32
    %dma_start3A_38 = tpu.memref_slice %arg7[%dma_start3A_32, %dma_start3A_37] : memref<4x80xi32, #tpu.memory_space<vmem>> -> memref<1x80xi32, #tpu.memory_space<vmem>>
    %dma_start3A_39 = tpu.memref_squeeze %dma_start3A_38 : memref<1x80xi32, #tpu.memory_space<vmem>> -> memref<80xi32, #tpu.memory_space<vmem>>
    %dma_start3A_40 = tpu.memref_slice %arg4[%add3A_31] : memref<164000xi32, #tpu.memory_space<hbm>> -> memref<80xi32, #tpu.memory_space<hbm>>
    tpu.enqueue_dma source(%dma_start3A_40 : memref<80xi32, #tpu.memory_space<hbm>>) target(%dma_start3A_39 : memref<80xi32, #tpu.memory_space<vmem>>) target_semaphore(%arg11 : memref<!tpu.dma_semaphore, #tpu.memory_space<semaphore_mem>>)
    %add3A_41 = arith.constant 160 : i32
    %add3A_42 = arith.addi %add3A, %add3A_41 : i32
    %dma_start3A_43 = arith.constant 2 : i32
    %dma_start3A_44 = arith.constant 0 : i32
    %dma_start3A_45 = tpu.memref_slice %arg7[%dma_start3A_43, %dma_start3A_44] : memref<4x80xi32, #tpu.memory_space<vmem>> -> memref<1x80xi32, #tpu.memory_space<vmem>>
    %dma_start3A_46 = tpu.memref_squeeze %dma_start3A_45 : memref<1x80xi32, #tpu.memory_space<vmem>> -> memref<80xi32, #tpu.memory_space<vmem>>
    %dma_start3A_47 = tpu.memref_slice %arg4[%add3A_42] : memref<164000xi32, #tpu.memory_space<hbm>> -> memref<80xi32, #tpu.memory_space<hbm>>
    %dma_start3A_48 = arith.constant 0 : i32
    %dma_start3A_49 = tpu.memref_slice %arg7[%dma_start3A_43, %dma_start3A_48] : memref<4x80xi32, #tpu.memory_space<vmem>> -> memref<1x80xi32, #tpu.memory_space<vmem>>
    %dma_start3A_50 = tpu.memref_squeeze %dma_start3A_49 : memref<1x80xi32, #tpu.memory_space<vmem>> -> memref<80xi32, #tpu.memory_space<vmem>>
    %dma_start3A_51 = tpu.memref_slice %arg4[%add3A_42] : memref<164000xi32, #tpu.memory_space<hbm>> -> memref<80xi32, #tpu.memory_space<hbm>>
    tpu.enqueue_dma source(%dma_start3A_51 : memref<80xi32, #tpu.memory_space<hbm>>) target(%dma_start3A_50 : memref<80xi32, #tpu.memory_space<vmem>>) target_semaphore(%arg12 : memref<!tpu.dma_semaphore, #tpu.memory_space<semaphore_mem>>)
    %add3A_52 = arith.constant 240 : i32
    %add3A_53 = arith.addi %add3A, %add3A_52 : i32
    %dma_start3A_54 = arith.constant 3 : i32
    %dma_start3A_55 = arith.constant 0 : i32
    %dma_start3A_56 = tpu.memref_slice %arg7[%dma_start3A_54, %dma_start3A_55] : memref<4x80xi32, #tpu.memory_space<vmem>> -> memref<1x80xi32, #tpu.memory_space<vmem>>
    %dma_start3A_57 = tpu.memref_squeeze %dma_start3A_56 : memref<1x80xi32, #tpu.memory_space<vmem>> -> memref<80xi32, #tpu.memory_space<vmem>>
    %dma_start3A_58 = tpu.memref_slice %arg4[%add3A_53] : memref<164000xi32, #tpu.memory_space<hbm>> -> memref<80xi32, #tpu.memory_space<hbm>>
    %dma_start3A_59 = arith.constant 0 : i32
    %dma_start3A_60 = tpu.memref_slice %arg7[%dma_start3A_54, %dma_start3A_59] : memref<4x80xi32, #tpu.memory_space<vmem>> -> memref<1x80xi32, #tpu.memory_space<vmem>>
    %dma_start3A_61 = tpu.memref_squeeze %dma_start3A_60 : memref<1x80xi32, #tpu.memory_space<vmem>> -> memref<80xi32, #tpu.memory_space<vmem>>
    %dma_start3A_62 = tpu.memref_slice %arg4[%add3A_53] : memref<164000xi32, #tpu.memory_space<hbm>> -> memref<80xi32, #tpu.memory_space<hbm>>
    tpu.enqueue_dma source(%dma_start3A_62 : memref<80xi32, #tpu.memory_space<hbm>>) target(%dma_start3A_61 : memref<80xi32, #tpu.memory_space<vmem>>) target_semaphore(%arg13 : memref<!tpu.dma_semaphore, #tpu.memory_space<semaphore_mem>>)
    %scan3A_63 = arith.constant 0 : i32
    %scan3A_64 = arith.constant 17 : i32
    %scan3A_65 = arith.addi %scan3A_63, %scan3A_64 : i32
    %scan3A_66 = arith.constant 1 : i32
    scf.for %scan3A_76 = %scan3A_63 to %scan3A_65 step %scan3A_66  : i32 {
      %mul3A_77 = arith.constant 4 : i32
      %mul3A_78 = arith.muli %scan3A_76, %mul3A_77 : i32
      %add3A_79 = arith.constant 0 : i32
      %add3A_80 = arith.addi %add3A_79, %mul3A_78 : i32
      %add3A_81 = arith.constant 0 : i32
      %add3A_82 = arith.addi %add3A_80, %add3A_81 : i32
      %ge3A = arith.constant 2 : i32
      %ge3A_83 = arith.cmpi sge, %add3A_82, %ge3A : i32
      %le3A = arith.constant 65 : i32
      %le3A_84 = arith.cmpi sle, %add3A_82, %le3A : i32
      %and3A = arith.andi %ge3A_83, %le3A_84 : i1
      %convert_element_type3A = arith.extui %and3A : i1 to i32
      %cond3A = arith.constant 0 : i32
      %cond3A_85 = arith.cmpi ne, %convert_element_type3A, %cond3A : i32
      scf.if %cond3A_85 {
        %dma_wait3A = arith.constant 0 : i32
        %dma_wait3A_175 = arith.constant 2 : i32
        %dma_wait3A_176 = arith.constant 0 : i32
        %dma_wait3A_177 = arith.constant 0 : i32
        %dma_wait3A_178 = tpu.memref_slice %arg8[%dma_wait3A, %dma_wait3A_176, %dma_wait3A_177] : memref<2x80x128xf32, #tpu.memory_space<vmem>> -> memref<1x80x128xf32, #tpu.memory_space<vmem>>
        %dma_wait3A_179 = tpu.memref_squeeze %dma_wait3A_178 : memref<1x80x128xf32, #tpu.memory_space<vmem>> -> memref<80x128xf32, #tpu.memory_space<vmem>>
        %dma_wait3A_180 = arith.constant 0 : i32
        %dma_wait3A_181 = tpu.memref_slice %arg7[%dma_wait3A_175, %dma_wait3A_180] : memref<4x80xi32, #tpu.memory_space<vmem>> -> memref<1x80xi32, #tpu.memory_space<vmem>>
        %dma_wait3A_182 = tpu.memref_squeeze %dma_wait3A_181 : memref<1x80xi32, #tpu.memory_space<vmem>> -> memref<80xi32, #tpu.memory_space<vmem>>
        %dma_wait3A_183 = arith.constant 0 : i32
        %dma_wait3A_184 = arith.constant 0 : i32
        %dma_wait3A_185 = tpu.memref_slice %arg9[%dma_wait3A_183, %dma_wait3A_184] : memref<10240x128xf32, #tpu.memory_space<vmem_shared>> -> memref<10240x128xf32, #tpu.memory_space<vmem_shared>>
        tpu.wait_indirect_dma semaphore(%arg16 : memref<!tpu.dma_semaphore, #tpu.memory_space<semaphore_mem>>) src(%dma_wait3A_179 : memref<80x128xf32, #tpu.memory_space<vmem>>) dst(%dma_wait3A_185 : memref<10240x128xf32, #tpu.memory_space<vmem_shared>>)
      } else {
      }
      %lt3A = arith.constant 64 : i32
      %lt3A_86 = arith.cmpi slt, %add3A_82, %lt3A : i32
      %convert_element_type3A_87 = arith.extui %lt3A_86 : i1 to i32
      %cond3A_88 = arith.constant 0 : i32
      %cond3A_89 = arith.cmpi ne, %convert_element_type3A_87, %cond3A_88 : i32
      scf.if %cond3A_89 {
        %mul3A_175 = arith.constant 80 : i32
        %mul3A_176 = arith.muli %add3A_82, %mul3A_175 : i32
        %add3A_177 = arith.addi %add3A, %mul3A_176 : i32
        %dma_wait3A = arith.constant 0 : i32
        %dma_wait3A_178 = arith.constant 0 : i32
        %dma_wait3A_179 = tpu.memref_slice %arg7[%dma_wait3A, %dma_wait3A_178] : memref<4x80xi32, #tpu.memory_space<vmem>> -> memref<1x80xi32, #tpu.memory_space<vmem>>
        %dma_wait3A_180 = tpu.memref_squeeze %dma_wait3A_179 : memref<1x80xi32, #tpu.memory_space<vmem>> -> memref<80xi32, #tpu.memory_space<vmem>>
        %dma_wait3A_181 = tpu.memref_slice %arg4[%add3A_177] : memref<164000xi32, #tpu.memory_space<hbm>> -> memref<80xi32, #tpu.memory_space<hbm>>
        %dma_wait3A_182 = arith.constant 0 : i32
        %dma_wait3A_183 = tpu.memref_slice %arg7[%dma_wait3A, %dma_wait3A_182] : memref<4x80xi32, #tpu.memory_space<vmem>> -> memref<1x80xi32, #tpu.memory_space<vmem>>
        %dma_wait3A_184 = tpu.memref_squeeze %dma_wait3A_183 : memref<1x80xi32, #tpu.memory_space<vmem>> -> memref<80xi32, #tpu.memory_space<vmem>>
        %dma_wait3A_185 = tpu.memref_slice %arg4[%add3A_177] : memref<164000xi32, #tpu.memory_space<hbm>> -> memref<80xi32, #tpu.memory_space<hbm>>
        tpu.wait_dma2 semaphore(%arg10 : memref<!tpu.dma_semaphore, #tpu.memory_space<semaphore_mem>>) src(%dma_wait3A_185 : memref<80xi32, #tpu.memory_space<hbm>>) dst(%dma_wait3A_184 : memref<80xi32, #tpu.memory_space<vmem>>)
        %dma_start3A_186 = arith.constant 0 : i32
        %dma_start3A_187 = arith.constant 0 : i32
        %dma_start3A_188 = arith.constant 0 : i32
        %dma_start3A_189 = arith.constant 0 : i32
        %dma_start3A_190 = tpu.memref_slice %arg8[%dma_start3A_186, %dma_start3A_188, %dma_start3A_189] : memref<2x80x128xf32, #tpu.memory_space<vmem>> -> memref<1x80x128xf32, #tpu.memory_space<vmem>>
        %dma_start3A_191 = tpu.memref_squeeze %dma_start3A_190 : memref<1x80x128xf32, #tpu.memory_space<vmem>> -> memref<80x128xf32, #tpu.memory_space<vmem>>
        %dma_start3A_192 = arith.constant 0 : i32
        %dma_start3A_193 = tpu.memref_slice %arg7[%dma_start3A_187, %dma_start3A_192] : memref<4x80xi32, #tpu.memory_space<vmem>> -> memref<1x80xi32, #tpu.memory_space<vmem>>
        %dma_start3A_194 = tpu.memref_squeeze %dma_start3A_193 : memref<1x80xi32, #tpu.memory_space<vmem>> -> memref<80xi32, #tpu.memory_space<vmem>>
        %dma_start3A_195 = arith.constant 0 : i32
        %dma_start3A_196 = arith.constant 0 : i32
        %dma_start3A_197 = tpu.memref_slice %arg9[%dma_start3A_195, %dma_start3A_196] : memref<10240x128xf32, #tpu.memory_space<vmem_shared>> -> memref<10240x128xf32, #tpu.memory_space<vmem_shared>>
        tpu.enqueue_indirect_dma source(%dma_start3A_191 : memref<80x128xf32, #tpu.memory_space<vmem>>) target(%dma_start3A_197 : memref<10240x128xf32, #tpu.memory_space<vmem_shared>>) offsets(%dma_start3A_194 : memref<80xi32, #tpu.memory_space<vmem>>) semaphore(%arg16 : memref<!tpu.dma_semaphore, #tpu.memory_space<semaphore_mem>>) {add = true}
      } else {
      }
      %ge3A_90 = arith.constant 2 : i32
      %ge3A_91 = arith.cmpi sge, %add3A_82, %ge3A_90 : i32
      %add3A_92 = arith.constant 2 : i32
      %add3A_93 = arith.addi %add3A_82, %add3A_92 : i32
      %lt3A_94 = arith.constant 64 : i32
      %lt3A_95 = arith.cmpi slt, %add3A_93, %lt3A_94 : i32
      %and3A_96 = arith.andi %ge3A_91, %lt3A_95 : i1
      %convert_element_type3A_97 = arith.extui %and3A_96 : i1 to i32
      %cond3A_98 = arith.constant 0 : i32
      %cond3A_99 = arith.cmpi ne, %convert_element_type3A_97, %cond3A_98 : i32
      scf.if %cond3A_99 {
        %add3A_175 = arith.constant 2 : i32
        %add3A_176 = arith.addi %add3A_82, %add3A_175 : i32
        %mul3A_177 = arith.constant 80 : i32
        %mul3A_178 = arith.muli %add3A_176, %mul3A_177 : i32
        %add3A_179 = arith.addi %add3A, %mul3A_178 : i32
        %dma_start3A_180 = arith.constant 2 : i32
        %dma_start3A_181 = arith.constant 0 : i32
        %dma_start3A_182 = tpu.memref_slice %arg7[%dma_start3A_180, %dma_start3A_181] : memref<4x80xi32, #tpu.memory_space<vmem>> -> memref<1x80xi32, #tpu.memory_space<vmem>>
        %dma_start3A_183 = tpu.memref_squeeze %dma_start3A_182 : memref<1x80xi32, #tpu.memory_space<vmem>> -> memref<80xi32, #tpu.memory_space<vmem>>
        %dma_start3A_184 = tpu.memref_slice %arg4[%add3A_179] : memref<164000xi32, #tpu.memory_space<hbm>> -> memref<80xi32, #tpu.memory_space<hbm>>
        %dma_start3A_185 = arith.constant 0 : i32
        %dma_start3A_186 = tpu.memref_slice %arg7[%dma_start3A_180, %dma_start3A_185] : memref<4x80xi32, #tpu.memory_space<vmem>> -> memref<1x80xi32, #tpu.memory_space<vmem>>
        %dma_start3A_187 = tpu.memref_squeeze %dma_start3A_186 : memref<1x80xi32, #tpu.memory_space<vmem>> -> memref<80xi32, #tpu.memory_space<vmem>>
        %dma_start3A_188 = tpu.memref_slice %arg4[%add3A_179] : memref<164000xi32, #tpu.memory_space<hbm>> -> memref<80xi32, #tpu.memory_space<hbm>>
        tpu.enqueue_dma source(%dma_start3A_188 : memref<80xi32, #tpu.memory_space<hbm>>) target(%dma_start3A_187 : memref<80xi32, #tpu.memory_space<vmem>>) target_semaphore(%arg12 : memref<!tpu.dma_semaphore, #tpu.memory_space<semaphore_mem>>)
      } else {
      }
      %add3A_100 = arith.constant 1 : i32
      %add3A_101 = arith.addi %add3A_80, %add3A_100 : i32
      %ge3A_102 = arith.constant 2 : i32
      %ge3A_103 = arith.cmpi sge, %add3A_101, %ge3A_102 : i32
      %le3A_104 = arith.constant 65 : i32
      %le3A_105 = arith.cmpi sle, %add3A_101, %le3A_104 : i32
      %and3A_106 = arith.andi %ge3A_103, %le3A_105 : i1
      %convert_element_type3A_107 = arith.extui %and3A_106 : i1 to i32
      %cond3A_108 = arith.constant 0 : i32
      %cond3A_109 = arith.cmpi ne, %convert_element_type3A_107, %cond3A_108 : i32
      scf.if %cond3A_109 {
        %dma_wait3A = arith.constant 0 : i32
        %dma_wait3A_175 = arith.constant 3 : i32
        %dma_wait3A_176 = arith.constant 0 : i32
        %dma_wait3A_177 = arith.constant 0 : i32
        %dma_wait3A_178 = tpu.memref_slice %arg8[%dma_wait3A, %dma_wait3A_176, %dma_wait3A_177] : memref<2x80x128xf32, #tpu.memory_space<vmem>> -> memref<1x80x128xf32, #tpu.memory_space<vmem>>
        %dma_wait3A_179 = tpu.memref_squeeze %dma_wait3A_178 : memref<1x80x128xf32, #tpu.memory_space<vmem>> -> memref<80x128xf32, #tpu.memory_space<vmem>>
        %dma_wait3A_180 = arith.constant 0 : i32
        %dma_wait3A_181 = tpu.memref_slice %arg7[%dma_wait3A_175, %dma_wait3A_180] : memref<4x80xi32, #tpu.memory_space<vmem>> -> memref<1x80xi32, #tpu.memory_space<vmem>>
        %dma_wait3A_182 = tpu.memref_squeeze %dma_wait3A_181 : memref<1x80xi32, #tpu.memory_space<vmem>> -> memref<80xi32, #tpu.memory_space<vmem>>
        %dma_wait3A_183 = arith.constant 0 : i32
        %dma_wait3A_184 = arith.constant 0 : i32
        %dma_wait3A_185 = tpu.memref_slice %arg9[%dma_wait3A_183, %dma_wait3A_184] : memref<10240x128xf32, #tpu.memory_space<vmem_shared>> -> memref<10240x128xf32, #tpu.memory_space<vmem_shared>>
        tpu.wait_indirect_dma semaphore(%arg17 : memref<!tpu.dma_semaphore, #tpu.memory_space<semaphore_mem>>) src(%dma_wait3A_179 : memref<80x128xf32, #tpu.memory_space<vmem>>) dst(%dma_wait3A_185 : memref<10240x128xf32, #tpu.memory_space<vmem_shared>>)
      } else {
      }
      %lt3A_110 = arith.constant 64 : i32
      %lt3A_111 = arith.cmpi slt, %add3A_101, %lt3A_110 : i32
      %convert_element_type3A_112 = arith.extui %lt3A_111 : i1 to i32
      %cond3A_113 = arith.constant 0 : i32
      %cond3A_114 = arith.cmpi ne, %convert_element_type3A_112, %cond3A_113 : i32
      scf.if %cond3A_114 {
        %mul3A_175 = arith.constant 80 : i32
        %mul3A_176 = arith.muli %add3A_101, %mul3A_175 : i32
        %add3A_177 = arith.addi %add3A, %mul3A_176 : i32
        %dma_wait3A = arith.constant 1 : i32
        %dma_wait3A_178 = arith.constant 0 : i32
        %dma_wait3A_179 = tpu.memref_slice %arg7[%dma_wait3A, %dma_wait3A_178] : memref<4x80xi32, #tpu.memory_space<vmem>> -> memref<1x80xi32, #tpu.memory_space<vmem>>
        %dma_wait3A_180 = tpu.memref_squeeze %dma_wait3A_179 : memref<1x80xi32, #tpu.memory_space<vmem>> -> memref<80xi32, #tpu.memory_space<vmem>>
        %dma_wait3A_181 = tpu.memref_slice %arg4[%add3A_177] : memref<164000xi32, #tpu.memory_space<hbm>> -> memref<80xi32, #tpu.memory_space<hbm>>
        %dma_wait3A_182 = arith.constant 0 : i32
        %dma_wait3A_183 = tpu.memref_slice %arg7[%dma_wait3A, %dma_wait3A_182] : memref<4x80xi32, #tpu.memory_space<vmem>> -> memref<1x80xi32, #tpu.memory_space<vmem>>
        %dma_wait3A_184 = tpu.memref_squeeze %dma_wait3A_183 : memref<1x80xi32, #tpu.memory_space<vmem>> -> memref<80xi32, #tpu.memory_space<vmem>>
        %dma_wait3A_185 = tpu.memref_slice %arg4[%add3A_177] : memref<164000xi32, #tpu.memory_space<hbm>> -> memref<80xi32, #tpu.memory_space<hbm>>
        tpu.wait_dma2 semaphore(%arg11 : memref<!tpu.dma_semaphore, #tpu.memory_space<semaphore_mem>>) src(%dma_wait3A_185 : memref<80xi32, #tpu.memory_space<hbm>>) dst(%dma_wait3A_184 : memref<80xi32, #tpu.memory_space<vmem>>)
        %dma_start3A_186 = arith.constant 0 : i32
        %dma_start3A_187 = arith.constant 1 : i32
        %dma_start3A_188 = arith.constant 0 : i32
        %dma_start3A_189 = arith.constant 0 : i32
        %dma_start3A_190 = tpu.memref_slice %arg8[%dma_start3A_186, %dma_start3A_188, %dma_start3A_189] : memref<2x80x128xf32, #tpu.memory_space<vmem>> -> memref<1x80x128xf32, #tpu.memory_space<vmem>>
        %dma_start3A_191 = tpu.memref_squeeze %dma_start3A_190 : memref<1x80x128xf32, #tpu.memory_space<vmem>> -> memref<80x128xf32, #tpu.memory_space<vmem>>
        %dma_start3A_192 = arith.constant 0 : i32
        %dma_start3A_193 = tpu.memref_slice %arg7[%dma_start3A_187, %dma_start3A_192] : memref<4x80xi32, #tpu.memory_space<vmem>> -> memref<1x80xi32, #tpu.memory_space<vmem>>
        %dma_start3A_194 = tpu.memref_squeeze %dma_start3A_193 : memref<1x80xi32, #tpu.memory_space<vmem>> -> memref<80xi32, #tpu.memory_space<vmem>>
        %dma_start3A_195 = arith.constant 0 : i32
        %dma_start3A_196 = arith.constant 0 : i32
        %dma_start3A_197 = tpu.memref_slice %arg9[%dma_start3A_195, %dma_start3A_196] : memref<10240x128xf32, #tpu.memory_space<vmem_shared>> -> memref<10240x128xf32, #tpu.memory_space<vmem_shared>>
        tpu.enqueue_indirect_dma source(%dma_start3A_191 : memref<80x128xf32, #tpu.memory_space<vmem>>) target(%dma_start3A_197 : memref<10240x128xf32, #tpu.memory_space<vmem_shared>>) offsets(%dma_start3A_194 : memref<80xi32, #tpu.memory_space<vmem>>) semaphore(%arg17 : memref<!tpu.dma_semaphore, #tpu.memory_space<semaphore_mem>>) {add = true}
      } else {
      }
      %ge3A_115 = arith.constant 2 : i32
      %ge3A_116 = arith.cmpi sge, %add3A_101, %ge3A_115 : i32
      %add3A_117 = arith.constant 2 : i32
      %add3A_118 = arith.addi %add3A_101, %add3A_117 : i32
      %lt3A_119 = arith.constant 64 : i32
      %lt3A_120 = arith.cmpi slt, %add3A_118, %lt3A_119 : i32
      %and3A_121 = arith.andi %ge3A_116, %lt3A_120 : i1
      %convert_element_type3A_122 = arith.extui %and3A_121 : i1 to i32
      %cond3A_123 = arith.constant 0 : i32
      %cond3A_124 = arith.cmpi ne, %convert_element_type3A_122, %cond3A_123 : i32
      scf.if %cond3A_124 {
        %add3A_175 = arith.constant 2 : i32
        %add3A_176 = arith.addi %add3A_101, %add3A_175 : i32
        %mul3A_177 = arith.constant 80 : i32
        %mul3A_178 = arith.muli %add3A_176, %mul3A_177 : i32
        %add3A_179 = arith.addi %add3A, %mul3A_178 : i32
        %dma_start3A_180 = arith.constant 3 : i32
        %dma_start3A_181 = arith.constant 0 : i32
        %dma_start3A_182 = tpu.memref_slice %arg7[%dma_start3A_180, %dma_start3A_181] : memref<4x80xi32, #tpu.memory_space<vmem>> -> memref<1x80xi32, #tpu.memory_space<vmem>>
        %dma_start3A_183 = tpu.memref_squeeze %dma_start3A_182 : memref<1x80xi32, #tpu.memory_space<vmem>> -> memref<80xi32, #tpu.memory_space<vmem>>
        %dma_start3A_184 = tpu.memref_slice %arg4[%add3A_179] : memref<164000xi32, #tpu.memory_space<hbm>> -> memref<80xi32, #tpu.memory_space<hbm>>
        %dma_start3A_185 = arith.constant 0 : i32
        %dma_start3A_186 = tpu.memref_slice %arg7[%dma_start3A_180, %dma_start3A_185] : memref<4x80xi32, #tpu.memory_space<vmem>> -> memref<1x80xi32, #tpu.memory_space<vmem>>
        %dma_start3A_187 = tpu.memref_squeeze %dma_start3A_186 : memref<1x80xi32, #tpu.memory_space<vmem>> -> memref<80xi32, #tpu.memory_space<vmem>>
        %dma_start3A_188 = tpu.memref_slice %arg4[%add3A_179] : memref<164000xi32, #tpu.memory_space<hbm>> -> memref<80xi32, #tpu.memory_space<hbm>>
        tpu.enqueue_dma source(%dma_start3A_188 : memref<80xi32, #tpu.memory_space<hbm>>) target(%dma_start3A_187 : memref<80xi32, #tpu.memory_space<vmem>>) target_semaphore(%arg13 : memref<!tpu.dma_semaphore, #tpu.memory_space<semaphore_mem>>)
      } else {
      }
      %add3A_125 = arith.constant 2 : i32
      %add3A_126 = arith.addi %add3A_80, %add3A_125 : i32
      %ge3A_127 = arith.constant 2 : i32
      %ge3A_128 = arith.cmpi sge, %add3A_126, %ge3A_127 : i32
      %le3A_129 = arith.constant 65 : i32
      %le3A_130 = arith.cmpi sle, %add3A_126, %le3A_129 : i32
      %and3A_131 = arith.andi %ge3A_128, %le3A_130 : i1
      %convert_element_type3A_132 = arith.extui %and3A_131 : i1 to i32
      %cond3A_133 = arith.constant 0 : i32
      %cond3A_134 = arith.cmpi ne, %convert_element_type3A_132, %cond3A_133 : i32
      scf.if %cond3A_134 {
        %dma_wait3A = arith.constant 0 : i32
        %dma_wait3A_175 = arith.constant 0 : i32
        %dma_wait3A_176 = arith.constant 0 : i32
        %dma_wait3A_177 = arith.constant 0 : i32
        %dma_wait3A_178 = tpu.memref_slice %arg8[%dma_wait3A, %dma_wait3A_176, %dma_wait3A_177] : memref<2x80x128xf32, #tpu.memory_space<vmem>> -> memref<1x80x128xf32, #tpu.memory_space<vmem>>
        %dma_wait3A_179 = tpu.memref_squeeze %dma_wait3A_178 : memref<1x80x128xf32, #tpu.memory_space<vmem>> -> memref<80x128xf32, #tpu.memory_space<vmem>>
        %dma_wait3A_180 = arith.constant 0 : i32
        %dma_wait3A_181 = tpu.memref_slice %arg7[%dma_wait3A_175, %dma_wait3A_180] : memref<4x80xi32, #tpu.memory_space<vmem>> -> memref<1x80xi32, #tpu.memory_space<vmem>>
        %dma_wait3A_182 = tpu.memref_squeeze %dma_wait3A_181 : memref<1x80xi32, #tpu.memory_space<vmem>> -> memref<80xi32, #tpu.memory_space<vmem>>
        %dma_wait3A_183 = arith.constant 0 : i32
        %dma_wait3A_184 = arith.constant 0 : i32
        %dma_wait3A_185 = tpu.memref_slice %arg9[%dma_wait3A_183, %dma_wait3A_184] : memref<10240x128xf32, #tpu.memory_space<vmem_shared>> -> memref<10240x128xf32, #tpu.memory_space<vmem_shared>>
        tpu.wait_indirect_dma semaphore(%arg16 : memref<!tpu.dma_semaphore, #tpu.memory_space<semaphore_mem>>) src(%dma_wait3A_179 : memref<80x128xf32, #tpu.memory_space<vmem>>) dst(%dma_wait3A_185 : memref<10240x128xf32, #tpu.memory_space<vmem_shared>>)
      } else {
      }
      %lt3A_135 = arith.constant 64 : i32
      %lt3A_136 = arith.cmpi slt, %add3A_126, %lt3A_135 : i32
      %convert_element_type3A_137 = arith.extui %lt3A_136 : i1 to i32
      %cond3A_138 = arith.constant 0 : i32
      %cond3A_139 = arith.cmpi ne, %convert_element_type3A_137, %cond3A_138 : i32
      scf.if %cond3A_139 {
        %mul3A_175 = arith.constant 80 : i32
        %mul3A_176 = arith.muli %add3A_126, %mul3A_175 : i32
        %add3A_177 = arith.addi %add3A, %mul3A_176 : i32
        %dma_wait3A = arith.constant 2 : i32
        %dma_wait3A_178 = arith.constant 0 : i32
        %dma_wait3A_179 = tpu.memref_slice %arg7[%dma_wait3A, %dma_wait3A_178] : memref<4x80xi32, #tpu.memory_space<vmem>> -> memref<1x80xi32, #tpu.memory_space<vmem>>
        %dma_wait3A_180 = tpu.memref_squeeze %dma_wait3A_179 : memref<1x80xi32, #tpu.memory_space<vmem>> -> memref<80xi32, #tpu.memory_space<vmem>>
        %dma_wait3A_181 = tpu.memref_slice %arg4[%add3A_177] : memref<164000xi32, #tpu.memory_space<hbm>> -> memref<80xi32, #tpu.memory_space<hbm>>
        %dma_wait3A_182 = arith.constant 0 : i32
        %dma_wait3A_183 = tpu.memref_slice %arg7[%dma_wait3A, %dma_wait3A_182] : memref<4x80xi32, #tpu.memory_space<vmem>> -> memref<1x80xi32, #tpu.memory_space<vmem>>
        %dma_wait3A_184 = tpu.memref_squeeze %dma_wait3A_183 : memref<1x80xi32, #tpu.memory_space<vmem>> -> memref<80xi32, #tpu.memory_space<vmem>>
        %dma_wait3A_185 = tpu.memref_slice %arg4[%add3A_177] : memref<164000xi32, #tpu.memory_space<hbm>> -> memref<80xi32, #tpu.memory_space<hbm>>
        tpu.wait_dma2 semaphore(%arg12 : memref<!tpu.dma_semaphore, #tpu.memory_space<semaphore_mem>>) src(%dma_wait3A_185 : memref<80xi32, #tpu.memory_space<hbm>>) dst(%dma_wait3A_184 : memref<80xi32, #tpu.memory_space<vmem>>)
        %dma_start3A_186 = arith.constant 0 : i32
        %dma_start3A_187 = arith.constant 2 : i32
        %dma_start3A_188 = arith.constant 0 : i32
        %dma_start3A_189 = arith.constant 0 : i32
        %dma_start3A_190 = tpu.memref_slice %arg8[%dma_start3A_186, %dma_start3A_188, %dma_start3A_189] : memref<2x80x128xf32, #tpu.memory_space<vmem>> -> memref<1x80x128xf32, #tpu.memory_space<vmem>>
        %dma_start3A_191 = tpu.memref_squeeze %dma_start3A_190 : memref<1x80x128xf32, #tpu.memory_space<vmem>> -> memref<80x128xf32, #tpu.memory_space<vmem>>
        %dma_start3A_192 = arith.constant 0 : i32
        %dma_start3A_193 = tpu.memref_slice %arg7[%dma_start3A_187, %dma_start3A_192] : memref<4x80xi32, #tpu.memory_space<vmem>> -> memref<1x80xi32, #tpu.memory_space<vmem>>
        %dma_start3A_194 = tpu.memref_squeeze %dma_start3A_193 : memref<1x80xi32, #tpu.memory_space<vmem>> -> memref<80xi32, #tpu.memory_space<vmem>>
        %dma_start3A_195 = arith.constant 0 : i32
        %dma_start3A_196 = arith.constant 0 : i32
        %dma_start3A_197 = tpu.memref_slice %arg9[%dma_start3A_195, %dma_start3A_196] : memref<10240x128xf32, #tpu.memory_space<vmem_shared>> -> memref<10240x128xf32, #tpu.memory_space<vmem_shared>>
        tpu.enqueue_indirect_dma source(%dma_start3A_191 : memref<80x128xf32, #tpu.memory_space<vmem>>) target(%dma_start3A_197 : memref<10240x128xf32, #tpu.memory_space<vmem_shared>>) offsets(%dma_start3A_194 : memref<80xi32, #tpu.memory_space<vmem>>) semaphore(%arg16 : memref<!tpu.dma_semaphore, #tpu.memory_space<semaphore_mem>>) {add = true}
      } else {
      }
      %ge3A_140 = arith.constant 2 : i32
      %ge3A_141 = arith.cmpi sge, %add3A_126, %ge3A_140 : i32
      %add3A_142 = arith.constant 2 : i32
      %add3A_143 = arith.addi %add3A_126, %add3A_142 : i32
      %lt3A_144 = arith.constant 64 : i32
      %lt3A_145 = arith.cmpi slt, %add3A_143, %lt3A_144 : i32
      %and3A_146 = arith.andi %ge3A_141, %lt3A_145 : i1
      %convert_element_type3A_147 = arith.extui %and3A_146 : i1 to i32
      %cond3A_148 = arith.constant 0 : i32
      %cond3A_149 = arith.cmpi ne, %convert_element_type3A_147, %cond3A_148 : i32
      scf.if %cond3A_149 {
        %add3A_175 = arith.constant 2 : i32
        %add3A_176 = arith.addi %add3A_126, %add3A_175 : i32
        %mul3A_177 = arith.constant 80 : i32
        %mul3A_178 = arith.muli %add3A_176, %mul3A_177 : i32
        %add3A_179 = arith.addi %add3A, %mul3A_178 : i32
        %dma_start3A_180 = arith.constant 0 : i32
        %dma_start3A_181 = arith.constant 0 : i32
        %dma_start3A_182 = tpu.memref_slice %arg7[%dma_start3A_180, %dma_start3A_181] : memref<4x80xi32, #tpu.memory_space<vmem>> -> memref<1x80xi32, #tpu.memory_space<vmem>>
        %dma_start3A_183 = tpu.memref_squeeze %dma_start3A_182 : memref<1x80xi32, #tpu.memory_space<vmem>> -> memref<80xi32, #tpu.memory_space<vmem>>
        %dma_start3A_184 = tpu.memref_slice %arg4[%add3A_179] : memref<164000xi32, #tpu.memory_space<hbm>> -> memref<80xi32, #tpu.memory_space<hbm>>
        %dma_start3A_185 = arith.constant 0 : i32
        %dma_start3A_186 = tpu.memref_slice %arg7[%dma_start3A_180, %dma_start3A_185] : memref<4x80xi32, #tpu.memory_space<vmem>> -> memref<1x80xi32, #tpu.memory_space<vmem>>
        %dma_start3A_187 = tpu.memref_squeeze %dma_start3A_186 : memref<1x80xi32, #tpu.memory_space<vmem>> -> memref<80xi32, #tpu.memory_space<vmem>>
        %dma_start3A_188 = tpu.memref_slice %arg4[%add3A_179] : memref<164000xi32, #tpu.memory_space<hbm>> -> memref<80xi32, #tpu.memory_space<hbm>>
        tpu.enqueue_dma source(%dma_start3A_188 : memref<80xi32, #tpu.memory_space<hbm>>) target(%dma_start3A_187 : memref<80xi32, #tpu.memory_space<vmem>>) target_semaphore(%arg10 : memref<!tpu.dma_semaphore, #tpu.memory_space<semaphore_mem>>)
      } else {
      }
      %add3A_150 = arith.constant 3 : i32
      %add3A_151 = arith.addi %add3A_80, %add3A_150 : i32
      %ge3A_152 = arith.constant 2 : i32
      %ge3A_153 = arith.cmpi sge, %add3A_151, %ge3A_152 : i32
      %le3A_154 = arith.constant 65 : i32
      %le3A_155 = arith.cmpi sle, %add3A_151, %le3A_154 : i32
      %and3A_156 = arith.andi %ge3A_153, %le3A_155 : i1
      %convert_element_type3A_157 = arith.extui %and3A_156 : i1 to i32
      %cond3A_158 = arith.constant 0 : i32
      %cond3A_159 = arith.cmpi ne, %convert_element_type3A_157, %cond3A_158 : i32
      scf.if %cond3A_159 {
        %dma_wait3A = arith.constant 0 : i32
        %dma_wait3A_175 = arith.constant 1 : i32
        %dma_wait3A_176 = arith.constant 0 : i32
        %dma_wait3A_177 = arith.constant 0 : i32
        %dma_wait3A_178 = tpu.memref_slice %arg8[%dma_wait3A, %dma_wait3A_176, %dma_wait3A_177] : memref<2x80x128xf32, #tpu.memory_space<vmem>> -> memref<1x80x128xf32, #tpu.memory_space<vmem>>
        %dma_wait3A_179 = tpu.memref_squeeze %dma_wait3A_178 : memref<1x80x128xf32, #tpu.memory_space<vmem>> -> memref<80x128xf32, #tpu.memory_space<vmem>>
        %dma_wait3A_180 = arith.constant 0 : i32
        %dma_wait3A_181 = tpu.memref_slice %arg7[%dma_wait3A_175, %dma_wait3A_180] : memref<4x80xi32, #tpu.memory_space<vmem>> -> memref<1x80xi32, #tpu.memory_space<vmem>>
        %dma_wait3A_182 = tpu.memref_squeeze %dma_wait3A_181 : memref<1x80xi32, #tpu.memory_space<vmem>> -> memref<80xi32, #tpu.memory_space<vmem>>
        %dma_wait3A_183 = arith.constant 0 : i32
        %dma_wait3A_184 = arith.constant 0 : i32
        %dma_wait3A_185 = tpu.memref_slice %arg9[%dma_wait3A_183, %dma_wait3A_184] : memref<10240x128xf32, #tpu.memory_space<vmem_shared>> -> memref<10240x128xf32, #tpu.memory_space<vmem_shared>>
        tpu.wait_indirect_dma semaphore(%arg17 : memref<!tpu.dma_semaphore, #tpu.memory_space<semaphore_mem>>) src(%dma_wait3A_179 : memref<80x128xf32, #tpu.memory_space<vmem>>) dst(%dma_wait3A_185 : memref<10240x128xf32, #tpu.memory_space<vmem_shared>>)
      } else {
      }
      %lt3A_160 = arith.constant 64 : i32
      %lt3A_161 = arith.cmpi slt, %add3A_151, %lt3A_160 : i32
      %convert_element_type3A_162 = arith.extui %lt3A_161 : i1 to i32
      %cond3A_163 = arith.constant 0 : i32
      %cond3A_164 = arith.cmpi ne, %convert_element_type3A_162, %cond3A_163 : i32
      scf.if %cond3A_164 {
        %mul3A_175 = arith.constant 80 : i32
        %mul3A_176 = arith.muli %add3A_151, %mul3A_175 : i32
        %add3A_177 = arith.addi %add3A, %mul3A_176 : i32
        %dma_wait3A = arith.constant 3 : i32
        %dma_wait3A_178 = arith.constant 0 : i32
        %dma_wait3A_179 = tpu.memref_slice %arg7[%dma_wait3A, %dma_wait3A_178] : memref<4x80xi32, #tpu.memory_space<vmem>> -> memref<1x80xi32, #tpu.memory_space<vmem>>
        %dma_wait3A_180 = tpu.memref_squeeze %dma_wait3A_179 : memref<1x80xi32, #tpu.memory_space<vmem>> -> memref<80xi32, #tpu.memory_space<vmem>>
        %dma_wait3A_181 = tpu.memref_slice %arg4[%add3A_177] : memref<164000xi32, #tpu.memory_space<hbm>> -> memref<80xi32, #tpu.memory_space<hbm>>
        %dma_wait3A_182 = arith.constant 0 : i32
        %dma_wait3A_183 = tpu.memref_slice %arg7[%dma_wait3A, %dma_wait3A_182] : memref<4x80xi32, #tpu.memory_space<vmem>> -> memref<1x80xi32, #tpu.memory_space<vmem>>
        %dma_wait3A_184 = tpu.memref_squeeze %dma_wait3A_183 : memref<1x80xi32, #tpu.memory_space<vmem>> -> memref<80xi32, #tpu.memory_space<vmem>>
        %dma_wait3A_185 = tpu.memref_slice %arg4[%add3A_177] : memref<164000xi32, #tpu.memory_space<hbm>> -> memref<80xi32, #tpu.memory_space<hbm>>
        tpu.wait_dma2 semaphore(%arg13 : memref<!tpu.dma_semaphore, #tpu.memory_space<semaphore_mem>>) src(%dma_wait3A_185 : memref<80xi32, #tpu.memory_space<hbm>>) dst(%dma_wait3A_184 : memref<80xi32, #tpu.memory_space<vmem>>)
        %dma_start3A_186 = arith.constant 0 : i32
        %dma_start3A_187 = arith.constant 3 : i32
        %dma_start3A_188 = arith.constant 0 : i32
        %dma_start3A_189 = arith.constant 0 : i32
        %dma_start3A_190 = tpu.memref_slice %arg8[%dma_start3A_186, %dma_start3A_188, %dma_start3A_189] : memref<2x80x128xf32, #tpu.memory_space<vmem>> -> memref<1x80x128xf32, #tpu.memory_space<vmem>>
        %dma_start3A_191 = tpu.memref_squeeze %dma_start3A_190 : memref<1x80x128xf32, #tpu.memory_space<vmem>> -> memref<80x128xf32, #tpu.memory_space<vmem>>
        %dma_start3A_192 = arith.constant 0 : i32
        %dma_start3A_193 = tpu.memref_slice %arg7[%dma_start3A_187, %dma_start3A_192] : memref<4x80xi32, #tpu.memory_space<vmem>> -> memref<1x80xi32, #tpu.memory_space<vmem>>
        %dma_start3A_194 = tpu.memref_squeeze %dma_start3A_193 : memref<1x80xi32, #tpu.memory_space<vmem>> -> memref<80xi32, #tpu.memory_space<vmem>>
        %dma_start3A_195 = arith.constant 0 : i32
        %dma_start3A_196 = arith.constant 0 : i32
        %dma_start3A_197 = tpu.memref_slice %arg9[%dma_start3A_195, %dma_start3A_196] : memref<10240x128xf32, #tpu.memory_space<vmem_shared>> -> memref<10240x128xf32, #tpu.memory_space<vmem_shared>>
        tpu.enqueue_indirect_dma source(%dma_start3A_191 : memref<80x128xf32, #tpu.memory_space<vmem>>) target(%dma_start3A_197 : memref<10240x128xf32, #tpu.memory_space<vmem_shared>>) offsets(%dma_start3A_194 : memref<80xi32, #tpu.memory_space<vmem>>) semaphore(%arg17 : memref<!tpu.dma_semaphore, #tpu.memory_space<semaphore_mem>>) {add = true}
      } else {
      }
      %ge3A_165 = arith.constant 2 : i32
      %ge3A_166 = arith.cmpi sge, %add3A_151, %ge3A_165 : i32
      %add3A_167 = arith.constant 2 : i32
      %add3A_168 = arith.addi %add3A_151, %add3A_167 : i32
      %lt3A_169 = arith.constant 64 : i32
      %lt3A_170 = arith.cmpi slt, %add3A_168, %lt3A_169 : i32
      %and3A_171 = arith.andi %ge3A_166, %lt3A_170 : i1
      %convert_element_type3A_172 = arith.extui %and3A_171 : i1 to i32
      %cond3A_173 = arith.constant 0 : i32
      %cond3A_174 = arith.cmpi ne, %convert_element_type3A_172, %cond3A_173 : i32
      scf.if %cond3A_174 {
        %add3A_175 = arith.constant 2 : i32
        %add3A_176 = arith.addi %add3A_151, %add3A_175 : i32
        %mul3A_177 = arith.constant 80 : i32
        %mul3A_178 = arith.muli %add3A_176, %mul3A_177 : i32
        %add3A_179 = arith.addi %add3A, %mul3A_178 : i32
        %dma_start3A_180 = arith.constant 1 : i32
        %dma_start3A_181 = arith.constant 0 : i32
        %dma_start3A_182 = tpu.memref_slice %arg7[%dma_start3A_180, %dma_start3A_181] : memref<4x80xi32, #tpu.memory_space<vmem>> -> memref<1x80xi32, #tpu.memory_space<vmem>>
        %dma_start3A_183 = tpu.memref_squeeze %dma_start3A_182 : memref<1x80xi32, #tpu.memory_space<vmem>> -> memref<80xi32, #tpu.memory_space<vmem>>
        %dma_start3A_184 = tpu.memref_slice %arg4[%add3A_179] : memref<164000xi32, #tpu.memory_space<hbm>> -> memref<80xi32, #tpu.memory_space<hbm>>
        %dma_start3A_185 = arith.constant 0 : i32
        %dma_start3A_186 = tpu.memref_slice %arg7[%dma_start3A_180, %dma_start3A_185] : memref<4x80xi32, #tpu.memory_space<vmem>> -> memref<1x80xi32, #tpu.memory_space<vmem>>
        %dma_start3A_187 = tpu.memref_squeeze %dma_start3A_186 : memref<1x80xi32, #tpu.memory_space<vmem>> -> memref<80xi32, #tpu.memory_space<vmem>>
        %dma_start3A_188 = tpu.memref_slice %arg4[%add3A_179] : memref<164000xi32, #tpu.memory_space<hbm>> -> memref<80xi32, #tpu.memory_space<hbm>>
        tpu.enqueue_dma source(%dma_start3A_188 : memref<80xi32, #tpu.memory_space<hbm>>) target(%dma_start3A_187 : memref<80xi32, #tpu.memory_space<vmem>>) target_semaphore(%arg11 : memref<!tpu.dma_semaphore, #tpu.memory_space<semaphore_mem>>)
      } else {
      }
    }
    %scan3A_67 = arith.constant 17 : i32
    %barrier3A_68 = arith.constant 0 : index
    tpu.barrier barrier_id(%barrier3A_68)
    %mul3A_69 = arith.constant 640 : i32
    %mul3A_70 = arith.muli %arg1, %mul3A_69 : i32
    %mul3A_71 = arith.constant 10240 : i32
    %mul3A_72 = arith.muli %arg0, %mul3A_71 : i32
    %mul3A_73 = arith.constant 640 : i32
    %mul3A_74 = arith.muli %arg1, %mul3A_73 : i32
    %add3A_75 = arith.addi %mul3A_72, %mul3A_74 : i32
    "tpu.region"() ({
      %run_scoped3A = tpu.sem_alloc : memref<!tpu.dma_semaphore, #tpu.memory_space<semaphore_mem>>
      %dma_start3A_76 = arith.constant 0 : i32
      %dma_start3A_77 = tpu.memref_slice %arg5[%add3A_75, %dma_start3A_76] : memref<20480x128xf32, #tpu.memory_space<hbm>> -> memref<640x128xf32, #tpu.memory_space<hbm>>
      %dma_start3A_78 = arith.constant 0 : i32
      %dma_start3A_79 = tpu.memref_slice %arg9[%mul3A_70, %dma_start3A_78] : memref<10240x128xf32, #tpu.memory_space<vmem_shared>> -> memref<640x128xf32, #tpu.memory_space<vmem_shared>>
      tpu.enqueue_dma source(%dma_start3A_79 : memref<640x128xf32, #tpu.memory_space<vmem_shared>>) target(%dma_start3A_77 : memref<640x128xf32, #tpu.memory_space<hbm>>) target_semaphore(%run_scoped3A : memref<!tpu.dma_semaphore, #tpu.memory_space<semaphore_mem>>)
      %dma_wait3A = arith.constant 0 : i32
      %dma_wait3A_80 = tpu.memref_slice %arg5[%add3A_75, %dma_wait3A] : memref<20480x128xf32, #tpu.memory_space<hbm>> -> memref<640x128xf32, #tpu.memory_space<hbm>>
      %dma_wait3A_81 = arith.constant 0 : i32
      %dma_wait3A_82 = tpu.memref_slice %arg9[%mul3A_70, %dma_wait3A_81] : memref<10240x128xf32, #tpu.memory_space<vmem_shared>> -> memref<640x128xf32, #tpu.memory_space<vmem_shared>>
      tpu.wait_dma2 semaphore(%run_scoped3A : memref<!tpu.dma_semaphore, #tpu.memory_space<semaphore_mem>>) src(%dma_wait3A_82 : memref<640x128xf32, #tpu.memory_space<vmem_shared>>) dst(%dma_wait3A_80 : memref<640x128xf32, #tpu.memory_space<hbm>>)
      tpu.yield
    }) : () -> ()
    return
  }
}

#map = affine_map<(d0, d1) -> (0, 0)>
#map1 = affine_map<(d0, d1) -> (0)>
module attributes {stable_mosaic.version = 14 : i64} {
  func.func @k(%arg0: i32, %arg1: i32, %arg2: memref<20480x128xf32, #tpu.memory_space<hbm>>, %arg3: memref<328000xi32, #tpu.memory_space<hbm>>, %arg4: memref<164000xi32, #tpu.memory_space<hbm>>, %arg5: memref<20480x128xf32, #tpu.memory_space<hbm>>, %arg6: memref<4x80xi32, #tpu.memory_space<vmem>>, %arg7: memref<4x80xi32, #tpu.memory_space<vmem>>, %arg8: memref<2x80x128xf32, #tpu.memory_space<vmem>>, %arg9: memref<10240x128xf32, #tpu.memory_space<vmem_shared>>, %arg10: memref<!tpu.dma_semaphore, #tpu.memory_space<semaphore_mem>>, %arg11: memref<!tpu.dma_semaphore, #tpu.memory_space<semaphore_mem>>, %arg12: memref<!tpu.dma_semaphore, #tpu.memory_space<semaphore_mem>>, %arg13: memref<!tpu.dma_semaphore, #tpu.memory_space<semaphore_mem>>, %arg14: memref<!tpu.dma_semaphore, #tpu.memory_space<semaphore_mem>>, %arg15: memref<!tpu.dma_semaphore, #tpu.memory_space<semaphore_mem>>, %arg16: memref<!tpu.dma_semaphore, #tpu.memory_space<semaphore_mem>>, %arg17: memref<!tpu.dma_semaphore, #tpu.memory_space<semaphore_mem>>) attributes {dimension_semantics = [#tpu.dimension_semantics<core_parallel>, #tpu.dimension_semantics<subcore_parallel>], iteration_bounds = array<i64: 2, 16>, scalar_prefetch = 0 : i64, scratch_operands = 12 : i64, tpu.core_type = #tpu.core_type<sc_vector_subcore>, window_params = [{transform_indices = #map}, {transform_indices = #map1}, {transform_indices = #map1}, {transform_indices = #map}]} {
    %mul3A = arith.constant 10240 : i32
    %mul3A_0 = arith.muli %arg0, %mul3A : i32
    %mul3A_1 = arith.constant 640 : i32
    %mul3A_2 = arith.muli %arg1, %mul3A_1 : i32
    %add3A = arith.addi %mul3A_0, %mul3A_2 : i32
    %mul3A_3 = arith.constant 640 : i32
    %mul3A_4 = arith.muli %arg1, %mul3A_3 : i32
    "tpu.region"() ({
      %run_scoped3A = tpu.sem_alloc : memref<!tpu.dma_semaphore, #tpu.memory_space<semaphore_mem>>
      %dma_start3A_111 = arith.constant 0 : i32
      %dma_start3A_112 = tpu.memref_slice %arg9[%mul3A_4, %dma_start3A_111] : memref<10240x128xf32, #tpu.memory_space<vmem_shared>> -> memref<640x128xf32, #tpu.memory_space<vmem_shared>>
      %dma_start3A_113 = arith.constant 0 : i32
      %dma_start3A_114 = tpu.memref_slice %arg2[%add3A, %dma_start3A_113] : memref<20480x128xf32, #tpu.memory_space<hbm>> -> memref<640x128xf32, #tpu.memory_space<hbm>>
      tpu.enqueue_dma source(%dma_start3A_114 : memref<640x128xf32, #tpu.memory_space<hbm>>) target(%dma_start3A_112 : memref<640x128xf32, #tpu.memory_space<vmem_shared>>) target_semaphore(%run_scoped3A : memref<!tpu.dma_semaphore, #tpu.memory_space<semaphore_mem>>)
      %dma_wait3A = arith.constant 0 : i32
      %dma_wait3A_115 = tpu.memref_slice %arg9[%mul3A_4, %dma_wait3A] : memref<10240x128xf32, #tpu.memory_space<vmem_shared>> -> memref<640x128xf32, #tpu.memory_space<vmem_shared>>
      %dma_wait3A_116 = arith.constant 0 : i32
      %dma_wait3A_117 = tpu.memref_slice %arg2[%add3A, %dma_wait3A_116] : memref<20480x128xf32, #tpu.memory_space<hbm>> -> memref<640x128xf32, #tpu.memory_space<hbm>>
      tpu.wait_dma2 semaphore(%run_scoped3A : memref<!tpu.dma_semaphore, #tpu.memory_space<semaphore_mem>>) src(%dma_wait3A_117 : memref<640x128xf32, #tpu.memory_space<hbm>>) dst(%dma_wait3A_115 : memref<640x128xf32, #tpu.memory_space<vmem_shared>>)
      tpu.yield
    }) : () -> ()
    %barrier3A = arith.constant 0 : index
    tpu.barrier barrier_id(%barrier3A)
    %mul3A_5 = arith.constant 164000 : i32
    %mul3A_6 = arith.muli %arg0, %mul3A_5 : i32
    %mul3A_7 = arith.constant 10240 : i32
    %mul3A_8 = arith.muli %arg1, %mul3A_7 : i32
    %add3A_9 = arith.addi %mul3A_6, %mul3A_8 : i32
    %mul3A_10 = arith.constant 10240 : i32
    %mul3A_11 = arith.muli %arg1, %mul3A_10 : i32
    %add3A_12 = arith.constant 0 : i32
    %add3A_13 = arith.addi %mul3A_11, %add3A_12 : i32
    %dma_start3A = arith.constant 0 : i32
    %dma_start3A_14 = arith.constant 0 : i32
    %dma_start3A_15 = tpu.memref_slice %arg7[%dma_start3A, %dma_start3A_14] : memref<4x80xi32, #tpu.memory_space<vmem>> -> memref<1x80xi32, #tpu.memory_space<vmem>>
    %dma_start3A_16 = tpu.memref_squeeze %dma_start3A_15 : memref<1x80xi32, #tpu.memory_space<vmem>> -> memref<80xi32, #tpu.memory_space<vmem>>
    %dma_start3A_17 = tpu.memref_slice %arg4[%add3A_13] : memref<164000xi32, #tpu.memory_space<hbm>> -> memref<80xi32, #tpu.memory_space<hbm>>
    %dma_start3A_18 = arith.constant 0 : i32
    %dma_start3A_19 = tpu.memref_slice %arg7[%dma_start3A, %dma_start3A_18] : memref<4x80xi32, #tpu.memory_space<vmem>> -> memref<1x80xi32, #tpu.memory_space<vmem>>
    %dma_start3A_20 = tpu.memref_squeeze %dma_start3A_19 : memref<1x80xi32, #tpu.memory_space<vmem>> -> memref<80xi32, #tpu.memory_space<vmem>>
    %dma_start3A_21 = tpu.memref_slice %arg4[%add3A_13] : memref<164000xi32, #tpu.memory_space<hbm>> -> memref<80xi32, #tpu.memory_space<hbm>>
    tpu.enqueue_dma source(%dma_start3A_21 : memref<80xi32, #tpu.memory_space<hbm>>) target(%dma_start3A_20 : memref<80xi32, #tpu.memory_space<vmem>>) target_semaphore(%arg10 : memref<!tpu.dma_semaphore, #tpu.memory_space<semaphore_mem>>)
    %add3A_22 = arith.constant 0 : i32
    %add3A_23 = arith.addi %add3A_9, %add3A_22 : i32
    %dma_start3A_24 = arith.constant 0 : i32
    %dma_start3A_25 = arith.constant 0 : i32
    %dma_start3A_26 = tpu.memref_slice %arg6[%dma_start3A_24, %dma_start3A_25] : memref<4x80xi32, #tpu.memory_space<vmem>> -> memref<1x80xi32, #tpu.memory_space<vmem>>
    %dma_start3A_27 = tpu.memref_squeeze %dma_start3A_26 : memref<1x80xi32, #tpu.memory_space<vmem>> -> memref<80xi32, #tpu.memory_space<vmem>>
    %dma_start3A_28 = tpu.memref_slice %arg3[%add3A_23] : memref<328000xi32, #tpu.memory_space<hbm>> -> memref<80xi32, #tpu.memory_space<hbm>>
    %dma_start3A_29 = arith.constant 0 : i32
    %dma_start3A_30 = tpu.memref_slice %arg6[%dma_start3A_24, %dma_start3A_29] : memref<4x80xi32, #tpu.memory_space<vmem>> -> memref<1x80xi32, #tpu.memory_space<vmem>>
    %dma_start3A_31 = tpu.memref_squeeze %dma_start3A_30 : memref<1x80xi32, #tpu.memory_space<vmem>> -> memref<80xi32, #tpu.memory_space<vmem>>
    %dma_start3A_32 = tpu.memref_slice %arg3[%add3A_23] : memref<328000xi32, #tpu.memory_space<hbm>> -> memref<80xi32, #tpu.memory_space<hbm>>
    tpu.enqueue_dma source(%dma_start3A_32 : memref<80xi32, #tpu.memory_space<hbm>>) target(%dma_start3A_31 : memref<80xi32, #tpu.memory_space<vmem>>) target_semaphore(%arg10 : memref<!tpu.dma_semaphore, #tpu.memory_space<semaphore_mem>>)
    %add3A_33 = arith.constant 80 : i32
    %add3A_34 = arith.addi %mul3A_11, %add3A_33 : i32
    %dma_start3A_35 = arith.constant 1 : i32
    %dma_start3A_36 = arith.constant 0 : i32
    %dma_start3A_37 = tpu.memref_slice %arg7[%dma_start3A_35, %dma_start3A_36] : memref<4x80xi32, #tpu.memory_space<vmem>> -> memref<1x80xi32, #tpu.memory_space<vmem>>
    %dma_start3A_38 = tpu.memref_squeeze %dma_start3A_37 : memref<1x80xi32, #tpu.memory_space<vmem>> -> memref<80xi32, #tpu.memory_space<vmem>>
    %dma_start3A_39 = tpu.memref_slice %arg4[%add3A_34] : memref<164000xi32, #tpu.memory_space<hbm>> -> memref<80xi32, #tpu.memory_space<hbm>>
    %dma_start3A_40 = arith.constant 0 : i32
    %dma_start3A_41 = tpu.memref_slice %arg7[%dma_start3A_35, %dma_start3A_40] : memref<4x80xi32, #tpu.memory_space<vmem>> -> memref<1x80xi32, #tpu.memory_space<vmem>>
    %dma_start3A_42 = tpu.memref_squeeze %dma_start3A_41 : memref<1x80xi32, #tpu.memory_space<vmem>> -> memref<80xi32, #tpu.memory_space<vmem>>
    %dma_start3A_43 = tpu.memref_slice %arg4[%add3A_34] : memref<164000xi32, #tpu.memory_space<hbm>> -> memref<80xi32, #tpu.memory_space<hbm>>
    tpu.enqueue_dma source(%dma_start3A_43 : memref<80xi32, #tpu.memory_space<hbm>>) target(%dma_start3A_42 : memref<80xi32, #tpu.memory_space<vmem>>) target_semaphore(%arg11 : memref<!tpu.dma_semaphore, #tpu.memory_space<semaphore_mem>>)
    %add3A_44 = arith.constant 80 : i32
    %add3A_45 = arith.addi %add3A_9, %add3A_44 : i32
    %dma_start3A_46 = arith.constant 1 : i32
    %dma_start3A_47 = arith.constant 0 : i32
    %dma_start3A_48 = tpu.memref_slice %arg6[%dma_start3A_46, %dma_start3A_47] : memref<4x80xi32, #tpu.memory_space<vmem>> -> memref<1x80xi32, #tpu.memory_space<vmem>>
    %dma_start3A_49 = tpu.memref_squeeze %dma_start3A_48 : memref<1x80xi32, #tpu.memory_space<vmem>> -> memref<80xi32, #tpu.memory_space<vmem>>
    %dma_start3A_50 = tpu.memref_slice %arg3[%add3A_45] : memref<328000xi32, #tpu.memory_space<hbm>> -> memref<80xi32, #tpu.memory_space<hbm>>
    %dma_start3A_51 = arith.constant 0 : i32
    %dma_start3A_52 = tpu.memref_slice %arg6[%dma_start3A_46, %dma_start3A_51] : memref<4x80xi32, #tpu.memory_space<vmem>> -> memref<1x80xi32, #tpu.memory_space<vmem>>
    %dma_start3A_53 = tpu.memref_squeeze %dma_start3A_52 : memref<1x80xi32, #tpu.memory_space<vmem>> -> memref<80xi32, #tpu.memory_space<vmem>>
    %dma_start3A_54 = tpu.memref_slice %arg3[%add3A_45] : memref<328000xi32, #tpu.memory_space<hbm>> -> memref<80xi32, #tpu.memory_space<hbm>>
    tpu.enqueue_dma source(%dma_start3A_54 : memref<80xi32, #tpu.memory_space<hbm>>) target(%dma_start3A_53 : memref<80xi32, #tpu.memory_space<vmem>>) target_semaphore(%arg11 : memref<!tpu.dma_semaphore, #tpu.memory_space<semaphore_mem>>)
    %add3A_55 = arith.constant 160 : i32
    %add3A_56 = arith.addi %mul3A_11, %add3A_55 : i32
    %dma_start3A_57 = arith.constant 2 : i32
    %dma_start3A_58 = arith.constant 0 : i32
    %dma_start3A_59 = tpu.memref_slice %arg7[%dma_start3A_57, %dma_start3A_58] : memref<4x80xi32, #tpu.memory_space<vmem>> -> memref<1x80xi32, #tpu.memory_space<vmem>>
    %dma_start3A_60 = tpu.memref_squeeze %dma_start3A_59 : memref<1x80xi32, #tpu.memory_space<vmem>> -> memref<80xi32, #tpu.memory_space<vmem>>
    %dma_start3A_61 = tpu.memref_slice %arg4[%add3A_56] : memref<164000xi32, #tpu.memory_space<hbm>> -> memref<80xi32, #tpu.memory_space<hbm>>
    %dma_start3A_62 = arith.constant 0 : i32
    %dma_start3A_63 = tpu.memref_slice %arg7[%dma_start3A_57, %dma_start3A_62] : memref<4x80xi32, #tpu.memory_space<vmem>> -> memref<1x80xi32, #tpu.memory_space<vmem>>
    %dma_start3A_64 = tpu.memref_squeeze %dma_start3A_63 : memref<1x80xi32, #tpu.memory_space<vmem>> -> memref<80xi32, #tpu.memory_space<vmem>>
    %dma_start3A_65 = tpu.memref_slice %arg4[%add3A_56] : memref<164000xi32, #tpu.memory_space<hbm>> -> memref<80xi32, #tpu.memory_space<hbm>>
    tpu.enqueue_dma source(%dma_start3A_65 : memref<80xi32, #tpu.memory_space<hbm>>) target(%dma_start3A_64 : memref<80xi32, #tpu.memory_space<vmem>>) target_semaphore(%arg12 : memref<!tpu.dma_semaphore, #tpu.memory_space<semaphore_mem>>)
    %add3A_66 = arith.constant 160 : i32
    %add3A_67 = arith.addi %add3A_9, %add3A_66 : i32
    %dma_start3A_68 = arith.constant 2 : i32
    %dma_start3A_69 = arith.constant 0 : i32
    %dma_start3A_70 = tpu.memref_slice %arg6[%dma_start3A_68, %dma_start3A_69] : memref<4x80xi32, #tpu.memory_space<vmem>> -> memref<1x80xi32, #tpu.memory_space<vmem>>
    %dma_start3A_71 = tpu.memref_squeeze %dma_start3A_70 : memref<1x80xi32, #tpu.memory_space<vmem>> -> memref<80xi32, #tpu.memory_space<vmem>>
    %dma_start3A_72 = tpu.memref_slice %arg3[%add3A_67] : memref<328000xi32, #tpu.memory_space<hbm>> -> memref<80xi32, #tpu.memory_space<hbm>>
    %dma_start3A_73 = arith.constant 0 : i32
    %dma_start3A_74 = tpu.memref_slice %arg6[%dma_start3A_68, %dma_start3A_73] : memref<4x80xi32, #tpu.memory_space<vmem>> -> memref<1x80xi32, #tpu.memory_space<vmem>>
    %dma_start3A_75 = tpu.memref_squeeze %dma_start3A_74 : memref<1x80xi32, #tpu.memory_space<vmem>> -> memref<80xi32, #tpu.memory_space<vmem>>
    %dma_start3A_76 = tpu.memref_slice %arg3[%add3A_67] : memref<328000xi32, #tpu.memory_space<hbm>> -> memref<80xi32, #tpu.memory_space<hbm>>
    tpu.enqueue_dma source(%dma_start3A_76 : memref<80xi32, #tpu.memory_space<hbm>>) target(%dma_start3A_75 : memref<80xi32, #tpu.memory_space<vmem>>) target_semaphore(%arg12 : memref<!tpu.dma_semaphore, #tpu.memory_space<semaphore_mem>>)
    %add3A_77 = arith.constant 240 : i32
    %add3A_78 = arith.addi %mul3A_11, %add3A_77 : i32
    %dma_start3A_79 = arith.constant 3 : i32
    %dma_start3A_80 = arith.constant 0 : i32
    %dma_start3A_81 = tpu.memref_slice %arg7[%dma_start3A_79, %dma_start3A_80] : memref<4x80xi32, #tpu.memory_space<vmem>> -> memref<1x80xi32, #tpu.memory_space<vmem>>
    %dma_start3A_82 = tpu.memref_squeeze %dma_start3A_81 : memref<1x80xi32, #tpu.memory_space<vmem>> -> memref<80xi32, #tpu.memory_space<vmem>>
    %dma_start3A_83 = tpu.memref_slice %arg4[%add3A_78] : memref<164000xi32, #tpu.memory_space<hbm>> -> memref<80xi32, #tpu.memory_space<hbm>>
    %dma_start3A_84 = arith.constant 0 : i32
    %dma_start3A_85 = tpu.memref_slice %arg7[%dma_start3A_79, %dma_start3A_84] : memref<4x80xi32, #tpu.memory_space<vmem>> -> memref<1x80xi32, #tpu.memory_space<vmem>>
    %dma_start3A_86 = tpu.memref_squeeze %dma_start3A_85 : memref<1x80xi32, #tpu.memory_space<vmem>> -> memref<80xi32, #tpu.memory_space<vmem>>
    %dma_start3A_87 = tpu.memref_slice %arg4[%add3A_78] : memref<164000xi32, #tpu.memory_space<hbm>> -> memref<80xi32, #tpu.memory_space<hbm>>
    tpu.enqueue_dma source(%dma_start3A_87 : memref<80xi32, #tpu.memory_space<hbm>>) target(%dma_start3A_86 : memref<80xi32, #tpu.memory_space<vmem>>) target_semaphore(%arg13 : memref<!tpu.dma_semaphore, #tpu.memory_space<semaphore_mem>>)
    %add3A_88 = arith.constant 240 : i32
    %add3A_89 = arith.addi %add3A_9, %add3A_88 : i32
    %dma_start3A_90 = arith.constant 3 : i32
    %dma_start3A_91 = arith.constant 0 : i32
    %dma_start3A_92 = tpu.memref_slice %arg6[%dma_start3A_90, %dma_start3A_91] : memref<4x80xi32, #tpu.memory_space<vmem>> -> memref<1x80xi32, #tpu.memory_space<vmem>>
    %dma_start3A_93 = tpu.memref_squeeze %dma_start3A_92 : memref<1x80xi32, #tpu.memory_space<vmem>> -> memref<80xi32, #tpu.memory_space<vmem>>
    %dma_start3A_94 = tpu.memref_slice %arg3[%add3A_89] : memref<328000xi32, #tpu.memory_space<hbm>> -> memref<80xi32, #tpu.memory_space<hbm>>
    %dma_start3A_95 = arith.constant 0 : i32
    %dma_start3A_96 = tpu.memref_slice %arg6[%dma_start3A_90, %dma_start3A_95] : memref<4x80xi32, #tpu.memory_space<vmem>> -> memref<1x80xi32, #tpu.memory_space<vmem>>
    %dma_start3A_97 = tpu.memref_squeeze %dma_start3A_96 : memref<1x80xi32, #tpu.memory_space<vmem>> -> memref<80xi32, #tpu.memory_space<vmem>>
    %dma_start3A_98 = tpu.memref_slice %arg3[%add3A_89] : memref<328000xi32, #tpu.memory_space<hbm>> -> memref<80xi32, #tpu.memory_space<hbm>>
    tpu.enqueue_dma source(%dma_start3A_98 : memref<80xi32, #tpu.memory_space<hbm>>) target(%dma_start3A_97 : memref<80xi32, #tpu.memory_space<vmem>>) target_semaphore(%arg13 : memref<!tpu.dma_semaphore, #tpu.memory_space<semaphore_mem>>)
    %scan3A = arith.constant 0 : i32
    %scan3A_99 = arith.constant 33 : i32
    %scan3A_100 = arith.addi %scan3A, %scan3A_99 : i32
    %scan3A_101 = arith.constant 1 : i32
    scf.for %scan3A_111 = %scan3A to %scan3A_100 step %scan3A_101  : i32 {
      %mul3A_112 = arith.constant 4 : i32
      %mul3A_113 = arith.muli %scan3A_111, %mul3A_112 : i32
      %add3A_114 = arith.constant 0 : i32
      %add3A_115 = arith.addi %add3A_114, %mul3A_113 : i32
      %add3A_116 = arith.constant 0 : i32
      %add3A_117 = arith.addi %add3A_115, %add3A_116 : i32
      %ge3A = arith.constant 2 : i32
      %ge3A_118 = arith.cmpi sge, %add3A_117, %ge3A : i32
      %le3A = arith.constant 129 : i32
      %le3A_119 = arith.cmpi sle, %add3A_117, %le3A : i32
      %and3A = arith.andi %ge3A_118, %le3A_119 : i1
      %convert_element_type3A = arith.extui %and3A : i1 to i32
      %cond3A = arith.constant 0 : i32
      %cond3A_120 = arith.cmpi ne, %convert_element_type3A, %cond3A : i32
      scf.if %cond3A_120 {
        %dma_wait3A = arith.constant 0 : i32
        %dma_wait3A_242 = arith.constant 2 : i32
        %dma_wait3A_243 = arith.constant 0 : i32
        %dma_wait3A_244 = arith.constant 0 : i32
        %dma_wait3A_245 = tpu.memref_slice %arg8[%dma_wait3A, %dma_wait3A_243, %dma_wait3A_244] : memref<2x80x128xf32, #tpu.memory_space<vmem>> -> memref<1x80x128xf32, #tpu.memory_space<vmem>>
        %dma_wait3A_246 = tpu.memref_squeeze %dma_wait3A_245 : memref<1x80x128xf32, #tpu.memory_space<vmem>> -> memref<80x128xf32, #tpu.memory_space<vmem>>
        %dma_wait3A_247 = arith.constant 0 : i32
        %dma_wait3A_248 = tpu.memref_slice %arg7[%dma_wait3A_242, %dma_wait3A_247] : memref<4x80xi32, #tpu.memory_space<vmem>> -> memref<1x80xi32, #tpu.memory_space<vmem>>
        %dma_wait3A_249 = tpu.memref_squeeze %dma_wait3A_248 : memref<1x80xi32, #tpu.memory_space<vmem>> -> memref<80xi32, #tpu.memory_space<vmem>>
        %dma_wait3A_250 = arith.constant 0 : i32
        %dma_wait3A_251 = arith.constant 0 : i32
        %dma_wait3A_252 = tpu.memref_slice %arg9[%dma_wait3A_250, %dma_wait3A_251] : memref<10240x128xf32, #tpu.memory_space<vmem_shared>> -> memref<10240x128xf32, #tpu.memory_space<vmem_shared>>
        tpu.wait_indirect_dma semaphore(%arg16 : memref<!tpu.dma_semaphore, #tpu.memory_space<semaphore_mem>>) src(%dma_wait3A_246 : memref<80x128xf32, #tpu.memory_space<vmem>>) dst(%dma_wait3A_252 : memref<10240x128xf32, #tpu.memory_space<vmem_shared>>)
      } else {
      }
      %lt3A = arith.constant 128 : i32
      %lt3A_121 = arith.cmpi slt, %add3A_117, %lt3A : i32
      %convert_element_type3A_122 = arith.extui %lt3A_121 : i1 to i32
      %cond3A_123 = arith.constant 0 : i32
      %cond3A_124 = arith.cmpi ne, %convert_element_type3A_122, %cond3A_123 : i32
      scf.if %cond3A_124 {
        %mul3A_242 = arith.constant 80 : i32
        %mul3A_243 = arith.muli %add3A_117, %mul3A_242 : i32
        %add3A_244 = arith.addi %mul3A_11, %mul3A_243 : i32
        %dma_wait3A = arith.constant 0 : i32
        %dma_wait3A_245 = arith.constant 0 : i32
        %dma_wait3A_246 = tpu.memref_slice %arg7[%dma_wait3A, %dma_wait3A_245] : memref<4x80xi32, #tpu.memory_space<vmem>> -> memref<1x80xi32, #tpu.memory_space<vmem>>
        %dma_wait3A_247 = tpu.memref_squeeze %dma_wait3A_246 : memref<1x80xi32, #tpu.memory_space<vmem>> -> memref<80xi32, #tpu.memory_space<vmem>>
        %dma_wait3A_248 = tpu.memref_slice %arg4[%add3A_244] : memref<164000xi32, #tpu.memory_space<hbm>> -> memref<80xi32, #tpu.memory_space<hbm>>
        %dma_wait3A_249 = arith.constant 0 : i32
        %dma_wait3A_250 = tpu.memref_slice %arg7[%dma_wait3A, %dma_wait3A_249] : memref<4x80xi32, #tpu.memory_space<vmem>> -> memref<1x80xi32, #tpu.memory_space<vmem>>
        %dma_wait3A_251 = tpu.memref_squeeze %dma_wait3A_250 : memref<1x80xi32, #tpu.memory_space<vmem>> -> memref<80xi32, #tpu.memory_space<vmem>>
        %dma_wait3A_252 = tpu.memref_slice %arg4[%add3A_244] : memref<164000xi32, #tpu.memory_space<hbm>> -> memref<80xi32, #tpu.memory_space<hbm>>
        tpu.wait_dma2 semaphore(%arg10 : memref<!tpu.dma_semaphore, #tpu.memory_space<semaphore_mem>>) src(%dma_wait3A_252 : memref<80xi32, #tpu.memory_space<hbm>>) dst(%dma_wait3A_251 : memref<80xi32, #tpu.memory_space<vmem>>)
        %mul3A_253 = arith.constant 80 : i32
        %mul3A_254 = arith.muli %add3A_117, %mul3A_253 : i32
        %add3A_255 = arith.addi %add3A_9, %mul3A_254 : i32
        %dma_wait3A_256 = arith.constant 0 : i32
        %dma_wait3A_257 = arith.constant 0 : i32
        %dma_wait3A_258 = tpu.memref_slice %arg6[%dma_wait3A_256, %dma_wait3A_257] : memref<4x80xi32, #tpu.memory_space<vmem>> -> memref<1x80xi32, #tpu.memory_space<vmem>>
        %dma_wait3A_259 = tpu.memref_squeeze %dma_wait3A_258 : memref<1x80xi32, #tpu.memory_space<vmem>> -> memref<80xi32, #tpu.memory_space<vmem>>
        %dma_wait3A_260 = tpu.memref_slice %arg3[%add3A_255] : memref<328000xi32, #tpu.memory_space<hbm>> -> memref<80xi32, #tpu.memory_space<hbm>>
        %dma_wait3A_261 = arith.constant 0 : i32
        %dma_wait3A_262 = tpu.memref_slice %arg6[%dma_wait3A_256, %dma_wait3A_261] : memref<4x80xi32, #tpu.memory_space<vmem>> -> memref<1x80xi32, #tpu.memory_space<vmem>>
        %dma_wait3A_263 = tpu.memref_squeeze %dma_wait3A_262 : memref<1x80xi32, #tpu.memory_space<vmem>> -> memref<80xi32, #tpu.memory_space<vmem>>
        %dma_wait3A_264 = tpu.memref_slice %arg3[%add3A_255] : memref<328000xi32, #tpu.memory_space<hbm>> -> memref<80xi32, #tpu.memory_space<hbm>>
        tpu.wait_dma2 semaphore(%arg10 : memref<!tpu.dma_semaphore, #tpu.memory_space<semaphore_mem>>) src(%dma_wait3A_264 : memref<80xi32, #tpu.memory_space<hbm>>) dst(%dma_wait3A_263 : memref<80xi32, #tpu.memory_space<vmem>>)
        %dma_start3A_265 = arith.constant 0 : i32
        %dma_start3A_266 = arith.constant 0 : i32
        %dma_start3A_267 = arith.constant 0 : i32
        %dma_start3A_268 = arith.constant 0 : i32
        %dma_start3A_269 = tpu.memref_slice %arg8[%dma_start3A_266, %dma_start3A_267, %dma_start3A_268] : memref<2x80x128xf32, #tpu.memory_space<vmem>> -> memref<1x80x128xf32, #tpu.memory_space<vmem>>
        %dma_start3A_270 = tpu.memref_squeeze %dma_start3A_269 : memref<1x80x128xf32, #tpu.memory_space<vmem>> -> memref<80x128xf32, #tpu.memory_space<vmem>>
        %dma_start3A_271 = arith.constant 0 : i32
        %dma_start3A_272 = tpu.memref_slice %arg6[%dma_start3A_265, %dma_start3A_271] : memref<4x80xi32, #tpu.memory_space<vmem>> -> memref<1x80xi32, #tpu.memory_space<vmem>>
        %dma_start3A_273 = tpu.memref_squeeze %dma_start3A_272 : memref<1x80xi32, #tpu.memory_space<vmem>> -> memref<80xi32, #tpu.memory_space<vmem>>
        %dma_start3A_274 = arith.constant 0 : i32
        %dma_start3A_275 = arith.constant 0 : i32
        %dma_start3A_276 = tpu.memref_slice %arg2[%dma_start3A_274, %dma_start3A_275] : memref<20480x128xf32, #tpu.memory_space<hbm>> -> memref<20480x128xf32, #tpu.memory_space<hbm>>
        tpu.enqueue_indirect_dma source(%dma_start3A_276 : memref<20480x128xf32, #tpu.memory_space<hbm>>) target(%dma_start3A_270 : memref<80x128xf32, #tpu.memory_space<vmem>>) offsets(%dma_start3A_273 : memref<80xi32, #tpu.memory_space<vmem>>) semaphore(%arg14 : memref<!tpu.dma_semaphore, #tpu.memory_space<semaphore_mem>>)
      } else {
      }
      %ge3A_125 = arith.constant 1 : i32
      %ge3A_126 = arith.cmpi sge, %add3A_117, %ge3A_125 : i32
      %le3A_127 = arith.constant 128 : i32
      %le3A_128 = arith.cmpi sle, %add3A_117, %le3A_127 : i32
      %and3A_129 = arith.andi %ge3A_126, %le3A_128 : i1
      %convert_element_type3A_130 = arith.extui %and3A_129 : i1 to i32
      %cond3A_131 = arith.constant 0 : i32
      %cond3A_132 = arith.cmpi ne, %convert_element_type3A_130, %cond3A_131 : i32
      scf.if %cond3A_132 {
        %dma_wait3A = arith.constant 3 : i32
        %dma_wait3A_242 = arith.constant 1 : i32
        %dma_wait3A_243 = arith.constant 0 : i32
        %dma_wait3A_244 = arith.constant 0 : i32
        %dma_wait3A_245 = tpu.memref_slice %arg8[%dma_wait3A_242, %dma_wait3A_243, %dma_wait3A_244] : memref<2x80x128xf32, #tpu.memory_space<vmem>> -> memref<1x80x128xf32, #tpu.memory_space<vmem>>
        %dma_wait3A_246 = tpu.memref_squeeze %dma_wait3A_245 : memref<1x80x128xf32, #tpu.memory_space<vmem>> -> memref<80x128xf32, #tpu.memory_space<vmem>>
        %dma_wait3A_247 = arith.constant 0 : i32
        %dma_wait3A_248 = tpu.memref_slice %arg6[%dma_wait3A, %dma_wait3A_247] : memref<4x80xi32, #tpu.memory_space<vmem>> -> memref<1x80xi32, #tpu.memory_space<vmem>>
        %dma_wait3A_249 = tpu.memref_squeeze %dma_wait3A_248 : memref<1x80xi32, #tpu.memory_space<vmem>> -> memref<80xi32, #tpu.memory_space<vmem>>
        %dma_wait3A_250 = arith.constant 0 : i32
        %dma_wait3A_251 = arith.constant 0 : i32
        %dma_wait3A_252 = tpu.memref_slice %arg2[%dma_wait3A_250, %dma_wait3A_251] : memref<20480x128xf32, #tpu.memory_space<hbm>> -> memref<20480x128xf32, #tpu.memory_space<hbm>>
        tpu.wait_indirect_dma semaphore(%arg15 : memref<!tpu.dma_semaphore, #tpu.memory_space<semaphore_mem>>) src(%dma_wait3A_252 : memref<20480x128xf32, #tpu.memory_space<hbm>>) dst(%dma_wait3A_246 : memref<80x128xf32, #tpu.memory_space<vmem>>)
        %dma_start3A_253 = arith.constant 1 : i32
        %dma_start3A_254 = arith.constant 3 : i32
        %dma_start3A_255 = arith.constant 0 : i32
        %dma_start3A_256 = arith.constant 0 : i32
        %dma_start3A_257 = tpu.memref_slice %arg8[%dma_start3A_253, %dma_start3A_255, %dma_start3A_256] : memref<2x80x128xf32, #tpu.memory_space<vmem>> -> memref<1x80x128xf32, #tpu.memory_space<vmem>>
        %dma_start3A_258 = tpu.memref_squeeze %dma_start3A_257 : memref<1x80x128xf32, #tpu.memory_space<vmem>> -> memref<80x128xf32, #tpu.memory_space<vmem>>
        %dma_start3A_259 = arith.constant 0 : i32
        %dma_start3A_260 = tpu.memref_slice %arg7[%dma_start3A_254, %dma_start3A_259] : memref<4x80xi32, #tpu.memory_space<vmem>> -> memref<1x80xi32, #tpu.memory_space<vmem>>
        %dma_start3A_261 = tpu.memref_squeeze %dma_start3A_260 : memref<1x80xi32, #tpu.memory_space<vmem>> -> memref<80xi32, #tpu.memory_space<vmem>>
        %dma_start3A_262 = arith.constant 0 : i32
        %dma_start3A_263 = arith.constant 0 : i32
        %dma_start3A_264 = tpu.memref_slice %arg9[%dma_start3A_262, %dma_start3A_263] : memref<10240x128xf32, #tpu.memory_space<vmem_shared>> -> memref<10240x128xf32, #tpu.memory_space<vmem_shared>>
        tpu.enqueue_indirect_dma source(%dma_start3A_258 : memref<80x128xf32, #tpu.memory_space<vmem>>) target(%dma_start3A_264 : memref<10240x128xf32, #tpu.memory_space<vmem_shared>>) offsets(%dma_start3A_261 : memref<80xi32, #tpu.memory_space<vmem>>) semaphore(%arg17 : memref<!tpu.dma_semaphore, #tpu.memory_space<semaphore_mem>>) {add = true}
      } else {
      }
      %ge3A_133 = arith.constant 2 : i32
      %ge3A_134 = arith.cmpi sge, %add3A_117, %ge3A_133 : i32
      %add3A_135 = arith.constant 2 : i32
      %add3A_136 = arith.addi %add3A_117, %add3A_135 : i32
      %lt3A_137 = arith.constant 128 : i32
      %lt3A_138 = arith.cmpi slt, %add3A_136, %lt3A_137 : i32
      %and3A_139 = arith.andi %ge3A_134, %lt3A_138 : i1
      %convert_element_type3A_140 = arith.extui %and3A_139 : i1 to i32
      %cond3A_141 = arith.constant 0 : i32
      %cond3A_142 = arith.cmpi ne, %convert_element_type3A_140, %cond3A_141 : i32
      scf.if %cond3A_142 {
        %add3A_242 = arith.constant 2 : i32
        %add3A_243 = arith.addi %add3A_117, %add3A_242 : i32
        %mul3A_244 = arith.constant 80 : i32
        %mul3A_245 = arith.muli %add3A_243, %mul3A_244 : i32
        %add3A_246 = arith.addi %mul3A_11, %mul3A_245 : i32
        %dma_start3A_247 = arith.constant 2 : i32
        %dma_start3A_248 = arith.constant 0 : i32
        %dma_start3A_249 = tpu.memref_slice %arg7[%dma_start3A_247, %dma_start3A_248] : memref<4x80xi32, #tpu.memory_space<vmem>> -> memref<1x80xi32, #tpu.memory_space<vmem>>
        %dma_start3A_250 = tpu.memref_squeeze %dma_start3A_249 : memref<1x80xi32, #tpu.memory_space<vmem>> -> memref<80xi32, #tpu.memory_space<vmem>>
        %dma_start3A_251 = tpu.memref_slice %arg4[%add3A_246] : memref<164000xi32, #tpu.memory_space<hbm>> -> memref<80xi32, #tpu.memory_space<hbm>>
        %dma_start3A_252 = arith.constant 0 : i32
        %dma_start3A_253 = tpu.memref_slice %arg7[%dma_start3A_247, %dma_start3A_252] : memref<4x80xi32, #tpu.memory_space<vmem>> -> memref<1x80xi32, #tpu.memory_space<vmem>>
        %dma_start3A_254 = tpu.memref_squeeze %dma_start3A_253 : memref<1x80xi32, #tpu.memory_space<vmem>> -> memref<80xi32, #tpu.memory_space<vmem>>
        %dma_start3A_255 = tpu.memref_slice %arg4[%add3A_246] : memref<164000xi32, #tpu.memory_space<hbm>> -> memref<80xi32, #tpu.memory_space<hbm>>
        tpu.enqueue_dma source(%dma_start3A_255 : memref<80xi32, #tpu.memory_space<hbm>>) target(%dma_start3A_254 : memref<80xi32, #tpu.memory_space<vmem>>) target_semaphore(%arg12 : memref<!tpu.dma_semaphore, #tpu.memory_space<semaphore_mem>>)
        %mul3A_256 = arith.constant 80 : i32
        %mul3A_257 = arith.muli %add3A_243, %mul3A_256 : i32
        %add3A_258 = arith.addi %add3A_9, %mul3A_257 : i32
        %dma_start3A_259 = arith.constant 2 : i32
        %dma_start3A_260 = arith.constant 0 : i32
        %dma_start3A_261 = tpu.memref_slice %arg6[%dma_start3A_259, %dma_start3A_260] : memref<4x80xi32, #tpu.memory_space<vmem>> -> memref<1x80xi32, #tpu.memory_space<vmem>>
        %dma_start3A_262 = tpu.memref_squeeze %dma_start3A_261 : memref<1x80xi32, #tpu.memory_space<vmem>> -> memref<80xi32, #tpu.memory_space<vmem>>
        %dma_start3A_263 = tpu.memref_slice %arg3[%add3A_258] : memref<328000xi32, #tpu.memory_space<hbm>> -> memref<80xi32, #tpu.memory_space<hbm>>
        %dma_start3A_264 = arith.constant 0 : i32
        %dma_start3A_265 = tpu.memref_slice %arg6[%dma_start3A_259, %dma_start3A_264] : memref<4x80xi32, #tpu.memory_space<vmem>> -> memref<1x80xi32, #tpu.memory_space<vmem>>
        %dma_start3A_266 = tpu.memref_squeeze %dma_start3A_265 : memref<1x80xi32, #tpu.memory_space<vmem>> -> memref<80xi32, #tpu.memory_space<vmem>>
        %dma_start3A_267 = tpu.memref_slice %arg3[%add3A_258] : memref<328000xi32, #tpu.memory_space<hbm>> -> memref<80xi32, #tpu.memory_space<hbm>>
        tpu.enqueue_dma source(%dma_start3A_267 : memref<80xi32, #tpu.memory_space<hbm>>) target(%dma_start3A_266 : memref<80xi32, #tpu.memory_space<vmem>>) target_semaphore(%arg12 : memref<!tpu.dma_semaphore, #tpu.memory_space<semaphore_mem>>)
      } else {
      }
      %add3A_143 = arith.constant 1 : i32
      %add3A_144 = arith.addi %add3A_115, %add3A_143 : i32
      %ge3A_145 = arith.constant 2 : i32
      %ge3A_146 = arith.cmpi sge, %add3A_144, %ge3A_145 : i32
      %le3A_147 = arith.constant 129 : i32
      %le3A_148 = arith.cmpi sle, %add3A_144, %le3A_147 : i32
      %and3A_149 = arith.andi %ge3A_146, %le3A_148 : i1
      %convert_element_type3A_150 = arith.extui %and3A_149 : i1 to i32
      %cond3A_151 = arith.constant 0 : i32
      %cond3A_152 = arith.cmpi ne, %convert_element_type3A_150, %cond3A_151 : i32
      scf.if %cond3A_152 {
        %dma_wait3A = arith.constant 1 : i32
        %dma_wait3A_242 = arith.constant 3 : i32
        %dma_wait3A_243 = arith.constant 0 : i32
        %dma_wait3A_244 = arith.constant 0 : i32
        %dma_wait3A_245 = tpu.memref_slice %arg8[%dma_wait3A, %dma_wait3A_243, %dma_wait3A_244] : memref<2x80x128xf32, #tpu.memory_space<vmem>> -> memref<1x80x128xf32, #tpu.memory_space<vmem>>
        %dma_wait3A_246 = tpu.memref_squeeze %dma_wait3A_245 : memref<1x80x128xf32, #tpu.memory_space<vmem>> -> memref<80x128xf32, #tpu.memory_space<vmem>>
        %dma_wait3A_247 = arith.constant 0 : i32
        %dma_wait3A_248 = tpu.memref_slice %arg7[%dma_wait3A_242, %dma_wait3A_247] : memref<4x80xi32, #tpu.memory_space<vmem>> -> memref<1x80xi32, #tpu.memory_space<vmem>>
        %dma_wait3A_249 = tpu.memref_squeeze %dma_wait3A_248 : memref<1x80xi32, #tpu.memory_space<vmem>> -> memref<80xi32, #tpu.memory_space<vmem>>
        %dma_wait3A_250 = arith.constant 0 : i32
        %dma_wait3A_251 = arith.constant 0 : i32
        %dma_wait3A_252 = tpu.memref_slice %arg9[%dma_wait3A_250, %dma_wait3A_251] : memref<10240x128xf32, #tpu.memory_space<vmem_shared>> -> memref<10240x128xf32, #tpu.memory_space<vmem_shared>>
        tpu.wait_indirect_dma semaphore(%arg17 : memref<!tpu.dma_semaphore, #tpu.memory_space<semaphore_mem>>) src(%dma_wait3A_246 : memref<80x128xf32, #tpu.memory_space<vmem>>) dst(%dma_wait3A_252 : memref<10240x128xf32, #tpu.memory_space<vmem_shared>>)
      } else {
      }
      %lt3A_153 = arith.constant 128 : i32
      %lt3A_154 = arith.cmpi slt, %add3A_144, %lt3A_153 : i32
      %convert_element_type3A_155 = arith.extui %lt3A_154 : i1 to i32
      %cond3A_156 = arith.constant 0 : i32
      %cond3A_157 = arith.cmpi ne, %convert_element_type3A_155, %cond3A_156 : i32
      scf.if %cond3A_157 {
        %mul3A_242 = arith.constant 80 : i32
        %mul3A_243 = arith.muli %add3A_144, %mul3A_242 : i32
        %add3A_244 = arith.addi %mul3A_11, %mul3A_243 : i32
        %dma_wait3A = arith.constant 1 : i32
        %dma_wait3A_245 = arith.constant 0 : i32
        %dma_wait3A_246 = tpu.memref_slice %arg7[%dma_wait3A, %dma_wait3A_245] : memref<4x80xi32, #tpu.memory_space<vmem>> -> memref<1x80xi32, #tpu.memory_space<vmem>>
        %dma_wait3A_247 = tpu.memref_squeeze %dma_wait3A_246 : memref<1x80xi32, #tpu.memory_space<vmem>> -> memref<80xi32, #tpu.memory_space<vmem>>
        %dma_wait3A_248 = tpu.memref_slice %arg4[%add3A_244] : memref<164000xi32, #tpu.memory_space<hbm>> -> memref<80xi32, #tpu.memory_space<hbm>>
        %dma_wait3A_249 = arith.constant 0 : i32
        %dma_wait3A_250 = tpu.memref_slice %arg7[%dma_wait3A, %dma_wait3A_249] : memref<4x80xi32, #tpu.memory_space<vmem>> -> memref<1x80xi32, #tpu.memory_space<vmem>>
        %dma_wait3A_251 = tpu.memref_squeeze %dma_wait3A_250 : memref<1x80xi32, #tpu.memory_space<vmem>> -> memref<80xi32, #tpu.memory_space<vmem>>
        %dma_wait3A_252 = tpu.memref_slice %arg4[%add3A_244] : memref<164000xi32, #tpu.memory_space<hbm>> -> memref<80xi32, #tpu.memory_space<hbm>>
        tpu.wait_dma2 semaphore(%arg11 : memref<!tpu.dma_semaphore, #tpu.memory_space<semaphore_mem>>) src(%dma_wait3A_252 : memref<80xi32, #tpu.memory_space<hbm>>) dst(%dma_wait3A_251 : memref<80xi32, #tpu.memory_space<vmem>>)
        %mul3A_253 = arith.constant 80 : i32
        %mul3A_254 = arith.muli %add3A_144, %mul3A_253 : i32
        %add3A_255 = arith.addi %add3A_9, %mul3A_254 : i32
        %dma_wait3A_256 = arith.constant 1 : i32
        %dma_wait3A_257 = arith.constant 0 : i32
        %dma_wait3A_258 = tpu.memref_slice %arg6[%dma_wait3A_256, %dma_wait3A_257] : memref<4x80xi32, #tpu.memory_space<vmem>> -> memref<1x80xi32, #tpu.memory_space<vmem>>
        %dma_wait3A_259 = tpu.memref_squeeze %dma_wait3A_258 : memref<1x80xi32, #tpu.memory_space<vmem>> -> memref<80xi32, #tpu.memory_space<vmem>>
        %dma_wait3A_260 = tpu.memref_slice %arg3[%add3A_255] : memref<328000xi32, #tpu.memory_space<hbm>> -> memref<80xi32, #tpu.memory_space<hbm>>
        %dma_wait3A_261 = arith.constant 0 : i32
        %dma_wait3A_262 = tpu.memref_slice %arg6[%dma_wait3A_256, %dma_wait3A_261] : memref<4x80xi32, #tpu.memory_space<vmem>> -> memref<1x80xi32, #tpu.memory_space<vmem>>
        %dma_wait3A_263 = tpu.memref_squeeze %dma_wait3A_262 : memref<1x80xi32, #tpu.memory_space<vmem>> -> memref<80xi32, #tpu.memory_space<vmem>>
        %dma_wait3A_264 = tpu.memref_slice %arg3[%add3A_255] : memref<328000xi32, #tpu.memory_space<hbm>> -> memref<80xi32, #tpu.memory_space<hbm>>
        tpu.wait_dma2 semaphore(%arg11 : memref<!tpu.dma_semaphore, #tpu.memory_space<semaphore_mem>>) src(%dma_wait3A_264 : memref<80xi32, #tpu.memory_space<hbm>>) dst(%dma_wait3A_263 : memref<80xi32, #tpu.memory_space<vmem>>)
        %dma_start3A_265 = arith.constant 1 : i32
        %dma_start3A_266 = arith.constant 1 : i32
        %dma_start3A_267 = arith.constant 0 : i32
        %dma_start3A_268 = arith.constant 0 : i32
        %dma_start3A_269 = tpu.memref_slice %arg8[%dma_start3A_266, %dma_start3A_267, %dma_start3A_268] : memref<2x80x128xf32, #tpu.memory_space<vmem>> -> memref<1x80x128xf32, #tpu.memory_space<vmem>>
        %dma_start3A_270 = tpu.memref_squeeze %dma_start3A_269 : memref<1x80x128xf32, #tpu.memory_space<vmem>> -> memref<80x128xf32, #tpu.memory_space<vmem>>
        %dma_start3A_271 = arith.constant 0 : i32
        %dma_start3A_272 = tpu.memref_slice %arg6[%dma_start3A_265, %dma_start3A_271] : memref<4x80xi32, #tpu.memory_space<vmem>> -> memref<1x80xi32, #tpu.memory_space<vmem>>
        %dma_start3A_273 = tpu.memref_squeeze %dma_start3A_272 : memref<1x80xi32, #tpu.memory_space<vmem>> -> memref<80xi32, #tpu.memory_space<vmem>>
        %dma_start3A_274 = arith.constant 0 : i32
        %dma_start3A_275 = arith.constant 0 : i32
        %dma_start3A_276 = tpu.memref_slice %arg2[%dma_start3A_274, %dma_start3A_275] : memref<20480x128xf32, #tpu.memory_space<hbm>> -> memref<20480x128xf32, #tpu.memory_space<hbm>>
        tpu.enqueue_indirect_dma source(%dma_start3A_276 : memref<20480x128xf32, #tpu.memory_space<hbm>>) target(%dma_start3A_270 : memref<80x128xf32, #tpu.memory_space<vmem>>) offsets(%dma_start3A_273 : memref<80xi32, #tpu.memory_space<vmem>>) semaphore(%arg15 : memref<!tpu.dma_semaphore, #tpu.memory_space<semaphore_mem>>)
      } else {
      }
      %ge3A_158 = arith.constant 1 : i32
      %ge3A_159 = arith.cmpi sge, %add3A_144, %ge3A_158 : i32
      %le3A_160 = arith.constant 128 : i32
      %le3A_161 = arith.cmpi sle, %add3A_144, %le3A_160 : i32
      %and3A_162 = arith.andi %ge3A_159, %le3A_161 : i1
      %convert_element_type3A_163 = arith.extui %and3A_162 : i1 to i32
      %cond3A_164 = arith.constant 0 : i32
      %cond3A_165 = arith.cmpi ne, %convert_element_type3A_163, %cond3A_164 : i32
      scf.if %cond3A_165 {
        %dma_wait3A = arith.constant 0 : i32
        %dma_wait3A_242 = arith.constant 0 : i32
        %dma_wait3A_243 = arith.constant 0 : i32
        %dma_wait3A_244 = arith.constant 0 : i32
        %dma_wait3A_245 = tpu.memref_slice %arg8[%dma_wait3A_242, %dma_wait3A_243, %dma_wait3A_244] : memref<2x80x128xf32, #tpu.memory_space<vmem>> -> memref<1x80x128xf32, #tpu.memory_space<vmem>>
        %dma_wait3A_246 = tpu.memref_squeeze %dma_wait3A_245 : memref<1x80x128xf32, #tpu.memory_space<vmem>> -> memref<80x128xf32, #tpu.memory_space<vmem>>
        %dma_wait3A_247 = arith.constant 0 : i32
        %dma_wait3A_248 = tpu.memref_slice %arg6[%dma_wait3A, %dma_wait3A_247] : memref<4x80xi32, #tpu.memory_space<vmem>> -> memref<1x80xi32, #tpu.memory_space<vmem>>
        %dma_wait3A_249 = tpu.memref_squeeze %dma_wait3A_248 : memref<1x80xi32, #tpu.memory_space<vmem>> -> memref<80xi32, #tpu.memory_space<vmem>>
        %dma_wait3A_250 = arith.constant 0 : i32
        %dma_wait3A_251 = arith.constant 0 : i32
        %dma_wait3A_252 = tpu.memref_slice %arg2[%dma_wait3A_250, %dma_wait3A_251] : memref<20480x128xf32, #tpu.memory_space<hbm>> -> memref<20480x128xf32, #tpu.memory_space<hbm>>
        tpu.wait_indirect_dma semaphore(%arg14 : memref<!tpu.dma_semaphore, #tpu.memory_space<semaphore_mem>>) src(%dma_wait3A_252 : memref<20480x128xf32, #tpu.memory_space<hbm>>) dst(%dma_wait3A_246 : memref<80x128xf32, #tpu.memory_space<vmem>>)
        %dma_start3A_253 = arith.constant 0 : i32
        %dma_start3A_254 = arith.constant 0 : i32
        %dma_start3A_255 = arith.constant 0 : i32
        %dma_start3A_256 = arith.constant 0 : i32
        %dma_start3A_257 = tpu.memref_slice %arg8[%dma_start3A_253, %dma_start3A_255, %dma_start3A_256] : memref<2x80x128xf32, #tpu.memory_space<vmem>> -> memref<1x80x128xf32, #tpu.memory_space<vmem>>
        %dma_start3A_258 = tpu.memref_squeeze %dma_start3A_257 : memref<1x80x128xf32, #tpu.memory_space<vmem>> -> memref<80x128xf32, #tpu.memory_space<vmem>>
        %dma_start3A_259 = arith.constant 0 : i32
        %dma_start3A_260 = tpu.memref_slice %arg7[%dma_start3A_254, %dma_start3A_259] : memref<4x80xi32, #tpu.memory_space<vmem>> -> memref<1x80xi32, #tpu.memory_space<vmem>>
        %dma_start3A_261 = tpu.memref_squeeze %dma_start3A_260 : memref<1x80xi32, #tpu.memory_space<vmem>> -> memref<80xi32, #tpu.memory_space<vmem>>
        %dma_start3A_262 = arith.constant 0 : i32
        %dma_start3A_263 = arith.constant 0 : i32
        %dma_start3A_264 = tpu.memref_slice %arg9[%dma_start3A_262, %dma_start3A_263] : memref<10240x128xf32, #tpu.memory_space<vmem_shared>> -> memref<10240x128xf32, #tpu.memory_space<vmem_shared>>
        tpu.enqueue_indirect_dma source(%dma_start3A_258 : memref<80x128xf32, #tpu.memory_space<vmem>>) target(%dma_start3A_264 : memref<10240x128xf32, #tpu.memory_space<vmem_shared>>) offsets(%dma_start3A_261 : memref<80xi32, #tpu.memory_space<vmem>>) semaphore(%arg16 : memref<!tpu.dma_semaphore, #tpu.memory_space<semaphore_mem>>) {add = true}
      } else {
      }
      %ge3A_166 = arith.constant 2 : i32
      %ge3A_167 = arith.cmpi sge, %add3A_144, %ge3A_166 : i32
      %add3A_168 = arith.constant 2 : i32
      %add3A_169 = arith.addi %add3A_144, %add3A_168 : i32
      %lt3A_170 = arith.constant 128 : i32
      %lt3A_171 = arith.cmpi slt, %add3A_169, %lt3A_170 : i32
      %and3A_172 = arith.andi %ge3A_167, %lt3A_171 : i1
      %convert_element_type3A_173 = arith.extui %and3A_172 : i1 to i32
      %cond3A_174 = arith.constant 0 : i32
      %cond3A_175 = arith.cmpi ne, %convert_element_type3A_173, %cond3A_174 : i32
      scf.if %cond3A_175 {
        %add3A_242 = arith.constant 2 : i32
        %add3A_243 = arith.addi %add3A_144, %add3A_242 : i32
        %mul3A_244 = arith.constant 80 : i32
        %mul3A_245 = arith.muli %add3A_243, %mul3A_244 : i32
        %add3A_246 = arith.addi %mul3A_11, %mul3A_245 : i32
        %dma_start3A_247 = arith.constant 3 : i32
        %dma_start3A_248 = arith.constant 0 : i32
        %dma_start3A_249 = tpu.memref_slice %arg7[%dma_start3A_247, %dma_start3A_248] : memref<4x80xi32, #tpu.memory_space<vmem>> -> memref<1x80xi32, #tpu.memory_space<vmem>>
        %dma_start3A_250 = tpu.memref_squeeze %dma_start3A_249 : memref<1x80xi32, #tpu.memory_space<vmem>> -> memref<80xi32, #tpu.memory_space<vmem>>
        %dma_start3A_251 = tpu.memref_slice %arg4[%add3A_246] : memref<164000xi32, #tpu.memory_space<hbm>> -> memref<80xi32, #tpu.memory_space<hbm>>
        %dma_start3A_252 = arith.constant 0 : i32
        %dma_start3A_253 = tpu.memref_slice %arg7[%dma_start3A_247, %dma_start3A_252] : memref<4x80xi32, #tpu.memory_space<vmem>> -> memref<1x80xi32, #tpu.memory_space<vmem>>
        %dma_start3A_254 = tpu.memref_squeeze %dma_start3A_253 : memref<1x80xi32, #tpu.memory_space<vmem>> -> memref<80xi32, #tpu.memory_space<vmem>>
        %dma_start3A_255 = tpu.memref_slice %arg4[%add3A_246] : memref<164000xi32, #tpu.memory_space<hbm>> -> memref<80xi32, #tpu.memory_space<hbm>>
        tpu.enqueue_dma source(%dma_start3A_255 : memref<80xi32, #tpu.memory_space<hbm>>) target(%dma_start3A_254 : memref<80xi32, #tpu.memory_space<vmem>>) target_semaphore(%arg13 : memref<!tpu.dma_semaphore, #tpu.memory_space<semaphore_mem>>)
        %mul3A_256 = arith.constant 80 : i32
        %mul3A_257 = arith.muli %add3A_243, %mul3A_256 : i32
        %add3A_258 = arith.addi %add3A_9, %mul3A_257 : i32
        %dma_start3A_259 = arith.constant 3 : i32
        %dma_start3A_260 = arith.constant 0 : i32
        %dma_start3A_261 = tpu.memref_slice %arg6[%dma_start3A_259, %dma_start3A_260] : memref<4x80xi32, #tpu.memory_space<vmem>> -> memref<1x80xi32, #tpu.memory_space<vmem>>
        %dma_start3A_262 = tpu.memref_squeeze %dma_start3A_261 : memref<1x80xi32, #tpu.memory_space<vmem>> -> memref<80xi32, #tpu.memory_space<vmem>>
        %dma_start3A_263 = tpu.memref_slice %arg3[%add3A_258] : memref<328000xi32, #tpu.memory_space<hbm>> -> memref<80xi32, #tpu.memory_space<hbm>>
        %dma_start3A_264 = arith.constant 0 : i32
        %dma_start3A_265 = tpu.memref_slice %arg6[%dma_start3A_259, %dma_start3A_264] : memref<4x80xi32, #tpu.memory_space<vmem>> -> memref<1x80xi32, #tpu.memory_space<vmem>>
        %dma_start3A_266 = tpu.memref_squeeze %dma_start3A_265 : memref<1x80xi32, #tpu.memory_space<vmem>> -> memref<80xi32, #tpu.memory_space<vmem>>
        %dma_start3A_267 = tpu.memref_slice %arg3[%add3A_258] : memref<328000xi32, #tpu.memory_space<hbm>> -> memref<80xi32, #tpu.memory_space<hbm>>
        tpu.enqueue_dma source(%dma_start3A_267 : memref<80xi32, #tpu.memory_space<hbm>>) target(%dma_start3A_266 : memref<80xi32, #tpu.memory_space<vmem>>) target_semaphore(%arg13 : memref<!tpu.dma_semaphore, #tpu.memory_space<semaphore_mem>>)
      } else {
      }
      %add3A_176 = arith.constant 2 : i32
      %add3A_177 = arith.addi %add3A_115, %add3A_176 : i32
      %ge3A_178 = arith.constant 2 : i32
      %ge3A_179 = arith.cmpi sge, %add3A_177, %ge3A_178 : i32
      %le3A_180 = arith.constant 129 : i32
      %le3A_181 = arith.cmpi sle, %add3A_177, %le3A_180 : i32
      %and3A_182 = arith.andi %ge3A_179, %le3A_181 : i1
      %convert_element_type3A_183 = arith.extui %and3A_182 : i1 to i32
      %cond3A_184 = arith.constant 0 : i32
      %cond3A_185 = arith.cmpi ne, %convert_element_type3A_183, %cond3A_184 : i32
      scf.if %cond3A_185 {
        %dma_wait3A = arith.constant 0 : i32
        %dma_wait3A_242 = arith.constant 0 : i32
        %dma_wait3A_243 = arith.constant 0 : i32
        %dma_wait3A_244 = arith.constant 0 : i32
        %dma_wait3A_245 = tpu.memref_slice %arg8[%dma_wait3A, %dma_wait3A_243, %dma_wait3A_244] : memref<2x80x128xf32, #tpu.memory_space<vmem>> -> memref<1x80x128xf32, #tpu.memory_space<vmem>>
        %dma_wait3A_246 = tpu.memref_squeeze %dma_wait3A_245 : memref<1x80x128xf32, #tpu.memory_space<vmem>> -> memref<80x128xf32, #tpu.memory_space<vmem>>
        %dma_wait3A_247 = arith.constant 0 : i32
        %dma_wait3A_248 = tpu.memref_slice %arg7[%dma_wait3A_242, %dma_wait3A_247] : memref<4x80xi32, #tpu.memory_space<vmem>> -> memref<1x80xi32, #tpu.memory_space<vmem>>
        %dma_wait3A_249 = tpu.memref_squeeze %dma_wait3A_248 : memref<1x80xi32, #tpu.memory_space<vmem>> -> memref<80xi32, #tpu.memory_space<vmem>>
        %dma_wait3A_250 = arith.constant 0 : i32
        %dma_wait3A_251 = arith.constant 0 : i32
        %dma_wait3A_252 = tpu.memref_slice %arg9[%dma_wait3A_250, %dma_wait3A_251] : memref<10240x128xf32, #tpu.memory_space<vmem_shared>> -> memref<10240x128xf32, #tpu.memory_space<vmem_shared>>
        tpu.wait_indirect_dma semaphore(%arg16 : memref<!tpu.dma_semaphore, #tpu.memory_space<semaphore_mem>>) src(%dma_wait3A_246 : memref<80x128xf32, #tpu.memory_space<vmem>>) dst(%dma_wait3A_252 : memref<10240x128xf32, #tpu.memory_space<vmem_shared>>)
      } else {
      }
      %lt3A_186 = arith.constant 128 : i32
      %lt3A_187 = arith.cmpi slt, %add3A_177, %lt3A_186 : i32
      %convert_element_type3A_188 = arith.extui %lt3A_187 : i1 to i32
      %cond3A_189 = arith.constant 0 : i32
      %cond3A_190 = arith.cmpi ne, %convert_element_type3A_188, %cond3A_189 : i32
      scf.if %cond3A_190 {
        %mul3A_242 = arith.constant 80 : i32
        %mul3A_243 = arith.muli %add3A_177, %mul3A_242 : i32
        %add3A_244 = arith.addi %mul3A_11, %mul3A_243 : i32
        %dma_wait3A = arith.constant 2 : i32
        %dma_wait3A_245 = arith.constant 0 : i32
        %dma_wait3A_246 = tpu.memref_slice %arg7[%dma_wait3A, %dma_wait3A_245] : memref<4x80xi32, #tpu.memory_space<vmem>> -> memref<1x80xi32, #tpu.memory_space<vmem>>
        %dma_wait3A_247 = tpu.memref_squeeze %dma_wait3A_246 : memref<1x80xi32, #tpu.memory_space<vmem>> -> memref<80xi32, #tpu.memory_space<vmem>>
        %dma_wait3A_248 = tpu.memref_slice %arg4[%add3A_244] : memref<164000xi32, #tpu.memory_space<hbm>> -> memref<80xi32, #tpu.memory_space<hbm>>
        %dma_wait3A_249 = arith.constant 0 : i32
        %dma_wait3A_250 = tpu.memref_slice %arg7[%dma_wait3A, %dma_wait3A_249] : memref<4x80xi32, #tpu.memory_space<vmem>> -> memref<1x80xi32, #tpu.memory_space<vmem>>
        %dma_wait3A_251 = tpu.memref_squeeze %dma_wait3A_250 : memref<1x80xi32, #tpu.memory_space<vmem>> -> memref<80xi32, #tpu.memory_space<vmem>>
        %dma_wait3A_252 = tpu.memref_slice %arg4[%add3A_244] : memref<164000xi32, #tpu.memory_space<hbm>> -> memref<80xi32, #tpu.memory_space<hbm>>
        tpu.wait_dma2 semaphore(%arg12 : memref<!tpu.dma_semaphore, #tpu.memory_space<semaphore_mem>>) src(%dma_wait3A_252 : memref<80xi32, #tpu.memory_space<hbm>>) dst(%dma_wait3A_251 : memref<80xi32, #tpu.memory_space<vmem>>)
        %mul3A_253 = arith.constant 80 : i32
        %mul3A_254 = arith.muli %add3A_177, %mul3A_253 : i32
        %add3A_255 = arith.addi %add3A_9, %mul3A_254 : i32
        %dma_wait3A_256 = arith.constant 2 : i32
        %dma_wait3A_257 = arith.constant 0 : i32
        %dma_wait3A_258 = tpu.memref_slice %arg6[%dma_wait3A_256, %dma_wait3A_257] : memref<4x80xi32, #tpu.memory_space<vmem>> -> memref<1x80xi32, #tpu.memory_space<vmem>>
        %dma_wait3A_259 = tpu.memref_squeeze %dma_wait3A_258 : memref<1x80xi32, #tpu.memory_space<vmem>> -> memref<80xi32, #tpu.memory_space<vmem>>
        %dma_wait3A_260 = tpu.memref_slice %arg3[%add3A_255] : memref<328000xi32, #tpu.memory_space<hbm>> -> memref<80xi32, #tpu.memory_space<hbm>>
        %dma_wait3A_261 = arith.constant 0 : i32
        %dma_wait3A_262 = tpu.memref_slice %arg6[%dma_wait3A_256, %dma_wait3A_261] : memref<4x80xi32, #tpu.memory_space<vmem>> -> memref<1x80xi32, #tpu.memory_space<vmem>>
        %dma_wait3A_263 = tpu.memref_squeeze %dma_wait3A_262 : memref<1x80xi32, #tpu.memory_space<vmem>> -> memref<80xi32, #tpu.memory_space<vmem>>
        %dma_wait3A_264 = tpu.memref_slice %arg3[%add3A_255] : memref<328000xi32, #tpu.memory_space<hbm>> -> memref<80xi32, #tpu.memory_space<hbm>>
        tpu.wait_dma2 semaphore(%arg12 : memref<!tpu.dma_semaphore, #tpu.memory_space<semaphore_mem>>) src(%dma_wait3A_264 : memref<80xi32, #tpu.memory_space<hbm>>) dst(%dma_wait3A_263 : memref<80xi32, #tpu.memory_space<vmem>>)
        %dma_start3A_265 = arith.constant 2 : i32
        %dma_start3A_266 = arith.constant 0 : i32
        %dma_start3A_267 = arith.constant 0 : i32
        %dma_start3A_268 = arith.constant 0 : i32
        %dma_start3A_269 = tpu.memref_slice %arg8[%dma_start3A_266, %dma_start3A_267, %dma_start3A_268] : memref<2x80x128xf32, #tpu.memory_space<vmem>> -> memref<1x80x128xf32, #tpu.memory_space<vmem>>
        %dma_start3A_270 = tpu.memref_squeeze %dma_start3A_269 : memref<1x80x128xf32, #tpu.memory_space<vmem>> -> memref<80x128xf32, #tpu.memory_space<vmem>>
        %dma_start3A_271 = arith.constant 0 : i32
        %dma_start3A_272 = tpu.memref_slice %arg6[%dma_start3A_265, %dma_start3A_271] : memref<4x80xi32, #tpu.memory_space<vmem>> -> memref<1x80xi32, #tpu.memory_space<vmem>>
        %dma_start3A_273 = tpu.memref_squeeze %dma_start3A_272 : memref<1x80xi32, #tpu.memory_space<vmem>> -> memref<80xi32, #tpu.memory_space<vmem>>
        %dma_start3A_274 = arith.constant 0 : i32
        %dma_start3A_275 = arith.constant 0 : i32
        %dma_start3A_276 = tpu.memref_slice %arg2[%dma_start3A_274, %dma_start3A_275] : memref<20480x128xf32, #tpu.memory_space<hbm>> -> memref<20480x128xf32, #tpu.memory_space<hbm>>
        tpu.enqueue_indirect_dma source(%dma_start3A_276 : memref<20480x128xf32, #tpu.memory_space<hbm>>) target(%dma_start3A_270 : memref<80x128xf32, #tpu.memory_space<vmem>>) offsets(%dma_start3A_273 : memref<80xi32, #tpu.memory_space<vmem>>) semaphore(%arg14 : memref<!tpu.dma_semaphore, #tpu.memory_space<semaphore_mem>>)
      } else {
      }
      %ge3A_191 = arith.constant 1 : i32
      %ge3A_192 = arith.cmpi sge, %add3A_177, %ge3A_191 : i32
      %le3A_193 = arith.constant 128 : i32
      %le3A_194 = arith.cmpi sle, %add3A_177, %le3A_193 : i32
      %and3A_195 = arith.andi %ge3A_192, %le3A_194 : i1
      %convert_element_type3A_196 = arith.extui %and3A_195 : i1 to i32
      %cond3A_197 = arith.constant 0 : i32
      %cond3A_198 = arith.cmpi ne, %convert_element_type3A_196, %cond3A_197 : i32
      scf.if %cond3A_198 {
        %dma_wait3A = arith.constant 1 : i32
        %dma_wait3A_242 = arith.constant 1 : i32
        %dma_wait3A_243 = arith.constant 0 : i32
        %dma_wait3A_244 = arith.constant 0 : i32
        %dma_wait3A_245 = tpu.memref_slice %arg8[%dma_wait3A_242, %dma_wait3A_243, %dma_wait3A_244] : memref<2x80x128xf32, #tpu.memory_space<vmem>> -> memref<1x80x128xf32, #tpu.memory_space<vmem>>
        %dma_wait3A_246 = tpu.memref_squeeze %dma_wait3A_245 : memref<1x80x128xf32, #tpu.memory_space<vmem>> -> memref<80x128xf32, #tpu.memory_space<vmem>>
        %dma_wait3A_247 = arith.constant 0 : i32
        %dma_wait3A_248 = tpu.memref_slice %arg6[%dma_wait3A, %dma_wait3A_247] : memref<4x80xi32, #tpu.memory_space<vmem>> -> memref<1x80xi32, #tpu.memory_space<vmem>>
        %dma_wait3A_249 = tpu.memref_squeeze %dma_wait3A_248 : memref<1x80xi32, #tpu.memory_space<vmem>> -> memref<80xi32, #tpu.memory_space<vmem>>
        %dma_wait3A_250 = arith.constant 0 : i32
        %dma_wait3A_251 = arith.constant 0 : i32
        %dma_wait3A_252 = tpu.memref_slice %arg2[%dma_wait3A_250, %dma_wait3A_251] : memref<20480x128xf32, #tpu.memory_space<hbm>> -> memref<20480x128xf32, #tpu.memory_space<hbm>>
        tpu.wait_indirect_dma semaphore(%arg15 : memref<!tpu.dma_semaphore, #tpu.memory_space<semaphore_mem>>) src(%dma_wait3A_252 : memref<20480x128xf32, #tpu.memory_space<hbm>>) dst(%dma_wait3A_246 : memref<80x128xf32, #tpu.memory_space<vmem>>)
        %dma_start3A_253 = arith.constant 1 : i32
        %dma_start3A_254 = arith.constant 1 : i32
        %dma_start3A_255 = arith.constant 0 : i32
        %dma_start3A_256 = arith.constant 0 : i32
        %dma_start3A_257 = tpu.memref_slice %arg8[%dma_start3A_253, %dma_start3A_255, %dma_start3A_256] : memref<2x80x128xf32, #tpu.memory_space<vmem>> -> memref<1x80x128xf32, #tpu.memory_space<vmem>>
        %dma_start3A_258 = tpu.memref_squeeze %dma_start3A_257 : memref<1x80x128xf32, #tpu.memory_space<vmem>> -> memref<80x128xf32, #tpu.memory_space<vmem>>
        %dma_start3A_259 = arith.constant 0 : i32
        %dma_start3A_260 = tpu.memref_slice %arg7[%dma_start3A_254, %dma_start3A_259] : memref<4x80xi32, #tpu.memory_space<vmem>> -> memref<1x80xi32, #tpu.memory_space<vmem>>
        %dma_start3A_261 = tpu.memref_squeeze %dma_start3A_260 : memref<1x80xi32, #tpu.memory_space<vmem>> -> memref<80xi32, #tpu.memory_space<vmem>>
        %dma_start3A_262 = arith.constant 0 : i32
        %dma_start3A_263 = arith.constant 0 : i32
        %dma_start3A_264 = tpu.memref_slice %arg9[%dma_start3A_262, %dma_start3A_263] : memref<10240x128xf32, #tpu.memory_space<vmem_shared>> -> memref<10240x128xf32, #tpu.memory_space<vmem_shared>>
        tpu.enqueue_indirect_dma source(%dma_start3A_258 : memref<80x128xf32, #tpu.memory_space<vmem>>) target(%dma_start3A_264 : memref<10240x128xf32, #tpu.memory_space<vmem_shared>>) offsets(%dma_start3A_261 : memref<80xi32, #tpu.memory_space<vmem>>) semaphore(%arg17 : memref<!tpu.dma_semaphore, #tpu.memory_space<semaphore_mem>>) {add = true}
      } else {
      }
      %ge3A_199 = arith.constant 2 : i32
      %ge3A_200 = arith.cmpi sge, %add3A_177, %ge3A_199 : i32
      %add3A_201 = arith.constant 2 : i32
      %add3A_202 = arith.addi %add3A_177, %add3A_201 : i32
      %lt3A_203 = arith.constant 128 : i32
      %lt3A_204 = arith.cmpi slt, %add3A_202, %lt3A_203 : i32
      %and3A_205 = arith.andi %ge3A_200, %lt3A_204 : i1
      %convert_element_type3A_206 = arith.extui %and3A_205 : i1 to i32
      %cond3A_207 = arith.constant 0 : i32
      %cond3A_208 = arith.cmpi ne, %convert_element_type3A_206, %cond3A_207 : i32
      scf.if %cond3A_208 {
        %add3A_242 = arith.constant 2 : i32
        %add3A_243 = arith.addi %add3A_177, %add3A_242 : i32
        %mul3A_244 = arith.constant 80 : i32
        %mul3A_245 = arith.muli %add3A_243, %mul3A_244 : i32
        %add3A_246 = arith.addi %mul3A_11, %mul3A_245 : i32
        %dma_start3A_247 = arith.constant 0 : i32
        %dma_start3A_248 = arith.constant 0 : i32
        %dma_start3A_249 = tpu.memref_slice %arg7[%dma_start3A_247, %dma_start3A_248] : memref<4x80xi32, #tpu.memory_space<vmem>> -> memref<1x80xi32, #tpu.memory_space<vmem>>
        %dma_start3A_250 = tpu.memref_squeeze %dma_start3A_249 : memref<1x80xi32, #tpu.memory_space<vmem>> -> memref<80xi32, #tpu.memory_space<vmem>>
        %dma_start3A_251 = tpu.memref_slice %arg4[%add3A_246] : memref<164000xi32, #tpu.memory_space<hbm>> -> memref<80xi32, #tpu.memory_space<hbm>>
        %dma_start3A_252 = arith.constant 0 : i32
        %dma_start3A_253 = tpu.memref_slice %arg7[%dma_start3A_247, %dma_start3A_252] : memref<4x80xi32, #tpu.memory_space<vmem>> -> memref<1x80xi32, #tpu.memory_space<vmem>>
        %dma_start3A_254 = tpu.memref_squeeze %dma_start3A_253 : memref<1x80xi32, #tpu.memory_space<vmem>> -> memref<80xi32, #tpu.memory_space<vmem>>
        %dma_start3A_255 = tpu.memref_slice %arg4[%add3A_246] : memref<164000xi32, #tpu.memory_space<hbm>> -> memref<80xi32, #tpu.memory_space<hbm>>
        tpu.enqueue_dma source(%dma_start3A_255 : memref<80xi32, #tpu.memory_space<hbm>>) target(%dma_start3A_254 : memref<80xi32, #tpu.memory_space<vmem>>) target_semaphore(%arg10 : memref<!tpu.dma_semaphore, #tpu.memory_space<semaphore_mem>>)
        %mul3A_256 = arith.constant 80 : i32
        %mul3A_257 = arith.muli %add3A_243, %mul3A_256 : i32
        %add3A_258 = arith.addi %add3A_9, %mul3A_257 : i32
        %dma_start3A_259 = arith.constant 0 : i32
        %dma_start3A_260 = arith.constant 0 : i32
        %dma_start3A_261 = tpu.memref_slice %arg6[%dma_start3A_259, %dma_start3A_260] : memref<4x80xi32, #tpu.memory_space<vmem>> -> memref<1x80xi32, #tpu.memory_space<vmem>>
        %dma_start3A_262 = tpu.memref_squeeze %dma_start3A_261 : memref<1x80xi32, #tpu.memory_space<vmem>> -> memref<80xi32, #tpu.memory_space<vmem>>
        %dma_start3A_263 = tpu.memref_slice %arg3[%add3A_258] : memref<328000xi32, #tpu.memory_space<hbm>> -> memref<80xi32, #tpu.memory_space<hbm>>
        %dma_start3A_264 = arith.constant 0 : i32
        %dma_start3A_265 = tpu.memref_slice %arg6[%dma_start3A_259, %dma_start3A_264] : memref<4x80xi32, #tpu.memory_space<vmem>> -> memref<1x80xi32, #tpu.memory_space<vmem>>
        %dma_start3A_266 = tpu.memref_squeeze %dma_start3A_265 : memref<1x80xi32, #tpu.memory_space<vmem>> -> memref<80xi32, #tpu.memory_space<vmem>>
        %dma_start3A_267 = tpu.memref_slice %arg3[%add3A_258] : memref<328000xi32, #tpu.memory_space<hbm>> -> memref<80xi32, #tpu.memory_space<hbm>>
        tpu.enqueue_dma source(%dma_start3A_267 : memref<80xi32, #tpu.memory_space<hbm>>) target(%dma_start3A_266 : memref<80xi32, #tpu.memory_space<vmem>>) target_semaphore(%arg10 : memref<!tpu.dma_semaphore, #tpu.memory_space<semaphore_mem>>)
      } else {
      }
      %add3A_209 = arith.constant 3 : i32
      %add3A_210 = arith.addi %add3A_115, %add3A_209 : i32
      %ge3A_211 = arith.constant 2 : i32
      %ge3A_212 = arith.cmpi sge, %add3A_210, %ge3A_211 : i32
      %le3A_213 = arith.constant 129 : i32
      %le3A_214 = arith.cmpi sle, %add3A_210, %le3A_213 : i32
      %and3A_215 = arith.andi %ge3A_212, %le3A_214 : i1
      %convert_element_type3A_216 = arith.extui %and3A_215 : i1 to i32
      %cond3A_217 = arith.constant 0 : i32
      %cond3A_218 = arith.cmpi ne, %convert_element_type3A_216, %cond3A_217 : i32
      scf.if %cond3A_218 {
        %dma_wait3A = arith.constant 1 : i32
        %dma_wait3A_242 = arith.constant 1 : i32
        %dma_wait3A_243 = arith.constant 0 : i32
        %dma_wait3A_244 = arith.constant 0 : i32
        %dma_wait3A_245 = tpu.memref_slice %arg8[%dma_wait3A, %dma_wait3A_243, %dma_wait3A_244] : memref<2x80x128xf32, #tpu.memory_space<vmem>> -> memref<1x80x128xf32, #tpu.memory_space<vmem>>
        %dma_wait3A_246 = tpu.memref_squeeze %dma_wait3A_245 : memref<1x80x128xf32, #tpu.memory_space<vmem>> -> memref<80x128xf32, #tpu.memory_space<vmem>>
        %dma_wait3A_247 = arith.constant 0 : i32
        %dma_wait3A_248 = tpu.memref_slice %arg7[%dma_wait3A_242, %dma_wait3A_247] : memref<4x80xi32, #tpu.memory_space<vmem>> -> memref<1x80xi32, #tpu.memory_space<vmem>>
        %dma_wait3A_249 = tpu.memref_squeeze %dma_wait3A_248 : memref<1x80xi32, #tpu.memory_space<vmem>> -> memref<80xi32, #tpu.memory_space<vmem>>
        %dma_wait3A_250 = arith.constant 0 : i32
        %dma_wait3A_251 = arith.constant 0 : i32
        %dma_wait3A_252 = tpu.memref_slice %arg9[%dma_wait3A_250, %dma_wait3A_251] : memref<10240x128xf32, #tpu.memory_space<vmem_shared>> -> memref<10240x128xf32, #tpu.memory_space<vmem_shared>>
        tpu.wait_indirect_dma semaphore(%arg17 : memref<!tpu.dma_semaphore, #tpu.memory_space<semaphore_mem>>) src(%dma_wait3A_246 : memref<80x128xf32, #tpu.memory_space<vmem>>) dst(%dma_wait3A_252 : memref<10240x128xf32, #tpu.memory_space<vmem_shared>>)
      } else {
      }
      %lt3A_219 = arith.constant 128 : i32
      %lt3A_220 = arith.cmpi slt, %add3A_210, %lt3A_219 : i32
      %convert_element_type3A_221 = arith.extui %lt3A_220 : i1 to i32
      %cond3A_222 = arith.constant 0 : i32
      %cond3A_223 = arith.cmpi ne, %convert_element_type3A_221, %cond3A_222 : i32
      scf.if %cond3A_223 {
        %mul3A_242 = arith.constant 80 : i32
        %mul3A_243 = arith.muli %add3A_210, %mul3A_242 : i32
        %add3A_244 = arith.addi %mul3A_11, %mul3A_243 : i32
        %dma_wait3A = arith.constant 3 : i32
        %dma_wait3A_245 = arith.constant 0 : i32
        %dma_wait3A_246 = tpu.memref_slice %arg7[%dma_wait3A, %dma_wait3A_245] : memref<4x80xi32, #tpu.memory_space<vmem>> -> memref<1x80xi32, #tpu.memory_space<vmem>>
        %dma_wait3A_247 = tpu.memref_squeeze %dma_wait3A_246 : memref<1x80xi32, #tpu.memory_space<vmem>> -> memref<80xi32, #tpu.memory_space<vmem>>
        %dma_wait3A_248 = tpu.memref_slice %arg4[%add3A_244] : memref<164000xi32, #tpu.memory_space<hbm>> -> memref<80xi32, #tpu.memory_space<hbm>>
        %dma_wait3A_249 = arith.constant 0 : i32
        %dma_wait3A_250 = tpu.memref_slice %arg7[%dma_wait3A, %dma_wait3A_249] : memref<4x80xi32, #tpu.memory_space<vmem>> -> memref<1x80xi32, #tpu.memory_space<vmem>>
        %dma_wait3A_251 = tpu.memref_squeeze %dma_wait3A_250 : memref<1x80xi32, #tpu.memory_space<vmem>> -> memref<80xi32, #tpu.memory_space<vmem>>
        %dma_wait3A_252 = tpu.memref_slice %arg4[%add3A_244] : memref<164000xi32, #tpu.memory_space<hbm>> -> memref<80xi32, #tpu.memory_space<hbm>>
        tpu.wait_dma2 semaphore(%arg13 : memref<!tpu.dma_semaphore, #tpu.memory_space<semaphore_mem>>) src(%dma_wait3A_252 : memref<80xi32, #tpu.memory_space<hbm>>) dst(%dma_wait3A_251 : memref<80xi32, #tpu.memory_space<vmem>>)
        %mul3A_253 = arith.constant 80 : i32
        %mul3A_254 = arith.muli %add3A_210, %mul3A_253 : i32
        %add3A_255 = arith.addi %add3A_9, %mul3A_254 : i32
        %dma_wait3A_256 = arith.constant 3 : i32
        %dma_wait3A_257 = arith.constant 0 : i32
        %dma_wait3A_258 = tpu.memref_slice %arg6[%dma_wait3A_256, %dma_wait3A_257] : memref<4x80xi32, #tpu.memory_space<vmem>> -> memref<1x80xi32, #tpu.memory_space<vmem>>
        %dma_wait3A_259 = tpu.memref_squeeze %dma_wait3A_258 : memref<1x80xi32, #tpu.memory_space<vmem>> -> memref<80xi32, #tpu.memory_space<vmem>>
        %dma_wait3A_260 = tpu.memref_slice %arg3[%add3A_255] : memref<328000xi32, #tpu.memory_space<hbm>> -> memref<80xi32, #tpu.memory_space<hbm>>
        %dma_wait3A_261 = arith.constant 0 : i32
        %dma_wait3A_262 = tpu.memref_slice %arg6[%dma_wait3A_256, %dma_wait3A_261] : memref<4x80xi32, #tpu.memory_space<vmem>> -> memref<1x80xi32, #tpu.memory_space<vmem>>
        %dma_wait3A_263 = tpu.memref_squeeze %dma_wait3A_262 : memref<1x80xi32, #tpu.memory_space<vmem>> -> memref<80xi32, #tpu.memory_space<vmem>>
        %dma_wait3A_264 = tpu.memref_slice %arg3[%add3A_255] : memref<328000xi32, #tpu.memory_space<hbm>> -> memref<80xi32, #tpu.memory_space<hbm>>
        tpu.wait_dma2 semaphore(%arg13 : memref<!tpu.dma_semaphore, #tpu.memory_space<semaphore_mem>>) src(%dma_wait3A_264 : memref<80xi32, #tpu.memory_space<hbm>>) dst(%dma_wait3A_263 : memref<80xi32, #tpu.memory_space<vmem>>)
        %dma_start3A_265 = arith.constant 3 : i32
        %dma_start3A_266 = arith.constant 1 : i32
        %dma_start3A_267 = arith.constant 0 : i32
        %dma_start3A_268 = arith.constant 0 : i32
        %dma_start3A_269 = tpu.memref_slice %arg8[%dma_start3A_266, %dma_start3A_267, %dma_start3A_268] : memref<2x80x128xf32, #tpu.memory_space<vmem>> -> memref<1x80x128xf32, #tpu.memory_space<vmem>>
        %dma_start3A_270 = tpu.memref_squeeze %dma_start3A_269 : memref<1x80x128xf32, #tpu.memory_space<vmem>> -> memref<80x128xf32, #tpu.memory_space<vmem>>
        %dma_start3A_271 = arith.constant 0 : i32
        %dma_start3A_272 = tpu.memref_slice %arg6[%dma_start3A_265, %dma_start3A_271] : memref<4x80xi32, #tpu.memory_space<vmem>> -> memref<1x80xi32, #tpu.memory_space<vmem>>
        %dma_start3A_273 = tpu.memref_squeeze %dma_start3A_272 : memref<1x80xi32, #tpu.memory_space<vmem>> -> memref<80xi32, #tpu.memory_space<vmem>>
        %dma_start3A_274 = arith.constant 0 : i32
        %dma_start3A_275 = arith.constant 0 : i32
        %dma_start3A_276 = tpu.memref_slice %arg2[%dma_start3A_274, %dma_start3A_275] : memref<20480x128xf32, #tpu.memory_space<hbm>> -> memref<20480x128xf32, #tpu.memory_space<hbm>>
        tpu.enqueue_indirect_dma source(%dma_start3A_276 : memref<20480x128xf32, #tpu.memory_space<hbm>>) target(%dma_start3A_270 : memref<80x128xf32, #tpu.memory_space<vmem>>) offsets(%dma_start3A_273 : memref<80xi32, #tpu.memory_space<vmem>>) semaphore(%arg15 : memref<!tpu.dma_semaphore, #tpu.memory_space<semaphore_mem>>)
      } else {
      }
      %ge3A_224 = arith.constant 1 : i32
      %ge3A_225 = arith.cmpi sge, %add3A_210, %ge3A_224 : i32
      %le3A_226 = arith.constant 128 : i32
      %le3A_227 = arith.cmpi sle, %add3A_210, %le3A_226 : i32
      %and3A_228 = arith.andi %ge3A_225, %le3A_227 : i1
      %convert_element_type3A_229 = arith.extui %and3A_228 : i1 to i32
      %cond3A_230 = arith.constant 0 : i32
      %cond3A_231 = arith.cmpi ne, %convert_element_type3A_229, %cond3A_230 : i32
      scf.if %cond3A_231 {
        %dma_wait3A = arith.constant 2 : i32
        %dma_wait3A_242 = arith.constant 0 : i32
        %dma_wait3A_243 = arith.constant 0 : i32
        %dma_wait3A_244 = arith.constant 0 : i32
        %dma_wait3A_245 = tpu.memref_slice %arg8[%dma_wait3A_242, %dma_wait3A_243, %dma_wait3A_244] : memref<2x80x128xf32, #tpu.memory_space<vmem>> -> memref<1x80x128xf32, #tpu.memory_space<vmem>>
        %dma_wait3A_246 = tpu.memref_squeeze %dma_wait3A_245 : memref<1x80x128xf32, #tpu.memory_space<vmem>> -> memref<80x128xf32, #tpu.memory_space<vmem>>
        %dma_wait3A_247 = arith.constant 0 : i32
        %dma_wait3A_248 = tpu.memref_slice %arg6[%dma_wait3A, %dma_wait3A_247] : memref<4x80xi32, #tpu.memory_space<vmem>> -> memref<1x80xi32, #tpu.memory_space<vmem>>
        %dma_wait3A_249 = tpu.memref_squeeze %dma_wait3A_248 : memref<1x80xi32, #tpu.memory_space<vmem>> -> memref<80xi32, #tpu.memory_space<vmem>>
        %dma_wait3A_250 = arith.constant 0 : i32
        %dma_wait3A_251 = arith.constant 0 : i32
        %dma_wait3A_252 = tpu.memref_slice %arg2[%dma_wait3A_250, %dma_wait3A_251] : memref<20480x128xf32, #tpu.memory_space<hbm>> -> memref<20480x128xf32, #tpu.memory_space<hbm>>
        tpu.wait_indirect_dma semaphore(%arg14 : memref<!tpu.dma_semaphore, #tpu.memory_space<semaphore_mem>>) src(%dma_wait3A_252 : memref<20480x128xf32, #tpu.memory_space<hbm>>) dst(%dma_wait3A_246 : memref<80x128xf32, #tpu.memory_space<vmem>>)
        %dma_start3A_253 = arith.constant 0 : i32
        %dma_start3A_254 = arith.constant 2 : i32
        %dma_start3A_255 = arith.constant 0 : i32
        %dma_start3A_256 = arith.constant 0 : i32
        %dma_start3A_257 = tpu.memref_slice %arg8[%dma_start3A_253, %dma_start3A_255, %dma_start3A_256] : memref<2x80x128xf32, #tpu.memory_space<vmem>> -> memref<1x80x128xf32, #tpu.memory_space<vmem>>
        %dma_start3A_258 = tpu.memref_squeeze %dma_start3A_257 : memref<1x80x128xf32, #tpu.memory_space<vmem>> -> memref<80x128xf32, #tpu.memory_space<vmem>>
        %dma_start3A_259 = arith.constant 0 : i32
        %dma_start3A_260 = tpu.memref_slice %arg7[%dma_start3A_254, %dma_start3A_259] : memref<4x80xi32, #tpu.memory_space<vmem>> -> memref<1x80xi32, #tpu.memory_space<vmem>>
        %dma_start3A_261 = tpu.memref_squeeze %dma_start3A_260 : memref<1x80xi32, #tpu.memory_space<vmem>> -> memref<80xi32, #tpu.memory_space<vmem>>
        %dma_start3A_262 = arith.constant 0 : i32
        %dma_start3A_263 = arith.constant 0 : i32
        %dma_start3A_264 = tpu.memref_slice %arg9[%dma_start3A_262, %dma_start3A_263] : memref<10240x128xf32, #tpu.memory_space<vmem_shared>> -> memref<10240x128xf32, #tpu.memory_space<vmem_shared>>
        tpu.enqueue_indirect_dma source(%dma_start3A_258 : memref<80x128xf32, #tpu.memory_space<vmem>>) target(%dma_start3A_264 : memref<10240x128xf32, #tpu.memory_space<vmem_shared>>) offsets(%dma_start3A_261 : memref<80xi32, #tpu.memory_space<vmem>>) semaphore(%arg16 : memref<!tpu.dma_semaphore, #tpu.memory_space<semaphore_mem>>) {add = true}
      } else {
      }
      %ge3A_232 = arith.constant 2 : i32
      %ge3A_233 = arith.cmpi sge, %add3A_210, %ge3A_232 : i32
      %add3A_234 = arith.constant 2 : i32
      %add3A_235 = arith.addi %add3A_210, %add3A_234 : i32
      %lt3A_236 = arith.constant 128 : i32
      %lt3A_237 = arith.cmpi slt, %add3A_235, %lt3A_236 : i32
      %and3A_238 = arith.andi %ge3A_233, %lt3A_237 : i1
      %convert_element_type3A_239 = arith.extui %and3A_238 : i1 to i32
      %cond3A_240 = arith.constant 0 : i32
      %cond3A_241 = arith.cmpi ne, %convert_element_type3A_239, %cond3A_240 : i32
      scf.if %cond3A_241 {
        %add3A_242 = arith.constant 2 : i32
        %add3A_243 = arith.addi %add3A_210, %add3A_242 : i32
        %mul3A_244 = arith.constant 80 : i32
        %mul3A_245 = arith.muli %add3A_243, %mul3A_244 : i32
        %add3A_246 = arith.addi %mul3A_11, %mul3A_245 : i32
        %dma_start3A_247 = arith.constant 1 : i32
        %dma_start3A_248 = arith.constant 0 : i32
        %dma_start3A_249 = tpu.memref_slice %arg7[%dma_start3A_247, %dma_start3A_248] : memref<4x80xi32, #tpu.memory_space<vmem>> -> memref<1x80xi32, #tpu.memory_space<vmem>>
        %dma_start3A_250 = tpu.memref_squeeze %dma_start3A_249 : memref<1x80xi32, #tpu.memory_space<vmem>> -> memref<80xi32, #tpu.memory_space<vmem>>
        %dma_start3A_251 = tpu.memref_slice %arg4[%add3A_246] : memref<164000xi32, #tpu.memory_space<hbm>> -> memref<80xi32, #tpu.memory_space<hbm>>
        %dma_start3A_252 = arith.constant 0 : i32
        %dma_start3A_253 = tpu.memref_slice %arg7[%dma_start3A_247, %dma_start3A_252] : memref<4x80xi32, #tpu.memory_space<vmem>> -> memref<1x80xi32, #tpu.memory_space<vmem>>
        %dma_start3A_254 = tpu.memref_squeeze %dma_start3A_253 : memref<1x80xi32, #tpu.memory_space<vmem>> -> memref<80xi32, #tpu.memory_space<vmem>>
        %dma_start3A_255 = tpu.memref_slice %arg4[%add3A_246] : memref<164000xi32, #tpu.memory_space<hbm>> -> memref<80xi32, #tpu.memory_space<hbm>>
        tpu.enqueue_dma source(%dma_start3A_255 : memref<80xi32, #tpu.memory_space<hbm>>) target(%dma_start3A_254 : memref<80xi32, #tpu.memory_space<vmem>>) target_semaphore(%arg11 : memref<!tpu.dma_semaphore, #tpu.memory_space<semaphore_mem>>)
        %mul3A_256 = arith.constant 80 : i32
        %mul3A_257 = arith.muli %add3A_243, %mul3A_256 : i32
        %add3A_258 = arith.addi %add3A_9, %mul3A_257 : i32
        %dma_start3A_259 = arith.constant 1 : i32
        %dma_start3A_260 = arith.constant 0 : i32
        %dma_start3A_261 = tpu.memref_slice %arg6[%dma_start3A_259, %dma_start3A_260] : memref<4x80xi32, #tpu.memory_space<vmem>> -> memref<1x80xi32, #tpu.memory_space<vmem>>
        %dma_start3A_262 = tpu.memref_squeeze %dma_start3A_261 : memref<1x80xi32, #tpu.memory_space<vmem>> -> memref<80xi32, #tpu.memory_space<vmem>>
        %dma_start3A_263 = tpu.memref_slice %arg3[%add3A_258] : memref<328000xi32, #tpu.memory_space<hbm>> -> memref<80xi32, #tpu.memory_space<hbm>>
        %dma_start3A_264 = arith.constant 0 : i32
        %dma_start3A_265 = tpu.memref_slice %arg6[%dma_start3A_259, %dma_start3A_264] : memref<4x80xi32, #tpu.memory_space<vmem>> -> memref<1x80xi32, #tpu.memory_space<vmem>>
        %dma_start3A_266 = tpu.memref_squeeze %dma_start3A_265 : memref<1x80xi32, #tpu.memory_space<vmem>> -> memref<80xi32, #tpu.memory_space<vmem>>
        %dma_start3A_267 = tpu.memref_slice %arg3[%add3A_258] : memref<328000xi32, #tpu.memory_space<hbm>> -> memref<80xi32, #tpu.memory_space<hbm>>
        tpu.enqueue_dma source(%dma_start3A_267 : memref<80xi32, #tpu.memory_space<hbm>>) target(%dma_start3A_266 : memref<80xi32, #tpu.memory_space<vmem>>) target_semaphore(%arg11 : memref<!tpu.dma_semaphore, #tpu.memory_space<semaphore_mem>>)
      } else {
      }
    }
    %scan3A_102 = arith.constant 33 : i32
    %barrier3A_103 = arith.constant 0 : index
    tpu.barrier barrier_id(%barrier3A_103)
    %mul3A_104 = arith.constant 640 : i32
    %mul3A_105 = arith.muli %arg1, %mul3A_104 : i32
    %mul3A_106 = arith.constant 10240 : i32
    %mul3A_107 = arith.muli %arg0, %mul3A_106 : i32
    %mul3A_108 = arith.constant 640 : i32
    %mul3A_109 = arith.muli %arg1, %mul3A_108 : i32
    %add3A_110 = arith.addi %mul3A_107, %mul3A_109 : i32
    "tpu.region"() ({
      %run_scoped3A = tpu.sem_alloc : memref<!tpu.dma_semaphore, #tpu.memory_space<semaphore_mem>>
      %dma_start3A_111 = arith.constant 0 : i32
      %dma_start3A_112 = tpu.memref_slice %arg5[%add3A_110, %dma_start3A_111] : memref<20480x128xf32, #tpu.memory_space<hbm>> -> memref<640x128xf32, #tpu.memory_space<hbm>>
      %dma_start3A_113 = arith.constant 0 : i32
      %dma_start3A_114 = tpu.memref_slice %arg9[%mul3A_105, %dma_start3A_113] : memref<10240x128xf32, #tpu.memory_space<vmem_shared>> -> memref<640x128xf32, #tpu.memory_space<vmem_shared>>
      tpu.enqueue_dma source(%dma_start3A_114 : memref<640x128xf32, #tpu.memory_space<vmem_shared>>) target(%dma_start3A_112 : memref<640x128xf32, #tpu.memory_space<hbm>>) target_semaphore(%run_scoped3A : memref<!tpu.dma_semaphore, #tpu.memory_space<semaphore_mem>>)
      %dma_wait3A = arith.constant 0 : i32
      %dma_wait3A_115 = tpu.memref_slice %arg5[%add3A_110, %dma_wait3A] : memref<20480x128xf32, #tpu.memory_space<hbm>> -> memref<640x128xf32, #tpu.memory_space<hbm>>
      %dma_wait3A_116 = arith.constant 0 : i32
      %dma_wait3A_117 = tpu.memref_slice %arg9[%mul3A_105, %dma_wait3A_116] : memref<10240x128xf32, #tpu.memory_space<vmem_shared>> -> memref<640x128xf32, #tpu.memory_space<vmem_shared>>
      tpu.wait_dma2 semaphore(%run_scoped3A : memref<!tpu.dma_semaphore, #tpu.memory_space<semaphore_mem>>) src(%dma_wait3A_117 : memref<640x128xf32, #tpu.memory_space<vmem_shared>>) dst(%dma_wait3A_115 : memref<640x128xf32, #tpu.memory_space<hbm>>)
      tpu.yield
    }) : () -> ()
    return
  }
}

#map = affine_map<(d0, d1) -> (0, 0)>
#map1 = affine_map<(d0, d1) -> (0)>
module attributes {stable_mosaic.version = 14 : i64} {
  func.func @k(%arg0: i32, %arg1: i32, %arg2: memref<20480x128xf32, #tpu.memory_space<hbm>>, %arg3: memref<328000xi32, #tpu.memory_space<hbm>>, %arg4: memref<164000xi32, #tpu.memory_space<hbm>>, %arg5: memref<20480x128xf32, #tpu.memory_space<hbm>>, %arg6: memref<4x80xi32, #tpu.memory_space<vmem>>, %arg7: memref<4x80xi32, #tpu.memory_space<vmem>>, %arg8: memref<2x80x128xf32, #tpu.memory_space<vmem>>, %arg9: memref<10240x128xf32, #tpu.memory_space<vmem_shared>>, %arg10: memref<!tpu.dma_semaphore, #tpu.memory_space<semaphore_mem>>, %arg11: memref<!tpu.dma_semaphore, #tpu.memory_space<semaphore_mem>>, %arg12: memref<!tpu.dma_semaphore, #tpu.memory_space<semaphore_mem>>, %arg13: memref<!tpu.dma_semaphore, #tpu.memory_space<semaphore_mem>>, %arg14: memref<!tpu.dma_semaphore, #tpu.memory_space<semaphore_mem>>, %arg15: memref<!tpu.dma_semaphore, #tpu.memory_space<semaphore_mem>>, %arg16: memref<!tpu.dma_semaphore, #tpu.memory_space<semaphore_mem>>, %arg17: memref<!tpu.dma_semaphore, #tpu.memory_space<semaphore_mem>>) attributes {dimension_semantics = [#tpu.dimension_semantics<core_parallel>, #tpu.dimension_semantics<subcore_parallel>], iteration_bounds = array<i64: 2, 16>, scalar_prefetch = 0 : i64, scratch_operands = 12 : i64, tpu.core_type = #tpu.core_type<sc_vector_subcore>, window_params = [{transform_indices = #map}, {transform_indices = #map1}, {transform_indices = #map1}, {transform_indices = #map}]} {
    %mul3A = arith.constant 10240 : i32
    %mul3A_0 = arith.muli %arg0, %mul3A : i32
    %mul3A_1 = arith.constant 640 : i32
    %mul3A_2 = arith.muli %arg1, %mul3A_1 : i32
    %add3A = arith.addi %mul3A_0, %mul3A_2 : i32
    %mul3A_3 = arith.constant 640 : i32
    %mul3A_4 = arith.muli %arg1, %mul3A_3 : i32
    "tpu.region"() ({
      %run_scoped3A = tpu.sem_alloc : memref<!tpu.dma_semaphore, #tpu.memory_space<semaphore_mem>>
      %dma_start3A_111 = arith.constant 0 : i32
      %dma_start3A_112 = tpu.memref_slice %arg9[%mul3A_4, %dma_start3A_111] : memref<10240x128xf32, #tpu.memory_space<vmem_shared>> -> memref<640x128xf32, #tpu.memory_space<vmem_shared>>
      %dma_start3A_113 = arith.constant 0 : i32
      %dma_start3A_114 = tpu.memref_slice %arg2[%add3A, %dma_start3A_113] : memref<20480x128xf32, #tpu.memory_space<hbm>> -> memref<640x128xf32, #tpu.memory_space<hbm>>
      tpu.enqueue_dma source(%dma_start3A_114 : memref<640x128xf32, #tpu.memory_space<hbm>>) target(%dma_start3A_112 : memref<640x128xf32, #tpu.memory_space<vmem_shared>>) target_semaphore(%run_scoped3A : memref<!tpu.dma_semaphore, #tpu.memory_space<semaphore_mem>>)
      %dma_wait3A = arith.constant 0 : i32
      %dma_wait3A_115 = tpu.memref_slice %arg9[%mul3A_4, %dma_wait3A] : memref<10240x128xf32, #tpu.memory_space<vmem_shared>> -> memref<640x128xf32, #tpu.memory_space<vmem_shared>>
      %dma_wait3A_116 = arith.constant 0 : i32
      %dma_wait3A_117 = tpu.memref_slice %arg2[%add3A, %dma_wait3A_116] : memref<20480x128xf32, #tpu.memory_space<hbm>> -> memref<640x128xf32, #tpu.memory_space<hbm>>
      tpu.wait_dma2 semaphore(%run_scoped3A : memref<!tpu.dma_semaphore, #tpu.memory_space<semaphore_mem>>) src(%dma_wait3A_117 : memref<640x128xf32, #tpu.memory_space<hbm>>) dst(%dma_wait3A_115 : memref<640x128xf32, #tpu.memory_space<vmem_shared>>)
      tpu.yield
    }) : () -> ()
    %barrier3A = arith.constant 0 : index
    tpu.barrier barrier_id(%barrier3A)
    %mul3A_5 = arith.constant 164000 : i32
    %mul3A_6 = arith.muli %arg0, %mul3A_5 : i32
    %mul3A_7 = arith.constant 10240 : i32
    %mul3A_8 = arith.muli %arg1, %mul3A_7 : i32
    %add3A_9 = arith.addi %mul3A_6, %mul3A_8 : i32
    %mul3A_10 = arith.constant 10240 : i32
    %mul3A_11 = arith.muli %arg1, %mul3A_10 : i32
    %add3A_12 = arith.constant 0 : i32
    %add3A_13 = arith.addi %mul3A_11, %add3A_12 : i32
    %dma_start3A = arith.constant 0 : i32
    %dma_start3A_14 = arith.constant 0 : i32
    %dma_start3A_15 = tpu.memref_slice %arg7[%dma_start3A, %dma_start3A_14] : memref<4x80xi32, #tpu.memory_space<vmem>> -> memref<1x80xi32, #tpu.memory_space<vmem>>
    %dma_start3A_16 = tpu.memref_squeeze %dma_start3A_15 : memref<1x80xi32, #tpu.memory_space<vmem>> -> memref<80xi32, #tpu.memory_space<vmem>>
    %dma_start3A_17 = tpu.memref_slice %arg4[%add3A_13] : memref<164000xi32, #tpu.memory_space<hbm>> -> memref<80xi32, #tpu.memory_space<hbm>>
    %dma_start3A_18 = arith.constant 0 : i32
    %dma_start3A_19 = tpu.memref_slice %arg7[%dma_start3A, %dma_start3A_18] : memref<4x80xi32, #tpu.memory_space<vmem>> -> memref<1x80xi32, #tpu.memory_space<vmem>>
    %dma_start3A_20 = tpu.memref_squeeze %dma_start3A_19 : memref<1x80xi32, #tpu.memory_space<vmem>> -> memref<80xi32, #tpu.memory_space<vmem>>
    %dma_start3A_21 = tpu.memref_slice %arg4[%add3A_13] : memref<164000xi32, #tpu.memory_space<hbm>> -> memref<80xi32, #tpu.memory_space<hbm>>
    tpu.enqueue_dma source(%dma_start3A_21 : memref<80xi32, #tpu.memory_space<hbm>>) target(%dma_start3A_20 : memref<80xi32, #tpu.memory_space<vmem>>) target_semaphore(%arg10 : memref<!tpu.dma_semaphore, #tpu.memory_space<semaphore_mem>>)
    %add3A_22 = arith.constant 0 : i32
    %add3A_23 = arith.addi %add3A_9, %add3A_22 : i32
    %dma_start3A_24 = arith.constant 0 : i32
    %dma_start3A_25 = arith.constant 0 : i32
    %dma_start3A_26 = tpu.memref_slice %arg6[%dma_start3A_24, %dma_start3A_25] : memref<4x80xi32, #tpu.memory_space<vmem>> -> memref<1x80xi32, #tpu.memory_space<vmem>>
    %dma_start3A_27 = tpu.memref_squeeze %dma_start3A_26 : memref<1x80xi32, #tpu.memory_space<vmem>> -> memref<80xi32, #tpu.memory_space<vmem>>
    %dma_start3A_28 = tpu.memref_slice %arg3[%add3A_23] : memref<328000xi32, #tpu.memory_space<hbm>> -> memref<80xi32, #tpu.memory_space<hbm>>
    %dma_start3A_29 = arith.constant 0 : i32
    %dma_start3A_30 = tpu.memref_slice %arg6[%dma_start3A_24, %dma_start3A_29] : memref<4x80xi32, #tpu.memory_space<vmem>> -> memref<1x80xi32, #tpu.memory_space<vmem>>
    %dma_start3A_31 = tpu.memref_squeeze %dma_start3A_30 : memref<1x80xi32, #tpu.memory_space<vmem>> -> memref<80xi32, #tpu.memory_space<vmem>>
    %dma_start3A_32 = tpu.memref_slice %arg3[%add3A_23] : memref<328000xi32, #tpu.memory_space<hbm>> -> memref<80xi32, #tpu.memory_space<hbm>>
    tpu.enqueue_dma source(%dma_start3A_32 : memref<80xi32, #tpu.memory_space<hbm>>) target(%dma_start3A_31 : memref<80xi32, #tpu.memory_space<vmem>>) target_semaphore(%arg10 : memref<!tpu.dma_semaphore, #tpu.memory_space<semaphore_mem>>)
    %add3A_33 = arith.constant 80 : i32
    %add3A_34 = arith.addi %mul3A_11, %add3A_33 : i32
    %dma_start3A_35 = arith.constant 1 : i32
    %dma_start3A_36 = arith.constant 0 : i32
    %dma_start3A_37 = tpu.memref_slice %arg7[%dma_start3A_35, %dma_start3A_36] : memref<4x80xi32, #tpu.memory_space<vmem>> -> memref<1x80xi32, #tpu.memory_space<vmem>>
    %dma_start3A_38 = tpu.memref_squeeze %dma_start3A_37 : memref<1x80xi32, #tpu.memory_space<vmem>> -> memref<80xi32, #tpu.memory_space<vmem>>
    %dma_start3A_39 = tpu.memref_slice %arg4[%add3A_34] : memref<164000xi32, #tpu.memory_space<hbm>> -> memref<80xi32, #tpu.memory_space<hbm>>
    %dma_start3A_40 = arith.constant 0 : i32
    %dma_start3A_41 = tpu.memref_slice %arg7[%dma_start3A_35, %dma_start3A_40] : memref<4x80xi32, #tpu.memory_space<vmem>> -> memref<1x80xi32, #tpu.memory_space<vmem>>
    %dma_start3A_42 = tpu.memref_squeeze %dma_start3A_41 : memref<1x80xi32, #tpu.memory_space<vmem>> -> memref<80xi32, #tpu.memory_space<vmem>>
    %dma_start3A_43 = tpu.memref_slice %arg4[%add3A_34] : memref<164000xi32, #tpu.memory_space<hbm>> -> memref<80xi32, #tpu.memory_space<hbm>>
    tpu.enqueue_dma source(%dma_start3A_43 : memref<80xi32, #tpu.memory_space<hbm>>) target(%dma_start3A_42 : memref<80xi32, #tpu.memory_space<vmem>>) target_semaphore(%arg11 : memref<!tpu.dma_semaphore, #tpu.memory_space<semaphore_mem>>)
    %add3A_44 = arith.constant 80 : i32
    %add3A_45 = arith.addi %add3A_9, %add3A_44 : i32
    %dma_start3A_46 = arith.constant 1 : i32
    %dma_start3A_47 = arith.constant 0 : i32
    %dma_start3A_48 = tpu.memref_slice %arg6[%dma_start3A_46, %dma_start3A_47] : memref<4x80xi32, #tpu.memory_space<vmem>> -> memref<1x80xi32, #tpu.memory_space<vmem>>
    %dma_start3A_49 = tpu.memref_squeeze %dma_start3A_48 : memref<1x80xi32, #tpu.memory_space<vmem>> -> memref<80xi32, #tpu.memory_space<vmem>>
    %dma_start3A_50 = tpu.memref_slice %arg3[%add3A_45] : memref<328000xi32, #tpu.memory_space<hbm>> -> memref<80xi32, #tpu.memory_space<hbm>>
    %dma_start3A_51 = arith.constant 0 : i32
    %dma_start3A_52 = tpu.memref_slice %arg6[%dma_start3A_46, %dma_start3A_51] : memref<4x80xi32, #tpu.memory_space<vmem>> -> memref<1x80xi32, #tpu.memory_space<vmem>>
    %dma_start3A_53 = tpu.memref_squeeze %dma_start3A_52 : memref<1x80xi32, #tpu.memory_space<vmem>> -> memref<80xi32, #tpu.memory_space<vmem>>
    %dma_start3A_54 = tpu.memref_slice %arg3[%add3A_45] : memref<328000xi32, #tpu.memory_space<hbm>> -> memref<80xi32, #tpu.memory_space<hbm>>
    tpu.enqueue_dma source(%dma_start3A_54 : memref<80xi32, #tpu.memory_space<hbm>>) target(%dma_start3A_53 : memref<80xi32, #tpu.memory_space<vmem>>) target_semaphore(%arg11 : memref<!tpu.dma_semaphore, #tpu.memory_space<semaphore_mem>>)
    %add3A_55 = arith.constant 160 : i32
    %add3A_56 = arith.addi %mul3A_11, %add3A_55 : i32
    %dma_start3A_57 = arith.constant 2 : i32
    %dma_start3A_58 = arith.constant 0 : i32
    %dma_start3A_59 = tpu.memref_slice %arg7[%dma_start3A_57, %dma_start3A_58] : memref<4x80xi32, #tpu.memory_space<vmem>> -> memref<1x80xi32, #tpu.memory_space<vmem>>
    %dma_start3A_60 = tpu.memref_squeeze %dma_start3A_59 : memref<1x80xi32, #tpu.memory_space<vmem>> -> memref<80xi32, #tpu.memory_space<vmem>>
    %dma_start3A_61 = tpu.memref_slice %arg4[%add3A_56] : memref<164000xi32, #tpu.memory_space<hbm>> -> memref<80xi32, #tpu.memory_space<hbm>>
    %dma_start3A_62 = arith.constant 0 : i32
    %dma_start3A_63 = tpu.memref_slice %arg7[%dma_start3A_57, %dma_start3A_62] : memref<4x80xi32, #tpu.memory_space<vmem>> -> memref<1x80xi32, #tpu.memory_space<vmem>>
    %dma_start3A_64 = tpu.memref_squeeze %dma_start3A_63 : memref<1x80xi32, #tpu.memory_space<vmem>> -> memref<80xi32, #tpu.memory_space<vmem>>
    %dma_start3A_65 = tpu.memref_slice %arg4[%add3A_56] : memref<164000xi32, #tpu.memory_space<hbm>> -> memref<80xi32, #tpu.memory_space<hbm>>
    tpu.enqueue_dma source(%dma_start3A_65 : memref<80xi32, #tpu.memory_space<hbm>>) target(%dma_start3A_64 : memref<80xi32, #tpu.memory_space<vmem>>) target_semaphore(%arg12 : memref<!tpu.dma_semaphore, #tpu.memory_space<semaphore_mem>>)
    %add3A_66 = arith.constant 160 : i32
    %add3A_67 = arith.addi %add3A_9, %add3A_66 : i32
    %dma_start3A_68 = arith.constant 2 : i32
    %dma_start3A_69 = arith.constant 0 : i32
    %dma_start3A_70 = tpu.memref_slice %arg6[%dma_start3A_68, %dma_start3A_69] : memref<4x80xi32, #tpu.memory_space<vmem>> -> memref<1x80xi32, #tpu.memory_space<vmem>>
    %dma_start3A_71 = tpu.memref_squeeze %dma_start3A_70 : memref<1x80xi32, #tpu.memory_space<vmem>> -> memref<80xi32, #tpu.memory_space<vmem>>
    %dma_start3A_72 = tpu.memref_slice %arg3[%add3A_67] : memref<328000xi32, #tpu.memory_space<hbm>> -> memref<80xi32, #tpu.memory_space<hbm>>
    %dma_start3A_73 = arith.constant 0 : i32
    %dma_start3A_74 = tpu.memref_slice %arg6[%dma_start3A_68, %dma_start3A_73] : memref<4x80xi32, #tpu.memory_space<vmem>> -> memref<1x80xi32, #tpu.memory_space<vmem>>
    %dma_start3A_75 = tpu.memref_squeeze %dma_start3A_74 : memref<1x80xi32, #tpu.memory_space<vmem>> -> memref<80xi32, #tpu.memory_space<vmem>>
    %dma_start3A_76 = tpu.memref_slice %arg3[%add3A_67] : memref<328000xi32, #tpu.memory_space<hbm>> -> memref<80xi32, #tpu.memory_space<hbm>>
    tpu.enqueue_dma source(%dma_start3A_76 : memref<80xi32, #tpu.memory_space<hbm>>) target(%dma_start3A_75 : memref<80xi32, #tpu.memory_space<vmem>>) target_semaphore(%arg12 : memref<!tpu.dma_semaphore, #tpu.memory_space<semaphore_mem>>)
    %add3A_77 = arith.constant 240 : i32
    %add3A_78 = arith.addi %mul3A_11, %add3A_77 : i32
    %dma_start3A_79 = arith.constant 3 : i32
    %dma_start3A_80 = arith.constant 0 : i32
    %dma_start3A_81 = tpu.memref_slice %arg7[%dma_start3A_79, %dma_start3A_80] : memref<4x80xi32, #tpu.memory_space<vmem>> -> memref<1x80xi32, #tpu.memory_space<vmem>>
    %dma_start3A_82 = tpu.memref_squeeze %dma_start3A_81 : memref<1x80xi32, #tpu.memory_space<vmem>> -> memref<80xi32, #tpu.memory_space<vmem>>
    %dma_start3A_83 = tpu.memref_slice %arg4[%add3A_78] : memref<164000xi32, #tpu.memory_space<hbm>> -> memref<80xi32, #tpu.memory_space<hbm>>
    %dma_start3A_84 = arith.constant 0 : i32
    %dma_start3A_85 = tpu.memref_slice %arg7[%dma_start3A_79, %dma_start3A_84] : memref<4x80xi32, #tpu.memory_space<vmem>> -> memref<1x80xi32, #tpu.memory_space<vmem>>
    %dma_start3A_86 = tpu.memref_squeeze %dma_start3A_85 : memref<1x80xi32, #tpu.memory_space<vmem>> -> memref<80xi32, #tpu.memory_space<vmem>>
    %dma_start3A_87 = tpu.memref_slice %arg4[%add3A_78] : memref<164000xi32, #tpu.memory_space<hbm>> -> memref<80xi32, #tpu.memory_space<hbm>>
    tpu.enqueue_dma source(%dma_start3A_87 : memref<80xi32, #tpu.memory_space<hbm>>) target(%dma_start3A_86 : memref<80xi32, #tpu.memory_space<vmem>>) target_semaphore(%arg13 : memref<!tpu.dma_semaphore, #tpu.memory_space<semaphore_mem>>)
    %add3A_88 = arith.constant 240 : i32
    %add3A_89 = arith.addi %add3A_9, %add3A_88 : i32
    %dma_start3A_90 = arith.constant 3 : i32
    %dma_start3A_91 = arith.constant 0 : i32
    %dma_start3A_92 = tpu.memref_slice %arg6[%dma_start3A_90, %dma_start3A_91] : memref<4x80xi32, #tpu.memory_space<vmem>> -> memref<1x80xi32, #tpu.memory_space<vmem>>
    %dma_start3A_93 = tpu.memref_squeeze %dma_start3A_92 : memref<1x80xi32, #tpu.memory_space<vmem>> -> memref<80xi32, #tpu.memory_space<vmem>>
    %dma_start3A_94 = tpu.memref_slice %arg3[%add3A_89] : memref<328000xi32, #tpu.memory_space<hbm>> -> memref<80xi32, #tpu.memory_space<hbm>>
    %dma_start3A_95 = arith.constant 0 : i32
    %dma_start3A_96 = tpu.memref_slice %arg6[%dma_start3A_90, %dma_start3A_95] : memref<4x80xi32, #tpu.memory_space<vmem>> -> memref<1x80xi32, #tpu.memory_space<vmem>>
    %dma_start3A_97 = tpu.memref_squeeze %dma_start3A_96 : memref<1x80xi32, #tpu.memory_space<vmem>> -> memref<80xi32, #tpu.memory_space<vmem>>
    %dma_start3A_98 = tpu.memref_slice %arg3[%add3A_89] : memref<328000xi32, #tpu.memory_space<hbm>> -> memref<80xi32, #tpu.memory_space<hbm>>
    tpu.enqueue_dma source(%dma_start3A_98 : memref<80xi32, #tpu.memory_space<hbm>>) target(%dma_start3A_97 : memref<80xi32, #tpu.memory_space<vmem>>) target_semaphore(%arg13 : memref<!tpu.dma_semaphore, #tpu.memory_space<semaphore_mem>>)
    %scan3A = arith.constant 0 : i32
    %scan3A_99 = arith.constant 33 : i32
    %scan3A_100 = arith.addi %scan3A, %scan3A_99 : i32
    %scan3A_101 = arith.constant 1 : i32
    scf.for %scan3A_111 = %scan3A to %scan3A_100 step %scan3A_101  : i32 {
      %mul3A_112 = arith.constant 4 : i32
      %mul3A_113 = arith.muli %scan3A_111, %mul3A_112 : i32
      %add3A_114 = arith.constant 0 : i32
      %add3A_115 = arith.addi %add3A_114, %mul3A_113 : i32
      %add3A_116 = arith.constant 0 : i32
      %add3A_117 = arith.addi %add3A_115, %add3A_116 : i32
      %ge3A = arith.constant 2 : i32
      %ge3A_118 = arith.cmpi sge, %add3A_117, %ge3A : i32
      %le3A = arith.constant 129 : i32
      %le3A_119 = arith.cmpi sle, %add3A_117, %le3A : i32
      %and3A = arith.andi %ge3A_118, %le3A_119 : i1
      %convert_element_type3A = arith.extui %and3A : i1 to i32
      %cond3A = arith.constant 0 : i32
      %cond3A_120 = arith.cmpi ne, %convert_element_type3A, %cond3A : i32
      scf.if %cond3A_120 {
        %dma_wait3A = arith.constant 0 : i32
        %dma_wait3A_242 = arith.constant 2 : i32
        %dma_wait3A_243 = arith.constant 0 : i32
        %dma_wait3A_244 = arith.constant 0 : i32
        %dma_wait3A_245 = tpu.memref_slice %arg8[%dma_wait3A, %dma_wait3A_243, %dma_wait3A_244] : memref<2x80x128xf32, #tpu.memory_space<vmem>> -> memref<1x80x128xf32, #tpu.memory_space<vmem>>
        %dma_wait3A_246 = tpu.memref_squeeze %dma_wait3A_245 : memref<1x80x128xf32, #tpu.memory_space<vmem>> -> memref<80x128xf32, #tpu.memory_space<vmem>>
        %dma_wait3A_247 = arith.constant 0 : i32
        %dma_wait3A_248 = tpu.memref_slice %arg7[%dma_wait3A_242, %dma_wait3A_247] : memref<4x80xi32, #tpu.memory_space<vmem>> -> memref<1x80xi32, #tpu.memory_space<vmem>>
        %dma_wait3A_249 = tpu.memref_squeeze %dma_wait3A_248 : memref<1x80xi32, #tpu.memory_space<vmem>> -> memref<80xi32, #tpu.memory_space<vmem>>
        %dma_wait3A_250 = arith.constant 0 : i32
        %dma_wait3A_251 = arith.constant 0 : i32
        %dma_wait3A_252 = tpu.memref_slice %arg9[%dma_wait3A_250, %dma_wait3A_251] : memref<10240x128xf32, #tpu.memory_space<vmem_shared>> -> memref<10240x128xf32, #tpu.memory_space<vmem_shared>>
        tpu.wait_indirect_dma semaphore(%arg16 : memref<!tpu.dma_semaphore, #tpu.memory_space<semaphore_mem>>) src(%dma_wait3A_246 : memref<80x128xf32, #tpu.memory_space<vmem>>) dst(%dma_wait3A_252 : memref<10240x128xf32, #tpu.memory_space<vmem_shared>>)
      } else {
      }
      %lt3A = arith.constant 128 : i32
      %lt3A_121 = arith.cmpi slt, %add3A_117, %lt3A : i32
      %convert_element_type3A_122 = arith.extui %lt3A_121 : i1 to i32
      %cond3A_123 = arith.constant 0 : i32
      %cond3A_124 = arith.cmpi ne, %convert_element_type3A_122, %cond3A_123 : i32
      scf.if %cond3A_124 {
        %mul3A_242 = arith.constant 80 : i32
        %mul3A_243 = arith.muli %add3A_117, %mul3A_242 : i32
        %add3A_244 = arith.addi %mul3A_11, %mul3A_243 : i32
        %dma_wait3A = arith.constant 0 : i32
        %dma_wait3A_245 = arith.constant 0 : i32
        %dma_wait3A_246 = tpu.memref_slice %arg7[%dma_wait3A, %dma_wait3A_245] : memref<4x80xi32, #tpu.memory_space<vmem>> -> memref<1x80xi32, #tpu.memory_space<vmem>>
        %dma_wait3A_247 = tpu.memref_squeeze %dma_wait3A_246 : memref<1x80xi32, #tpu.memory_space<vmem>> -> memref<80xi32, #tpu.memory_space<vmem>>
        %dma_wait3A_248 = tpu.memref_slice %arg4[%add3A_244] : memref<164000xi32, #tpu.memory_space<hbm>> -> memref<80xi32, #tpu.memory_space<hbm>>
        %dma_wait3A_249 = arith.constant 0 : i32
        %dma_wait3A_250 = tpu.memref_slice %arg7[%dma_wait3A, %dma_wait3A_249] : memref<4x80xi32, #tpu.memory_space<vmem>> -> memref<1x80xi32, #tpu.memory_space<vmem>>
        %dma_wait3A_251 = tpu.memref_squeeze %dma_wait3A_250 : memref<1x80xi32, #tpu.memory_space<vmem>> -> memref<80xi32, #tpu.memory_space<vmem>>
        %dma_wait3A_252 = tpu.memref_slice %arg4[%add3A_244] : memref<164000xi32, #tpu.memory_space<hbm>> -> memref<80xi32, #tpu.memory_space<hbm>>
        tpu.wait_dma2 semaphore(%arg10 : memref<!tpu.dma_semaphore, #tpu.memory_space<semaphore_mem>>) src(%dma_wait3A_252 : memref<80xi32, #tpu.memory_space<hbm>>) dst(%dma_wait3A_251 : memref<80xi32, #tpu.memory_space<vmem>>)
        %mul3A_253 = arith.constant 80 : i32
        %mul3A_254 = arith.muli %add3A_117, %mul3A_253 : i32
        %add3A_255 = arith.addi %add3A_9, %mul3A_254 : i32
        %dma_wait3A_256 = arith.constant 0 : i32
        %dma_wait3A_257 = arith.constant 0 : i32
        %dma_wait3A_258 = tpu.memref_slice %arg6[%dma_wait3A_256, %dma_wait3A_257] : memref<4x80xi32, #tpu.memory_space<vmem>> -> memref<1x80xi32, #tpu.memory_space<vmem>>
        %dma_wait3A_259 = tpu.memref_squeeze %dma_wait3A_258 : memref<1x80xi32, #tpu.memory_space<vmem>> -> memref<80xi32, #tpu.memory_space<vmem>>
        %dma_wait3A_260 = tpu.memref_slice %arg3[%add3A_255] : memref<328000xi32, #tpu.memory_space<hbm>> -> memref<80xi32, #tpu.memory_space<hbm>>
        %dma_wait3A_261 = arith.constant 0 : i32
        %dma_wait3A_262 = tpu.memref_slice %arg6[%dma_wait3A_256, %dma_wait3A_261] : memref<4x80xi32, #tpu.memory_space<vmem>> -> memref<1x80xi32, #tpu.memory_space<vmem>>
        %dma_wait3A_263 = tpu.memref_squeeze %dma_wait3A_262 : memref<1x80xi32, #tpu.memory_space<vmem>> -> memref<80xi32, #tpu.memory_space<vmem>>
        %dma_wait3A_264 = tpu.memref_slice %arg3[%add3A_255] : memref<328000xi32, #tpu.memory_space<hbm>> -> memref<80xi32, #tpu.memory_space<hbm>>
        tpu.wait_dma2 semaphore(%arg10 : memref<!tpu.dma_semaphore, #tpu.memory_space<semaphore_mem>>) src(%dma_wait3A_264 : memref<80xi32, #tpu.memory_space<hbm>>) dst(%dma_wait3A_263 : memref<80xi32, #tpu.memory_space<vmem>>)
        %dma_start3A_265 = arith.constant 0 : i32
        %dma_start3A_266 = arith.constant 0 : i32
        %dma_start3A_267 = arith.constant 0 : i32
        %dma_start3A_268 = arith.constant 0 : i32
        %dma_start3A_269 = tpu.memref_slice %arg8[%dma_start3A_266, %dma_start3A_267, %dma_start3A_268] : memref<2x80x128xf32, #tpu.memory_space<vmem>> -> memref<1x80x128xf32, #tpu.memory_space<vmem>>
        %dma_start3A_270 = tpu.memref_squeeze %dma_start3A_269 : memref<1x80x128xf32, #tpu.memory_space<vmem>> -> memref<80x128xf32, #tpu.memory_space<vmem>>
        %dma_start3A_271 = arith.constant 0 : i32
        %dma_start3A_272 = tpu.memref_slice %arg6[%dma_start3A_265, %dma_start3A_271] : memref<4x80xi32, #tpu.memory_space<vmem>> -> memref<1x80xi32, #tpu.memory_space<vmem>>
        %dma_start3A_273 = tpu.memref_squeeze %dma_start3A_272 : memref<1x80xi32, #tpu.memory_space<vmem>> -> memref<80xi32, #tpu.memory_space<vmem>>
        %dma_start3A_274 = arith.constant 0 : i32
        %dma_start3A_275 = arith.constant 0 : i32
        %dma_start3A_276 = tpu.memref_slice %arg2[%dma_start3A_274, %dma_start3A_275] : memref<20480x128xf32, #tpu.memory_space<hbm>> -> memref<20480x128xf32, #tpu.memory_space<hbm>>
        tpu.enqueue_indirect_dma source(%dma_start3A_276 : memref<20480x128xf32, #tpu.memory_space<hbm>>) target(%dma_start3A_270 : memref<80x128xf32, #tpu.memory_space<vmem>>) offsets(%dma_start3A_273 : memref<80xi32, #tpu.memory_space<vmem>>) semaphore(%arg14 : memref<!tpu.dma_semaphore, #tpu.memory_space<semaphore_mem>>)
      } else {
      }
      %ge3A_125 = arith.constant 1 : i32
      %ge3A_126 = arith.cmpi sge, %add3A_117, %ge3A_125 : i32
      %le3A_127 = arith.constant 128 : i32
      %le3A_128 = arith.cmpi sle, %add3A_117, %le3A_127 : i32
      %and3A_129 = arith.andi %ge3A_126, %le3A_128 : i1
      %convert_element_type3A_130 = arith.extui %and3A_129 : i1 to i32
      %cond3A_131 = arith.constant 0 : i32
      %cond3A_132 = arith.cmpi ne, %convert_element_type3A_130, %cond3A_131 : i32
      scf.if %cond3A_132 {
        %dma_wait3A = arith.constant 3 : i32
        %dma_wait3A_242 = arith.constant 1 : i32
        %dma_wait3A_243 = arith.constant 0 : i32
        %dma_wait3A_244 = arith.constant 0 : i32
        %dma_wait3A_245 = tpu.memref_slice %arg8[%dma_wait3A_242, %dma_wait3A_243, %dma_wait3A_244] : memref<2x80x128xf32, #tpu.memory_space<vmem>> -> memref<1x80x128xf32, #tpu.memory_space<vmem>>
        %dma_wait3A_246 = tpu.memref_squeeze %dma_wait3A_245 : memref<1x80x128xf32, #tpu.memory_space<vmem>> -> memref<80x128xf32, #tpu.memory_space<vmem>>
        %dma_wait3A_247 = arith.constant 0 : i32
        %dma_wait3A_248 = tpu.memref_slice %arg6[%dma_wait3A, %dma_wait3A_247] : memref<4x80xi32, #tpu.memory_space<vmem>> -> memref<1x80xi32, #tpu.memory_space<vmem>>
        %dma_wait3A_249 = tpu.memref_squeeze %dma_wait3A_248 : memref<1x80xi32, #tpu.memory_space<vmem>> -> memref<80xi32, #tpu.memory_space<vmem>>
        %dma_wait3A_250 = arith.constant 0 : i32
        %dma_wait3A_251 = arith.constant 0 : i32
        %dma_wait3A_252 = tpu.memref_slice %arg2[%dma_wait3A_250, %dma_wait3A_251] : memref<20480x128xf32, #tpu.memory_space<hbm>> -> memref<20480x128xf32, #tpu.memory_space<hbm>>
        tpu.wait_indirect_dma semaphore(%arg15 : memref<!tpu.dma_semaphore, #tpu.memory_space<semaphore_mem>>) src(%dma_wait3A_252 : memref<20480x128xf32, #tpu.memory_space<hbm>>) dst(%dma_wait3A_246 : memref<80x128xf32, #tpu.memory_space<vmem>>)
        %dma_start3A_253 = arith.constant 1 : i32
        %dma_start3A_254 = arith.constant 3 : i32
        %dma_start3A_255 = arith.constant 0 : i32
        %dma_start3A_256 = arith.constant 0 : i32
        %dma_start3A_257 = tpu.memref_slice %arg8[%dma_start3A_253, %dma_start3A_255, %dma_start3A_256] : memref<2x80x128xf32, #tpu.memory_space<vmem>> -> memref<1x80x128xf32, #tpu.memory_space<vmem>>
        %dma_start3A_258 = tpu.memref_squeeze %dma_start3A_257 : memref<1x80x128xf32, #tpu.memory_space<vmem>> -> memref<80x128xf32, #tpu.memory_space<vmem>>
        %dma_start3A_259 = arith.constant 0 : i32
        %dma_start3A_260 = tpu.memref_slice %arg7[%dma_start3A_254, %dma_start3A_259] : memref<4x80xi32, #tpu.memory_space<vmem>> -> memref<1x80xi32, #tpu.memory_space<vmem>>
        %dma_start3A_261 = tpu.memref_squeeze %dma_start3A_260 : memref<1x80xi32, #tpu.memory_space<vmem>> -> memref<80xi32, #tpu.memory_space<vmem>>
        %dma_start3A_262 = arith.constant 0 : i32
        %dma_start3A_263 = arith.constant 0 : i32
        %dma_start3A_264 = tpu.memref_slice %arg9[%dma_start3A_262, %dma_start3A_263] : memref<10240x128xf32, #tpu.memory_space<vmem_shared>> -> memref<10240x128xf32, #tpu.memory_space<vmem_shared>>
        tpu.enqueue_indirect_dma source(%dma_start3A_258 : memref<80x128xf32, #tpu.memory_space<vmem>>) target(%dma_start3A_264 : memref<10240x128xf32, #tpu.memory_space<vmem_shared>>) offsets(%dma_start3A_261 : memref<80xi32, #tpu.memory_space<vmem>>) semaphore(%arg17 : memref<!tpu.dma_semaphore, #tpu.memory_space<semaphore_mem>>) {add = true}
      } else {
      }
      %ge3A_133 = arith.constant 2 : i32
      %ge3A_134 = arith.cmpi sge, %add3A_117, %ge3A_133 : i32
      %add3A_135 = arith.constant 2 : i32
      %add3A_136 = arith.addi %add3A_117, %add3A_135 : i32
      %lt3A_137 = arith.constant 128 : i32
      %lt3A_138 = arith.cmpi slt, %add3A_136, %lt3A_137 : i32
      %and3A_139 = arith.andi %ge3A_134, %lt3A_138 : i1
      %convert_element_type3A_140 = arith.extui %and3A_139 : i1 to i32
      %cond3A_141 = arith.constant 0 : i32
      %cond3A_142 = arith.cmpi ne, %convert_element_type3A_140, %cond3A_141 : i32
      scf.if %cond3A_142 {
        %add3A_242 = arith.constant 2 : i32
        %add3A_243 = arith.addi %add3A_117, %add3A_242 : i32
        %mul3A_244 = arith.constant 80 : i32
        %mul3A_245 = arith.muli %add3A_243, %mul3A_244 : i32
        %add3A_246 = arith.addi %mul3A_11, %mul3A_245 : i32
        %dma_start3A_247 = arith.constant 2 : i32
        %dma_start3A_248 = arith.constant 0 : i32
        %dma_start3A_249 = tpu.memref_slice %arg7[%dma_start3A_247, %dma_start3A_248] : memref<4x80xi32, #tpu.memory_space<vmem>> -> memref<1x80xi32, #tpu.memory_space<vmem>>
        %dma_start3A_250 = tpu.memref_squeeze %dma_start3A_249 : memref<1x80xi32, #tpu.memory_space<vmem>> -> memref<80xi32, #tpu.memory_space<vmem>>
        %dma_start3A_251 = tpu.memref_slice %arg4[%add3A_246] : memref<164000xi32, #tpu.memory_space<hbm>> -> memref<80xi32, #tpu.memory_space<hbm>>
        %dma_start3A_252 = arith.constant 0 : i32
        %dma_start3A_253 = tpu.memref_slice %arg7[%dma_start3A_247, %dma_start3A_252] : memref<4x80xi32, #tpu.memory_space<vmem>> -> memref<1x80xi32, #tpu.memory_space<vmem>>
        %dma_start3A_254 = tpu.memref_squeeze %dma_start3A_253 : memref<1x80xi32, #tpu.memory_space<vmem>> -> memref<80xi32, #tpu.memory_space<vmem>>
        %dma_start3A_255 = tpu.memref_slice %arg4[%add3A_246] : memref<164000xi32, #tpu.memory_space<hbm>> -> memref<80xi32, #tpu.memory_space<hbm>>
        tpu.enqueue_dma source(%dma_start3A_255 : memref<80xi32, #tpu.memory_space<hbm>>) target(%dma_start3A_254 : memref<80xi32, #tpu.memory_space<vmem>>) target_semaphore(%arg12 : memref<!tpu.dma_semaphore, #tpu.memory_space<semaphore_mem>>)
        %mul3A_256 = arith.constant 80 : i32
        %mul3A_257 = arith.muli %add3A_243, %mul3A_256 : i32
        %add3A_258 = arith.addi %add3A_9, %mul3A_257 : i32
        %dma_start3A_259 = arith.constant 2 : i32
        %dma_start3A_260 = arith.constant 0 : i32
        %dma_start3A_261 = tpu.memref_slice %arg6[%dma_start3A_259, %dma_start3A_260] : memref<4x80xi32, #tpu.memory_space<vmem>> -> memref<1x80xi32, #tpu.memory_space<vmem>>
        %dma_start3A_262 = tpu.memref_squeeze %dma_start3A_261 : memref<1x80xi32, #tpu.memory_space<vmem>> -> memref<80xi32, #tpu.memory_space<vmem>>
        %dma_start3A_263 = tpu.memref_slice %arg3[%add3A_258] : memref<328000xi32, #tpu.memory_space<hbm>> -> memref<80xi32, #tpu.memory_space<hbm>>
        %dma_start3A_264 = arith.constant 0 : i32
        %dma_start3A_265 = tpu.memref_slice %arg6[%dma_start3A_259, %dma_start3A_264] : memref<4x80xi32, #tpu.memory_space<vmem>> -> memref<1x80xi32, #tpu.memory_space<vmem>>
        %dma_start3A_266 = tpu.memref_squeeze %dma_start3A_265 : memref<1x80xi32, #tpu.memory_space<vmem>> -> memref<80xi32, #tpu.memory_space<vmem>>
        %dma_start3A_267 = tpu.memref_slice %arg3[%add3A_258] : memref<328000xi32, #tpu.memory_space<hbm>> -> memref<80xi32, #tpu.memory_space<hbm>>
        tpu.enqueue_dma source(%dma_start3A_267 : memref<80xi32, #tpu.memory_space<hbm>>) target(%dma_start3A_266 : memref<80xi32, #tpu.memory_space<vmem>>) target_semaphore(%arg12 : memref<!tpu.dma_semaphore, #tpu.memory_space<semaphore_mem>>)
      } else {
      }
      %add3A_143 = arith.constant 1 : i32
      %add3A_144 = arith.addi %add3A_115, %add3A_143 : i32
      %ge3A_145 = arith.constant 2 : i32
      %ge3A_146 = arith.cmpi sge, %add3A_144, %ge3A_145 : i32
      %le3A_147 = arith.constant 129 : i32
      %le3A_148 = arith.cmpi sle, %add3A_144, %le3A_147 : i32
      %and3A_149 = arith.andi %ge3A_146, %le3A_148 : i1
      %convert_element_type3A_150 = arith.extui %and3A_149 : i1 to i32
      %cond3A_151 = arith.constant 0 : i32
      %cond3A_152 = arith.cmpi ne, %convert_element_type3A_150, %cond3A_151 : i32
      scf.if %cond3A_152 {
        %dma_wait3A = arith.constant 1 : i32
        %dma_wait3A_242 = arith.constant 3 : i32
        %dma_wait3A_243 = arith.constant 0 : i32
        %dma_wait3A_244 = arith.constant 0 : i32
        %dma_wait3A_245 = tpu.memref_slice %arg8[%dma_wait3A, %dma_wait3A_243, %dma_wait3A_244] : memref<2x80x128xf32, #tpu.memory_space<vmem>> -> memref<1x80x128xf32, #tpu.memory_space<vmem>>
        %dma_wait3A_246 = tpu.memref_squeeze %dma_wait3A_245 : memref<1x80x128xf32, #tpu.memory_space<vmem>> -> memref<80x128xf32, #tpu.memory_space<vmem>>
        %dma_wait3A_247 = arith.constant 0 : i32
        %dma_wait3A_248 = tpu.memref_slice %arg7[%dma_wait3A_242, %dma_wait3A_247] : memref<4x80xi32, #tpu.memory_space<vmem>> -> memref<1x80xi32, #tpu.memory_space<vmem>>
        %dma_wait3A_249 = tpu.memref_squeeze %dma_wait3A_248 : memref<1x80xi32, #tpu.memory_space<vmem>> -> memref<80xi32, #tpu.memory_space<vmem>>
        %dma_wait3A_250 = arith.constant 0 : i32
        %dma_wait3A_251 = arith.constant 0 : i32
        %dma_wait3A_252 = tpu.memref_slice %arg9[%dma_wait3A_250, %dma_wait3A_251] : memref<10240x128xf32, #tpu.memory_space<vmem_shared>> -> memref<10240x128xf32, #tpu.memory_space<vmem_shared>>
        tpu.wait_indirect_dma semaphore(%arg17 : memref<!tpu.dma_semaphore, #tpu.memory_space<semaphore_mem>>) src(%dma_wait3A_246 : memref<80x128xf32, #tpu.memory_space<vmem>>) dst(%dma_wait3A_252 : memref<10240x128xf32, #tpu.memory_space<vmem_shared>>)
      } else {
      }
      %lt3A_153 = arith.constant 128 : i32
      %lt3A_154 = arith.cmpi slt, %add3A_144, %lt3A_153 : i32
      %convert_element_type3A_155 = arith.extui %lt3A_154 : i1 to i32
      %cond3A_156 = arith.constant 0 : i32
      %cond3A_157 = arith.cmpi ne, %convert_element_type3A_155, %cond3A_156 : i32
      scf.if %cond3A_157 {
        %mul3A_242 = arith.constant 80 : i32
        %mul3A_243 = arith.muli %add3A_144, %mul3A_242 : i32
        %add3A_244 = arith.addi %mul3A_11, %mul3A_243 : i32
        %dma_wait3A = arith.constant 1 : i32
        %dma_wait3A_245 = arith.constant 0 : i32
        %dma_wait3A_246 = tpu.memref_slice %arg7[%dma_wait3A, %dma_wait3A_245] : memref<4x80xi32, #tpu.memory_space<vmem>> -> memref<1x80xi32, #tpu.memory_space<vmem>>
        %dma_wait3A_247 = tpu.memref_squeeze %dma_wait3A_246 : memref<1x80xi32, #tpu.memory_space<vmem>> -> memref<80xi32, #tpu.memory_space<vmem>>
        %dma_wait3A_248 = tpu.memref_slice %arg4[%add3A_244] : memref<164000xi32, #tpu.memory_space<hbm>> -> memref<80xi32, #tpu.memory_space<hbm>>
        %dma_wait3A_249 = arith.constant 0 : i32
        %dma_wait3A_250 = tpu.memref_slice %arg7[%dma_wait3A, %dma_wait3A_249] : memref<4x80xi32, #tpu.memory_space<vmem>> -> memref<1x80xi32, #tpu.memory_space<vmem>>
        %dma_wait3A_251 = tpu.memref_squeeze %dma_wait3A_250 : memref<1x80xi32, #tpu.memory_space<vmem>> -> memref<80xi32, #tpu.memory_space<vmem>>
        %dma_wait3A_252 = tpu.memref_slice %arg4[%add3A_244] : memref<164000xi32, #tpu.memory_space<hbm>> -> memref<80xi32, #tpu.memory_space<hbm>>
        tpu.wait_dma2 semaphore(%arg11 : memref<!tpu.dma_semaphore, #tpu.memory_space<semaphore_mem>>) src(%dma_wait3A_252 : memref<80xi32, #tpu.memory_space<hbm>>) dst(%dma_wait3A_251 : memref<80xi32, #tpu.memory_space<vmem>>)
        %mul3A_253 = arith.constant 80 : i32
        %mul3A_254 = arith.muli %add3A_144, %mul3A_253 : i32
        %add3A_255 = arith.addi %add3A_9, %mul3A_254 : i32
        %dma_wait3A_256 = arith.constant 1 : i32
        %dma_wait3A_257 = arith.constant 0 : i32
        %dma_wait3A_258 = tpu.memref_slice %arg6[%dma_wait3A_256, %dma_wait3A_257] : memref<4x80xi32, #tpu.memory_space<vmem>> -> memref<1x80xi32, #tpu.memory_space<vmem>>
        %dma_wait3A_259 = tpu.memref_squeeze %dma_wait3A_258 : memref<1x80xi32, #tpu.memory_space<vmem>> -> memref<80xi32, #tpu.memory_space<vmem>>
        %dma_wait3A_260 = tpu.memref_slice %arg3[%add3A_255] : memref<328000xi32, #tpu.memory_space<hbm>> -> memref<80xi32, #tpu.memory_space<hbm>>
        %dma_wait3A_261 = arith.constant 0 : i32
        %dma_wait3A_262 = tpu.memref_slice %arg6[%dma_wait3A_256, %dma_wait3A_261] : memref<4x80xi32, #tpu.memory_space<vmem>> -> memref<1x80xi32, #tpu.memory_space<vmem>>
        %dma_wait3A_263 = tpu.memref_squeeze %dma_wait3A_262 : memref<1x80xi32, #tpu.memory_space<vmem>> -> memref<80xi32, #tpu.memory_space<vmem>>
        %dma_wait3A_264 = tpu.memref_slice %arg3[%add3A_255] : memref<328000xi32, #tpu.memory_space<hbm>> -> memref<80xi32, #tpu.memory_space<hbm>>
        tpu.wait_dma2 semaphore(%arg11 : memref<!tpu.dma_semaphore, #tpu.memory_space<semaphore_mem>>) src(%dma_wait3A_264 : memref<80xi32, #tpu.memory_space<hbm>>) dst(%dma_wait3A_263 : memref<80xi32, #tpu.memory_space<vmem>>)
        %dma_start3A_265 = arith.constant 1 : i32
        %dma_start3A_266 = arith.constant 1 : i32
        %dma_start3A_267 = arith.constant 0 : i32
        %dma_start3A_268 = arith.constant 0 : i32
        %dma_start3A_269 = tpu.memref_slice %arg8[%dma_start3A_266, %dma_start3A_267, %dma_start3A_268] : memref<2x80x128xf32, #tpu.memory_space<vmem>> -> memref<1x80x128xf32, #tpu.memory_space<vmem>>
        %dma_start3A_270 = tpu.memref_squeeze %dma_start3A_269 : memref<1x80x128xf32, #tpu.memory_space<vmem>> -> memref<80x128xf32, #tpu.memory_space<vmem>>
        %dma_start3A_271 = arith.constant 0 : i32
        %dma_start3A_272 = tpu.memref_slice %arg6[%dma_start3A_265, %dma_start3A_271] : memref<4x80xi32, #tpu.memory_space<vmem>> -> memref<1x80xi32, #tpu.memory_space<vmem>>
        %dma_start3A_273 = tpu.memref_squeeze %dma_start3A_272 : memref<1x80xi32, #tpu.memory_space<vmem>> -> memref<80xi32, #tpu.memory_space<vmem>>
        %dma_start3A_274 = arith.constant 0 : i32
        %dma_start3A_275 = arith.constant 0 : i32
        %dma_start3A_276 = tpu.memref_slice %arg2[%dma_start3A_274, %dma_start3A_275] : memref<20480x128xf32, #tpu.memory_space<hbm>> -> memref<20480x128xf32, #tpu.memory_space<hbm>>
        tpu.enqueue_indirect_dma source(%dma_start3A_276 : memref<20480x128xf32, #tpu.memory_space<hbm>>) target(%dma_start3A_270 : memref<80x128xf32, #tpu.memory_space<vmem>>) offsets(%dma_start3A_273 : memref<80xi32, #tpu.memory_space<vmem>>) semaphore(%arg15 : memref<!tpu.dma_semaphore, #tpu.memory_space<semaphore_mem>>)
      } else {
      }
      %ge3A_158 = arith.constant 1 : i32
      %ge3A_159 = arith.cmpi sge, %add3A_144, %ge3A_158 : i32
      %le3A_160 = arith.constant 128 : i32
      %le3A_161 = arith.cmpi sle, %add3A_144, %le3A_160 : i32
      %and3A_162 = arith.andi %ge3A_159, %le3A_161 : i1
      %convert_element_type3A_163 = arith.extui %and3A_162 : i1 to i32
      %cond3A_164 = arith.constant 0 : i32
      %cond3A_165 = arith.cmpi ne, %convert_element_type3A_163, %cond3A_164 : i32
      scf.if %cond3A_165 {
        %dma_wait3A = arith.constant 0 : i32
        %dma_wait3A_242 = arith.constant 0 : i32
        %dma_wait3A_243 = arith.constant 0 : i32
        %dma_wait3A_244 = arith.constant 0 : i32
        %dma_wait3A_245 = tpu.memref_slice %arg8[%dma_wait3A_242, %dma_wait3A_243, %dma_wait3A_244] : memref<2x80x128xf32, #tpu.memory_space<vmem>> -> memref<1x80x128xf32, #tpu.memory_space<vmem>>
        %dma_wait3A_246 = tpu.memref_squeeze %dma_wait3A_245 : memref<1x80x128xf32, #tpu.memory_space<vmem>> -> memref<80x128xf32, #tpu.memory_space<vmem>>
        %dma_wait3A_247 = arith.constant 0 : i32
        %dma_wait3A_248 = tpu.memref_slice %arg6[%dma_wait3A, %dma_wait3A_247] : memref<4x80xi32, #tpu.memory_space<vmem>> -> memref<1x80xi32, #tpu.memory_space<vmem>>
        %dma_wait3A_249 = tpu.memref_squeeze %dma_wait3A_248 : memref<1x80xi32, #tpu.memory_space<vmem>> -> memref<80xi32, #tpu.memory_space<vmem>>
        %dma_wait3A_250 = arith.constant 0 : i32
        %dma_wait3A_251 = arith.constant 0 : i32
        %dma_wait3A_252 = tpu.memref_slice %arg2[%dma_wait3A_250, %dma_wait3A_251] : memref<20480x128xf32, #tpu.memory_space<hbm>> -> memref<20480x128xf32, #tpu.memory_space<hbm>>
        tpu.wait_indirect_dma semaphore(%arg14 : memref<!tpu.dma_semaphore, #tpu.memory_space<semaphore_mem>>) src(%dma_wait3A_252 : memref<20480x128xf32, #tpu.memory_space<hbm>>) dst(%dma_wait3A_246 : memref<80x128xf32, #tpu.memory_space<vmem>>)
        %dma_start3A_253 = arith.constant 0 : i32
        %dma_start3A_254 = arith.constant 0 : i32
        %dma_start3A_255 = arith.constant 0 : i32
        %dma_start3A_256 = arith.constant 0 : i32
        %dma_start3A_257 = tpu.memref_slice %arg8[%dma_start3A_253, %dma_start3A_255, %dma_start3A_256] : memref<2x80x128xf32, #tpu.memory_space<vmem>> -> memref<1x80x128xf32, #tpu.memory_space<vmem>>
        %dma_start3A_258 = tpu.memref_squeeze %dma_start3A_257 : memref<1x80x128xf32, #tpu.memory_space<vmem>> -> memref<80x128xf32, #tpu.memory_space<vmem>>
        %dma_start3A_259 = arith.constant 0 : i32
        %dma_start3A_260 = tpu.memref_slice %arg7[%dma_start3A_254, %dma_start3A_259] : memref<4x80xi32, #tpu.memory_space<vmem>> -> memref<1x80xi32, #tpu.memory_space<vmem>>
        %dma_start3A_261 = tpu.memref_squeeze %dma_start3A_260 : memref<1x80xi32, #tpu.memory_space<vmem>> -> memref<80xi32, #tpu.memory_space<vmem>>
        %dma_start3A_262 = arith.constant 0 : i32
        %dma_start3A_263 = arith.constant 0 : i32
        %dma_start3A_264 = tpu.memref_slice %arg9[%dma_start3A_262, %dma_start3A_263] : memref<10240x128xf32, #tpu.memory_space<vmem_shared>> -> memref<10240x128xf32, #tpu.memory_space<vmem_shared>>
        tpu.enqueue_indirect_dma source(%dma_start3A_258 : memref<80x128xf32, #tpu.memory_space<vmem>>) target(%dma_start3A_264 : memref<10240x128xf32, #tpu.memory_space<vmem_shared>>) offsets(%dma_start3A_261 : memref<80xi32, #tpu.memory_space<vmem>>) semaphore(%arg16 : memref<!tpu.dma_semaphore, #tpu.memory_space<semaphore_mem>>) {add = true}
      } else {
      }
      %ge3A_166 = arith.constant 2 : i32
      %ge3A_167 = arith.cmpi sge, %add3A_144, %ge3A_166 : i32
      %add3A_168 = arith.constant 2 : i32
      %add3A_169 = arith.addi %add3A_144, %add3A_168 : i32
      %lt3A_170 = arith.constant 128 : i32
      %lt3A_171 = arith.cmpi slt, %add3A_169, %lt3A_170 : i32
      %and3A_172 = arith.andi %ge3A_167, %lt3A_171 : i1
      %convert_element_type3A_173 = arith.extui %and3A_172 : i1 to i32
      %cond3A_174 = arith.constant 0 : i32
      %cond3A_175 = arith.cmpi ne, %convert_element_type3A_173, %cond3A_174 : i32
      scf.if %cond3A_175 {
        %add3A_242 = arith.constant 2 : i32
        %add3A_243 = arith.addi %add3A_144, %add3A_242 : i32
        %mul3A_244 = arith.constant 80 : i32
        %mul3A_245 = arith.muli %add3A_243, %mul3A_244 : i32
        %add3A_246 = arith.addi %mul3A_11, %mul3A_245 : i32
        %dma_start3A_247 = arith.constant 3 : i32
        %dma_start3A_248 = arith.constant 0 : i32
        %dma_start3A_249 = tpu.memref_slice %arg7[%dma_start3A_247, %dma_start3A_248] : memref<4x80xi32, #tpu.memory_space<vmem>> -> memref<1x80xi32, #tpu.memory_space<vmem>>
        %dma_start3A_250 = tpu.memref_squeeze %dma_start3A_249 : memref<1x80xi32, #tpu.memory_space<vmem>> -> memref<80xi32, #tpu.memory_space<vmem>>
        %dma_start3A_251 = tpu.memref_slice %arg4[%add3A_246] : memref<164000xi32, #tpu.memory_space<hbm>> -> memref<80xi32, #tpu.memory_space<hbm>>
        %dma_start3A_252 = arith.constant 0 : i32
        %dma_start3A_253 = tpu.memref_slice %arg7[%dma_start3A_247, %dma_start3A_252] : memref<4x80xi32, #tpu.memory_space<vmem>> -> memref<1x80xi32, #tpu.memory_space<vmem>>
        %dma_start3A_254 = tpu.memref_squeeze %dma_start3A_253 : memref<1x80xi32, #tpu.memory_space<vmem>> -> memref<80xi32, #tpu.memory_space<vmem>>
        %dma_start3A_255 = tpu.memref_slice %arg4[%add3A_246] : memref<164000xi32, #tpu.memory_space<hbm>> -> memref<80xi32, #tpu.memory_space<hbm>>
        tpu.enqueue_dma source(%dma_start3A_255 : memref<80xi32, #tpu.memory_space<hbm>>) target(%dma_start3A_254 : memref<80xi32, #tpu.memory_space<vmem>>) target_semaphore(%arg13 : memref<!tpu.dma_semaphore, #tpu.memory_space<semaphore_mem>>)
        %mul3A_256 = arith.constant 80 : i32
        %mul3A_257 = arith.muli %add3A_243, %mul3A_256 : i32
        %add3A_258 = arith.addi %add3A_9, %mul3A_257 : i32
        %dma_start3A_259 = arith.constant 3 : i32
        %dma_start3A_260 = arith.constant 0 : i32
        %dma_start3A_261 = tpu.memref_slice %arg6[%dma_start3A_259, %dma_start3A_260] : memref<4x80xi32, #tpu.memory_space<vmem>> -> memref<1x80xi32, #tpu.memory_space<vmem>>
        %dma_start3A_262 = tpu.memref_squeeze %dma_start3A_261 : memref<1x80xi32, #tpu.memory_space<vmem>> -> memref<80xi32, #tpu.memory_space<vmem>>
        %dma_start3A_263 = tpu.memref_slice %arg3[%add3A_258] : memref<328000xi32, #tpu.memory_space<hbm>> -> memref<80xi32, #tpu.memory_space<hbm>>
        %dma_start3A_264 = arith.constant 0 : i32
        %dma_start3A_265 = tpu.memref_slice %arg6[%dma_start3A_259, %dma_start3A_264] : memref<4x80xi32, #tpu.memory_space<vmem>> -> memref<1x80xi32, #tpu.memory_space<vmem>>
        %dma_start3A_266 = tpu.memref_squeeze %dma_start3A_265 : memref<1x80xi32, #tpu.memory_space<vmem>> -> memref<80xi32, #tpu.memory_space<vmem>>
        %dma_start3A_267 = tpu.memref_slice %arg3[%add3A_258] : memref<328000xi32, #tpu.memory_space<hbm>> -> memref<80xi32, #tpu.memory_space<hbm>>
        tpu.enqueue_dma source(%dma_start3A_267 : memref<80xi32, #tpu.memory_space<hbm>>) target(%dma_start3A_266 : memref<80xi32, #tpu.memory_space<vmem>>) target_semaphore(%arg13 : memref<!tpu.dma_semaphore, #tpu.memory_space<semaphore_mem>>)
      } else {
      }
      %add3A_176 = arith.constant 2 : i32
      %add3A_177 = arith.addi %add3A_115, %add3A_176 : i32
      %ge3A_178 = arith.constant 2 : i32
      %ge3A_179 = arith.cmpi sge, %add3A_177, %ge3A_178 : i32
      %le3A_180 = arith.constant 129 : i32
      %le3A_181 = arith.cmpi sle, %add3A_177, %le3A_180 : i32
      %and3A_182 = arith.andi %ge3A_179, %le3A_181 : i1
      %convert_element_type3A_183 = arith.extui %and3A_182 : i1 to i32
      %cond3A_184 = arith.constant 0 : i32
      %cond3A_185 = arith.cmpi ne, %convert_element_type3A_183, %cond3A_184 : i32
      scf.if %cond3A_185 {
        %dma_wait3A = arith.constant 0 : i32
        %dma_wait3A_242 = arith.constant 0 : i32
        %dma_wait3A_243 = arith.constant 0 : i32
        %dma_wait3A_244 = arith.constant 0 : i32
        %dma_wait3A_245 = tpu.memref_slice %arg8[%dma_wait3A, %dma_wait3A_243, %dma_wait3A_244] : memref<2x80x128xf32, #tpu.memory_space<vmem>> -> memref<1x80x128xf32, #tpu.memory_space<vmem>>
        %dma_wait3A_246 = tpu.memref_squeeze %dma_wait3A_245 : memref<1x80x128xf32, #tpu.memory_space<vmem>> -> memref<80x128xf32, #tpu.memory_space<vmem>>
        %dma_wait3A_247 = arith.constant 0 : i32
        %dma_wait3A_248 = tpu.memref_slice %arg7[%dma_wait3A_242, %dma_wait3A_247] : memref<4x80xi32, #tpu.memory_space<vmem>> -> memref<1x80xi32, #tpu.memory_space<vmem>>
        %dma_wait3A_249 = tpu.memref_squeeze %dma_wait3A_248 : memref<1x80xi32, #tpu.memory_space<vmem>> -> memref<80xi32, #tpu.memory_space<vmem>>
        %dma_wait3A_250 = arith.constant 0 : i32
        %dma_wait3A_251 = arith.constant 0 : i32
        %dma_wait3A_252 = tpu.memref_slice %arg9[%dma_wait3A_250, %dma_wait3A_251] : memref<10240x128xf32, #tpu.memory_space<vmem_shared>> -> memref<10240x128xf32, #tpu.memory_space<vmem_shared>>
        tpu.wait_indirect_dma semaphore(%arg16 : memref<!tpu.dma_semaphore, #tpu.memory_space<semaphore_mem>>) src(%dma_wait3A_246 : memref<80x128xf32, #tpu.memory_space<vmem>>) dst(%dma_wait3A_252 : memref<10240x128xf32, #tpu.memory_space<vmem_shared>>)
      } else {
      }
      %lt3A_186 = arith.constant 128 : i32
      %lt3A_187 = arith.cmpi slt, %add3A_177, %lt3A_186 : i32
      %convert_element_type3A_188 = arith.extui %lt3A_187 : i1 to i32
      %cond3A_189 = arith.constant 0 : i32
      %cond3A_190 = arith.cmpi ne, %convert_element_type3A_188, %cond3A_189 : i32
      scf.if %cond3A_190 {
        %mul3A_242 = arith.constant 80 : i32
        %mul3A_243 = arith.muli %add3A_177, %mul3A_242 : i32
        %add3A_244 = arith.addi %mul3A_11, %mul3A_243 : i32
        %dma_wait3A = arith.constant 2 : i32
        %dma_wait3A_245 = arith.constant 0 : i32
        %dma_wait3A_246 = tpu.memref_slice %arg7[%dma_wait3A, %dma_wait3A_245] : memref<4x80xi32, #tpu.memory_space<vmem>> -> memref<1x80xi32, #tpu.memory_space<vmem>>
        %dma_wait3A_247 = tpu.memref_squeeze %dma_wait3A_246 : memref<1x80xi32, #tpu.memory_space<vmem>> -> memref<80xi32, #tpu.memory_space<vmem>>
        %dma_wait3A_248 = tpu.memref_slice %arg4[%add3A_244] : memref<164000xi32, #tpu.memory_space<hbm>> -> memref<80xi32, #tpu.memory_space<hbm>>
        %dma_wait3A_249 = arith.constant 0 : i32
        %dma_wait3A_250 = tpu.memref_slice %arg7[%dma_wait3A, %dma_wait3A_249] : memref<4x80xi32, #tpu.memory_space<vmem>> -> memref<1x80xi32, #tpu.memory_space<vmem>>
        %dma_wait3A_251 = tpu.memref_squeeze %dma_wait3A_250 : memref<1x80xi32, #tpu.memory_space<vmem>> -> memref<80xi32, #tpu.memory_space<vmem>>
        %dma_wait3A_252 = tpu.memref_slice %arg4[%add3A_244] : memref<164000xi32, #tpu.memory_space<hbm>> -> memref<80xi32, #tpu.memory_space<hbm>>
        tpu.wait_dma2 semaphore(%arg12 : memref<!tpu.dma_semaphore, #tpu.memory_space<semaphore_mem>>) src(%dma_wait3A_252 : memref<80xi32, #tpu.memory_space<hbm>>) dst(%dma_wait3A_251 : memref<80xi32, #tpu.memory_space<vmem>>)
        %mul3A_253 = arith.constant 80 : i32
        %mul3A_254 = arith.muli %add3A_177, %mul3A_253 : i32
        %add3A_255 = arith.addi %add3A_9, %mul3A_254 : i32
        %dma_wait3A_256 = arith.constant 2 : i32
        %dma_wait3A_257 = arith.constant 0 : i32
        %dma_wait3A_258 = tpu.memref_slice %arg6[%dma_wait3A_256, %dma_wait3A_257] : memref<4x80xi32, #tpu.memory_space<vmem>> -> memref<1x80xi32, #tpu.memory_space<vmem>>
        %dma_wait3A_259 = tpu.memref_squeeze %dma_wait3A_258 : memref<1x80xi32, #tpu.memory_space<vmem>> -> memref<80xi32, #tpu.memory_space<vmem>>
        %dma_wait3A_260 = tpu.memref_slice %arg3[%add3A_255] : memref<328000xi32, #tpu.memory_space<hbm>> -> memref<80xi32, #tpu.memory_space<hbm>>
        %dma_wait3A_261 = arith.constant 0 : i32
        %dma_wait3A_262 = tpu.memref_slice %arg6[%dma_wait3A_256, %dma_wait3A_261] : memref<4x80xi32, #tpu.memory_space<vmem>> -> memref<1x80xi32, #tpu.memory_space<vmem>>
        %dma_wait3A_263 = tpu.memref_squeeze %dma_wait3A_262 : memref<1x80xi32, #tpu.memory_space<vmem>> -> memref<80xi32, #tpu.memory_space<vmem>>
        %dma_wait3A_264 = tpu.memref_slice %arg3[%add3A_255] : memref<328000xi32, #tpu.memory_space<hbm>> -> memref<80xi32, #tpu.memory_space<hbm>>
        tpu.wait_dma2 semaphore(%arg12 : memref<!tpu.dma_semaphore, #tpu.memory_space<semaphore_mem>>) src(%dma_wait3A_264 : memref<80xi32, #tpu.memory_space<hbm>>) dst(%dma_wait3A_263 : memref<80xi32, #tpu.memory_space<vmem>>)
        %dma_start3A_265 = arith.constant 2 : i32
        %dma_start3A_266 = arith.constant 0 : i32
        %dma_start3A_267 = arith.constant 0 : i32
        %dma_start3A_268 = arith.constant 0 : i32
        %dma_start3A_269 = tpu.memref_slice %arg8[%dma_start3A_266, %dma_start3A_267, %dma_start3A_268] : memref<2x80x128xf32, #tpu.memory_space<vmem>> -> memref<1x80x128xf32, #tpu.memory_space<vmem>>
        %dma_start3A_270 = tpu.memref_squeeze %dma_start3A_269 : memref<1x80x128xf32, #tpu.memory_space<vmem>> -> memref<80x128xf32, #tpu.memory_space<vmem>>
        %dma_start3A_271 = arith.constant 0 : i32
        %dma_start3A_272 = tpu.memref_slice %arg6[%dma_start3A_265, %dma_start3A_271] : memref<4x80xi32, #tpu.memory_space<vmem>> -> memref<1x80xi32, #tpu.memory_space<vmem>>
        %dma_start3A_273 = tpu.memref_squeeze %dma_start3A_272 : memref<1x80xi32, #tpu.memory_space<vmem>> -> memref<80xi32, #tpu.memory_space<vmem>>
        %dma_start3A_274 = arith.constant 0 : i32
        %dma_start3A_275 = arith.constant 0 : i32
        %dma_start3A_276 = tpu.memref_slice %arg2[%dma_start3A_274, %dma_start3A_275] : memref<20480x128xf32, #tpu.memory_space<hbm>> -> memref<20480x128xf32, #tpu.memory_space<hbm>>
        tpu.enqueue_indirect_dma source(%dma_start3A_276 : memref<20480x128xf32, #tpu.memory_space<hbm>>) target(%dma_start3A_270 : memref<80x128xf32, #tpu.memory_space<vmem>>) offsets(%dma_start3A_273 : memref<80xi32, #tpu.memory_space<vmem>>) semaphore(%arg14 : memref<!tpu.dma_semaphore, #tpu.memory_space<semaphore_mem>>)
      } else {
      }
      %ge3A_191 = arith.constant 1 : i32
      %ge3A_192 = arith.cmpi sge, %add3A_177, %ge3A_191 : i32
      %le3A_193 = arith.constant 128 : i32
      %le3A_194 = arith.cmpi sle, %add3A_177, %le3A_193 : i32
      %and3A_195 = arith.andi %ge3A_192, %le3A_194 : i1
      %convert_element_type3A_196 = arith.extui %and3A_195 : i1 to i32
      %cond3A_197 = arith.constant 0 : i32
      %cond3A_198 = arith.cmpi ne, %convert_element_type3A_196, %cond3A_197 : i32
      scf.if %cond3A_198 {
        %dma_wait3A = arith.constant 1 : i32
        %dma_wait3A_242 = arith.constant 1 : i32
        %dma_wait3A_243 = arith.constant 0 : i32
        %dma_wait3A_244 = arith.constant 0 : i32
        %dma_wait3A_245 = tpu.memref_slice %arg8[%dma_wait3A_242, %dma_wait3A_243, %dma_wait3A_244] : memref<2x80x128xf32, #tpu.memory_space<vmem>> -> memref<1x80x128xf32, #tpu.memory_space<vmem>>
        %dma_wait3A_246 = tpu.memref_squeeze %dma_wait3A_245 : memref<1x80x128xf32, #tpu.memory_space<vmem>> -> memref<80x128xf32, #tpu.memory_space<vmem>>
        %dma_wait3A_247 = arith.constant 0 : i32
        %dma_wait3A_248 = tpu.memref_slice %arg6[%dma_wait3A, %dma_wait3A_247] : memref<4x80xi32, #tpu.memory_space<vmem>> -> memref<1x80xi32, #tpu.memory_space<vmem>>
        %dma_wait3A_249 = tpu.memref_squeeze %dma_wait3A_248 : memref<1x80xi32, #tpu.memory_space<vmem>> -> memref<80xi32, #tpu.memory_space<vmem>>
        %dma_wait3A_250 = arith.constant 0 : i32
        %dma_wait3A_251 = arith.constant 0 : i32
        %dma_wait3A_252 = tpu.memref_slice %arg2[%dma_wait3A_250, %dma_wait3A_251] : memref<20480x128xf32, #tpu.memory_space<hbm>> -> memref<20480x128xf32, #tpu.memory_space<hbm>>
        tpu.wait_indirect_dma semaphore(%arg15 : memref<!tpu.dma_semaphore, #tpu.memory_space<semaphore_mem>>) src(%dma_wait3A_252 : memref<20480x128xf32, #tpu.memory_space<hbm>>) dst(%dma_wait3A_246 : memref<80x128xf32, #tpu.memory_space<vmem>>)
        %dma_start3A_253 = arith.constant 1 : i32
        %dma_start3A_254 = arith.constant 1 : i32
        %dma_start3A_255 = arith.constant 0 : i32
        %dma_start3A_256 = arith.constant 0 : i32
        %dma_start3A_257 = tpu.memref_slice %arg8[%dma_start3A_253, %dma_start3A_255, %dma_start3A_256] : memref<2x80x128xf32, #tpu.memory_space<vmem>> -> memref<1x80x128xf32, #tpu.memory_space<vmem>>
        %dma_start3A_258 = tpu.memref_squeeze %dma_start3A_257 : memref<1x80x128xf32, #tpu.memory_space<vmem>> -> memref<80x128xf32, #tpu.memory_space<vmem>>
        %dma_start3A_259 = arith.constant 0 : i32
        %dma_start3A_260 = tpu.memref_slice %arg7[%dma_start3A_254, %dma_start3A_259] : memref<4x80xi32, #tpu.memory_space<vmem>> -> memref<1x80xi32, #tpu.memory_space<vmem>>
        %dma_start3A_261 = tpu.memref_squeeze %dma_start3A_260 : memref<1x80xi32, #tpu.memory_space<vmem>> -> memref<80xi32, #tpu.memory_space<vmem>>
        %dma_start3A_262 = arith.constant 0 : i32
        %dma_start3A_263 = arith.constant 0 : i32
        %dma_start3A_264 = tpu.memref_slice %arg9[%dma_start3A_262, %dma_start3A_263] : memref<10240x128xf32, #tpu.memory_space<vmem_shared>> -> memref<10240x128xf32, #tpu.memory_space<vmem_shared>>
        tpu.enqueue_indirect_dma source(%dma_start3A_258 : memref<80x128xf32, #tpu.memory_space<vmem>>) target(%dma_start3A_264 : memref<10240x128xf32, #tpu.memory_space<vmem_shared>>) offsets(%dma_start3A_261 : memref<80xi32, #tpu.memory_space<vmem>>) semaphore(%arg17 : memref<!tpu.dma_semaphore, #tpu.memory_space<semaphore_mem>>) {add = true}
      } else {
      }
      %ge3A_199 = arith.constant 2 : i32
      %ge3A_200 = arith.cmpi sge, %add3A_177, %ge3A_199 : i32
      %add3A_201 = arith.constant 2 : i32
      %add3A_202 = arith.addi %add3A_177, %add3A_201 : i32
      %lt3A_203 = arith.constant 128 : i32
      %lt3A_204 = arith.cmpi slt, %add3A_202, %lt3A_203 : i32
      %and3A_205 = arith.andi %ge3A_200, %lt3A_204 : i1
      %convert_element_type3A_206 = arith.extui %and3A_205 : i1 to i32
      %cond3A_207 = arith.constant 0 : i32
      %cond3A_208 = arith.cmpi ne, %convert_element_type3A_206, %cond3A_207 : i32
      scf.if %cond3A_208 {
        %add3A_242 = arith.constant 2 : i32
        %add3A_243 = arith.addi %add3A_177, %add3A_242 : i32
        %mul3A_244 = arith.constant 80 : i32
        %mul3A_245 = arith.muli %add3A_243, %mul3A_244 : i32
        %add3A_246 = arith.addi %mul3A_11, %mul3A_245 : i32
        %dma_start3A_247 = arith.constant 0 : i32
        %dma_start3A_248 = arith.constant 0 : i32
        %dma_start3A_249 = tpu.memref_slice %arg7[%dma_start3A_247, %dma_start3A_248] : memref<4x80xi32, #tpu.memory_space<vmem>> -> memref<1x80xi32, #tpu.memory_space<vmem>>
        %dma_start3A_250 = tpu.memref_squeeze %dma_start3A_249 : memref<1x80xi32, #tpu.memory_space<vmem>> -> memref<80xi32, #tpu.memory_space<vmem>>
        %dma_start3A_251 = tpu.memref_slice %arg4[%add3A_246] : memref<164000xi32, #tpu.memory_space<hbm>> -> memref<80xi32, #tpu.memory_space<hbm>>
        %dma_start3A_252 = arith.constant 0 : i32
        %dma_start3A_253 = tpu.memref_slice %arg7[%dma_start3A_247, %dma_start3A_252] : memref<4x80xi32, #tpu.memory_space<vmem>> -> memref<1x80xi32, #tpu.memory_space<vmem>>
        %dma_start3A_254 = tpu.memref_squeeze %dma_start3A_253 : memref<1x80xi32, #tpu.memory_space<vmem>> -> memref<80xi32, #tpu.memory_space<vmem>>
        %dma_start3A_255 = tpu.memref_slice %arg4[%add3A_246] : memref<164000xi32, #tpu.memory_space<hbm>> -> memref<80xi32, #tpu.memory_space<hbm>>
        tpu.enqueue_dma source(%dma_start3A_255 : memref<80xi32, #tpu.memory_space<hbm>>) target(%dma_start3A_254 : memref<80xi32, #tpu.memory_space<vmem>>) target_semaphore(%arg10 : memref<!tpu.dma_semaphore, #tpu.memory_space<semaphore_mem>>)
        %mul3A_256 = arith.constant 80 : i32
        %mul3A_257 = arith.muli %add3A_243, %mul3A_256 : i32
        %add3A_258 = arith.addi %add3A_9, %mul3A_257 : i32
        %dma_start3A_259 = arith.constant 0 : i32
        %dma_start3A_260 = arith.constant 0 : i32
        %dma_start3A_261 = tpu.memref_slice %arg6[%dma_start3A_259, %dma_start3A_260] : memref<4x80xi32, #tpu.memory_space<vmem>> -> memref<1x80xi32, #tpu.memory_space<vmem>>
        %dma_start3A_262 = tpu.memref_squeeze %dma_start3A_261 : memref<1x80xi32, #tpu.memory_space<vmem>> -> memref<80xi32, #tpu.memory_space<vmem>>
        %dma_start3A_263 = tpu.memref_slice %arg3[%add3A_258] : memref<328000xi32, #tpu.memory_space<hbm>> -> memref<80xi32, #tpu.memory_space<hbm>>
        %dma_start3A_264 = arith.constant 0 : i32
        %dma_start3A_265 = tpu.memref_slice %arg6[%dma_start3A_259, %dma_start3A_264] : memref<4x80xi32, #tpu.memory_space<vmem>> -> memref<1x80xi32, #tpu.memory_space<vmem>>
        %dma_start3A_266 = tpu.memref_squeeze %dma_start3A_265 : memref<1x80xi32, #tpu.memory_space<vmem>> -> memref<80xi32, #tpu.memory_space<vmem>>
        %dma_start3A_267 = tpu.memref_slice %arg3[%add3A_258] : memref<328000xi32, #tpu.memory_space<hbm>> -> memref<80xi32, #tpu.memory_space<hbm>>
        tpu.enqueue_dma source(%dma_start3A_267 : memref<80xi32, #tpu.memory_space<hbm>>) target(%dma_start3A_266 : memref<80xi32, #tpu.memory_space<vmem>>) target_semaphore(%arg10 : memref<!tpu.dma_semaphore, #tpu.memory_space<semaphore_mem>>)
      } else {
      }
      %add3A_209 = arith.constant 3 : i32
      %add3A_210 = arith.addi %add3A_115, %add3A_209 : i32
      %ge3A_211 = arith.constant 2 : i32
      %ge3A_212 = arith.cmpi sge, %add3A_210, %ge3A_211 : i32
      %le3A_213 = arith.constant 129 : i32
      %le3A_214 = arith.cmpi sle, %add3A_210, %le3A_213 : i32
      %and3A_215 = arith.andi %ge3A_212, %le3A_214 : i1
      %convert_element_type3A_216 = arith.extui %and3A_215 : i1 to i32
      %cond3A_217 = arith.constant 0 : i32
      %cond3A_218 = arith.cmpi ne, %convert_element_type3A_216, %cond3A_217 : i32
      scf.if %cond3A_218 {
        %dma_wait3A = arith.constant 1 : i32
        %dma_wait3A_242 = arith.constant 1 : i32
        %dma_wait3A_243 = arith.constant 0 : i32
        %dma_wait3A_244 = arith.constant 0 : i32
        %dma_wait3A_245 = tpu.memref_slice %arg8[%dma_wait3A, %dma_wait3A_243, %dma_wait3A_244] : memref<2x80x128xf32, #tpu.memory_space<vmem>> -> memref<1x80x128xf32, #tpu.memory_space<vmem>>
        %dma_wait3A_246 = tpu.memref_squeeze %dma_wait3A_245 : memref<1x80x128xf32, #tpu.memory_space<vmem>> -> memref<80x128xf32, #tpu.memory_space<vmem>>
        %dma_wait3A_247 = arith.constant 0 : i32
        %dma_wait3A_248 = tpu.memref_slice %arg7[%dma_wait3A_242, %dma_wait3A_247] : memref<4x80xi32, #tpu.memory_space<vmem>> -> memref<1x80xi32, #tpu.memory_space<vmem>>
        %dma_wait3A_249 = tpu.memref_squeeze %dma_wait3A_248 : memref<1x80xi32, #tpu.memory_space<vmem>> -> memref<80xi32, #tpu.memory_space<vmem>>
        %dma_wait3A_250 = arith.constant 0 : i32
        %dma_wait3A_251 = arith.constant 0 : i32
        %dma_wait3A_252 = tpu.memref_slice %arg9[%dma_wait3A_250, %dma_wait3A_251] : memref<10240x128xf32, #tpu.memory_space<vmem_shared>> -> memref<10240x128xf32, #tpu.memory_space<vmem_shared>>
        tpu.wait_indirect_dma semaphore(%arg17 : memref<!tpu.dma_semaphore, #tpu.memory_space<semaphore_mem>>) src(%dma_wait3A_246 : memref<80x128xf32, #tpu.memory_space<vmem>>) dst(%dma_wait3A_252 : memref<10240x128xf32, #tpu.memory_space<vmem_shared>>)
      } else {
      }
      %lt3A_219 = arith.constant 128 : i32
      %lt3A_220 = arith.cmpi slt, %add3A_210, %lt3A_219 : i32
      %convert_element_type3A_221 = arith.extui %lt3A_220 : i1 to i32
      %cond3A_222 = arith.constant 0 : i32
      %cond3A_223 = arith.cmpi ne, %convert_element_type3A_221, %cond3A_222 : i32
      scf.if %cond3A_223 {
        %mul3A_242 = arith.constant 80 : i32
        %mul3A_243 = arith.muli %add3A_210, %mul3A_242 : i32
        %add3A_244 = arith.addi %mul3A_11, %mul3A_243 : i32
        %dma_wait3A = arith.constant 3 : i32
        %dma_wait3A_245 = arith.constant 0 : i32
        %dma_wait3A_246 = tpu.memref_slice %arg7[%dma_wait3A, %dma_wait3A_245] : memref<4x80xi32, #tpu.memory_space<vmem>> -> memref<1x80xi32, #tpu.memory_space<vmem>>
        %dma_wait3A_247 = tpu.memref_squeeze %dma_wait3A_246 : memref<1x80xi32, #tpu.memory_space<vmem>> -> memref<80xi32, #tpu.memory_space<vmem>>
        %dma_wait3A_248 = tpu.memref_slice %arg4[%add3A_244] : memref<164000xi32, #tpu.memory_space<hbm>> -> memref<80xi32, #tpu.memory_space<hbm>>
        %dma_wait3A_249 = arith.constant 0 : i32
        %dma_wait3A_250 = tpu.memref_slice %arg7[%dma_wait3A, %dma_wait3A_249] : memref<4x80xi32, #tpu.memory_space<vmem>> -> memref<1x80xi32, #tpu.memory_space<vmem>>
        %dma_wait3A_251 = tpu.memref_squeeze %dma_wait3A_250 : memref<1x80xi32, #tpu.memory_space<vmem>> -> memref<80xi32, #tpu.memory_space<vmem>>
        %dma_wait3A_252 = tpu.memref_slice %arg4[%add3A_244] : memref<164000xi32, #tpu.memory_space<hbm>> -> memref<80xi32, #tpu.memory_space<hbm>>
        tpu.wait_dma2 semaphore(%arg13 : memref<!tpu.dma_semaphore, #tpu.memory_space<semaphore_mem>>) src(%dma_wait3A_252 : memref<80xi32, #tpu.memory_space<hbm>>) dst(%dma_wait3A_251 : memref<80xi32, #tpu.memory_space<vmem>>)
        %mul3A_253 = arith.constant 80 : i32
        %mul3A_254 = arith.muli %add3A_210, %mul3A_253 : i32
        %add3A_255 = arith.addi %add3A_9, %mul3A_254 : i32
        %dma_wait3A_256 = arith.constant 3 : i32
        %dma_wait3A_257 = arith.constant 0 : i32
        %dma_wait3A_258 = tpu.memref_slice %arg6[%dma_wait3A_256, %dma_wait3A_257] : memref<4x80xi32, #tpu.memory_space<vmem>> -> memref<1x80xi32, #tpu.memory_space<vmem>>
        %dma_wait3A_259 = tpu.memref_squeeze %dma_wait3A_258 : memref<1x80xi32, #tpu.memory_space<vmem>> -> memref<80xi32, #tpu.memory_space<vmem>>
        %dma_wait3A_260 = tpu.memref_slice %arg3[%add3A_255] : memref<328000xi32, #tpu.memory_space<hbm>> -> memref<80xi32, #tpu.memory_space<hbm>>
        %dma_wait3A_261 = arith.constant 0 : i32
        %dma_wait3A_262 = tpu.memref_slice %arg6[%dma_wait3A_256, %dma_wait3A_261] : memref<4x80xi32, #tpu.memory_space<vmem>> -> memref<1x80xi32, #tpu.memory_space<vmem>>
        %dma_wait3A_263 = tpu.memref_squeeze %dma_wait3A_262 : memref<1x80xi32, #tpu.memory_space<vmem>> -> memref<80xi32, #tpu.memory_space<vmem>>
        %dma_wait3A_264 = tpu.memref_slice %arg3[%add3A_255] : memref<328000xi32, #tpu.memory_space<hbm>> -> memref<80xi32, #tpu.memory_space<hbm>>
        tpu.wait_dma2 semaphore(%arg13 : memref<!tpu.dma_semaphore, #tpu.memory_space<semaphore_mem>>) src(%dma_wait3A_264 : memref<80xi32, #tpu.memory_space<hbm>>) dst(%dma_wait3A_263 : memref<80xi32, #tpu.memory_space<vmem>>)
        %dma_start3A_265 = arith.constant 3 : i32
        %dma_start3A_266 = arith.constant 1 : i32
        %dma_start3A_267 = arith.constant 0 : i32
        %dma_start3A_268 = arith.constant 0 : i32
        %dma_start3A_269 = tpu.memref_slice %arg8[%dma_start3A_266, %dma_start3A_267, %dma_start3A_268] : memref<2x80x128xf32, #tpu.memory_space<vmem>> -> memref<1x80x128xf32, #tpu.memory_space<vmem>>
        %dma_start3A_270 = tpu.memref_squeeze %dma_start3A_269 : memref<1x80x128xf32, #tpu.memory_space<vmem>> -> memref<80x128xf32, #tpu.memory_space<vmem>>
        %dma_start3A_271 = arith.constant 0 : i32
        %dma_start3A_272 = tpu.memref_slice %arg6[%dma_start3A_265, %dma_start3A_271] : memref<4x80xi32, #tpu.memory_space<vmem>> -> memref<1x80xi32, #tpu.memory_space<vmem>>
        %dma_start3A_273 = tpu.memref_squeeze %dma_start3A_272 : memref<1x80xi32, #tpu.memory_space<vmem>> -> memref<80xi32, #tpu.memory_space<vmem>>
        %dma_start3A_274 = arith.constant 0 : i32
        %dma_start3A_275 = arith.constant 0 : i32
        %dma_start3A_276 = tpu.memref_slice %arg2[%dma_start3A_274, %dma_start3A_275] : memref<20480x128xf32, #tpu.memory_space<hbm>> -> memref<20480x128xf32, #tpu.memory_space<hbm>>
        tpu.enqueue_indirect_dma source(%dma_start3A_276 : memref<20480x128xf32, #tpu.memory_space<hbm>>) target(%dma_start3A_270 : memref<80x128xf32, #tpu.memory_space<vmem>>) offsets(%dma_start3A_273 : memref<80xi32, #tpu.memory_space<vmem>>) semaphore(%arg15 : memref<!tpu.dma_semaphore, #tpu.memory_space<semaphore_mem>>)
      } else {
      }
      %ge3A_224 = arith.constant 1 : i32
      %ge3A_225 = arith.cmpi sge, %add3A_210, %ge3A_224 : i32
      %le3A_226 = arith.constant 128 : i32
      %le3A_227 = arith.cmpi sle, %add3A_210, %le3A_226 : i32
      %and3A_228 = arith.andi %ge3A_225, %le3A_227 : i1
      %convert_element_type3A_229 = arith.extui %and3A_228 : i1 to i32
      %cond3A_230 = arith.constant 0 : i32
      %cond3A_231 = arith.cmpi ne, %convert_element_type3A_229, %cond3A_230 : i32
      scf.if %cond3A_231 {
        %dma_wait3A = arith.constant 2 : i32
        %dma_wait3A_242 = arith.constant 0 : i32
        %dma_wait3A_243 = arith.constant 0 : i32
        %dma_wait3A_244 = arith.constant 0 : i32
        %dma_wait3A_245 = tpu.memref_slice %arg8[%dma_wait3A_242, %dma_wait3A_243, %dma_wait3A_244] : memref<2x80x128xf32, #tpu.memory_space<vmem>> -> memref<1x80x128xf32, #tpu.memory_space<vmem>>
        %dma_wait3A_246 = tpu.memref_squeeze %dma_wait3A_245 : memref<1x80x128xf32, #tpu.memory_space<vmem>> -> memref<80x128xf32, #tpu.memory_space<vmem>>
        %dma_wait3A_247 = arith.constant 0 : i32
        %dma_wait3A_248 = tpu.memref_slice %arg6[%dma_wait3A, %dma_wait3A_247] : memref<4x80xi32, #tpu.memory_space<vmem>> -> memref<1x80xi32, #tpu.memory_space<vmem>>
        %dma_wait3A_249 = tpu.memref_squeeze %dma_wait3A_248 : memref<1x80xi32, #tpu.memory_space<vmem>> -> memref<80xi32, #tpu.memory_space<vmem>>
        %dma_wait3A_250 = arith.constant 0 : i32
        %dma_wait3A_251 = arith.constant 0 : i32
        %dma_wait3A_252 = tpu.memref_slice %arg2[%dma_wait3A_250, %dma_wait3A_251] : memref<20480x128xf32, #tpu.memory_space<hbm>> -> memref<20480x128xf32, #tpu.memory_space<hbm>>
        tpu.wait_indirect_dma semaphore(%arg14 : memref<!tpu.dma_semaphore, #tpu.memory_space<semaphore_mem>>) src(%dma_wait3A_252 : memref<20480x128xf32, #tpu.memory_space<hbm>>) dst(%dma_wait3A_246 : memref<80x128xf32, #tpu.memory_space<vmem>>)
        %dma_start3A_253 = arith.constant 0 : i32
        %dma_start3A_254 = arith.constant 2 : i32
        %dma_start3A_255 = arith.constant 0 : i32
        %dma_start3A_256 = arith.constant 0 : i32
        %dma_start3A_257 = tpu.memref_slice %arg8[%dma_start3A_253, %dma_start3A_255, %dma_start3A_256] : memref<2x80x128xf32, #tpu.memory_space<vmem>> -> memref<1x80x128xf32, #tpu.memory_space<vmem>>
        %dma_start3A_258 = tpu.memref_squeeze %dma_start3A_257 : memref<1x80x128xf32, #tpu.memory_space<vmem>> -> memref<80x128xf32, #tpu.memory_space<vmem>>
        %dma_start3A_259 = arith.constant 0 : i32
        %dma_start3A_260 = tpu.memref_slice %arg7[%dma_start3A_254, %dma_start3A_259] : memref<4x80xi32, #tpu.memory_space<vmem>> -> memref<1x80xi32, #tpu.memory_space<vmem>>
        %dma_start3A_261 = tpu.memref_squeeze %dma_start3A_260 : memref<1x80xi32, #tpu.memory_space<vmem>> -> memref<80xi32, #tpu.memory_space<vmem>>
        %dma_start3A_262 = arith.constant 0 : i32
        %dma_start3A_263 = arith.constant 0 : i32
        %dma_start3A_264 = tpu.memref_slice %arg9[%dma_start3A_262, %dma_start3A_263] : memref<10240x128xf32, #tpu.memory_space<vmem_shared>> -> memref<10240x128xf32, #tpu.memory_space<vmem_shared>>
        tpu.enqueue_indirect_dma source(%dma_start3A_258 : memref<80x128xf32, #tpu.memory_space<vmem>>) target(%dma_start3A_264 : memref<10240x128xf32, #tpu.memory_space<vmem_shared>>) offsets(%dma_start3A_261 : memref<80xi32, #tpu.memory_space<vmem>>) semaphore(%arg16 : memref<!tpu.dma_semaphore, #tpu.memory_space<semaphore_mem>>) {add = true}
      } else {
      }
      %ge3A_232 = arith.constant 2 : i32
      %ge3A_233 = arith.cmpi sge, %add3A_210, %ge3A_232 : i32
      %add3A_234 = arith.constant 2 : i32
      %add3A_235 = arith.addi %add3A_210, %add3A_234 : i32
      %lt3A_236 = arith.constant 128 : i32
      %lt3A_237 = arith.cmpi slt, %add3A_235, %lt3A_236 : i32
      %and3A_238 = arith.andi %ge3A_233, %lt3A_237 : i1
      %convert_element_type3A_239 = arith.extui %and3A_238 : i1 to i32
      %cond3A_240 = arith.constant 0 : i32
      %cond3A_241 = arith.cmpi ne, %convert_element_type3A_239, %cond3A_240 : i32
      scf.if %cond3A_241 {
        %add3A_242 = arith.constant 2 : i32
        %add3A_243 = arith.addi %add3A_210, %add3A_242 : i32
        %mul3A_244 = arith.constant 80 : i32
        %mul3A_245 = arith.muli %add3A_243, %mul3A_244 : i32
        %add3A_246 = arith.addi %mul3A_11, %mul3A_245 : i32
        %dma_start3A_247 = arith.constant 1 : i32
        %dma_start3A_248 = arith.constant 0 : i32
        %dma_start3A_249 = tpu.memref_slice %arg7[%dma_start3A_247, %dma_start3A_248] : memref<4x80xi32, #tpu.memory_space<vmem>> -> memref<1x80xi32, #tpu.memory_space<vmem>>
        %dma_start3A_250 = tpu.memref_squeeze %dma_start3A_249 : memref<1x80xi32, #tpu.memory_space<vmem>> -> memref<80xi32, #tpu.memory_space<vmem>>
        %dma_start3A_251 = tpu.memref_slice %arg4[%add3A_246] : memref<164000xi32, #tpu.memory_space<hbm>> -> memref<80xi32, #tpu.memory_space<hbm>>
        %dma_start3A_252 = arith.constant 0 : i32
        %dma_start3A_253 = tpu.memref_slice %arg7[%dma_start3A_247, %dma_start3A_252] : memref<4x80xi32, #tpu.memory_space<vmem>> -> memref<1x80xi32, #tpu.memory_space<vmem>>
        %dma_start3A_254 = tpu.memref_squeeze %dma_start3A_253 : memref<1x80xi32, #tpu.memory_space<vmem>> -> memref<80xi32, #tpu.memory_space<vmem>>
        %dma_start3A_255 = tpu.memref_slice %arg4[%add3A_246] : memref<164000xi32, #tpu.memory_space<hbm>> -> memref<80xi32, #tpu.memory_space<hbm>>
        tpu.enqueue_dma source(%dma_start3A_255 : memref<80xi32, #tpu.memory_space<hbm>>) target(%dma_start3A_254 : memref<80xi32, #tpu.memory_space<vmem>>) target_semaphore(%arg11 : memref<!tpu.dma_semaphore, #tpu.memory_space<semaphore_mem>>)
        %mul3A_256 = arith.constant 80 : i32
        %mul3A_257 = arith.muli %add3A_243, %mul3A_256 : i32
        %add3A_258 = arith.addi %add3A_9, %mul3A_257 : i32
        %dma_start3A_259 = arith.constant 1 : i32
        %dma_start3A_260 = arith.constant 0 : i32
        %dma_start3A_261 = tpu.memref_slice %arg6[%dma_start3A_259, %dma_start3A_260] : memref<4x80xi32, #tpu.memory_space<vmem>> -> memref<1x80xi32, #tpu.memory_space<vmem>>
        %dma_start3A_262 = tpu.memref_squeeze %dma_start3A_261 : memref<1x80xi32, #tpu.memory_space<vmem>> -> memref<80xi32, #tpu.memory_space<vmem>>
        %dma_start3A_263 = tpu.memref_slice %arg3[%add3A_258] : memref<328000xi32, #tpu.memory_space<hbm>> -> memref<80xi32, #tpu.memory_space<hbm>>
        %dma_start3A_264 = arith.constant 0 : i32
        %dma_start3A_265 = tpu.memref_slice %arg6[%dma_start3A_259, %dma_start3A_264] : memref<4x80xi32, #tpu.memory_space<vmem>> -> memref<1x80xi32, #tpu.memory_space<vmem>>
        %dma_start3A_266 = tpu.memref_squeeze %dma_start3A_265 : memref<1x80xi32, #tpu.memory_space<vmem>> -> memref<80xi32, #tpu.memory_space<vmem>>
        %dma_start3A_267 = tpu.memref_slice %arg3[%add3A_258] : memref<328000xi32, #tpu.memory_space<hbm>> -> memref<80xi32, #tpu.memory_space<hbm>>
        tpu.enqueue_dma source(%dma_start3A_267 : memref<80xi32, #tpu.memory_space<hbm>>) target(%dma_start3A_266 : memref<80xi32, #tpu.memory_space<vmem>>) target_semaphore(%arg11 : memref<!tpu.dma_semaphore, #tpu.memory_space<semaphore_mem>>)
      } else {
      }
    }
    %scan3A_102 = arith.constant 33 : i32
    %barrier3A_103 = arith.constant 0 : index
    tpu.barrier barrier_id(%barrier3A_103)
    %mul3A_104 = arith.constant 640 : i32
    %mul3A_105 = arith.muli %arg1, %mul3A_104 : i32
    %mul3A_106 = arith.constant 10240 : i32
    %mul3A_107 = arith.muli %arg0, %mul3A_106 : i32
    %mul3A_108 = arith.constant 640 : i32
    %mul3A_109 = arith.muli %arg1, %mul3A_108 : i32
    %add3A_110 = arith.addi %mul3A_107, %mul3A_109 : i32
    "tpu.region"() ({
      %run_scoped3A = tpu.sem_alloc : memref<!tpu.dma_semaphore, #tpu.memory_space<semaphore_mem>>
      %dma_start3A_111 = arith.constant 0 : i32
      %dma_start3A_112 = tpu.memref_slice %arg5[%add3A_110, %dma_start3A_111] : memref<20480x128xf32, #tpu.memory_space<hbm>> -> memref<640x128xf32, #tpu.memory_space<hbm>>
      %dma_start3A_113 = arith.constant 0 : i32
      %dma_start3A_114 = tpu.memref_slice %arg9[%mul3A_105, %dma_start3A_113] : memref<10240x128xf32, #tpu.memory_space<vmem_shared>> -> memref<640x128xf32, #tpu.memory_space<vmem_shared>>
      tpu.enqueue_dma source(%dma_start3A_114 : memref<640x128xf32, #tpu.memory_space<vmem_shared>>) target(%dma_start3A_112 : memref<640x128xf32, #tpu.memory_space<hbm>>) target_semaphore(%run_scoped3A : memref<!tpu.dma_semaphore, #tpu.memory_space<semaphore_mem>>)
      %dma_wait3A = arith.constant 0 : i32
      %dma_wait3A_115 = tpu.memref_slice %arg5[%add3A_110, %dma_wait3A] : memref<20480x128xf32, #tpu.memory_space<hbm>> -> memref<640x128xf32, #tpu.memory_space<hbm>>
      %dma_wait3A_116 = arith.constant 0 : i32
      %dma_wait3A_117 = tpu.memref_slice %arg9[%mul3A_105, %dma_wait3A_116] : memref<10240x128xf32, #tpu.memory_space<vmem_shared>> -> memref<640x128xf32, #tpu.memory_space<vmem_shared>>
      tpu.wait_dma2 semaphore(%run_scoped3A : memref<!tpu.dma_semaphore, #tpu.memory_space<semaphore_mem>>) src(%dma_wait3A_117 : memref<640x128xf32, #tpu.memory_space<vmem_shared>>) dst(%dma_wait3A_115 : memref<640x128xf32, #tpu.memory_space<hbm>>)
      tpu.yield
    }) : () -> ()
    return
  }
}

#map = affine_map<(d0, d1) -> (0, 0)>
#map1 = affine_map<(d0, d1) -> (0)>
module attributes {stable_mosaic.version = 14 : i64} {
  func.func @k(%arg0: i32, %arg1: i32, %arg2: memref<20480x128xf32, #tpu.memory_space<hbm>>, %arg3: memref<328000xi32, #tpu.memory_space<hbm>>, %arg4: memref<164000xi32, #tpu.memory_space<hbm>>, %arg5: memref<20480x128xf32, #tpu.memory_space<hbm>>, %arg6: memref<4x80xi32, #tpu.memory_space<vmem>>, %arg7: memref<4x80xi32, #tpu.memory_space<vmem>>, %arg8: memref<2x80x128xf32, #tpu.memory_space<vmem>>, %arg9: memref<10240x128xf32, #tpu.memory_space<vmem_shared>>, %arg10: memref<!tpu.dma_semaphore, #tpu.memory_space<semaphore_mem>>, %arg11: memref<!tpu.dma_semaphore, #tpu.memory_space<semaphore_mem>>, %arg12: memref<!tpu.dma_semaphore, #tpu.memory_space<semaphore_mem>>, %arg13: memref<!tpu.dma_semaphore, #tpu.memory_space<semaphore_mem>>, %arg14: memref<!tpu.dma_semaphore, #tpu.memory_space<semaphore_mem>>, %arg15: memref<!tpu.dma_semaphore, #tpu.memory_space<semaphore_mem>>, %arg16: memref<!tpu.dma_semaphore, #tpu.memory_space<semaphore_mem>>, %arg17: memref<!tpu.dma_semaphore, #tpu.memory_space<semaphore_mem>>) attributes {dimension_semantics = [#tpu.dimension_semantics<core_parallel>, #tpu.dimension_semantics<subcore_parallel>], iteration_bounds = array<i64: 2, 16>, scalar_prefetch = 0 : i64, scratch_operands = 12 : i64, tpu.core_type = #tpu.core_type<sc_vector_subcore>, window_params = [{transform_indices = #map}, {transform_indices = #map1}, {transform_indices = #map1}, {transform_indices = #map}]} {
    %mul3A = arith.constant 10240 : i32
    %mul3A_0 = arith.muli %arg0, %mul3A : i32
    %mul3A_1 = arith.constant 640 : i32
    %mul3A_2 = arith.muli %arg1, %mul3A_1 : i32
    %add3A = arith.addi %mul3A_0, %mul3A_2 : i32
    %mul3A_3 = arith.constant 640 : i32
    %mul3A_4 = arith.muli %arg1, %mul3A_3 : i32
    "tpu.region"() ({
      %run_scoped3A = tpu.sem_alloc : memref<!tpu.dma_semaphore, #tpu.memory_space<semaphore_mem>>
      %dma_start3A_111 = arith.constant 0 : i32
      %dma_start3A_112 = tpu.memref_slice %arg9[%mul3A_4, %dma_start3A_111] : memref<10240x128xf32, #tpu.memory_space<vmem_shared>> -> memref<640x128xf32, #tpu.memory_space<vmem_shared>>
      %dma_start3A_113 = arith.constant 0 : i32
      %dma_start3A_114 = tpu.memref_slice %arg2[%add3A, %dma_start3A_113] : memref<20480x128xf32, #tpu.memory_space<hbm>> -> memref<640x128xf32, #tpu.memory_space<hbm>>
      tpu.enqueue_dma source(%dma_start3A_114 : memref<640x128xf32, #tpu.memory_space<hbm>>) target(%dma_start3A_112 : memref<640x128xf32, #tpu.memory_space<vmem_shared>>) target_semaphore(%run_scoped3A : memref<!tpu.dma_semaphore, #tpu.memory_space<semaphore_mem>>)
      %dma_wait3A = arith.constant 0 : i32
      %dma_wait3A_115 = tpu.memref_slice %arg9[%mul3A_4, %dma_wait3A] : memref<10240x128xf32, #tpu.memory_space<vmem_shared>> -> memref<640x128xf32, #tpu.memory_space<vmem_shared>>
      %dma_wait3A_116 = arith.constant 0 : i32
      %dma_wait3A_117 = tpu.memref_slice %arg2[%add3A, %dma_wait3A_116] : memref<20480x128xf32, #tpu.memory_space<hbm>> -> memref<640x128xf32, #tpu.memory_space<hbm>>
      tpu.wait_dma2 semaphore(%run_scoped3A : memref<!tpu.dma_semaphore, #tpu.memory_space<semaphore_mem>>) src(%dma_wait3A_117 : memref<640x128xf32, #tpu.memory_space<hbm>>) dst(%dma_wait3A_115 : memref<640x128xf32, #tpu.memory_space<vmem_shared>>)
      tpu.yield
    }) : () -> ()
    %barrier3A = arith.constant 0 : index
    tpu.barrier barrier_id(%barrier3A)
    %mul3A_5 = arith.constant 164000 : i32
    %mul3A_6 = arith.muli %arg0, %mul3A_5 : i32
    %mul3A_7 = arith.constant 10240 : i32
    %mul3A_8 = arith.muli %arg1, %mul3A_7 : i32
    %add3A_9 = arith.addi %mul3A_6, %mul3A_8 : i32
    %mul3A_10 = arith.constant 10240 : i32
    %mul3A_11 = arith.muli %arg1, %mul3A_10 : i32
    %add3A_12 = arith.constant 0 : i32
    %add3A_13 = arith.addi %mul3A_11, %add3A_12 : i32
    %dma_start3A = arith.constant 0 : i32
    %dma_start3A_14 = arith.constant 0 : i32
    %dma_start3A_15 = tpu.memref_slice %arg7[%dma_start3A, %dma_start3A_14] : memref<4x80xi32, #tpu.memory_space<vmem>> -> memref<1x80xi32, #tpu.memory_space<vmem>>
    %dma_start3A_16 = tpu.memref_squeeze %dma_start3A_15 : memref<1x80xi32, #tpu.memory_space<vmem>> -> memref<80xi32, #tpu.memory_space<vmem>>
    %dma_start3A_17 = tpu.memref_slice %arg4[%add3A_13] : memref<164000xi32, #tpu.memory_space<hbm>> -> memref<80xi32, #tpu.memory_space<hbm>>
    %dma_start3A_18 = arith.constant 0 : i32
    %dma_start3A_19 = tpu.memref_slice %arg7[%dma_start3A, %dma_start3A_18] : memref<4x80xi32, #tpu.memory_space<vmem>> -> memref<1x80xi32, #tpu.memory_space<vmem>>
    %dma_start3A_20 = tpu.memref_squeeze %dma_start3A_19 : memref<1x80xi32, #tpu.memory_space<vmem>> -> memref<80xi32, #tpu.memory_space<vmem>>
    %dma_start3A_21 = tpu.memref_slice %arg4[%add3A_13] : memref<164000xi32, #tpu.memory_space<hbm>> -> memref<80xi32, #tpu.memory_space<hbm>>
    tpu.enqueue_dma source(%dma_start3A_21 : memref<80xi32, #tpu.memory_space<hbm>>) target(%dma_start3A_20 : memref<80xi32, #tpu.memory_space<vmem>>) target_semaphore(%arg10 : memref<!tpu.dma_semaphore, #tpu.memory_space<semaphore_mem>>)
    %add3A_22 = arith.constant 0 : i32
    %add3A_23 = arith.addi %add3A_9, %add3A_22 : i32
    %dma_start3A_24 = arith.constant 0 : i32
    %dma_start3A_25 = arith.constant 0 : i32
    %dma_start3A_26 = tpu.memref_slice %arg6[%dma_start3A_24, %dma_start3A_25] : memref<4x80xi32, #tpu.memory_space<vmem>> -> memref<1x80xi32, #tpu.memory_space<vmem>>
    %dma_start3A_27 = tpu.memref_squeeze %dma_start3A_26 : memref<1x80xi32, #tpu.memory_space<vmem>> -> memref<80xi32, #tpu.memory_space<vmem>>
    %dma_start3A_28 = tpu.memref_slice %arg3[%add3A_23] : memref<328000xi32, #tpu.memory_space<hbm>> -> memref<80xi32, #tpu.memory_space<hbm>>
    %dma_start3A_29 = arith.constant 0 : i32
    %dma_start3A_30 = tpu.memref_slice %arg6[%dma_start3A_24, %dma_start3A_29] : memref<4x80xi32, #tpu.memory_space<vmem>> -> memref<1x80xi32, #tpu.memory_space<vmem>>
    %dma_start3A_31 = tpu.memref_squeeze %dma_start3A_30 : memref<1x80xi32, #tpu.memory_space<vmem>> -> memref<80xi32, #tpu.memory_space<vmem>>
    %dma_start3A_32 = tpu.memref_slice %arg3[%add3A_23] : memref<328000xi32, #tpu.memory_space<hbm>> -> memref<80xi32, #tpu.memory_space<hbm>>
    tpu.enqueue_dma source(%dma_start3A_32 : memref<80xi32, #tpu.memory_space<hbm>>) target(%dma_start3A_31 : memref<80xi32, #tpu.memory_space<vmem>>) target_semaphore(%arg10 : memref<!tpu.dma_semaphore, #tpu.memory_space<semaphore_mem>>)
    %add3A_33 = arith.constant 80 : i32
    %add3A_34 = arith.addi %mul3A_11, %add3A_33 : i32
    %dma_start3A_35 = arith.constant 1 : i32
    %dma_start3A_36 = arith.constant 0 : i32
    %dma_start3A_37 = tpu.memref_slice %arg7[%dma_start3A_35, %dma_start3A_36] : memref<4x80xi32, #tpu.memory_space<vmem>> -> memref<1x80xi32, #tpu.memory_space<vmem>>
    %dma_start3A_38 = tpu.memref_squeeze %dma_start3A_37 : memref<1x80xi32, #tpu.memory_space<vmem>> -> memref<80xi32, #tpu.memory_space<vmem>>
    %dma_start3A_39 = tpu.memref_slice %arg4[%add3A_34] : memref<164000xi32, #tpu.memory_space<hbm>> -> memref<80xi32, #tpu.memory_space<hbm>>
    %dma_start3A_40 = arith.constant 0 : i32
    %dma_start3A_41 = tpu.memref_slice %arg7[%dma_start3A_35, %dma_start3A_40] : memref<4x80xi32, #tpu.memory_space<vmem>> -> memref<1x80xi32, #tpu.memory_space<vmem>>
    %dma_start3A_42 = tpu.memref_squeeze %dma_start3A_41 : memref<1x80xi32, #tpu.memory_space<vmem>> -> memref<80xi32, #tpu.memory_space<vmem>>
    %dma_start3A_43 = tpu.memref_slice %arg4[%add3A_34] : memref<164000xi32, #tpu.memory_space<hbm>> -> memref<80xi32, #tpu.memory_space<hbm>>
    tpu.enqueue_dma source(%dma_start3A_43 : memref<80xi32, #tpu.memory_space<hbm>>) target(%dma_start3A_42 : memref<80xi32, #tpu.memory_space<vmem>>) target_semaphore(%arg11 : memref<!tpu.dma_semaphore, #tpu.memory_space<semaphore_mem>>)
    %add3A_44 = arith.constant 80 : i32
    %add3A_45 = arith.addi %add3A_9, %add3A_44 : i32
    %dma_start3A_46 = arith.constant 1 : i32
    %dma_start3A_47 = arith.constant 0 : i32
    %dma_start3A_48 = tpu.memref_slice %arg6[%dma_start3A_46, %dma_start3A_47] : memref<4x80xi32, #tpu.memory_space<vmem>> -> memref<1x80xi32, #tpu.memory_space<vmem>>
    %dma_start3A_49 = tpu.memref_squeeze %dma_start3A_48 : memref<1x80xi32, #tpu.memory_space<vmem>> -> memref<80xi32, #tpu.memory_space<vmem>>
    %dma_start3A_50 = tpu.memref_slice %arg3[%add3A_45] : memref<328000xi32, #tpu.memory_space<hbm>> -> memref<80xi32, #tpu.memory_space<hbm>>
    %dma_start3A_51 = arith.constant 0 : i32
    %dma_start3A_52 = tpu.memref_slice %arg6[%dma_start3A_46, %dma_start3A_51] : memref<4x80xi32, #tpu.memory_space<vmem>> -> memref<1x80xi32, #tpu.memory_space<vmem>>
    %dma_start3A_53 = tpu.memref_squeeze %dma_start3A_52 : memref<1x80xi32, #tpu.memory_space<vmem>> -> memref<80xi32, #tpu.memory_space<vmem>>
    %dma_start3A_54 = tpu.memref_slice %arg3[%add3A_45] : memref<328000xi32, #tpu.memory_space<hbm>> -> memref<80xi32, #tpu.memory_space<hbm>>
    tpu.enqueue_dma source(%dma_start3A_54 : memref<80xi32, #tpu.memory_space<hbm>>) target(%dma_start3A_53 : memref<80xi32, #tpu.memory_space<vmem>>) target_semaphore(%arg11 : memref<!tpu.dma_semaphore, #tpu.memory_space<semaphore_mem>>)
    %add3A_55 = arith.constant 160 : i32
    %add3A_56 = arith.addi %mul3A_11, %add3A_55 : i32
    %dma_start3A_57 = arith.constant 2 : i32
    %dma_start3A_58 = arith.constant 0 : i32
    %dma_start3A_59 = tpu.memref_slice %arg7[%dma_start3A_57, %dma_start3A_58] : memref<4x80xi32, #tpu.memory_space<vmem>> -> memref<1x80xi32, #tpu.memory_space<vmem>>
    %dma_start3A_60 = tpu.memref_squeeze %dma_start3A_59 : memref<1x80xi32, #tpu.memory_space<vmem>> -> memref<80xi32, #tpu.memory_space<vmem>>
    %dma_start3A_61 = tpu.memref_slice %arg4[%add3A_56] : memref<164000xi32, #tpu.memory_space<hbm>> -> memref<80xi32, #tpu.memory_space<hbm>>
    %dma_start3A_62 = arith.constant 0 : i32
    %dma_start3A_63 = tpu.memref_slice %arg7[%dma_start3A_57, %dma_start3A_62] : memref<4x80xi32, #tpu.memory_space<vmem>> -> memref<1x80xi32, #tpu.memory_space<vmem>>
    %dma_start3A_64 = tpu.memref_squeeze %dma_start3A_63 : memref<1x80xi32, #tpu.memory_space<vmem>> -> memref<80xi32, #tpu.memory_space<vmem>>
    %dma_start3A_65 = tpu.memref_slice %arg4[%add3A_56] : memref<164000xi32, #tpu.memory_space<hbm>> -> memref<80xi32, #tpu.memory_space<hbm>>
    tpu.enqueue_dma source(%dma_start3A_65 : memref<80xi32, #tpu.memory_space<hbm>>) target(%dma_start3A_64 : memref<80xi32, #tpu.memory_space<vmem>>) target_semaphore(%arg12 : memref<!tpu.dma_semaphore, #tpu.memory_space<semaphore_mem>>)
    %add3A_66 = arith.constant 160 : i32
    %add3A_67 = arith.addi %add3A_9, %add3A_66 : i32
    %dma_start3A_68 = arith.constant 2 : i32
    %dma_start3A_69 = arith.constant 0 : i32
    %dma_start3A_70 = tpu.memref_slice %arg6[%dma_start3A_68, %dma_start3A_69] : memref<4x80xi32, #tpu.memory_space<vmem>> -> memref<1x80xi32, #tpu.memory_space<vmem>>
    %dma_start3A_71 = tpu.memref_squeeze %dma_start3A_70 : memref<1x80xi32, #tpu.memory_space<vmem>> -> memref<80xi32, #tpu.memory_space<vmem>>
    %dma_start3A_72 = tpu.memref_slice %arg3[%add3A_67] : memref<328000xi32, #tpu.memory_space<hbm>> -> memref<80xi32, #tpu.memory_space<hbm>>
    %dma_start3A_73 = arith.constant 0 : i32
    %dma_start3A_74 = tpu.memref_slice %arg6[%dma_start3A_68, %dma_start3A_73] : memref<4x80xi32, #tpu.memory_space<vmem>> -> memref<1x80xi32, #tpu.memory_space<vmem>>
    %dma_start3A_75 = tpu.memref_squeeze %dma_start3A_74 : memref<1x80xi32, #tpu.memory_space<vmem>> -> memref<80xi32, #tpu.memory_space<vmem>>
    %dma_start3A_76 = tpu.memref_slice %arg3[%add3A_67] : memref<328000xi32, #tpu.memory_space<hbm>> -> memref<80xi32, #tpu.memory_space<hbm>>
    tpu.enqueue_dma source(%dma_start3A_76 : memref<80xi32, #tpu.memory_space<hbm>>) target(%dma_start3A_75 : memref<80xi32, #tpu.memory_space<vmem>>) target_semaphore(%arg12 : memref<!tpu.dma_semaphore, #tpu.memory_space<semaphore_mem>>)
    %add3A_77 = arith.constant 240 : i32
    %add3A_78 = arith.addi %mul3A_11, %add3A_77 : i32
    %dma_start3A_79 = arith.constant 3 : i32
    %dma_start3A_80 = arith.constant 0 : i32
    %dma_start3A_81 = tpu.memref_slice %arg7[%dma_start3A_79, %dma_start3A_80] : memref<4x80xi32, #tpu.memory_space<vmem>> -> memref<1x80xi32, #tpu.memory_space<vmem>>
    %dma_start3A_82 = tpu.memref_squeeze %dma_start3A_81 : memref<1x80xi32, #tpu.memory_space<vmem>> -> memref<80xi32, #tpu.memory_space<vmem>>
    %dma_start3A_83 = tpu.memref_slice %arg4[%add3A_78] : memref<164000xi32, #tpu.memory_space<hbm>> -> memref<80xi32, #tpu.memory_space<hbm>>
    %dma_start3A_84 = arith.constant 0 : i32
    %dma_start3A_85 = tpu.memref_slice %arg7[%dma_start3A_79, %dma_start3A_84] : memref<4x80xi32, #tpu.memory_space<vmem>> -> memref<1x80xi32, #tpu.memory_space<vmem>>
    %dma_start3A_86 = tpu.memref_squeeze %dma_start3A_85 : memref<1x80xi32, #tpu.memory_space<vmem>> -> memref<80xi32, #tpu.memory_space<vmem>>
    %dma_start3A_87 = tpu.memref_slice %arg4[%add3A_78] : memref<164000xi32, #tpu.memory_space<hbm>> -> memref<80xi32, #tpu.memory_space<hbm>>
    tpu.enqueue_dma source(%dma_start3A_87 : memref<80xi32, #tpu.memory_space<hbm>>) target(%dma_start3A_86 : memref<80xi32, #tpu.memory_space<vmem>>) target_semaphore(%arg13 : memref<!tpu.dma_semaphore, #tpu.memory_space<semaphore_mem>>)
    %add3A_88 = arith.constant 240 : i32
    %add3A_89 = arith.addi %add3A_9, %add3A_88 : i32
    %dma_start3A_90 = arith.constant 3 : i32
    %dma_start3A_91 = arith.constant 0 : i32
    %dma_start3A_92 = tpu.memref_slice %arg6[%dma_start3A_90, %dma_start3A_91] : memref<4x80xi32, #tpu.memory_space<vmem>> -> memref<1x80xi32, #tpu.memory_space<vmem>>
    %dma_start3A_93 = tpu.memref_squeeze %dma_start3A_92 : memref<1x80xi32, #tpu.memory_space<vmem>> -> memref<80xi32, #tpu.memory_space<vmem>>
    %dma_start3A_94 = tpu.memref_slice %arg3[%add3A_89] : memref<328000xi32, #tpu.memory_space<hbm>> -> memref<80xi32, #tpu.memory_space<hbm>>
    %dma_start3A_95 = arith.constant 0 : i32
    %dma_start3A_96 = tpu.memref_slice %arg6[%dma_start3A_90, %dma_start3A_95] : memref<4x80xi32, #tpu.memory_space<vmem>> -> memref<1x80xi32, #tpu.memory_space<vmem>>
    %dma_start3A_97 = tpu.memref_squeeze %dma_start3A_96 : memref<1x80xi32, #tpu.memory_space<vmem>> -> memref<80xi32, #tpu.memory_space<vmem>>
    %dma_start3A_98 = tpu.memref_slice %arg3[%add3A_89] : memref<328000xi32, #tpu.memory_space<hbm>> -> memref<80xi32, #tpu.memory_space<hbm>>
    tpu.enqueue_dma source(%dma_start3A_98 : memref<80xi32, #tpu.memory_space<hbm>>) target(%dma_start3A_97 : memref<80xi32, #tpu.memory_space<vmem>>) target_semaphore(%arg13 : memref<!tpu.dma_semaphore, #tpu.memory_space<semaphore_mem>>)
    %scan3A = arith.constant 0 : i32
    %scan3A_99 = arith.constant 33 : i32
    %scan3A_100 = arith.addi %scan3A, %scan3A_99 : i32
    %scan3A_101 = arith.constant 1 : i32
    scf.for %scan3A_111 = %scan3A to %scan3A_100 step %scan3A_101  : i32 {
      %mul3A_112 = arith.constant 4 : i32
      %mul3A_113 = arith.muli %scan3A_111, %mul3A_112 : i32
      %add3A_114 = arith.constant 0 : i32
      %add3A_115 = arith.addi %add3A_114, %mul3A_113 : i32
      %add3A_116 = arith.constant 0 : i32
      %add3A_117 = arith.addi %add3A_115, %add3A_116 : i32
      %ge3A = arith.constant 2 : i32
      %ge3A_118 = arith.cmpi sge, %add3A_117, %ge3A : i32
      %le3A = arith.constant 129 : i32
      %le3A_119 = arith.cmpi sle, %add3A_117, %le3A : i32
      %and3A = arith.andi %ge3A_118, %le3A_119 : i1
      %convert_element_type3A = arith.extui %and3A : i1 to i32
      %cond3A = arith.constant 0 : i32
      %cond3A_120 = arith.cmpi ne, %convert_element_type3A, %cond3A : i32
      scf.if %cond3A_120 {
        %dma_wait3A = arith.constant 0 : i32
        %dma_wait3A_242 = arith.constant 2 : i32
        %dma_wait3A_243 = arith.constant 0 : i32
        %dma_wait3A_244 = arith.constant 0 : i32
        %dma_wait3A_245 = tpu.memref_slice %arg8[%dma_wait3A, %dma_wait3A_243, %dma_wait3A_244] : memref<2x80x128xf32, #tpu.memory_space<vmem>> -> memref<1x80x128xf32, #tpu.memory_space<vmem>>
        %dma_wait3A_246 = tpu.memref_squeeze %dma_wait3A_245 : memref<1x80x128xf32, #tpu.memory_space<vmem>> -> memref<80x128xf32, #tpu.memory_space<vmem>>
        %dma_wait3A_247 = arith.constant 0 : i32
        %dma_wait3A_248 = tpu.memref_slice %arg7[%dma_wait3A_242, %dma_wait3A_247] : memref<4x80xi32, #tpu.memory_space<vmem>> -> memref<1x80xi32, #tpu.memory_space<vmem>>
        %dma_wait3A_249 = tpu.memref_squeeze %dma_wait3A_248 : memref<1x80xi32, #tpu.memory_space<vmem>> -> memref<80xi32, #tpu.memory_space<vmem>>
        %dma_wait3A_250 = arith.constant 0 : i32
        %dma_wait3A_251 = arith.constant 0 : i32
        %dma_wait3A_252 = tpu.memref_slice %arg9[%dma_wait3A_250, %dma_wait3A_251] : memref<10240x128xf32, #tpu.memory_space<vmem_shared>> -> memref<10240x128xf32, #tpu.memory_space<vmem_shared>>
        tpu.wait_indirect_dma semaphore(%arg16 : memref<!tpu.dma_semaphore, #tpu.memory_space<semaphore_mem>>) src(%dma_wait3A_246 : memref<80x128xf32, #tpu.memory_space<vmem>>) dst(%dma_wait3A_252 : memref<10240x128xf32, #tpu.memory_space<vmem_shared>>)
      } else {
      }
      %lt3A = arith.constant 128 : i32
      %lt3A_121 = arith.cmpi slt, %add3A_117, %lt3A : i32
      %convert_element_type3A_122 = arith.extui %lt3A_121 : i1 to i32
      %cond3A_123 = arith.constant 0 : i32
      %cond3A_124 = arith.cmpi ne, %convert_element_type3A_122, %cond3A_123 : i32
      scf.if %cond3A_124 {
        %mul3A_242 = arith.constant 80 : i32
        %mul3A_243 = arith.muli %add3A_117, %mul3A_242 : i32
        %add3A_244 = arith.addi %mul3A_11, %mul3A_243 : i32
        %dma_wait3A = arith.constant 0 : i32
        %dma_wait3A_245 = arith.constant 0 : i32
        %dma_wait3A_246 = tpu.memref_slice %arg7[%dma_wait3A, %dma_wait3A_245] : memref<4x80xi32, #tpu.memory_space<vmem>> -> memref<1x80xi32, #tpu.memory_space<vmem>>
        %dma_wait3A_247 = tpu.memref_squeeze %dma_wait3A_246 : memref<1x80xi32, #tpu.memory_space<vmem>> -> memref<80xi32, #tpu.memory_space<vmem>>
        %dma_wait3A_248 = tpu.memref_slice %arg4[%add3A_244] : memref<164000xi32, #tpu.memory_space<hbm>> -> memref<80xi32, #tpu.memory_space<hbm>>
        %dma_wait3A_249 = arith.constant 0 : i32
        %dma_wait3A_250 = tpu.memref_slice %arg7[%dma_wait3A, %dma_wait3A_249] : memref<4x80xi32, #tpu.memory_space<vmem>> -> memref<1x80xi32, #tpu.memory_space<vmem>>
        %dma_wait3A_251 = tpu.memref_squeeze %dma_wait3A_250 : memref<1x80xi32, #tpu.memory_space<vmem>> -> memref<80xi32, #tpu.memory_space<vmem>>
        %dma_wait3A_252 = tpu.memref_slice %arg4[%add3A_244] : memref<164000xi32, #tpu.memory_space<hbm>> -> memref<80xi32, #tpu.memory_space<hbm>>
        tpu.wait_dma2 semaphore(%arg10 : memref<!tpu.dma_semaphore, #tpu.memory_space<semaphore_mem>>) src(%dma_wait3A_252 : memref<80xi32, #tpu.memory_space<hbm>>) dst(%dma_wait3A_251 : memref<80xi32, #tpu.memory_space<vmem>>)
        %mul3A_253 = arith.constant 80 : i32
        %mul3A_254 = arith.muli %add3A_117, %mul3A_253 : i32
        %add3A_255 = arith.addi %add3A_9, %mul3A_254 : i32
        %dma_wait3A_256 = arith.constant 0 : i32
        %dma_wait3A_257 = arith.constant 0 : i32
        %dma_wait3A_258 = tpu.memref_slice %arg6[%dma_wait3A_256, %dma_wait3A_257] : memref<4x80xi32, #tpu.memory_space<vmem>> -> memref<1x80xi32, #tpu.memory_space<vmem>>
        %dma_wait3A_259 = tpu.memref_squeeze %dma_wait3A_258 : memref<1x80xi32, #tpu.memory_space<vmem>> -> memref<80xi32, #tpu.memory_space<vmem>>
        %dma_wait3A_260 = tpu.memref_slice %arg3[%add3A_255] : memref<328000xi32, #tpu.memory_space<hbm>> -> memref<80xi32, #tpu.memory_space<hbm>>
        %dma_wait3A_261 = arith.constant 0 : i32
        %dma_wait3A_262 = tpu.memref_slice %arg6[%dma_wait3A_256, %dma_wait3A_261] : memref<4x80xi32, #tpu.memory_space<vmem>> -> memref<1x80xi32, #tpu.memory_space<vmem>>
        %dma_wait3A_263 = tpu.memref_squeeze %dma_wait3A_262 : memref<1x80xi32, #tpu.memory_space<vmem>> -> memref<80xi32, #tpu.memory_space<vmem>>
        %dma_wait3A_264 = tpu.memref_slice %arg3[%add3A_255] : memref<328000xi32, #tpu.memory_space<hbm>> -> memref<80xi32, #tpu.memory_space<hbm>>
        tpu.wait_dma2 semaphore(%arg10 : memref<!tpu.dma_semaphore, #tpu.memory_space<semaphore_mem>>) src(%dma_wait3A_264 : memref<80xi32, #tpu.memory_space<hbm>>) dst(%dma_wait3A_263 : memref<80xi32, #tpu.memory_space<vmem>>)
        %dma_start3A_265 = arith.constant 0 : i32
        %dma_start3A_266 = arith.constant 0 : i32
        %dma_start3A_267 = arith.constant 0 : i32
        %dma_start3A_268 = arith.constant 0 : i32
        %dma_start3A_269 = tpu.memref_slice %arg8[%dma_start3A_266, %dma_start3A_267, %dma_start3A_268] : memref<2x80x128xf32, #tpu.memory_space<vmem>> -> memref<1x80x128xf32, #tpu.memory_space<vmem>>
        %dma_start3A_270 = tpu.memref_squeeze %dma_start3A_269 : memref<1x80x128xf32, #tpu.memory_space<vmem>> -> memref<80x128xf32, #tpu.memory_space<vmem>>
        %dma_start3A_271 = arith.constant 0 : i32
        %dma_start3A_272 = tpu.memref_slice %arg6[%dma_start3A_265, %dma_start3A_271] : memref<4x80xi32, #tpu.memory_space<vmem>> -> memref<1x80xi32, #tpu.memory_space<vmem>>
        %dma_start3A_273 = tpu.memref_squeeze %dma_start3A_272 : memref<1x80xi32, #tpu.memory_space<vmem>> -> memref<80xi32, #tpu.memory_space<vmem>>
        %dma_start3A_274 = arith.constant 0 : i32
        %dma_start3A_275 = arith.constant 0 : i32
        %dma_start3A_276 = tpu.memref_slice %arg2[%dma_start3A_274, %dma_start3A_275] : memref<20480x128xf32, #tpu.memory_space<hbm>> -> memref<20480x128xf32, #tpu.memory_space<hbm>>
        tpu.enqueue_indirect_dma source(%dma_start3A_276 : memref<20480x128xf32, #tpu.memory_space<hbm>>) target(%dma_start3A_270 : memref<80x128xf32, #tpu.memory_space<vmem>>) offsets(%dma_start3A_273 : memref<80xi32, #tpu.memory_space<vmem>>) semaphore(%arg14 : memref<!tpu.dma_semaphore, #tpu.memory_space<semaphore_mem>>)
      } else {
      }
      %ge3A_125 = arith.constant 1 : i32
      %ge3A_126 = arith.cmpi sge, %add3A_117, %ge3A_125 : i32
      %le3A_127 = arith.constant 128 : i32
      %le3A_128 = arith.cmpi sle, %add3A_117, %le3A_127 : i32
      %and3A_129 = arith.andi %ge3A_126, %le3A_128 : i1
      %convert_element_type3A_130 = arith.extui %and3A_129 : i1 to i32
      %cond3A_131 = arith.constant 0 : i32
      %cond3A_132 = arith.cmpi ne, %convert_element_type3A_130, %cond3A_131 : i32
      scf.if %cond3A_132 {
        %dma_wait3A = arith.constant 3 : i32
        %dma_wait3A_242 = arith.constant 1 : i32
        %dma_wait3A_243 = arith.constant 0 : i32
        %dma_wait3A_244 = arith.constant 0 : i32
        %dma_wait3A_245 = tpu.memref_slice %arg8[%dma_wait3A_242, %dma_wait3A_243, %dma_wait3A_244] : memref<2x80x128xf32, #tpu.memory_space<vmem>> -> memref<1x80x128xf32, #tpu.memory_space<vmem>>
        %dma_wait3A_246 = tpu.memref_squeeze %dma_wait3A_245 : memref<1x80x128xf32, #tpu.memory_space<vmem>> -> memref<80x128xf32, #tpu.memory_space<vmem>>
        %dma_wait3A_247 = arith.constant 0 : i32
        %dma_wait3A_248 = tpu.memref_slice %arg6[%dma_wait3A, %dma_wait3A_247] : memref<4x80xi32, #tpu.memory_space<vmem>> -> memref<1x80xi32, #tpu.memory_space<vmem>>
        %dma_wait3A_249 = tpu.memref_squeeze %dma_wait3A_248 : memref<1x80xi32, #tpu.memory_space<vmem>> -> memref<80xi32, #tpu.memory_space<vmem>>
        %dma_wait3A_250 = arith.constant 0 : i32
        %dma_wait3A_251 = arith.constant 0 : i32
        %dma_wait3A_252 = tpu.memref_slice %arg2[%dma_wait3A_250, %dma_wait3A_251] : memref<20480x128xf32, #tpu.memory_space<hbm>> -> memref<20480x128xf32, #tpu.memory_space<hbm>>
        tpu.wait_indirect_dma semaphore(%arg15 : memref<!tpu.dma_semaphore, #tpu.memory_space<semaphore_mem>>) src(%dma_wait3A_252 : memref<20480x128xf32, #tpu.memory_space<hbm>>) dst(%dma_wait3A_246 : memref<80x128xf32, #tpu.memory_space<vmem>>)
        %dma_start3A_253 = arith.constant 1 : i32
        %dma_start3A_254 = arith.constant 3 : i32
        %dma_start3A_255 = arith.constant 0 : i32
        %dma_start3A_256 = arith.constant 0 : i32
        %dma_start3A_257 = tpu.memref_slice %arg8[%dma_start3A_253, %dma_start3A_255, %dma_start3A_256] : memref<2x80x128xf32, #tpu.memory_space<vmem>> -> memref<1x80x128xf32, #tpu.memory_space<vmem>>
        %dma_start3A_258 = tpu.memref_squeeze %dma_start3A_257 : memref<1x80x128xf32, #tpu.memory_space<vmem>> -> memref<80x128xf32, #tpu.memory_space<vmem>>
        %dma_start3A_259 = arith.constant 0 : i32
        %dma_start3A_260 = tpu.memref_slice %arg7[%dma_start3A_254, %dma_start3A_259] : memref<4x80xi32, #tpu.memory_space<vmem>> -> memref<1x80xi32, #tpu.memory_space<vmem>>
        %dma_start3A_261 = tpu.memref_squeeze %dma_start3A_260 : memref<1x80xi32, #tpu.memory_space<vmem>> -> memref<80xi32, #tpu.memory_space<vmem>>
        %dma_start3A_262 = arith.constant 0 : i32
        %dma_start3A_263 = arith.constant 0 : i32
        %dma_start3A_264 = tpu.memref_slice %arg9[%dma_start3A_262, %dma_start3A_263] : memref<10240x128xf32, #tpu.memory_space<vmem_shared>> -> memref<10240x128xf32, #tpu.memory_space<vmem_shared>>
        tpu.enqueue_indirect_dma source(%dma_start3A_258 : memref<80x128xf32, #tpu.memory_space<vmem>>) target(%dma_start3A_264 : memref<10240x128xf32, #tpu.memory_space<vmem_shared>>) offsets(%dma_start3A_261 : memref<80xi32, #tpu.memory_space<vmem>>) semaphore(%arg17 : memref<!tpu.dma_semaphore, #tpu.memory_space<semaphore_mem>>) {add = true}
      } else {
      }
      %ge3A_133 = arith.constant 2 : i32
      %ge3A_134 = arith.cmpi sge, %add3A_117, %ge3A_133 : i32
      %add3A_135 = arith.constant 2 : i32
      %add3A_136 = arith.addi %add3A_117, %add3A_135 : i32
      %lt3A_137 = arith.constant 128 : i32
      %lt3A_138 = arith.cmpi slt, %add3A_136, %lt3A_137 : i32
      %and3A_139 = arith.andi %ge3A_134, %lt3A_138 : i1
      %convert_element_type3A_140 = arith.extui %and3A_139 : i1 to i32
      %cond3A_141 = arith.constant 0 : i32
      %cond3A_142 = arith.cmpi ne, %convert_element_type3A_140, %cond3A_141 : i32
      scf.if %cond3A_142 {
        %add3A_242 = arith.constant 2 : i32
        %add3A_243 = arith.addi %add3A_117, %add3A_242 : i32
        %mul3A_244 = arith.constant 80 : i32
        %mul3A_245 = arith.muli %add3A_243, %mul3A_244 : i32
        %add3A_246 = arith.addi %mul3A_11, %mul3A_245 : i32
        %dma_start3A_247 = arith.constant 2 : i32
        %dma_start3A_248 = arith.constant 0 : i32
        %dma_start3A_249 = tpu.memref_slice %arg7[%dma_start3A_247, %dma_start3A_248] : memref<4x80xi32, #tpu.memory_space<vmem>> -> memref<1x80xi32, #tpu.memory_space<vmem>>
        %dma_start3A_250 = tpu.memref_squeeze %dma_start3A_249 : memref<1x80xi32, #tpu.memory_space<vmem>> -> memref<80xi32, #tpu.memory_space<vmem>>
        %dma_start3A_251 = tpu.memref_slice %arg4[%add3A_246] : memref<164000xi32, #tpu.memory_space<hbm>> -> memref<80xi32, #tpu.memory_space<hbm>>
        %dma_start3A_252 = arith.constant 0 : i32
        %dma_start3A_253 = tpu.memref_slice %arg7[%dma_start3A_247, %dma_start3A_252] : memref<4x80xi32, #tpu.memory_space<vmem>> -> memref<1x80xi32, #tpu.memory_space<vmem>>
        %dma_start3A_254 = tpu.memref_squeeze %dma_start3A_253 : memref<1x80xi32, #tpu.memory_space<vmem>> -> memref<80xi32, #tpu.memory_space<vmem>>
        %dma_start3A_255 = tpu.memref_slice %arg4[%add3A_246] : memref<164000xi32, #tpu.memory_space<hbm>> -> memref<80xi32, #tpu.memory_space<hbm>>
        tpu.enqueue_dma source(%dma_start3A_255 : memref<80xi32, #tpu.memory_space<hbm>>) target(%dma_start3A_254 : memref<80xi32, #tpu.memory_space<vmem>>) target_semaphore(%arg12 : memref<!tpu.dma_semaphore, #tpu.memory_space<semaphore_mem>>)
        %mul3A_256 = arith.constant 80 : i32
        %mul3A_257 = arith.muli %add3A_243, %mul3A_256 : i32
        %add3A_258 = arith.addi %add3A_9, %mul3A_257 : i32
        %dma_start3A_259 = arith.constant 2 : i32
        %dma_start3A_260 = arith.constant 0 : i32
        %dma_start3A_261 = tpu.memref_slice %arg6[%dma_start3A_259, %dma_start3A_260] : memref<4x80xi32, #tpu.memory_space<vmem>> -> memref<1x80xi32, #tpu.memory_space<vmem>>
        %dma_start3A_262 = tpu.memref_squeeze %dma_start3A_261 : memref<1x80xi32, #tpu.memory_space<vmem>> -> memref<80xi32, #tpu.memory_space<vmem>>
        %dma_start3A_263 = tpu.memref_slice %arg3[%add3A_258] : memref<328000xi32, #tpu.memory_space<hbm>> -> memref<80xi32, #tpu.memory_space<hbm>>
        %dma_start3A_264 = arith.constant 0 : i32
        %dma_start3A_265 = tpu.memref_slice %arg6[%dma_start3A_259, %dma_start3A_264] : memref<4x80xi32, #tpu.memory_space<vmem>> -> memref<1x80xi32, #tpu.memory_space<vmem>>
        %dma_start3A_266 = tpu.memref_squeeze %dma_start3A_265 : memref<1x80xi32, #tpu.memory_space<vmem>> -> memref<80xi32, #tpu.memory_space<vmem>>
        %dma_start3A_267 = tpu.memref_slice %arg3[%add3A_258] : memref<328000xi32, #tpu.memory_space<hbm>> -> memref<80xi32, #tpu.memory_space<hbm>>
        tpu.enqueue_dma source(%dma_start3A_267 : memref<80xi32, #tpu.memory_space<hbm>>) target(%dma_start3A_266 : memref<80xi32, #tpu.memory_space<vmem>>) target_semaphore(%arg12 : memref<!tpu.dma_semaphore, #tpu.memory_space<semaphore_mem>>)
      } else {
      }
      %add3A_143 = arith.constant 1 : i32
      %add3A_144 = arith.addi %add3A_115, %add3A_143 : i32
      %ge3A_145 = arith.constant 2 : i32
      %ge3A_146 = arith.cmpi sge, %add3A_144, %ge3A_145 : i32
      %le3A_147 = arith.constant 129 : i32
      %le3A_148 = arith.cmpi sle, %add3A_144, %le3A_147 : i32
      %and3A_149 = arith.andi %ge3A_146, %le3A_148 : i1
      %convert_element_type3A_150 = arith.extui %and3A_149 : i1 to i32
      %cond3A_151 = arith.constant 0 : i32
      %cond3A_152 = arith.cmpi ne, %convert_element_type3A_150, %cond3A_151 : i32
      scf.if %cond3A_152 {
        %dma_wait3A = arith.constant 1 : i32
        %dma_wait3A_242 = arith.constant 3 : i32
        %dma_wait3A_243 = arith.constant 0 : i32
        %dma_wait3A_244 = arith.constant 0 : i32
        %dma_wait3A_245 = tpu.memref_slice %arg8[%dma_wait3A, %dma_wait3A_243, %dma_wait3A_244] : memref<2x80x128xf32, #tpu.memory_space<vmem>> -> memref<1x80x128xf32, #tpu.memory_space<vmem>>
        %dma_wait3A_246 = tpu.memref_squeeze %dma_wait3A_245 : memref<1x80x128xf32, #tpu.memory_space<vmem>> -> memref<80x128xf32, #tpu.memory_space<vmem>>
        %dma_wait3A_247 = arith.constant 0 : i32
        %dma_wait3A_248 = tpu.memref_slice %arg7[%dma_wait3A_242, %dma_wait3A_247] : memref<4x80xi32, #tpu.memory_space<vmem>> -> memref<1x80xi32, #tpu.memory_space<vmem>>
        %dma_wait3A_249 = tpu.memref_squeeze %dma_wait3A_248 : memref<1x80xi32, #tpu.memory_space<vmem>> -> memref<80xi32, #tpu.memory_space<vmem>>
        %dma_wait3A_250 = arith.constant 0 : i32
        %dma_wait3A_251 = arith.constant 0 : i32
        %dma_wait3A_252 = tpu.memref_slice %arg9[%dma_wait3A_250, %dma_wait3A_251] : memref<10240x128xf32, #tpu.memory_space<vmem_shared>> -> memref<10240x128xf32, #tpu.memory_space<vmem_shared>>
        tpu.wait_indirect_dma semaphore(%arg17 : memref<!tpu.dma_semaphore, #tpu.memory_space<semaphore_mem>>) src(%dma_wait3A_246 : memref<80x128xf32, #tpu.memory_space<vmem>>) dst(%dma_wait3A_252 : memref<10240x128xf32, #tpu.memory_space<vmem_shared>>)
      } else {
      }
      %lt3A_153 = arith.constant 128 : i32
      %lt3A_154 = arith.cmpi slt, %add3A_144, %lt3A_153 : i32
      %convert_element_type3A_155 = arith.extui %lt3A_154 : i1 to i32
      %cond3A_156 = arith.constant 0 : i32
      %cond3A_157 = arith.cmpi ne, %convert_element_type3A_155, %cond3A_156 : i32
      scf.if %cond3A_157 {
        %mul3A_242 = arith.constant 80 : i32
        %mul3A_243 = arith.muli %add3A_144, %mul3A_242 : i32
        %add3A_244 = arith.addi %mul3A_11, %mul3A_243 : i32
        %dma_wait3A = arith.constant 1 : i32
        %dma_wait3A_245 = arith.constant 0 : i32
        %dma_wait3A_246 = tpu.memref_slice %arg7[%dma_wait3A, %dma_wait3A_245] : memref<4x80xi32, #tpu.memory_space<vmem>> -> memref<1x80xi32, #tpu.memory_space<vmem>>
        %dma_wait3A_247 = tpu.memref_squeeze %dma_wait3A_246 : memref<1x80xi32, #tpu.memory_space<vmem>> -> memref<80xi32, #tpu.memory_space<vmem>>
        %dma_wait3A_248 = tpu.memref_slice %arg4[%add3A_244] : memref<164000xi32, #tpu.memory_space<hbm>> -> memref<80xi32, #tpu.memory_space<hbm>>
        %dma_wait3A_249 = arith.constant 0 : i32
        %dma_wait3A_250 = tpu.memref_slice %arg7[%dma_wait3A, %dma_wait3A_249] : memref<4x80xi32, #tpu.memory_space<vmem>> -> memref<1x80xi32, #tpu.memory_space<vmem>>
        %dma_wait3A_251 = tpu.memref_squeeze %dma_wait3A_250 : memref<1x80xi32, #tpu.memory_space<vmem>> -> memref<80xi32, #tpu.memory_space<vmem>>
        %dma_wait3A_252 = tpu.memref_slice %arg4[%add3A_244] : memref<164000xi32, #tpu.memory_space<hbm>> -> memref<80xi32, #tpu.memory_space<hbm>>
        tpu.wait_dma2 semaphore(%arg11 : memref<!tpu.dma_semaphore, #tpu.memory_space<semaphore_mem>>) src(%dma_wait3A_252 : memref<80xi32, #tpu.memory_space<hbm>>) dst(%dma_wait3A_251 : memref<80xi32, #tpu.memory_space<vmem>>)
        %mul3A_253 = arith.constant 80 : i32
        %mul3A_254 = arith.muli %add3A_144, %mul3A_253 : i32
        %add3A_255 = arith.addi %add3A_9, %mul3A_254 : i32
        %dma_wait3A_256 = arith.constant 1 : i32
        %dma_wait3A_257 = arith.constant 0 : i32
        %dma_wait3A_258 = tpu.memref_slice %arg6[%dma_wait3A_256, %dma_wait3A_257] : memref<4x80xi32, #tpu.memory_space<vmem>> -> memref<1x80xi32, #tpu.memory_space<vmem>>
        %dma_wait3A_259 = tpu.memref_squeeze %dma_wait3A_258 : memref<1x80xi32, #tpu.memory_space<vmem>> -> memref<80xi32, #tpu.memory_space<vmem>>
        %dma_wait3A_260 = tpu.memref_slice %arg3[%add3A_255] : memref<328000xi32, #tpu.memory_space<hbm>> -> memref<80xi32, #tpu.memory_space<hbm>>
        %dma_wait3A_261 = arith.constant 0 : i32
        %dma_wait3A_262 = tpu.memref_slice %arg6[%dma_wait3A_256, %dma_wait3A_261] : memref<4x80xi32, #tpu.memory_space<vmem>> -> memref<1x80xi32, #tpu.memory_space<vmem>>
        %dma_wait3A_263 = tpu.memref_squeeze %dma_wait3A_262 : memref<1x80xi32, #tpu.memory_space<vmem>> -> memref<80xi32, #tpu.memory_space<vmem>>
        %dma_wait3A_264 = tpu.memref_slice %arg3[%add3A_255] : memref<328000xi32, #tpu.memory_space<hbm>> -> memref<80xi32, #tpu.memory_space<hbm>>
        tpu.wait_dma2 semaphore(%arg11 : memref<!tpu.dma_semaphore, #tpu.memory_space<semaphore_mem>>) src(%dma_wait3A_264 : memref<80xi32, #tpu.memory_space<hbm>>) dst(%dma_wait3A_263 : memref<80xi32, #tpu.memory_space<vmem>>)
        %dma_start3A_265 = arith.constant 1 : i32
        %dma_start3A_266 = arith.constant 1 : i32
        %dma_start3A_267 = arith.constant 0 : i32
        %dma_start3A_268 = arith.constant 0 : i32
        %dma_start3A_269 = tpu.memref_slice %arg8[%dma_start3A_266, %dma_start3A_267, %dma_start3A_268] : memref<2x80x128xf32, #tpu.memory_space<vmem>> -> memref<1x80x128xf32, #tpu.memory_space<vmem>>
        %dma_start3A_270 = tpu.memref_squeeze %dma_start3A_269 : memref<1x80x128xf32, #tpu.memory_space<vmem>> -> memref<80x128xf32, #tpu.memory_space<vmem>>
        %dma_start3A_271 = arith.constant 0 : i32
        %dma_start3A_272 = tpu.memref_slice %arg6[%dma_start3A_265, %dma_start3A_271] : memref<4x80xi32, #tpu.memory_space<vmem>> -> memref<1x80xi32, #tpu.memory_space<vmem>>
        %dma_start3A_273 = tpu.memref_squeeze %dma_start3A_272 : memref<1x80xi32, #tpu.memory_space<vmem>> -> memref<80xi32, #tpu.memory_space<vmem>>
        %dma_start3A_274 = arith.constant 0 : i32
        %dma_start3A_275 = arith.constant 0 : i32
        %dma_start3A_276 = tpu.memref_slice %arg2[%dma_start3A_274, %dma_start3A_275] : memref<20480x128xf32, #tpu.memory_space<hbm>> -> memref<20480x128xf32, #tpu.memory_space<hbm>>
        tpu.enqueue_indirect_dma source(%dma_start3A_276 : memref<20480x128xf32, #tpu.memory_space<hbm>>) target(%dma_start3A_270 : memref<80x128xf32, #tpu.memory_space<vmem>>) offsets(%dma_start3A_273 : memref<80xi32, #tpu.memory_space<vmem>>) semaphore(%arg15 : memref<!tpu.dma_semaphore, #tpu.memory_space<semaphore_mem>>)
      } else {
      }
      %ge3A_158 = arith.constant 1 : i32
      %ge3A_159 = arith.cmpi sge, %add3A_144, %ge3A_158 : i32
      %le3A_160 = arith.constant 128 : i32
      %le3A_161 = arith.cmpi sle, %add3A_144, %le3A_160 : i32
      %and3A_162 = arith.andi %ge3A_159, %le3A_161 : i1
      %convert_element_type3A_163 = arith.extui %and3A_162 : i1 to i32
      %cond3A_164 = arith.constant 0 : i32
      %cond3A_165 = arith.cmpi ne, %convert_element_type3A_163, %cond3A_164 : i32
      scf.if %cond3A_165 {
        %dma_wait3A = arith.constant 0 : i32
        %dma_wait3A_242 = arith.constant 0 : i32
        %dma_wait3A_243 = arith.constant 0 : i32
        %dma_wait3A_244 = arith.constant 0 : i32
        %dma_wait3A_245 = tpu.memref_slice %arg8[%dma_wait3A_242, %dma_wait3A_243, %dma_wait3A_244] : memref<2x80x128xf32, #tpu.memory_space<vmem>> -> memref<1x80x128xf32, #tpu.memory_space<vmem>>
        %dma_wait3A_246 = tpu.memref_squeeze %dma_wait3A_245 : memref<1x80x128xf32, #tpu.memory_space<vmem>> -> memref<80x128xf32, #tpu.memory_space<vmem>>
        %dma_wait3A_247 = arith.constant 0 : i32
        %dma_wait3A_248 = tpu.memref_slice %arg6[%dma_wait3A, %dma_wait3A_247] : memref<4x80xi32, #tpu.memory_space<vmem>> -> memref<1x80xi32, #tpu.memory_space<vmem>>
        %dma_wait3A_249 = tpu.memref_squeeze %dma_wait3A_248 : memref<1x80xi32, #tpu.memory_space<vmem>> -> memref<80xi32, #tpu.memory_space<vmem>>
        %dma_wait3A_250 = arith.constant 0 : i32
        %dma_wait3A_251 = arith.constant 0 : i32
        %dma_wait3A_252 = tpu.memref_slice %arg2[%dma_wait3A_250, %dma_wait3A_251] : memref<20480x128xf32, #tpu.memory_space<hbm>> -> memref<20480x128xf32, #tpu.memory_space<hbm>>
        tpu.wait_indirect_dma semaphore(%arg14 : memref<!tpu.dma_semaphore, #tpu.memory_space<semaphore_mem>>) src(%dma_wait3A_252 : memref<20480x128xf32, #tpu.memory_space<hbm>>) dst(%dma_wait3A_246 : memref<80x128xf32, #tpu.memory_space<vmem>>)
        %dma_start3A_253 = arith.constant 0 : i32
        %dma_start3A_254 = arith.constant 0 : i32
        %dma_start3A_255 = arith.constant 0 : i32
        %dma_start3A_256 = arith.constant 0 : i32
        %dma_start3A_257 = tpu.memref_slice %arg8[%dma_start3A_253, %dma_start3A_255, %dma_start3A_256] : memref<2x80x128xf32, #tpu.memory_space<vmem>> -> memref<1x80x128xf32, #tpu.memory_space<vmem>>
        %dma_start3A_258 = tpu.memref_squeeze %dma_start3A_257 : memref<1x80x128xf32, #tpu.memory_space<vmem>> -> memref<80x128xf32, #tpu.memory_space<vmem>>
        %dma_start3A_259 = arith.constant 0 : i32
        %dma_start3A_260 = tpu.memref_slice %arg7[%dma_start3A_254, %dma_start3A_259] : memref<4x80xi32, #tpu.memory_space<vmem>> -> memref<1x80xi32, #tpu.memory_space<vmem>>
        %dma_start3A_261 = tpu.memref_squeeze %dma_start3A_260 : memref<1x80xi32, #tpu.memory_space<vmem>> -> memref<80xi32, #tpu.memory_space<vmem>>
        %dma_start3A_262 = arith.constant 0 : i32
        %dma_start3A_263 = arith.constant 0 : i32
        %dma_start3A_264 = tpu.memref_slice %arg9[%dma_start3A_262, %dma_start3A_263] : memref<10240x128xf32, #tpu.memory_space<vmem_shared>> -> memref<10240x128xf32, #tpu.memory_space<vmem_shared>>
        tpu.enqueue_indirect_dma source(%dma_start3A_258 : memref<80x128xf32, #tpu.memory_space<vmem>>) target(%dma_start3A_264 : memref<10240x128xf32, #tpu.memory_space<vmem_shared>>) offsets(%dma_start3A_261 : memref<80xi32, #tpu.memory_space<vmem>>) semaphore(%arg16 : memref<!tpu.dma_semaphore, #tpu.memory_space<semaphore_mem>>) {add = true}
      } else {
      }
      %ge3A_166 = arith.constant 2 : i32
      %ge3A_167 = arith.cmpi sge, %add3A_144, %ge3A_166 : i32
      %add3A_168 = arith.constant 2 : i32
      %add3A_169 = arith.addi %add3A_144, %add3A_168 : i32
      %lt3A_170 = arith.constant 128 : i32
      %lt3A_171 = arith.cmpi slt, %add3A_169, %lt3A_170 : i32
      %and3A_172 = arith.andi %ge3A_167, %lt3A_171 : i1
      %convert_element_type3A_173 = arith.extui %and3A_172 : i1 to i32
      %cond3A_174 = arith.constant 0 : i32
      %cond3A_175 = arith.cmpi ne, %convert_element_type3A_173, %cond3A_174 : i32
      scf.if %cond3A_175 {
        %add3A_242 = arith.constant 2 : i32
        %add3A_243 = arith.addi %add3A_144, %add3A_242 : i32
        %mul3A_244 = arith.constant 80 : i32
        %mul3A_245 = arith.muli %add3A_243, %mul3A_244 : i32
        %add3A_246 = arith.addi %mul3A_11, %mul3A_245 : i32
        %dma_start3A_247 = arith.constant 3 : i32
        %dma_start3A_248 = arith.constant 0 : i32
        %dma_start3A_249 = tpu.memref_slice %arg7[%dma_start3A_247, %dma_start3A_248] : memref<4x80xi32, #tpu.memory_space<vmem>> -> memref<1x80xi32, #tpu.memory_space<vmem>>
        %dma_start3A_250 = tpu.memref_squeeze %dma_start3A_249 : memref<1x80xi32, #tpu.memory_space<vmem>> -> memref<80xi32, #tpu.memory_space<vmem>>
        %dma_start3A_251 = tpu.memref_slice %arg4[%add3A_246] : memref<164000xi32, #tpu.memory_space<hbm>> -> memref<80xi32, #tpu.memory_space<hbm>>
        %dma_start3A_252 = arith.constant 0 : i32
        %dma_start3A_253 = tpu.memref_slice %arg7[%dma_start3A_247, %dma_start3A_252] : memref<4x80xi32, #tpu.memory_space<vmem>> -> memref<1x80xi32, #tpu.memory_space<vmem>>
        %dma_start3A_254 = tpu.memref_squeeze %dma_start3A_253 : memref<1x80xi32, #tpu.memory_space<vmem>> -> memref<80xi32, #tpu.memory_space<vmem>>
        %dma_start3A_255 = tpu.memref_slice %arg4[%add3A_246] : memref<164000xi32, #tpu.memory_space<hbm>> -> memref<80xi32, #tpu.memory_space<hbm>>
        tpu.enqueue_dma source(%dma_start3A_255 : memref<80xi32, #tpu.memory_space<hbm>>) target(%dma_start3A_254 : memref<80xi32, #tpu.memory_space<vmem>>) target_semaphore(%arg13 : memref<!tpu.dma_semaphore, #tpu.memory_space<semaphore_mem>>)
        %mul3A_256 = arith.constant 80 : i32
        %mul3A_257 = arith.muli %add3A_243, %mul3A_256 : i32
        %add3A_258 = arith.addi %add3A_9, %mul3A_257 : i32
        %dma_start3A_259 = arith.constant 3 : i32
        %dma_start3A_260 = arith.constant 0 : i32
        %dma_start3A_261 = tpu.memref_slice %arg6[%dma_start3A_259, %dma_start3A_260] : memref<4x80xi32, #tpu.memory_space<vmem>> -> memref<1x80xi32, #tpu.memory_space<vmem>>
        %dma_start3A_262 = tpu.memref_squeeze %dma_start3A_261 : memref<1x80xi32, #tpu.memory_space<vmem>> -> memref<80xi32, #tpu.memory_space<vmem>>
        %dma_start3A_263 = tpu.memref_slice %arg3[%add3A_258] : memref<328000xi32, #tpu.memory_space<hbm>> -> memref<80xi32, #tpu.memory_space<hbm>>
        %dma_start3A_264 = arith.constant 0 : i32
        %dma_start3A_265 = tpu.memref_slice %arg6[%dma_start3A_259, %dma_start3A_264] : memref<4x80xi32, #tpu.memory_space<vmem>> -> memref<1x80xi32, #tpu.memory_space<vmem>>
        %dma_start3A_266 = tpu.memref_squeeze %dma_start3A_265 : memref<1x80xi32, #tpu.memory_space<vmem>> -> memref<80xi32, #tpu.memory_space<vmem>>
        %dma_start3A_267 = tpu.memref_slice %arg3[%add3A_258] : memref<328000xi32, #tpu.memory_space<hbm>> -> memref<80xi32, #tpu.memory_space<hbm>>
        tpu.enqueue_dma source(%dma_start3A_267 : memref<80xi32, #tpu.memory_space<hbm>>) target(%dma_start3A_266 : memref<80xi32, #tpu.memory_space<vmem>>) target_semaphore(%arg13 : memref<!tpu.dma_semaphore, #tpu.memory_space<semaphore_mem>>)
      } else {
      }
      %add3A_176 = arith.constant 2 : i32
      %add3A_177 = arith.addi %add3A_115, %add3A_176 : i32
      %ge3A_178 = arith.constant 2 : i32
      %ge3A_179 = arith.cmpi sge, %add3A_177, %ge3A_178 : i32
      %le3A_180 = arith.constant 129 : i32
      %le3A_181 = arith.cmpi sle, %add3A_177, %le3A_180 : i32
      %and3A_182 = arith.andi %ge3A_179, %le3A_181 : i1
      %convert_element_type3A_183 = arith.extui %and3A_182 : i1 to i32
      %cond3A_184 = arith.constant 0 : i32
      %cond3A_185 = arith.cmpi ne, %convert_element_type3A_183, %cond3A_184 : i32
      scf.if %cond3A_185 {
        %dma_wait3A = arith.constant 0 : i32
        %dma_wait3A_242 = arith.constant 0 : i32
        %dma_wait3A_243 = arith.constant 0 : i32
        %dma_wait3A_244 = arith.constant 0 : i32
        %dma_wait3A_245 = tpu.memref_slice %arg8[%dma_wait3A, %dma_wait3A_243, %dma_wait3A_244] : memref<2x80x128xf32, #tpu.memory_space<vmem>> -> memref<1x80x128xf32, #tpu.memory_space<vmem>>
        %dma_wait3A_246 = tpu.memref_squeeze %dma_wait3A_245 : memref<1x80x128xf32, #tpu.memory_space<vmem>> -> memref<80x128xf32, #tpu.memory_space<vmem>>
        %dma_wait3A_247 = arith.constant 0 : i32
        %dma_wait3A_248 = tpu.memref_slice %arg7[%dma_wait3A_242, %dma_wait3A_247] : memref<4x80xi32, #tpu.memory_space<vmem>> -> memref<1x80xi32, #tpu.memory_space<vmem>>
        %dma_wait3A_249 = tpu.memref_squeeze %dma_wait3A_248 : memref<1x80xi32, #tpu.memory_space<vmem>> -> memref<80xi32, #tpu.memory_space<vmem>>
        %dma_wait3A_250 = arith.constant 0 : i32
        %dma_wait3A_251 = arith.constant 0 : i32
        %dma_wait3A_252 = tpu.memref_slice %arg9[%dma_wait3A_250, %dma_wait3A_251] : memref<10240x128xf32, #tpu.memory_space<vmem_shared>> -> memref<10240x128xf32, #tpu.memory_space<vmem_shared>>
        tpu.wait_indirect_dma semaphore(%arg16 : memref<!tpu.dma_semaphore, #tpu.memory_space<semaphore_mem>>) src(%dma_wait3A_246 : memref<80x128xf32, #tpu.memory_space<vmem>>) dst(%dma_wait3A_252 : memref<10240x128xf32, #tpu.memory_space<vmem_shared>>)
      } else {
      }
      %lt3A_186 = arith.constant 128 : i32
      %lt3A_187 = arith.cmpi slt, %add3A_177, %lt3A_186 : i32
      %convert_element_type3A_188 = arith.extui %lt3A_187 : i1 to i32
      %cond3A_189 = arith.constant 0 : i32
      %cond3A_190 = arith.cmpi ne, %convert_element_type3A_188, %cond3A_189 : i32
      scf.if %cond3A_190 {
        %mul3A_242 = arith.constant 80 : i32
        %mul3A_243 = arith.muli %add3A_177, %mul3A_242 : i32
        %add3A_244 = arith.addi %mul3A_11, %mul3A_243 : i32
        %dma_wait3A = arith.constant 2 : i32
        %dma_wait3A_245 = arith.constant 0 : i32
        %dma_wait3A_246 = tpu.memref_slice %arg7[%dma_wait3A, %dma_wait3A_245] : memref<4x80xi32, #tpu.memory_space<vmem>> -> memref<1x80xi32, #tpu.memory_space<vmem>>
        %dma_wait3A_247 = tpu.memref_squeeze %dma_wait3A_246 : memref<1x80xi32, #tpu.memory_space<vmem>> -> memref<80xi32, #tpu.memory_space<vmem>>
        %dma_wait3A_248 = tpu.memref_slice %arg4[%add3A_244] : memref<164000xi32, #tpu.memory_space<hbm>> -> memref<80xi32, #tpu.memory_space<hbm>>
        %dma_wait3A_249 = arith.constant 0 : i32
        %dma_wait3A_250 = tpu.memref_slice %arg7[%dma_wait3A, %dma_wait3A_249] : memref<4x80xi32, #tpu.memory_space<vmem>> -> memref<1x80xi32, #tpu.memory_space<vmem>>
        %dma_wait3A_251 = tpu.memref_squeeze %dma_wait3A_250 : memref<1x80xi32, #tpu.memory_space<vmem>> -> memref<80xi32, #tpu.memory_space<vmem>>
        %dma_wait3A_252 = tpu.memref_slice %arg4[%add3A_244] : memref<164000xi32, #tpu.memory_space<hbm>> -> memref<80xi32, #tpu.memory_space<hbm>>
        tpu.wait_dma2 semaphore(%arg12 : memref<!tpu.dma_semaphore, #tpu.memory_space<semaphore_mem>>) src(%dma_wait3A_252 : memref<80xi32, #tpu.memory_space<hbm>>) dst(%dma_wait3A_251 : memref<80xi32, #tpu.memory_space<vmem>>)
        %mul3A_253 = arith.constant 80 : i32
        %mul3A_254 = arith.muli %add3A_177, %mul3A_253 : i32
        %add3A_255 = arith.addi %add3A_9, %mul3A_254 : i32
        %dma_wait3A_256 = arith.constant 2 : i32
        %dma_wait3A_257 = arith.constant 0 : i32
        %dma_wait3A_258 = tpu.memref_slice %arg6[%dma_wait3A_256, %dma_wait3A_257] : memref<4x80xi32, #tpu.memory_space<vmem>> -> memref<1x80xi32, #tpu.memory_space<vmem>>
        %dma_wait3A_259 = tpu.memref_squeeze %dma_wait3A_258 : memref<1x80xi32, #tpu.memory_space<vmem>> -> memref<80xi32, #tpu.memory_space<vmem>>
        %dma_wait3A_260 = tpu.memref_slice %arg3[%add3A_255] : memref<328000xi32, #tpu.memory_space<hbm>> -> memref<80xi32, #tpu.memory_space<hbm>>
        %dma_wait3A_261 = arith.constant 0 : i32
        %dma_wait3A_262 = tpu.memref_slice %arg6[%dma_wait3A_256, %dma_wait3A_261] : memref<4x80xi32, #tpu.memory_space<vmem>> -> memref<1x80xi32, #tpu.memory_space<vmem>>
        %dma_wait3A_263 = tpu.memref_squeeze %dma_wait3A_262 : memref<1x80xi32, #tpu.memory_space<vmem>> -> memref<80xi32, #tpu.memory_space<vmem>>
        %dma_wait3A_264 = tpu.memref_slice %arg3[%add3A_255] : memref<328000xi32, #tpu.memory_space<hbm>> -> memref<80xi32, #tpu.memory_space<hbm>>
        tpu.wait_dma2 semaphore(%arg12 : memref<!tpu.dma_semaphore, #tpu.memory_space<semaphore_mem>>) src(%dma_wait3A_264 : memref<80xi32, #tpu.memory_space<hbm>>) dst(%dma_wait3A_263 : memref<80xi32, #tpu.memory_space<vmem>>)
        %dma_start3A_265 = arith.constant 2 : i32
        %dma_start3A_266 = arith.constant 0 : i32
        %dma_start3A_267 = arith.constant 0 : i32
        %dma_start3A_268 = arith.constant 0 : i32
        %dma_start3A_269 = tpu.memref_slice %arg8[%dma_start3A_266, %dma_start3A_267, %dma_start3A_268] : memref<2x80x128xf32, #tpu.memory_space<vmem>> -> memref<1x80x128xf32, #tpu.memory_space<vmem>>
        %dma_start3A_270 = tpu.memref_squeeze %dma_start3A_269 : memref<1x80x128xf32, #tpu.memory_space<vmem>> -> memref<80x128xf32, #tpu.memory_space<vmem>>
        %dma_start3A_271 = arith.constant 0 : i32
        %dma_start3A_272 = tpu.memref_slice %arg6[%dma_start3A_265, %dma_start3A_271] : memref<4x80xi32, #tpu.memory_space<vmem>> -> memref<1x80xi32, #tpu.memory_space<vmem>>
        %dma_start3A_273 = tpu.memref_squeeze %dma_start3A_272 : memref<1x80xi32, #tpu.memory_space<vmem>> -> memref<80xi32, #tpu.memory_space<vmem>>
        %dma_start3A_274 = arith.constant 0 : i32
        %dma_start3A_275 = arith.constant 0 : i32
        %dma_start3A_276 = tpu.memref_slice %arg2[%dma_start3A_274, %dma_start3A_275] : memref<20480x128xf32, #tpu.memory_space<hbm>> -> memref<20480x128xf32, #tpu.memory_space<hbm>>
        tpu.enqueue_indirect_dma source(%dma_start3A_276 : memref<20480x128xf32, #tpu.memory_space<hbm>>) target(%dma_start3A_270 : memref<80x128xf32, #tpu.memory_space<vmem>>) offsets(%dma_start3A_273 : memref<80xi32, #tpu.memory_space<vmem>>) semaphore(%arg14 : memref<!tpu.dma_semaphore, #tpu.memory_space<semaphore_mem>>)
      } else {
      }
      %ge3A_191 = arith.constant 1 : i32
      %ge3A_192 = arith.cmpi sge, %add3A_177, %ge3A_191 : i32
      %le3A_193 = arith.constant 128 : i32
      %le3A_194 = arith.cmpi sle, %add3A_177, %le3A_193 : i32
      %and3A_195 = arith.andi %ge3A_192, %le3A_194 : i1
      %convert_element_type3A_196 = arith.extui %and3A_195 : i1 to i32
      %cond3A_197 = arith.constant 0 : i32
      %cond3A_198 = arith.cmpi ne, %convert_element_type3A_196, %cond3A_197 : i32
      scf.if %cond3A_198 {
        %dma_wait3A = arith.constant 1 : i32
        %dma_wait3A_242 = arith.constant 1 : i32
        %dma_wait3A_243 = arith.constant 0 : i32
        %dma_wait3A_244 = arith.constant 0 : i32
        %dma_wait3A_245 = tpu.memref_slice %arg8[%dma_wait3A_242, %dma_wait3A_243, %dma_wait3A_244] : memref<2x80x128xf32, #tpu.memory_space<vmem>> -> memref<1x80x128xf32, #tpu.memory_space<vmem>>
        %dma_wait3A_246 = tpu.memref_squeeze %dma_wait3A_245 : memref<1x80x128xf32, #tpu.memory_space<vmem>> -> memref<80x128xf32, #tpu.memory_space<vmem>>
        %dma_wait3A_247 = arith.constant 0 : i32
        %dma_wait3A_248 = tpu.memref_slice %arg6[%dma_wait3A, %dma_wait3A_247] : memref<4x80xi32, #tpu.memory_space<vmem>> -> memref<1x80xi32, #tpu.memory_space<vmem>>
        %dma_wait3A_249 = tpu.memref_squeeze %dma_wait3A_248 : memref<1x80xi32, #tpu.memory_space<vmem>> -> memref<80xi32, #tpu.memory_space<vmem>>
        %dma_wait3A_250 = arith.constant 0 : i32
        %dma_wait3A_251 = arith.constant 0 : i32
        %dma_wait3A_252 = tpu.memref_slice %arg2[%dma_wait3A_250, %dma_wait3A_251] : memref<20480x128xf32, #tpu.memory_space<hbm>> -> memref<20480x128xf32, #tpu.memory_space<hbm>>
        tpu.wait_indirect_dma semaphore(%arg15 : memref<!tpu.dma_semaphore, #tpu.memory_space<semaphore_mem>>) src(%dma_wait3A_252 : memref<20480x128xf32, #tpu.memory_space<hbm>>) dst(%dma_wait3A_246 : memref<80x128xf32, #tpu.memory_space<vmem>>)
        %dma_start3A_253 = arith.constant 1 : i32
        %dma_start3A_254 = arith.constant 1 : i32
        %dma_start3A_255 = arith.constant 0 : i32
        %dma_start3A_256 = arith.constant 0 : i32
        %dma_start3A_257 = tpu.memref_slice %arg8[%dma_start3A_253, %dma_start3A_255, %dma_start3A_256] : memref<2x80x128xf32, #tpu.memory_space<vmem>> -> memref<1x80x128xf32, #tpu.memory_space<vmem>>
        %dma_start3A_258 = tpu.memref_squeeze %dma_start3A_257 : memref<1x80x128xf32, #tpu.memory_space<vmem>> -> memref<80x128xf32, #tpu.memory_space<vmem>>
        %dma_start3A_259 = arith.constant 0 : i32
        %dma_start3A_260 = tpu.memref_slice %arg7[%dma_start3A_254, %dma_start3A_259] : memref<4x80xi32, #tpu.memory_space<vmem>> -> memref<1x80xi32, #tpu.memory_space<vmem>>
        %dma_start3A_261 = tpu.memref_squeeze %dma_start3A_260 : memref<1x80xi32, #tpu.memory_space<vmem>> -> memref<80xi32, #tpu.memory_space<vmem>>
        %dma_start3A_262 = arith.constant 0 : i32
        %dma_start3A_263 = arith.constant 0 : i32
        %dma_start3A_264 = tpu.memref_slice %arg9[%dma_start3A_262, %dma_start3A_263] : memref<10240x128xf32, #tpu.memory_space<vmem_shared>> -> memref<10240x128xf32, #tpu.memory_space<vmem_shared>>
        tpu.enqueue_indirect_dma source(%dma_start3A_258 : memref<80x128xf32, #tpu.memory_space<vmem>>) target(%dma_start3A_264 : memref<10240x128xf32, #tpu.memory_space<vmem_shared>>) offsets(%dma_start3A_261 : memref<80xi32, #tpu.memory_space<vmem>>) semaphore(%arg17 : memref<!tpu.dma_semaphore, #tpu.memory_space<semaphore_mem>>) {add = true}
      } else {
      }
      %ge3A_199 = arith.constant 2 : i32
      %ge3A_200 = arith.cmpi sge, %add3A_177, %ge3A_199 : i32
      %add3A_201 = arith.constant 2 : i32
      %add3A_202 = arith.addi %add3A_177, %add3A_201 : i32
      %lt3A_203 = arith.constant 128 : i32
      %lt3A_204 = arith.cmpi slt, %add3A_202, %lt3A_203 : i32
      %and3A_205 = arith.andi %ge3A_200, %lt3A_204 : i1
      %convert_element_type3A_206 = arith.extui %and3A_205 : i1 to i32
      %cond3A_207 = arith.constant 0 : i32
      %cond3A_208 = arith.cmpi ne, %convert_element_type3A_206, %cond3A_207 : i32
      scf.if %cond3A_208 {
        %add3A_242 = arith.constant 2 : i32
        %add3A_243 = arith.addi %add3A_177, %add3A_242 : i32
        %mul3A_244 = arith.constant 80 : i32
        %mul3A_245 = arith.muli %add3A_243, %mul3A_244 : i32
        %add3A_246 = arith.addi %mul3A_11, %mul3A_245 : i32
        %dma_start3A_247 = arith.constant 0 : i32
        %dma_start3A_248 = arith.constant 0 : i32
        %dma_start3A_249 = tpu.memref_slice %arg7[%dma_start3A_247, %dma_start3A_248] : memref<4x80xi32, #tpu.memory_space<vmem>> -> memref<1x80xi32, #tpu.memory_space<vmem>>
        %dma_start3A_250 = tpu.memref_squeeze %dma_start3A_249 : memref<1x80xi32, #tpu.memory_space<vmem>> -> memref<80xi32, #tpu.memory_space<vmem>>
        %dma_start3A_251 = tpu.memref_slice %arg4[%add3A_246] : memref<164000xi32, #tpu.memory_space<hbm>> -> memref<80xi32, #tpu.memory_space<hbm>>
        %dma_start3A_252 = arith.constant 0 : i32
        %dma_start3A_253 = tpu.memref_slice %arg7[%dma_start3A_247, %dma_start3A_252] : memref<4x80xi32, #tpu.memory_space<vmem>> -> memref<1x80xi32, #tpu.memory_space<vmem>>
        %dma_start3A_254 = tpu.memref_squeeze %dma_start3A_253 : memref<1x80xi32, #tpu.memory_space<vmem>> -> memref<80xi32, #tpu.memory_space<vmem>>
        %dma_start3A_255 = tpu.memref_slice %arg4[%add3A_246] : memref<164000xi32, #tpu.memory_space<hbm>> -> memref<80xi32, #tpu.memory_space<hbm>>
        tpu.enqueue_dma source(%dma_start3A_255 : memref<80xi32, #tpu.memory_space<hbm>>) target(%dma_start3A_254 : memref<80xi32, #tpu.memory_space<vmem>>) target_semaphore(%arg10 : memref<!tpu.dma_semaphore, #tpu.memory_space<semaphore_mem>>)
        %mul3A_256 = arith.constant 80 : i32
        %mul3A_257 = arith.muli %add3A_243, %mul3A_256 : i32
        %add3A_258 = arith.addi %add3A_9, %mul3A_257 : i32
        %dma_start3A_259 = arith.constant 0 : i32
        %dma_start3A_260 = arith.constant 0 : i32
        %dma_start3A_261 = tpu.memref_slice %arg6[%dma_start3A_259, %dma_start3A_260] : memref<4x80xi32, #tpu.memory_space<vmem>> -> memref<1x80xi32, #tpu.memory_space<vmem>>
        %dma_start3A_262 = tpu.memref_squeeze %dma_start3A_261 : memref<1x80xi32, #tpu.memory_space<vmem>> -> memref<80xi32, #tpu.memory_space<vmem>>
        %dma_start3A_263 = tpu.memref_slice %arg3[%add3A_258] : memref<328000xi32, #tpu.memory_space<hbm>> -> memref<80xi32, #tpu.memory_space<hbm>>
        %dma_start3A_264 = arith.constant 0 : i32
        %dma_start3A_265 = tpu.memref_slice %arg6[%dma_start3A_259, %dma_start3A_264] : memref<4x80xi32, #tpu.memory_space<vmem>> -> memref<1x80xi32, #tpu.memory_space<vmem>>
        %dma_start3A_266 = tpu.memref_squeeze %dma_start3A_265 : memref<1x80xi32, #tpu.memory_space<vmem>> -> memref<80xi32, #tpu.memory_space<vmem>>
        %dma_start3A_267 = tpu.memref_slice %arg3[%add3A_258] : memref<328000xi32, #tpu.memory_space<hbm>> -> memref<80xi32, #tpu.memory_space<hbm>>
        tpu.enqueue_dma source(%dma_start3A_267 : memref<80xi32, #tpu.memory_space<hbm>>) target(%dma_start3A_266 : memref<80xi32, #tpu.memory_space<vmem>>) target_semaphore(%arg10 : memref<!tpu.dma_semaphore, #tpu.memory_space<semaphore_mem>>)
      } else {
      }
      %add3A_209 = arith.constant 3 : i32
      %add3A_210 = arith.addi %add3A_115, %add3A_209 : i32
      %ge3A_211 = arith.constant 2 : i32
      %ge3A_212 = arith.cmpi sge, %add3A_210, %ge3A_211 : i32
      %le3A_213 = arith.constant 129 : i32
      %le3A_214 = arith.cmpi sle, %add3A_210, %le3A_213 : i32
      %and3A_215 = arith.andi %ge3A_212, %le3A_214 : i1
      %convert_element_type3A_216 = arith.extui %and3A_215 : i1 to i32
      %cond3A_217 = arith.constant 0 : i32
      %cond3A_218 = arith.cmpi ne, %convert_element_type3A_216, %cond3A_217 : i32
      scf.if %cond3A_218 {
        %dma_wait3A = arith.constant 1 : i32
        %dma_wait3A_242 = arith.constant 1 : i32
        %dma_wait3A_243 = arith.constant 0 : i32
        %dma_wait3A_244 = arith.constant 0 : i32
        %dma_wait3A_245 = tpu.memref_slice %arg8[%dma_wait3A, %dma_wait3A_243, %dma_wait3A_244] : memref<2x80x128xf32, #tpu.memory_space<vmem>> -> memref<1x80x128xf32, #tpu.memory_space<vmem>>
        %dma_wait3A_246 = tpu.memref_squeeze %dma_wait3A_245 : memref<1x80x128xf32, #tpu.memory_space<vmem>> -> memref<80x128xf32, #tpu.memory_space<vmem>>
        %dma_wait3A_247 = arith.constant 0 : i32
        %dma_wait3A_248 = tpu.memref_slice %arg7[%dma_wait3A_242, %dma_wait3A_247] : memref<4x80xi32, #tpu.memory_space<vmem>> -> memref<1x80xi32, #tpu.memory_space<vmem>>
        %dma_wait3A_249 = tpu.memref_squeeze %dma_wait3A_248 : memref<1x80xi32, #tpu.memory_space<vmem>> -> memref<80xi32, #tpu.memory_space<vmem>>
        %dma_wait3A_250 = arith.constant 0 : i32
        %dma_wait3A_251 = arith.constant 0 : i32
        %dma_wait3A_252 = tpu.memref_slice %arg9[%dma_wait3A_250, %dma_wait3A_251] : memref<10240x128xf32, #tpu.memory_space<vmem_shared>> -> memref<10240x128xf32, #tpu.memory_space<vmem_shared>>
        tpu.wait_indirect_dma semaphore(%arg17 : memref<!tpu.dma_semaphore, #tpu.memory_space<semaphore_mem>>) src(%dma_wait3A_246 : memref<80x128xf32, #tpu.memory_space<vmem>>) dst(%dma_wait3A_252 : memref<10240x128xf32, #tpu.memory_space<vmem_shared>>)
      } else {
      }
      %lt3A_219 = arith.constant 128 : i32
      %lt3A_220 = arith.cmpi slt, %add3A_210, %lt3A_219 : i32
      %convert_element_type3A_221 = arith.extui %lt3A_220 : i1 to i32
      %cond3A_222 = arith.constant 0 : i32
      %cond3A_223 = arith.cmpi ne, %convert_element_type3A_221, %cond3A_222 : i32
      scf.if %cond3A_223 {
        %mul3A_242 = arith.constant 80 : i32
        %mul3A_243 = arith.muli %add3A_210, %mul3A_242 : i32
        %add3A_244 = arith.addi %mul3A_11, %mul3A_243 : i32
        %dma_wait3A = arith.constant 3 : i32
        %dma_wait3A_245 = arith.constant 0 : i32
        %dma_wait3A_246 = tpu.memref_slice %arg7[%dma_wait3A, %dma_wait3A_245] : memref<4x80xi32, #tpu.memory_space<vmem>> -> memref<1x80xi32, #tpu.memory_space<vmem>>
        %dma_wait3A_247 = tpu.memref_squeeze %dma_wait3A_246 : memref<1x80xi32, #tpu.memory_space<vmem>> -> memref<80xi32, #tpu.memory_space<vmem>>
        %dma_wait3A_248 = tpu.memref_slice %arg4[%add3A_244] : memref<164000xi32, #tpu.memory_space<hbm>> -> memref<80xi32, #tpu.memory_space<hbm>>
        %dma_wait3A_249 = arith.constant 0 : i32
        %dma_wait3A_250 = tpu.memref_slice %arg7[%dma_wait3A, %dma_wait3A_249] : memref<4x80xi32, #tpu.memory_space<vmem>> -> memref<1x80xi32, #tpu.memory_space<vmem>>
        %dma_wait3A_251 = tpu.memref_squeeze %dma_wait3A_250 : memref<1x80xi32, #tpu.memory_space<vmem>> -> memref<80xi32, #tpu.memory_space<vmem>>
        %dma_wait3A_252 = tpu.memref_slice %arg4[%add3A_244] : memref<164000xi32, #tpu.memory_space<hbm>> -> memref<80xi32, #tpu.memory_space<hbm>>
        tpu.wait_dma2 semaphore(%arg13 : memref<!tpu.dma_semaphore, #tpu.memory_space<semaphore_mem>>) src(%dma_wait3A_252 : memref<80xi32, #tpu.memory_space<hbm>>) dst(%dma_wait3A_251 : memref<80xi32, #tpu.memory_space<vmem>>)
        %mul3A_253 = arith.constant 80 : i32
        %mul3A_254 = arith.muli %add3A_210, %mul3A_253 : i32
        %add3A_255 = arith.addi %add3A_9, %mul3A_254 : i32
        %dma_wait3A_256 = arith.constant 3 : i32
        %dma_wait3A_257 = arith.constant 0 : i32
        %dma_wait3A_258 = tpu.memref_slice %arg6[%dma_wait3A_256, %dma_wait3A_257] : memref<4x80xi32, #tpu.memory_space<vmem>> -> memref<1x80xi32, #tpu.memory_space<vmem>>
        %dma_wait3A_259 = tpu.memref_squeeze %dma_wait3A_258 : memref<1x80xi32, #tpu.memory_space<vmem>> -> memref<80xi32, #tpu.memory_space<vmem>>
        %dma_wait3A_260 = tpu.memref_slice %arg3[%add3A_255] : memref<328000xi32, #tpu.memory_space<hbm>> -> memref<80xi32, #tpu.memory_space<hbm>>
        %dma_wait3A_261 = arith.constant 0 : i32
        %dma_wait3A_262 = tpu.memref_slice %arg6[%dma_wait3A_256, %dma_wait3A_261] : memref<4x80xi32, #tpu.memory_space<vmem>> -> memref<1x80xi32, #tpu.memory_space<vmem>>
        %dma_wait3A_263 = tpu.memref_squeeze %dma_wait3A_262 : memref<1x80xi32, #tpu.memory_space<vmem>> -> memref<80xi32, #tpu.memory_space<vmem>>
        %dma_wait3A_264 = tpu.memref_slice %arg3[%add3A_255] : memref<328000xi32, #tpu.memory_space<hbm>> -> memref<80xi32, #tpu.memory_space<hbm>>
        tpu.wait_dma2 semaphore(%arg13 : memref<!tpu.dma_semaphore, #tpu.memory_space<semaphore_mem>>) src(%dma_wait3A_264 : memref<80xi32, #tpu.memory_space<hbm>>) dst(%dma_wait3A_263 : memref<80xi32, #tpu.memory_space<vmem>>)
        %dma_start3A_265 = arith.constant 3 : i32
        %dma_start3A_266 = arith.constant 1 : i32
        %dma_start3A_267 = arith.constant 0 : i32
        %dma_start3A_268 = arith.constant 0 : i32
        %dma_start3A_269 = tpu.memref_slice %arg8[%dma_start3A_266, %dma_start3A_267, %dma_start3A_268] : memref<2x80x128xf32, #tpu.memory_space<vmem>> -> memref<1x80x128xf32, #tpu.memory_space<vmem>>
        %dma_start3A_270 = tpu.memref_squeeze %dma_start3A_269 : memref<1x80x128xf32, #tpu.memory_space<vmem>> -> memref<80x128xf32, #tpu.memory_space<vmem>>
        %dma_start3A_271 = arith.constant 0 : i32
        %dma_start3A_272 = tpu.memref_slice %arg6[%dma_start3A_265, %dma_start3A_271] : memref<4x80xi32, #tpu.memory_space<vmem>> -> memref<1x80xi32, #tpu.memory_space<vmem>>
        %dma_start3A_273 = tpu.memref_squeeze %dma_start3A_272 : memref<1x80xi32, #tpu.memory_space<vmem>> -> memref<80xi32, #tpu.memory_space<vmem>>
        %dma_start3A_274 = arith.constant 0 : i32
        %dma_start3A_275 = arith.constant 0 : i32
        %dma_start3A_276 = tpu.memref_slice %arg2[%dma_start3A_274, %dma_start3A_275] : memref<20480x128xf32, #tpu.memory_space<hbm>> -> memref<20480x128xf32, #tpu.memory_space<hbm>>
        tpu.enqueue_indirect_dma source(%dma_start3A_276 : memref<20480x128xf32, #tpu.memory_space<hbm>>) target(%dma_start3A_270 : memref<80x128xf32, #tpu.memory_space<vmem>>) offsets(%dma_start3A_273 : memref<80xi32, #tpu.memory_space<vmem>>) semaphore(%arg15 : memref<!tpu.dma_semaphore, #tpu.memory_space<semaphore_mem>>)
      } else {
      }
      %ge3A_224 = arith.constant 1 : i32
      %ge3A_225 = arith.cmpi sge, %add3A_210, %ge3A_224 : i32
      %le3A_226 = arith.constant 128 : i32
      %le3A_227 = arith.cmpi sle, %add3A_210, %le3A_226 : i32
      %and3A_228 = arith.andi %ge3A_225, %le3A_227 : i1
      %convert_element_type3A_229 = arith.extui %and3A_228 : i1 to i32
      %cond3A_230 = arith.constant 0 : i32
      %cond3A_231 = arith.cmpi ne, %convert_element_type3A_229, %cond3A_230 : i32
      scf.if %cond3A_231 {
        %dma_wait3A = arith.constant 2 : i32
        %dma_wait3A_242 = arith.constant 0 : i32
        %dma_wait3A_243 = arith.constant 0 : i32
        %dma_wait3A_244 = arith.constant 0 : i32
        %dma_wait3A_245 = tpu.memref_slice %arg8[%dma_wait3A_242, %dma_wait3A_243, %dma_wait3A_244] : memref<2x80x128xf32, #tpu.memory_space<vmem>> -> memref<1x80x128xf32, #tpu.memory_space<vmem>>
        %dma_wait3A_246 = tpu.memref_squeeze %dma_wait3A_245 : memref<1x80x128xf32, #tpu.memory_space<vmem>> -> memref<80x128xf32, #tpu.memory_space<vmem>>
        %dma_wait3A_247 = arith.constant 0 : i32
        %dma_wait3A_248 = tpu.memref_slice %arg6[%dma_wait3A, %dma_wait3A_247] : memref<4x80xi32, #tpu.memory_space<vmem>> -> memref<1x80xi32, #tpu.memory_space<vmem>>
        %dma_wait3A_249 = tpu.memref_squeeze %dma_wait3A_248 : memref<1x80xi32, #tpu.memory_space<vmem>> -> memref<80xi32, #tpu.memory_space<vmem>>
        %dma_wait3A_250 = arith.constant 0 : i32
        %dma_wait3A_251 = arith.constant 0 : i32
        %dma_wait3A_252 = tpu.memref_slice %arg2[%dma_wait3A_250, %dma_wait3A_251] : memref<20480x128xf32, #tpu.memory_space<hbm>> -> memref<20480x128xf32, #tpu.memory_space<hbm>>
        tpu.wait_indirect_dma semaphore(%arg14 : memref<!tpu.dma_semaphore, #tpu.memory_space<semaphore_mem>>) src(%dma_wait3A_252 : memref<20480x128xf32, #tpu.memory_space<hbm>>) dst(%dma_wait3A_246 : memref<80x128xf32, #tpu.memory_space<vmem>>)
        %dma_start3A_253 = arith.constant 0 : i32
        %dma_start3A_254 = arith.constant 2 : i32
        %dma_start3A_255 = arith.constant 0 : i32
        %dma_start3A_256 = arith.constant 0 : i32
        %dma_start3A_257 = tpu.memref_slice %arg8[%dma_start3A_253, %dma_start3A_255, %dma_start3A_256] : memref<2x80x128xf32, #tpu.memory_space<vmem>> -> memref<1x80x128xf32, #tpu.memory_space<vmem>>
        %dma_start3A_258 = tpu.memref_squeeze %dma_start3A_257 : memref<1x80x128xf32, #tpu.memory_space<vmem>> -> memref<80x128xf32, #tpu.memory_space<vmem>>
        %dma_start3A_259 = arith.constant 0 : i32
        %dma_start3A_260 = tpu.memref_slice %arg7[%dma_start3A_254, %dma_start3A_259] : memref<4x80xi32, #tpu.memory_space<vmem>> -> memref<1x80xi32, #tpu.memory_space<vmem>>
        %dma_start3A_261 = tpu.memref_squeeze %dma_start3A_260 : memref<1x80xi32, #tpu.memory_space<vmem>> -> memref<80xi32, #tpu.memory_space<vmem>>
        %dma_start3A_262 = arith.constant 0 : i32
        %dma_start3A_263 = arith.constant 0 : i32
        %dma_start3A_264 = tpu.memref_slice %arg9[%dma_start3A_262, %dma_start3A_263] : memref<10240x128xf32, #tpu.memory_space<vmem_shared>> -> memref<10240x128xf32, #tpu.memory_space<vmem_shared>>
        tpu.enqueue_indirect_dma source(%dma_start3A_258 : memref<80x128xf32, #tpu.memory_space<vmem>>) target(%dma_start3A_264 : memref<10240x128xf32, #tpu.memory_space<vmem_shared>>) offsets(%dma_start3A_261 : memref<80xi32, #tpu.memory_space<vmem>>) semaphore(%arg16 : memref<!tpu.dma_semaphore, #tpu.memory_space<semaphore_mem>>) {add = true}
      } else {
      }
      %ge3A_232 = arith.constant 2 : i32
      %ge3A_233 = arith.cmpi sge, %add3A_210, %ge3A_232 : i32
      %add3A_234 = arith.constant 2 : i32
      %add3A_235 = arith.addi %add3A_210, %add3A_234 : i32
      %lt3A_236 = arith.constant 128 : i32
      %lt3A_237 = arith.cmpi slt, %add3A_235, %lt3A_236 : i32
      %and3A_238 = arith.andi %ge3A_233, %lt3A_237 : i1
      %convert_element_type3A_239 = arith.extui %and3A_238 : i1 to i32
      %cond3A_240 = arith.constant 0 : i32
      %cond3A_241 = arith.cmpi ne, %convert_element_type3A_239, %cond3A_240 : i32
      scf.if %cond3A_241 {
        %add3A_242 = arith.constant 2 : i32
        %add3A_243 = arith.addi %add3A_210, %add3A_242 : i32
        %mul3A_244 = arith.constant 80 : i32
        %mul3A_245 = arith.muli %add3A_243, %mul3A_244 : i32
        %add3A_246 = arith.addi %mul3A_11, %mul3A_245 : i32
        %dma_start3A_247 = arith.constant 1 : i32
        %dma_start3A_248 = arith.constant 0 : i32
        %dma_start3A_249 = tpu.memref_slice %arg7[%dma_start3A_247, %dma_start3A_248] : memref<4x80xi32, #tpu.memory_space<vmem>> -> memref<1x80xi32, #tpu.memory_space<vmem>>
        %dma_start3A_250 = tpu.memref_squeeze %dma_start3A_249 : memref<1x80xi32, #tpu.memory_space<vmem>> -> memref<80xi32, #tpu.memory_space<vmem>>
        %dma_start3A_251 = tpu.memref_slice %arg4[%add3A_246] : memref<164000xi32, #tpu.memory_space<hbm>> -> memref<80xi32, #tpu.memory_space<hbm>>
        %dma_start3A_252 = arith.constant 0 : i32
        %dma_start3A_253 = tpu.memref_slice %arg7[%dma_start3A_247, %dma_start3A_252] : memref<4x80xi32, #tpu.memory_space<vmem>> -> memref<1x80xi32, #tpu.memory_space<vmem>>
        %dma_start3A_254 = tpu.memref_squeeze %dma_start3A_253 : memref<1x80xi32, #tpu.memory_space<vmem>> -> memref<80xi32, #tpu.memory_space<vmem>>
        %dma_start3A_255 = tpu.memref_slice %arg4[%add3A_246] : memref<164000xi32, #tpu.memory_space<hbm>> -> memref<80xi32, #tpu.memory_space<hbm>>
        tpu.enqueue_dma source(%dma_start3A_255 : memref<80xi32, #tpu.memory_space<hbm>>) target(%dma_start3A_254 : memref<80xi32, #tpu.memory_space<vmem>>) target_semaphore(%arg11 : memref<!tpu.dma_semaphore, #tpu.memory_space<semaphore_mem>>)
        %mul3A_256 = arith.constant 80 : i32
        %mul3A_257 = arith.muli %add3A_243, %mul3A_256 : i32
        %add3A_258 = arith.addi %add3A_9, %mul3A_257 : i32
        %dma_start3A_259 = arith.constant 1 : i32
        %dma_start3A_260 = arith.constant 0 : i32
        %dma_start3A_261 = tpu.memref_slice %arg6[%dma_start3A_259, %dma_start3A_260] : memref<4x80xi32, #tpu.memory_space<vmem>> -> memref<1x80xi32, #tpu.memory_space<vmem>>
        %dma_start3A_262 = tpu.memref_squeeze %dma_start3A_261 : memref<1x80xi32, #tpu.memory_space<vmem>> -> memref<80xi32, #tpu.memory_space<vmem>>
        %dma_start3A_263 = tpu.memref_slice %arg3[%add3A_258] : memref<328000xi32, #tpu.memory_space<hbm>> -> memref<80xi32, #tpu.memory_space<hbm>>
        %dma_start3A_264 = arith.constant 0 : i32
        %dma_start3A_265 = tpu.memref_slice %arg6[%dma_start3A_259, %dma_start3A_264] : memref<4x80xi32, #tpu.memory_space<vmem>> -> memref<1x80xi32, #tpu.memory_space<vmem>>
        %dma_start3A_266 = tpu.memref_squeeze %dma_start3A_265 : memref<1x80xi32, #tpu.memory_space<vmem>> -> memref<80xi32, #tpu.memory_space<vmem>>
        %dma_start3A_267 = tpu.memref_slice %arg3[%add3A_258] : memref<328000xi32, #tpu.memory_space<hbm>> -> memref<80xi32, #tpu.memory_space<hbm>>
        tpu.enqueue_dma source(%dma_start3A_267 : memref<80xi32, #tpu.memory_space<hbm>>) target(%dma_start3A_266 : memref<80xi32, #tpu.memory_space<vmem>>) target_semaphore(%arg11 : memref<!tpu.dma_semaphore, #tpu.memory_space<semaphore_mem>>)
      } else {
      }
    }
    %scan3A_102 = arith.constant 33 : i32
    %barrier3A_103 = arith.constant 0 : index
    tpu.barrier barrier_id(%barrier3A_103)
    %mul3A_104 = arith.constant 640 : i32
    %mul3A_105 = arith.muli %arg1, %mul3A_104 : i32
    %mul3A_106 = arith.constant 10240 : i32
    %mul3A_107 = arith.muli %arg0, %mul3A_106 : i32
    %mul3A_108 = arith.constant 640 : i32
    %mul3A_109 = arith.muli %arg1, %mul3A_108 : i32
    %add3A_110 = arith.addi %mul3A_107, %mul3A_109 : i32
    "tpu.region"() ({
      %run_scoped3A = tpu.sem_alloc : memref<!tpu.dma_semaphore, #tpu.memory_space<semaphore_mem>>
      %dma_start3A_111 = arith.constant 0 : i32
      %dma_start3A_112 = tpu.memref_slice %arg5[%add3A_110, %dma_start3A_111] : memref<20480x128xf32, #tpu.memory_space<hbm>> -> memref<640x128xf32, #tpu.memory_space<hbm>>
      %dma_start3A_113 = arith.constant 0 : i32
      %dma_start3A_114 = tpu.memref_slice %arg9[%mul3A_105, %dma_start3A_113] : memref<10240x128xf32, #tpu.memory_space<vmem_shared>> -> memref<640x128xf32, #tpu.memory_space<vmem_shared>>
      tpu.enqueue_dma source(%dma_start3A_114 : memref<640x128xf32, #tpu.memory_space<vmem_shared>>) target(%dma_start3A_112 : memref<640x128xf32, #tpu.memory_space<hbm>>) target_semaphore(%run_scoped3A : memref<!tpu.dma_semaphore, #tpu.memory_space<semaphore_mem>>)
      %dma_wait3A = arith.constant 0 : i32
      %dma_wait3A_115 = tpu.memref_slice %arg5[%add3A_110, %dma_wait3A] : memref<20480x128xf32, #tpu.memory_space<hbm>> -> memref<640x128xf32, #tpu.memory_space<hbm>>
      %dma_wait3A_116 = arith.constant 0 : i32
      %dma_wait3A_117 = tpu.memref_slice %arg9[%mul3A_105, %dma_wait3A_116] : memref<10240x128xf32, #tpu.memory_space<vmem_shared>> -> memref<640x128xf32, #tpu.memory_space<vmem_shared>>
      tpu.wait_dma2 semaphore(%run_scoped3A : memref<!tpu.dma_semaphore, #tpu.memory_space<semaphore_mem>>) src(%dma_wait3A_117 : memref<640x128xf32, #tpu.memory_space<vmem_shared>>) dst(%dma_wait3A_115 : memref<640x128xf32, #tpu.memory_space<hbm>>)
      tpu.yield
    }) : () -> ()
    return
  }
}

module attributes {stable_mosaic.version = 14 : i64} {
  func.func @body(%arg0: memref<20480x128xf32, #tpu.memory_space<vmem>>, %arg1: memref<10240x16xf32, #tpu.memory_space<vmem>>, %arg2: memref<16x256xf32, #tpu.memory_space<vmem>>, %arg3: memref<10240x1xf32, #tpu.memory_space<vmem>>, %arg4: memref<20480x128xf32, #tpu.memory_space<vmem>>) attributes {dimension_semantics = [], scalar_prefetch = 0 : i64, scratch_operands = 0 : i64, tpu.core_type = #tpu.core_type<tc>} {
    %scan3A = arith.constant 0 : i32
    %scan3A_0 = arith.constant 10 : i32
    %scan3A_1 = arith.addi %scan3A, %scan3A_0 : i32
    %scan3A_2 = arith.constant 1 : i32
    scf.for %scan3A_4 = %scan3A to %scan3A_1 step %scan3A_2  : i32 {
      %mul3A = arith.constant 1024 : i32
      %mul3A_5 = arith.muli %scan3A_4, %mul3A : i32
      %mul3A_6 = arith.constant 1024 : i32
      %mul3A_7 = arith.muli %scan3A_4, %mul3A_6 : i32
      %add3A = arith.constant 10240 : i32
      %add3A_8 = arith.addi %add3A, %mul3A_7 : i32
      %get3A = arith.index_cast %mul3A_5 : i32 to index
      %get3A_9 = arith.constant 0 : index
      %get3A_10 = vector.load %arg0[%get3A, %get3A_9] : memref<20480x128xf32, #tpu.memory_space<vmem>>, vector<1024x1xf32>
      %get3A_11 = arith.index_cast %add3A_8 : i32 to index
      %get3A_12 = arith.constant 0 : index
      %get3A_13 = vector.load %arg0[%get3A_11, %get3A_12] : memref<20480x128xf32, #tpu.memory_space<vmem>>, vector<1024x1xf32>
      %add3A_14 = arith.addf %get3A_10, %get3A_13 : vector<1024x1xf32>
      %add3A_15 = arith.constant 1.000000e+00 : f32
      %add3A_16 = vector.broadcast %add3A_15 : f32 to vector<1024x1xf32>
      %add3A_17 = arith.addf %add3A_14, %add3A_16 : vector<1024x1xf32>
      %iota3A = tpu.iota {dimensions = array<i32: 0>} : vector<1024x1xi32>
      %mul3A_18 = arith.constant 1024 : i32
      %mul3A_19 = arith.muli %scan3A_4, %mul3A_18 : i32
      %add3A_20 = vector.broadcast %mul3A_19 : i32 to vector<1024x1xi32>
      %add3A_21 = arith.addi %iota3A, %add3A_20 : vector<1024x1xi32>
      %lt3A = arith.constant 10000 : i32
      %lt3A_22 = vector.broadcast %lt3A : i32 to vector<1024x1xi32>
      %lt3A_23 = arith.cmpi slt, %add3A_21, %lt3A_22 : vector<1024x1xi32>
      %rsqrt3A = math.rsqrt %add3A_17 : vector<1024x1xf32>
      %jit3A = arith.constant 0.000000e+00 : f32
      %broadcast_in_dim3A = vector.broadcast %jit3A : f32 to vector<1024x1xf32>
      %select_n3A = arith.select %lt3A_23, %rsqrt3A, %broadcast_in_dim3A : vector<1024x1xi1>, vector<1024x1xf32>
      %swap3A = arith.index_cast %mul3A_5 : i32 to index
      %swap3A_24 = arith.constant 0 : index
      %swap3A_25 = vector.load %arg3[%swap3A, %swap3A_24] : memref<10240x1xf32, #tpu.memory_space<vmem>>, vector<1024x1xf32>
      tpu.vector_store %arg3[%swap3A, %swap3A_24], %select_n3A {strides = array<i32>} : memref<10240x1xf32, #tpu.memory_space<vmem>>, vector<1024x1xf32>,
      %get3A_26 = arith.index_cast %mul3A_5 : i32 to index
      %get3A_27 = arith.constant 0 : index
      %get3A_28 = vector.load %arg1[%get3A_26, %get3A_27] : memref<10240x16xf32, #tpu.memory_space<vmem>>, vector<1024x16xf32>
      %get3A_29 = arith.constant 0 : index
      %get3A_30 = arith.constant 0 : index
      %get3A_31 = vector.load %arg2[%get3A_29, %get3A_30] : memref<16x256xf32, #tpu.memory_space<vmem>>, vector<16x256xf32>
      %dot_general3A = arith.constant dense<0.000000e+00> : vector<1024x256xf32>
      %dot_general3A_32 = tpu.matmul %get3A_28, %get3A_31, %dot_general3A {dimension_numbers = #tpu.dot_dimension_numbers<[1], [0], [0], [1], [0, 0, 1, 1], [], []>, transpose_lhs_hint = false} : vector<1024x16xf32>, vector<16x256xf32>, vector<1024x256xf32> -> vector<1024x256xf32>
      %mul3A_33 = vector.broadcast %select_n3A : vector<1024x1xf32> to vector<1024x256xf32>
      %mul3A_34 = arith.mulf %dot_general3A_32, %mul3A_33 : vector<1024x256xf32>
      %slice3A = vector.extract_strided_slice %mul3A_34 {offsets = [0, 0], sizes = [1024, 128], strides = [1, 1]} : vector<1024x256xf32> to vector<1024x128xf32>
      %swap3A_35 = arith.index_cast %mul3A_5 : i32 to index
      %swap3A_36 = arith.constant 0 : index
      %swap3A_37 = vector.load %arg4[%swap3A_35, %swap3A_36] : memref<20480x128xf32, #tpu.memory_space<vmem>>, vector<1024x128xf32>
      tpu.vector_store %arg4[%swap3A_35, %swap3A_36], %slice3A {strides = array<i32>} : memref<20480x128xf32, #tpu.memory_space<vmem>>, vector<1024x128xf32>,
      %slice3A_38 = vector.extract_strided_slice %mul3A_34 {offsets = [0, 128], sizes = [1024, 128], strides = [1, 1]} : vector<1024x256xf32> to vector<1024x128xf32>
      %swap3A_39 = arith.index_cast %add3A_8 : i32 to index
      %swap3A_40 = arith.constant 0 : index
      %swap3A_41 = vector.load %arg4[%swap3A_39, %swap3A_40] : memref<20480x128xf32, #tpu.memory_space<vmem>>, vector<1024x128xf32>
      tpu.vector_store %arg4[%swap3A_39, %swap3A_40], %slice3A_38 {strides = array<i32>} : memref<20480x128xf32, #tpu.memory_space<vmem>>, vector<1024x128xf32>,
    }
    %scan3A_3 = arith.constant 10 : i32
    return
  }
}

module attributes {stable_mosaic.version = 14 : i64} {
  func.func @body(%arg0: memref<20480x128xf32, #tpu.memory_space<vmem>>, %arg1: memref<10240x1xf32, #tpu.memory_space<vmem>>, %arg2: memref<1x256xf32, #tpu.memory_space<vmem>>, %arg3: memref<1x256xf32, #tpu.memory_space<vmem>>, %arg4: memref<1x256xf32, #tpu.memory_space<vmem>>, %arg5: memref<256x256xf32, #tpu.memory_space<vmem>>, %arg6: memref<20480x128xf32, #tpu.memory_space<vmem>>, %arg7: memref<10240x256xf32, #tpu.memory_space<vmem>>) attributes {dimension_semantics = [], scalar_prefetch = 0 : i64, scratch_operands = 1 : i64, tpu.core_type = #tpu.core_type<tc>} {
    %broadcast_in_dim3A = arith.constant 0.000000e+00 : f32
    %broadcast_in_dim3A_0 = vector.broadcast %broadcast_in_dim3A : f32 to vector<1x256xf32>
    %scan3A = arith.constant 0 : i32
    %scan3A_1 = arith.constant 10 : i32
    %scan3A_2 = arith.addi %scan3A, %scan3A_1 : i32
    %scan3A_3 = arith.constant 1 : i32
    %scan3A_4 = scf.for %scan3A_31 = %scan3A to %scan3A_2 step %scan3A_3 iter_args(%scan3A_32 = %broadcast_in_dim3A_0) -> (vector<1x256xf32>)  : i32 {
      %mul3A_33 = arith.constant 1024 : i32
      %mul3A_34 = arith.muli %scan3A_31, %mul3A_33 : i32
      %mul3A_35 = arith.constant 1024 : i32
      %mul3A_36 = arith.muli %scan3A_31, %mul3A_35 : i32
      %add3A_37 = arith.constant 10240 : i32
      %add3A_38 = arith.addi %add3A_37, %mul3A_36 : i32
      %get3A_39 = arith.index_cast %mul3A_34 : i32 to index
      %get3A_40 = arith.constant 0 : index
      %get3A_41 = vector.load %arg1[%get3A_39, %get3A_40] : memref<10240x1xf32, #tpu.memory_space<vmem>>, vector<1024x1xf32>
      %get3A_42 = arith.index_cast %mul3A_34 : i32 to index
      %get3A_43 = arith.constant 0 : index
      %get3A_44 = vector.load %arg0[%get3A_42, %get3A_43] : memref<20480x128xf32, #tpu.memory_space<vmem>>, vector<1024x128xf32>
      %mul3A_45 = vector.broadcast %get3A_41 : vector<1024x1xf32> to vector<1024x128xf32>
      %mul3A_46 = arith.mulf %get3A_44, %mul3A_45 : vector<1024x128xf32>
      %get3A_47 = arith.index_cast %add3A_38 : i32 to index
      %get3A_48 = arith.constant 0 : index
      %get3A_49 = vector.load %arg0[%get3A_47, %get3A_48] : memref<20480x128xf32, #tpu.memory_space<vmem>>, vector<1024x128xf32>
      %mul3A_50 = vector.broadcast %get3A_41 : vector<1024x1xf32> to vector<1024x128xf32>
      %mul3A_51 = arith.mulf %get3A_49, %mul3A_50 : vector<1024x128xf32>
      %concatenate3A = tpu.concatenate %mul3A_46, %mul3A_51 in 1 : vector<1024x128xf32>, vector<1024x128xf32> -> vector<1024x256xf32>
      %get3A_52 = arith.constant 0 : index
      %get3A_53 = arith.constant 0 : index
      %get3A_54 = vector.load %arg2[%get3A_52, %get3A_53] : memref<1x256xf32, #tpu.memory_space<vmem>>, vector<1x256xf32>
      %add3A_55 = vector.broadcast %get3A_54 : vector<1x256xf32> to vector<1024x256xf32>
      %add3A_56 = arith.addf %concatenate3A, %add3A_55 : vector<1024x256xf32>
      %iota3A = tpu.iota {dimensions = array<i32: 0>} : vector<1024x1xi32>
      %mul3A_57 = arith.constant 1024 : i32
      %mul3A_58 = arith.muli %scan3A_31, %mul3A_57 : i32
      %add3A_59 = vector.broadcast %mul3A_58 : i32 to vector<1024x1xi32>
      %add3A_60 = arith.addi %iota3A, %add3A_59 : vector<1024x1xi32>
      %lt3A = arith.constant 10000 : i32
      %lt3A_61 = vector.broadcast %lt3A : i32 to vector<1024x1xi32>
      %lt3A_62 = arith.cmpi slt, %add3A_60, %lt3A_61 : vector<1024x1xi32>
      %jit3A = arith.constant 0.000000e+00 : f32
      %broadcast_in_dim3A_63 = vector.shape_cast %lt3A_62 : vector<1024x1xi1> to vector<1024x1xi1>
      %broadcast_in_dim3A_64 = vector.broadcast %broadcast_in_dim3A_63 : vector<1024x1xi1> to vector<1024x256xi1>
      %broadcast_in_dim3A_65 = vector.broadcast %jit3A : f32 to vector<1024x256xf32>
      %select_n3A = arith.select %broadcast_in_dim3A_64, %add3A_56, %broadcast_in_dim3A_65 : vector<1024x256xi1>, vector<1024x256xf32>
      %swap3A = arith.index_cast %mul3A_34 : i32 to index
      %swap3A_66 = arith.constant 0 : index
      %swap3A_67 = vector.load %arg7[%swap3A, %swap3A_66] : memref<10240x256xf32, #tpu.memory_space<vmem>>, vector<1024x256xf32>
      tpu.vector_store %arg7[%swap3A, %swap3A_66], %add3A_56 {strides = array<i32>} : memref<10240x256xf32, #tpu.memory_space<vmem>>, vector<1024x256xf32>,
      %reduce_sum3A = arith.constant dense<0.000000e+00> : vector<256xf32>
      %reduce_sum3A_68 = vector.multi_reduction <add>, %select_n3A, %reduce_sum3A [0] : vector<1024x256xf32> to vector<256xf32>
      %broadcast_in_dim3A_69 = vector.shape_cast %reduce_sum3A_68 : vector<256xf32> to vector<1x256xf32>
      %add3A_70 = arith.addf %scan3A_32, %broadcast_in_dim3A_69 : vector<1x256xf32>
      scf.yield %add3A_70 : vector<1x256xf32>
    }
    %scan3A_5 = arith.constant 10 : i32
    %mul3A = arith.constant 9.99999974E-5 : f32
    %mul3A_6 = vector.broadcast %mul3A : f32 to vector<1x256xf32>
    %mul3A_7 = arith.mulf %scan3A_4, %mul3A_6 : vector<1x256xf32>
    %scan3A_8 = arith.constant 0 : i32
    %scan3A_9 = arith.constant 10 : i32
    %scan3A_10 = arith.addi %scan3A_8, %scan3A_9 : i32
    %scan3A_11 = arith.constant 1 : i32
    %scan3A_12 = scf.for %scan3A_31 = %scan3A_8 to %scan3A_10 step %scan3A_11 iter_args(%scan3A_32 = %broadcast_in_dim3A_0) -> (vector<1x256xf32>)  : i32 {
      %mul3A_33 = arith.constant 1024 : i32
      %mul3A_34 = arith.muli %scan3A_31, %mul3A_33 : i32
      %iota3A = tpu.iota {dimensions = array<i32: 0>} : vector<1024x1xi32>
      %mul3A_35 = arith.constant 1024 : i32
      %mul3A_36 = arith.muli %scan3A_31, %mul3A_35 : i32
      %add3A_37 = vector.broadcast %mul3A_36 : i32 to vector<1024x1xi32>
      %add3A_38 = arith.addi %iota3A, %add3A_37 : vector<1024x1xi32>
      %lt3A = arith.constant 10000 : i32
      %lt3A_39 = vector.broadcast %lt3A : i32 to vector<1024x1xi32>
      %lt3A_40 = arith.cmpi slt, %add3A_38, %lt3A_39 : vector<1024x1xi32>
      %get3A_41 = arith.index_cast %mul3A_34 : i32 to index
      %get3A_42 = arith.constant 0 : index
      %get3A_43 = vector.load %arg7[%get3A_41, %get3A_42] : memref<10240x256xf32, #tpu.memory_space<vmem>>, vector<1024x256xf32>
      %sub3A_44 = vector.broadcast %mul3A_7 : vector<1x256xf32> to vector<1024x256xf32>
      %sub3A_45 = arith.subf %get3A_43, %sub3A_44 : vector<1024x256xf32>
      %jit3A = arith.constant 0.000000e+00 : f32
      %broadcast_in_dim3A_46 = vector.shape_cast %lt3A_40 : vector<1024x1xi1> to vector<1024x1xi1>
      %broadcast_in_dim3A_47 = vector.broadcast %broadcast_in_dim3A_46 : vector<1024x1xi1> to vector<1024x256xi1>
      %broadcast_in_dim3A_48 = vector.broadcast %jit3A : f32 to vector<1024x256xf32>
      %select_n3A = arith.select %broadcast_in_dim3A_47, %sub3A_45, %broadcast_in_dim3A_48 : vector<1024x256xi1>, vector<1024x256xf32>
      %mul3A_49 = arith.mulf %select_n3A, %select_n3A : vector<1024x256xf32>
      %reduce_sum3A = arith.constant dense<0.000000e+00> : vector<256xf32>
      %reduce_sum3A_50 = vector.multi_reduction <add>, %mul3A_49, %reduce_sum3A [0] : vector<1024x256xf32> to vector<256xf32>
      %broadcast_in_dim3A_51 = vector.shape_cast %reduce_sum3A_50 : vector<256xf32> to vector<1x256xf32>
      %add3A_52 = arith.addf %scan3A_32, %broadcast_in_dim3A_51 : vector<1x256xf32>
      scf.yield %add3A_52 : vector<1x256xf32>
    }
    %scan3A_13 = arith.constant 10 : i32
    %mul3A_14 = arith.constant 9.99999974E-5 : f32
    %mul3A_15 = vector.broadcast %mul3A_14 : f32 to vector<1x256xf32>
    %mul3A_16 = arith.mulf %scan3A_12, %mul3A_15 : vector<1x256xf32>
    %get3A = arith.constant 0 : index
    %get3A_17 = arith.constant 0 : index
    %get3A_18 = vector.load %arg3[%get3A, %get3A_17] : memref<1x256xf32, #tpu.memory_space<vmem>>, vector<1x256xf32>
    %add3A = arith.constant 9.99999974E-6 : f32
    %add3A_19 = vector.broadcast %add3A : f32 to vector<1x256xf32>
    %add3A_20 = arith.addf %mul3A_16, %add3A_19 : vector<1x256xf32>
    %rsqrt3A = math.rsqrt %add3A_20 : vector<1x256xf32>
    %mul3A_21 = arith.mulf %get3A_18, %rsqrt3A : vector<1x256xf32>
    %get3A_22 = arith.constant 0 : index
    %get3A_23 = arith.constant 0 : index
    %get3A_24 = vector.load %arg4[%get3A_22, %get3A_23] : memref<1x256xf32, #tpu.memory_space<vmem>>, vector<1x256xf32>
    %mul3A_25 = arith.mulf %mul3A_7, %mul3A_21 : vector<1x256xf32>
    %sub3A = arith.subf %get3A_24, %mul3A_25 : vector<1x256xf32>
    %scan3A_26 = arith.constant 0 : i32
    %scan3A_27 = arith.constant 10 : i32
    %scan3A_28 = arith.addi %scan3A_26, %scan3A_27 : i32
    %scan3A_29 = arith.constant 1 : i32
    scf.for %scan3A_31 = %scan3A_26 to %scan3A_28 step %scan3A_29  : i32 {
      %mul3A_32 = arith.constant 1024 : i32
      %mul3A_33 = arith.muli %scan3A_31, %mul3A_32 : i32
      %mul3A_34 = arith.constant 1024 : i32
      %mul3A_35 = arith.muli %scan3A_31, %mul3A_34 : i32
      %add3A_36 = arith.constant 10240 : i32
      %add3A_37 = arith.addi %add3A_36, %mul3A_35 : i32
      %get3A_38 = arith.index_cast %mul3A_33 : i32 to index
      %get3A_39 = arith.constant 0 : index
      %get3A_40 = vector.load %arg7[%get3A_38, %get3A_39] : memref<10240x256xf32, #tpu.memory_space<vmem>>, vector<1024x256xf32>
      %mul3A_41 = vector.broadcast %mul3A_21 : vector<1x256xf32> to vector<1024x256xf32>
      %mul3A_42 = arith.mulf %get3A_40, %mul3A_41 : vector<1024x256xf32>
      %add3A_43 = vector.broadcast %sub3A : vector<1x256xf32> to vector<1024x256xf32>
      %add3A_44 = arith.addf %mul3A_42, %add3A_43 : vector<1024x256xf32>
      %max3A = arith.constant 0.000000e+00 : f32
      %max3A_45 = vector.broadcast %max3A : f32 to vector<1024x256xf32>
      %max3A_46 = arith.maximumf %add3A_44, %max3A_45 : vector<1024x256xf32>
      %get3A_47 = arith.constant 0 : index
      %get3A_48 = arith.constant 0 : index
      %get3A_49 = vector.load %arg5[%get3A_47, %get3A_48] : memref<256x256xf32, #tpu.memory_space<vmem>>, vector<256x256xf32>
      %dot_general3A = arith.constant dense<0.000000e+00> : vector<1024x256xf32>
      %dot_general3A_50 = tpu.matmul %max3A_46, %get3A_49, %dot_general3A {dimension_numbers = #tpu.dot_dimension_numbers<[1], [0], [0], [1], [0, 0, 1, 1], [], []>, transpose_lhs_hint = false} : vector<1024x256xf32>, vector<256x256xf32>, vector<1024x256xf32> -> vector<1024x256xf32>
      %get3A_51 = arith.index_cast %mul3A_33 : i32 to index
      %get3A_52 = arith.constant 0 : index
      %get3A_53 = vector.load %arg1[%get3A_51, %get3A_52] : memref<10240x1xf32, #tpu.memory_space<vmem>>, vector<1024x1xf32>
      %mul3A_54 = vector.broadcast %get3A_53 : vector<1024x1xf32> to vector<1024x256xf32>
      %mul3A_55 = arith.mulf %dot_general3A_50, %mul3A_54 : vector<1024x256xf32>
      %slice3A = vector.extract_strided_slice %mul3A_55 {offsets = [0, 0], sizes = [1024, 128], strides = [1, 1]} : vector<1024x256xf32> to vector<1024x128xf32>
      %swap3A = arith.index_cast %mul3A_33 : i32 to index
      %swap3A_56 = arith.constant 0 : index
      %swap3A_57 = vector.load %arg6[%swap3A, %swap3A_56] : memref<20480x128xf32, #tpu.memory_space<vmem>>, vector<1024x128xf32>
      tpu.vector_store %arg6[%swap3A, %swap3A_56], %slice3A {strides = array<i32>} : memref<20480x128xf32, #tpu.memory_space<vmem>>, vector<1024x128xf32>,
      %slice3A_58 = vector.extract_strided_slice %mul3A_55 {offsets = [0, 128], sizes = [1024, 128], strides = [1, 1]} : vector<1024x256xf32> to vector<1024x128xf32>
      %swap3A_59 = arith.index_cast %add3A_37 : i32 to index
      %swap3A_60 = arith.constant 0 : index
      %swap3A_61 = vector.load %arg6[%swap3A_59, %swap3A_60] : memref<20480x128xf32, #tpu.memory_space<vmem>>, vector<1024x128xf32>
      tpu.vector_store %arg6[%swap3A_59, %swap3A_60], %slice3A_58 {strides = array<i32>} : memref<20480x128xf32, #tpu.memory_space<vmem>>, vector<1024x128xf32>,
    }
    %scan3A_30 = arith.constant 10 : i32
    return
  }
}

module attributes {stable_mosaic.version = 14 : i64} {
  func.func @body(%arg0: memref<20480x128xf32, #tpu.memory_space<vmem>>, %arg1: memref<10240x1xf32, #tpu.memory_space<vmem>>, %arg2: memref<1x256xf32, #tpu.memory_space<vmem>>, %arg3: memref<1x256xf32, #tpu.memory_space<vmem>>, %arg4: memref<1x256xf32, #tpu.memory_space<vmem>>, %arg5: memref<10240x1xi32, #tpu.memory_space<vmem>>, %arg6: memref<256x128xf32, #tpu.memory_space<vmem>>, %arg7: memref<1x128xf32, #tpu.memory_space<vmem>>, %arg8: memref<128x128xf32, #tpu.memory_space<vmem>>, %arg9: memref<1x128xf32, #tpu.memory_space<vmem>>, %arg10: memref<128x1xf32, #tpu.memory_space<vmem>>, %arg11: memref<1x1xf32, #tpu.memory_space<vmem>>, %arg12: memref<64x1xf32, #tpu.memory_space<vmem>>, %arg13: memref<10240x256xf32, #tpu.memory_space<vmem>>) attributes {dimension_semantics = [], scalar_prefetch = 0 : i64, scratch_operands = 1 : i64, tpu.core_type = #tpu.core_type<tc>} {
    %broadcast_in_dim3A = arith.constant 0.000000e+00 : f32
    %broadcast_in_dim3A_0 = vector.broadcast %broadcast_in_dim3A : f32 to vector<1x256xf32>
    %scan3A = arith.constant 0 : i32
    %scan3A_1 = arith.constant 10 : i32
    %scan3A_2 = arith.addi %scan3A, %scan3A_1 : i32
    %scan3A_3 = arith.constant 1 : i32
    %scan3A_4 = scf.for %scan3A_78 = %scan3A to %scan3A_2 step %scan3A_3 iter_args(%scan3A_79 = %broadcast_in_dim3A_0) -> (vector<1x256xf32>)  : i32 {
      %mul3A_80 = arith.constant 1024 : i32
      %mul3A_81 = arith.muli %scan3A_78, %mul3A_80 : i32
      %mul3A_82 = arith.constant 1024 : i32
      %mul3A_83 = arith.muli %scan3A_78, %mul3A_82 : i32
      %add3A_84 = arith.constant 10240 : i32
      %add3A_85 = arith.addi %add3A_84, %mul3A_83 : i32
      %get3A_86 = arith.index_cast %mul3A_81 : i32 to index
      %get3A_87 = arith.constant 0 : index
      %get3A_88 = vector.load %arg1[%get3A_86, %get3A_87] : memref<10240x1xf32, #tpu.memory_space<vmem>>, vector<1024x1xf32>
      %get3A_89 = arith.index_cast %mul3A_81 : i32 to index
      %get3A_90 = arith.constant 0 : index
      %get3A_91 = vector.load %arg0[%get3A_89, %get3A_90] : memref<20480x128xf32, #tpu.memory_space<vmem>>, vector<1024x128xf32>
      %mul3A_92 = vector.broadcast %get3A_88 : vector<1024x1xf32> to vector<1024x128xf32>
      %mul3A_93 = arith.mulf %get3A_91, %mul3A_92 : vector<1024x128xf32>
      %get3A_94 = arith.index_cast %add3A_85 : i32 to index
      %get3A_95 = arith.constant 0 : index
      %get3A_96 = vector.load %arg0[%get3A_94, %get3A_95] : memref<20480x128xf32, #tpu.memory_space<vmem>>, vector<1024x128xf32>
      %mul3A_97 = vector.broadcast %get3A_88 : vector<1024x1xf32> to vector<1024x128xf32>
      %mul3A_98 = arith.mulf %get3A_96, %mul3A_97 : vector<1024x128xf32>
      %concatenate3A = tpu.concatenate %mul3A_93, %mul3A_98 in 1 : vector<1024x128xf32>, vector<1024x128xf32> -> vector<1024x256xf32>
      %get3A_99 = arith.constant 0 : index
      %get3A_100 = arith.constant 0 : index
      %get3A_101 = vector.load %arg2[%get3A_99, %get3A_100] : memref<1x256xf32, #tpu.memory_space<vmem>>, vector<1x256xf32>
      %add3A_102 = vector.broadcast %get3A_101 : vector<1x256xf32> to vector<1024x256xf32>
      %add3A_103 = arith.addf %concatenate3A, %add3A_102 : vector<1024x256xf32>
      %iota3A = tpu.iota {dimensions = array<i32: 0>} : vector<1024x1xi32>
      %mul3A_104 = arith.constant 1024 : i32
      %mul3A_105 = arith.muli %scan3A_78, %mul3A_104 : i32
      %add3A_106 = vector.broadcast %mul3A_105 : i32 to vector<1024x1xi32>
      %add3A_107 = arith.addi %iota3A, %add3A_106 : vector<1024x1xi32>
      %lt3A = arith.constant 10000 : i32
      %lt3A_108 = vector.broadcast %lt3A : i32 to vector<1024x1xi32>
      %lt3A_109 = arith.cmpi slt, %add3A_107, %lt3A_108 : vector<1024x1xi32>
      %jit3A = arith.constant 0.000000e+00 : f32
      %broadcast_in_dim3A_110 = vector.shape_cast %lt3A_109 : vector<1024x1xi1> to vector<1024x1xi1>
      %broadcast_in_dim3A_111 = vector.broadcast %broadcast_in_dim3A_110 : vector<1024x1xi1> to vector<1024x256xi1>
      %broadcast_in_dim3A_112 = vector.broadcast %jit3A : f32 to vector<1024x256xf32>
      %select_n3A = arith.select %broadcast_in_dim3A_111, %add3A_103, %broadcast_in_dim3A_112 : vector<1024x256xi1>, vector<1024x256xf32>
      %swap3A_113 = arith.index_cast %mul3A_81 : i32 to index
      %swap3A_114 = arith.constant 0 : index
      %swap3A_115 = vector.load %arg13[%swap3A_113, %swap3A_114] : memref<10240x256xf32, #tpu.memory_space<vmem>>, vector<1024x256xf32>
      tpu.vector_store %arg13[%swap3A_113, %swap3A_114], %add3A_103 {strides = array<i32>} : memref<10240x256xf32, #tpu.memory_space<vmem>>, vector<1024x256xf32>,
      %reduce_sum3A = arith.constant dense<0.000000e+00> : vector<256xf32>
      %reduce_sum3A_116 = vector.multi_reduction <add>, %select_n3A, %reduce_sum3A [0] : vector<1024x256xf32> to vector<256xf32>
      %broadcast_in_dim3A_117 = vector.shape_cast %reduce_sum3A_116 : vector<256xf32> to vector<1x256xf32>
      %add3A_118 = arith.addf %scan3A_79, %broadcast_in_dim3A_117 : vector<1x256xf32>
      scf.yield %add3A_118 : vector<1x256xf32>
    }
    %scan3A_5 = arith.constant 10 : i32
    %mul3A = arith.constant 9.99999974E-5 : f32
    %mul3A_6 = vector.broadcast %mul3A : f32 to vector<1x256xf32>
    %mul3A_7 = arith.mulf %scan3A_4, %mul3A_6 : vector<1x256xf32>
    %scan3A_8 = arith.constant 0 : i32
    %scan3A_9 = arith.constant 10 : i32
    %scan3A_10 = arith.addi %scan3A_8, %scan3A_9 : i32
    %scan3A_11 = arith.constant 1 : i32
    %scan3A_12 = scf.for %scan3A_78 = %scan3A_8 to %scan3A_10 step %scan3A_11 iter_args(%scan3A_79 = %broadcast_in_dim3A_0) -> (vector<1x256xf32>)  : i32 {
      %mul3A_80 = arith.constant 1024 : i32
      %mul3A_81 = arith.muli %scan3A_78, %mul3A_80 : i32
      %iota3A = tpu.iota {dimensions = array<i32: 0>} : vector<1024x1xi32>
      %mul3A_82 = arith.constant 1024 : i32
      %mul3A_83 = arith.muli %scan3A_78, %mul3A_82 : i32
      %add3A_84 = vector.broadcast %mul3A_83 : i32 to vector<1024x1xi32>
      %add3A_85 = arith.addi %iota3A, %add3A_84 : vector<1024x1xi32>
      %lt3A = arith.constant 10000 : i32
      %lt3A_86 = vector.broadcast %lt3A : i32 to vector<1024x1xi32>
      %lt3A_87 = arith.cmpi slt, %add3A_85, %lt3A_86 : vector<1024x1xi32>
      %get3A_88 = arith.index_cast %mul3A_81 : i32 to index
      %get3A_89 = arith.constant 0 : index
      %get3A_90 = vector.load %arg13[%get3A_88, %get3A_89] : memref<10240x256xf32, #tpu.memory_space<vmem>>, vector<1024x256xf32>
      %sub3A_91 = vector.broadcast %mul3A_7 : vector<1x256xf32> to vector<1024x256xf32>
      %sub3A_92 = arith.subf %get3A_90, %sub3A_91 : vector<1024x256xf32>
      %jit3A = arith.constant 0.000000e+00 : f32
      %broadcast_in_dim3A_93 = vector.shape_cast %lt3A_87 : vector<1024x1xi1> to vector<1024x1xi1>
      %broadcast_in_dim3A_94 = vector.broadcast %broadcast_in_dim3A_93 : vector<1024x1xi1> to vector<1024x256xi1>
      %broadcast_in_dim3A_95 = vector.broadcast %jit3A : f32 to vector<1024x256xf32>
      %select_n3A = arith.select %broadcast_in_dim3A_94, %sub3A_92, %broadcast_in_dim3A_95 : vector<1024x256xi1>, vector<1024x256xf32>
      %mul3A_96 = arith.mulf %select_n3A, %select_n3A : vector<1024x256xf32>
      %reduce_sum3A = arith.constant dense<0.000000e+00> : vector<256xf32>
      %reduce_sum3A_97 = vector.multi_reduction <add>, %mul3A_96, %reduce_sum3A [0] : vector<1024x256xf32> to vector<256xf32>
      %broadcast_in_dim3A_98 = vector.shape_cast %reduce_sum3A_97 : vector<256xf32> to vector<1x256xf32>
      %add3A_99 = arith.addf %scan3A_79, %broadcast_in_dim3A_98 : vector<1x256xf32>
      scf.yield %add3A_99 : vector<1x256xf32>
    }
    %scan3A_13 = arith.constant 10 : i32
    %mul3A_14 = arith.constant 9.99999974E-5 : f32
    %mul3A_15 = vector.broadcast %mul3A_14 : f32 to vector<1x256xf32>
    %mul3A_16 = arith.mulf %scan3A_12, %mul3A_15 : vector<1x256xf32>
    %get3A = arith.constant 0 : index
    %get3A_17 = arith.constant 0 : index
    %get3A_18 = vector.load %arg3[%get3A, %get3A_17] : memref<1x256xf32, #tpu.memory_space<vmem>>, vector<1x256xf32>
    %add3A = arith.constant 9.99999974E-6 : f32
    %add3A_19 = vector.broadcast %add3A : f32 to vector<1x256xf32>
    %add3A_20 = arith.addf %mul3A_16, %add3A_19 : vector<1x256xf32>
    %rsqrt3A = math.rsqrt %add3A_20 : vector<1x256xf32>
    %mul3A_21 = arith.mulf %get3A_18, %rsqrt3A : vector<1x256xf32>
    %get3A_22 = arith.constant 0 : index
    %get3A_23 = arith.constant 0 : index
    %get3A_24 = vector.load %arg4[%get3A_22, %get3A_23] : memref<1x256xf32, #tpu.memory_space<vmem>>, vector<1x256xf32>
    %mul3A_25 = arith.mulf %mul3A_7, %mul3A_21 : vector<1x256xf32>
    %sub3A = arith.subf %get3A_24, %mul3A_25 : vector<1x256xf32>
    %broadcast_in_dim3A_26 = arith.constant 1.000000e+00 : f32
    %broadcast_in_dim3A_27 = vector.broadcast %broadcast_in_dim3A_26 : f32 to vector<1024x1xf32>
    %broadcast_in_dim3A_28 = arith.constant 0.000000e+00 : f32
    %broadcast_in_dim3A_29 = vector.broadcast %broadcast_in_dim3A_28 : f32 to vector<64x256xf32>
    %broadcast_in_dim3A_30 = arith.constant 0.000000e+00 : f32
    %broadcast_in_dim3A_31 = vector.broadcast %broadcast_in_dim3A_30 : f32 to vector<64x1xf32>
    %scan3A_32 = arith.constant 0 : i32
    %scan3A_33 = arith.constant 10 : i32
    %scan3A_34 = arith.addi %scan3A_32, %scan3A_33 : i32
    %scan3A_35 = arith.constant 1 : i32
    %scan3A_36:2 = scf.for %scan3A_78 = %scan3A_32 to %scan3A_34 step %scan3A_35 iter_args(%scan3A_79 = %broadcast_in_dim3A_29, %scan3A_80 = %broadcast_in_dim3A_31) -> (vector<64x256xf32>, vector<64x1xf32>)  : i32 {
      %mul3A_81 = arith.constant 1024 : i32
      %mul3A_82 = arith.muli %scan3A_78, %mul3A_81 : i32
      %get3A_83 = arith.index_cast %mul3A_82 : i32 to index
      %get3A_84 = arith.constant 0 : index
      %get3A_85 = vector.load %arg13[%get3A_83, %get3A_84] : memref<10240x256xf32, #tpu.memory_space<vmem>>, vector<1024x256xf32>
      %mul3A_86 = vector.broadcast %mul3A_21 : vector<1x256xf32> to vector<1024x256xf32>
      %mul3A_87 = arith.mulf %get3A_85, %mul3A_86 : vector<1024x256xf32>
      %add3A_88 = vector.broadcast %sub3A : vector<1x256xf32> to vector<1024x256xf32>
      %add3A_89 = arith.addf %mul3A_87, %add3A_88 : vector<1024x256xf32>
      %max3A_90 = arith.constant 0.000000e+00 : f32
      %max3A_91 = vector.broadcast %max3A_90 : f32 to vector<1024x256xf32>
      %max3A_92 = arith.maximumf %add3A_89, %max3A_91 : vector<1024x256xf32>
      %get3A_93 = arith.index_cast %mul3A_82 : i32 to index
      %get3A_94 = arith.constant 0 : index
      %get3A_95 = vector.load %arg5[%get3A_93, %get3A_94] : memref<10240x1xi32, #tpu.memory_space<vmem>>, vector<1024x1xi32>
      %iota3A = tpu.iota {dimensions = array<i32: 1>} : vector<1024x64xi32>
      %eq3A = vector.broadcast %get3A_95 : vector<1024x1xi32> to vector<1024x64xi32>
      %eq3A_96 = arith.cmpi eq, %eq3A, %iota3A : vector<1024x64xi32>
      %convert_element_type3A = arith.extui %eq3A_96 : vector<1024x64xi1> to vector<1024x64xi32>
      %convert_element_type3A_97 = arith.sitofp %convert_element_type3A : vector<1024x64xi32> to vector<1024x64xf32>
      %dot_general3A_98 = arith.constant dense<0.000000e+00> : vector<64x256xf32>
      %dot_general3A_99 = tpu.matmul %convert_element_type3A_97, %max3A_92, %dot_general3A_98 {dimension_numbers = #tpu.dot_dimension_numbers<[0], [0], [1], [1], [0, 1, 1, 1], [], []>, precision = #tpu.contract_precision<fp32>, transpose_lhs_hint = false} : vector<1024x64xf32>, vector<1024x256xf32>, vector<64x256xf32> -> vector<64x256xf32>
      %add3A_100 = arith.addf %scan3A_79, %dot_general3A_99 : vector<64x256xf32>
      %dot_general3A_101 = arith.constant dense<0.000000e+00> : vector<64x1xf32>
      %dot_general3A_102 = tpu.matmul %convert_element_type3A_97, %broadcast_in_dim3A_27, %dot_general3A_101 {dimension_numbers = #tpu.dot_dimension_numbers<[0], [0], [1], [1], [0, 1, 1, 1], [], []>, precision = #tpu.contract_precision<fp32>, transpose_lhs_hint = false} : vector<1024x64xf32>, vector<1024x1xf32>, vector<64x1xf32> -> vector<64x1xf32>
      %add3A_103 = arith.addf %scan3A_80, %dot_general3A_102 : vector<64x1xf32>
      scf.yield %add3A_100, %add3A_103 : vector<64x256xf32>, vector<64x1xf32>
    }
    %scan3A_37 = arith.constant 10 : i32
    %max3A = arith.constant 1.000000e+00 : f32
    %max3A_38 = vector.broadcast %max3A : f32 to vector<64x1xf32>
    %max3A_39 = arith.maximumf %scan3A_36#1, %max3A_38 : vector<64x1xf32>
    %div3A = vector.broadcast %max3A_39 : vector<64x1xf32> to vector<64x256xf32>
    %div3A_40 = arith.divf %scan3A_36#0, %div3A : vector<64x256xf32>
    %get3A_41 = arith.constant 0 : index
    %get3A_42 = arith.constant 0 : index
    %get3A_43 = vector.load %arg6[%get3A_41, %get3A_42] : memref<256x128xf32, #tpu.memory_space<vmem>>, vector<256x128xf32>
    %dot_general3A = arith.constant dense<0.000000e+00> : vector<64x128xf32>
    %dot_general3A_44 = tpu.matmul %div3A_40, %get3A_43, %dot_general3A {dimension_numbers = #tpu.dot_dimension_numbers<[1], [0], [0], [1], [0, 0, 1, 1], [], []>, transpose_lhs_hint = false} : vector<64x256xf32>, vector<256x128xf32>, vector<64x128xf32> -> vector<64x128xf32>
    %get3A_45 = arith.constant 0 : index
    %get3A_46 = arith.constant 0 : index
    %get3A_47 = vector.load %arg7[%get3A_45, %get3A_46] : memref<1x128xf32, #tpu.memory_space<vmem>>, vector<1x128xf32>
    %add3A_48 = vector.broadcast %get3A_47 : vector<1x128xf32> to vector<64x128xf32>
    %add3A_49 = arith.addf %dot_general3A_44, %add3A_48 : vector<64x128xf32>
    %max3A_50 = arith.constant 0.000000e+00 : f32
    %max3A_51 = vector.broadcast %max3A_50 : f32 to vector<64x128xf32>
    %max3A_52 = arith.maximumf %add3A_49, %max3A_51 : vector<64x128xf32>
    %get3A_53 = arith.constant 0 : index
    %get3A_54 = arith.constant 0 : index
    %get3A_55 = vector.load %arg8[%get3A_53, %get3A_54] : memref<128x128xf32, #tpu.memory_space<vmem>>, vector<128x128xf32>
    %dot_general3A_56 = arith.constant dense<0.000000e+00> : vector<64x128xf32>
    %dot_general3A_57 = tpu.matmul %max3A_52, %get3A_55, %dot_general3A_56 {dimension_numbers = #tpu.dot_dimension_numbers<[1], [0], [0], [1], [0, 0, 1, 1], [], []>, transpose_lhs_hint = false} : vector<64x128xf32>, vector<128x128xf32>, vector<64x128xf32> -> vector<64x128xf32>
    %get3A_58 = arith.constant 0 : index
    %get3A_59 = arith.constant 0 : index
    %get3A_60 = vector.load %arg9[%get3A_58, %get3A_59] : memref<1x128xf32, #tpu.memory_space<vmem>>, vector<1x128xf32>
    %add3A_61 = vector.broadcast %get3A_60 : vector<1x128xf32> to vector<64x128xf32>
    %add3A_62 = arith.addf %dot_general3A_57, %add3A_61 : vector<64x128xf32>
    %max3A_63 = arith.constant 0.000000e+00 : f32
    %max3A_64 = vector.broadcast %max3A_63 : f32 to vector<64x128xf32>
    %max3A_65 = arith.maximumf %add3A_62, %max3A_64 : vector<64x128xf32>
    %get3A_66 = arith.constant 0 : index
    %get3A_67 = arith.constant 0 : index
    %get3A_68 = vector.load %arg10[%get3A_66, %get3A_67] : memref<128x1xf32, #tpu.memory_space<vmem>>, vector<128x1xf32>
    %dot_general3A_69 = arith.constant dense<0.000000e+00> : vector<64x1xf32>
    %dot_general3A_70 = tpu.matmul %max3A_65, %get3A_68, %dot_general3A_69 {dimension_numbers = #tpu.dot_dimension_numbers<[1], [0], [0], [1], [0, 0, 1, 1], [], []>, transpose_lhs_hint = false} : vector<64x128xf32>, vector<128x1xf32>, vector<64x1xf32> -> vector<64x1xf32>
    %get3A_71 = arith.constant 0 : index
    %get3A_72 = arith.constant 0 : index
    %get3A_73 = vector.load %arg11[%get3A_71, %get3A_72] : memref<1x1xf32, #tpu.memory_space<vmem>>, vector<1x1xf32>
    %add3A_74 = vector.broadcast %get3A_73 : vector<1x1xf32> to vector<64x1xf32>
    %add3A_75 = arith.addf %dot_general3A_70, %add3A_74 : vector<64x1xf32>
    %swap3A = arith.constant 0 : index
    %swap3A_76 = arith.constant 0 : index
    %swap3A_77 = vector.load %arg12[%swap3A, %swap3A_76] : memref<64x1xf32, #tpu.memory_space<vmem>>, vector<64x1xf32>
    tpu.vector_store %arg12[%swap3A, %swap3A_76], %add3A_75 {strides = array<i32>} : memref<64x1xf32, #tpu.memory_space<vmem>>, vector<64x1xf32>,
    return
  }
}

</mosaic_0001>

<sc_bundles>
// kernel: kernel.10.cloned.1.call-start
scs
__scs_entry_jumppad:
0x0: {  	(pc) =	sbr.rel $0x88, $3  }
0x1: {  	(tag) =	ssettag $0x0;
	lr =	simm.s32 $0x1  }
0x2: {  	[smem:$0x3F8C] =	sst lr;
	_ =	strace $0xD0000000  }
0x3: {  	_ = 	snop  }
0x4: {  	_ = 	snop  }
0x5: {  	_ = 	snop  }
0x6: {  	_ = 	snop  }
0x7: {  	_ = 	snop  }
__scs_overlays_trampoline_lowered:
0x8: {  	[smem:$0x3F9B] =	sst s0  }
0x9: {  	[smem:$0x3F9C] =	sst s1  }
0xa: {  	[smem:$0x3F9D] =	sst s2  }
0xb: {  	[smem:$0x3F9E] =	sst s3  }
0xc: {  	[smem:$0x3F9F] =	sst s4  }
0xd: {  	[smem:$0x3FA0] =	sst s5  }
0xe: {  	[smem:$0x3FA1] =	sst s6  }
0xf: {  	[smem:$0x3FA2] =	sst s7  }
0x10: {  	[smem:$0x3FA3] =	sst s8  }
0x11: {  	[smem:$0x3FA4] =	sst s9;
	s0 =	simm.s32 @!p0 $0x0  }
0x12: {  	s1 =	sld [smem:$0x3F8A];
	s0 =	simm.s32 @p0 $0x1  }
0x13: {  	[smem:$0x3FA5] =	sst s0;
	s0 =	simm.s32 @!p1 $0x0  }
0x14: {  	s2 =	sld [smem:$0x3F89];
	s0 =	simm.s32 @p1 $0x1  }
0x15: {  	[smem:$0x3FA6] =	sst s0;
	s0 =	simm.s32 @!p2 $0x0  }
0x16: {  	s3 =	sld [smem:$0x3FDB];
	s0 =	simm.s32 @p2 $0x1  }
0x17: {  	s4 =	simm.s32 $0x1BF5;
	[smem:$0x3FA8] =	sst s0  }
0x18: {  	s0 =	sld [smem:$0x3F8B];
	_ =	swait.ge [sflag:s4], $0x0  }
0x19: {  	s7 =	sld [smem:$0x3F8C]  }
0x1a: {  	s8 =	sadd.s32 $0xFFFFE003, lr  }
0x1b: {  	s9 =	sadd.s32 $0xFFFFFEF7, lr;
	s5 =	simm.s32 $0xFFFFFFFF;
	p2 =	slt.u32 s8, $0xFFFFF086  }
0x1c: {  	p1 =	slt.u32 s9, $0xF7A;
	s5 =	simm.s32 @!p2 $0x0  }
0x1d: {  	s5 =	simm.s32 @p1 $0x1;
	p0 =	seq.s32 s7, s2  }
0x1e: {  	s7 =	smul.u32 @!p0 $0xF7A, s2;
	p2 =	seq.s32 @!p0 s5, $0x0  }
0x1f: {  	s9 =	smul.u32 $0xF7A, s1;
	s8 =	simm.s32 @!p0 $0x1BF5;
	p2 =	por !p2, p0  }
0x20: {  	[sflag:s8] =	ssyncset.s32 @!p0 $0xFFFFF086;
	s6 =	sadd.s32 @!p0 s3, s7;
	s7 =	simm.s32 @!p0 $0x108  }
0x21: {  	s3 =	sadd.s32 s3, s9;
	s6 =	sadd.s32 @!p0 $0x88, s6;
	s7 =	simm.s32 @p2 $0x1082  }
0x22: {  	[simem:s7], [sflag:s8] =	dma.local @!p0 [hbm:s6], $0xF7A  }
0x23: {  	s9 =	sor.u32 $0xD0000000, s2;
	s6 =	simm.s32 $0x108;
	_ =	swait.ge @!p0 [sflag:s8], $0x0  }
0x24: {  	s3 =	sadd.s32 $0x88, s3;
	s6 =	simm.s32 @!p1 $0x1082;
	[sflag:s4] =	ssyncset.s32 $0xFFFFF086  }
0x25: {  	[simem:s6], [sflag:s4] =	dma.local [hbm:s3], $0xF7A  }
0x26: {  	[smem:$0x3F8C] =	sst s1;
	(tag) =	ssettag s2;
	_ =	strace s9  }
0x27: {  	s1 =	sld [smem:$0x3F9C]  }
0x28: {  	s2 =	sld [smem:$0x3F9D]  }
0x29: {  	s4 =	sld [smem:$0x3F9F]  }
0x2a: {  	p0 =	seq.s32 s5, $0x0;
	s5 =	sld [smem:$0x3FA0]  }
0x2b: {  	s6 =	sld [smem:$0x3FA1]  }
0x2c: {  	s7 =	sld [smem:$0x3FA2]  }
0x2d: {  	s3 =	simm.s32 $0x108;
	s8 =	sld [smem:$0x3FA3]  }
0x2e: {  	s3 =	simm.s32 @!p0 $0x1082;
	s9 =	sld [smem:$0x3FA4]  }
0x2f: {  	lr =	sadd.s32 s0, s3;
	s0 =	sld [smem:$0x3F9B]  }
0x30: {  	s3 =	sld [smem:$0x3F9E]  }
0x31: {  	[smem:$0x3FA7] =	sst s10  }
0x32: {  	s10 =	sld [smem:$0x3FA5];
	_ =	sdelay $0x3  }
0x33: {  	p0 =	seq.s32 s10, $0x1;
	s10 =	sld [smem:$0x3FA7];
	_ =	sdelay $0x3  }
0x34: {  	[smem:$0x3FA7] =	sst s10  }
0x35: {  	s10 =	sld [smem:$0x3FA6];
	_ =	sdelay $0x3  }
0x36: {  	p1 =	seq.s32 s10, $0x1;
	s10 =	sld [smem:$0x3FA7];
	_ =	sdelay $0x3  }
0x37: {  	[smem:$0x3FA7] =	sst s10  }
0x38: {  	s10 =	sld [smem:$0x3FA8]  }
0x39: {  	_ = 	snop;
	(pc) =	sbr.ind lr, $3  }
0x3a: {  	_ = 	snop  }
0x3b: {  	_ = 	snop  }
0x3c: {  	p2 =	seq.s32 s10, $0x1;
	s10 =	sld [smem:$0x3FA7]  }
0x3d: {  	_ =	shalt  }
0x3e: {  	_ =	shalt  }
0x3f: {  	_ =	shalt  }
0x40: {  	_ =	shalt  }
0x41: {  	_ =	shalt  }
0x42: {  	_ =	shalt  }
0x43: {  	_ =	shalt  }
0x44: {  	_ =	shalt  }
0x45: {  	_ =	shalt  }
0x46: {  	_ =	shalt  }
0x47: {  	_ =	shalt  }
0x48: {  	_ =	shalt  }
0x49: {  	_ =	shalt  }
0x4a: {  	_ =	shalt  }
0x4b: {  	_ =	shalt  }
0x4c: {  	_ =	shalt  }
0x4d: {  	_ =	shalt  }
0x4e: {  	_ =	shalt  }
0x4f: {  	_ =	shalt  }
0x50: {  	_ =	shalt  }
0x51: {  	_ =	shalt  }
0x52: {  	_ =	shalt  }
0x53: {  	_ =	shalt  }
0x54: {  	_ =	shalt  }
0x55: {  	_ =	shalt  }
0x56: {  	_ =	shalt  }
0x57: {  	_ =	shalt  }
0x58: {  	_ =	shalt  }
0x59: {  	_ =	shalt  }
0x5a: {  	_ =	shalt  }
0x5b: {  	_ =	shalt  }
0x5c: {  	_ =	shalt  }
0x5d: {  	_ =	shalt  }
0x5e: {  	_ =	shalt  }
0x5f: {  	_ =	shalt  }
0x60: {  	_ =	shalt  }
0x61: {  	_ =	shalt  }
0x62: {  	_ =	shalt  }
0x63: {  	_ =	shalt  }
0x64: {  	_ =	shalt  }
0x65: {  	_ =	shalt  }
0x66: {  	_ =	shalt  }
0x67: {  	_ =	shalt  }
0x68: {  	_ =	shalt  }
0x69: {  	_ =	shalt  }
0x6a: {  	_ =	shalt  }
0x6b: {  	_ =	shalt  }
0x6c: {  	_ =	shalt  }
0x6d: {  	_ =	shalt  }
0x6e: {  	_ =	shalt  }
0x6f: {  	_ =	shalt  }
0x70: {  	_ =	shalt  }
0x71: {  	_ =	shalt  }
0x72: {  	_ =	shalt  }
0x73: {  	_ =	shalt  }
0x74: {  	_ =	shalt  }
0x75: {  	_ =	shalt  }
0x76: {  	_ =	shalt  }
0x77: {  	_ =	shalt  }
0x78: {  	_ =	shalt  }
0x79: {  	_ =	shalt  }
0x7a: {  	_ =	shalt  }
0x7b: {  	_ =	shalt  }
0x7c: {  	_ =	shalt  }
0x7d: {  	_ =	shalt  }
0x7e: {  	_ =	shalt  }
0x7f: {  	_ =	shalt  }
0x80: {  	_ =	shalt  }
0x81: {  	_ =	shalt  }
0x82: {  	_ =	shalt  }
0x83: {  	_ =	shalt  }
0x84: {  	_ =	shalt  }
0x85: {  	_ =	shalt  }
0x86: {  	_ =	shalt  }
0x87: {  	_ =	shalt  }
.Lfunc_end0:
.L_simem_size_0:
called_computation_lowered:
.L_overlay_start_0:
0x88: {  	s2 =	sld [smem:$0x3FD9]  }
0x89: {  	s3 =	sld [smem:$0x3FFE];
	_ =	sdelay $0x1  }
0x8a: {  	s1 =	srdreg.scid  }
0x8b: {  	s0 =	sand.u32 $0x1, s1  }
0x8c: {  	s16 =	sshll.u32 s0, $0xA;
	s2 =	sadd.s32 s3, s2  }
0x8d: {  	s2 =	sadd.s32 s2, s16  }
0x8e: {  	[smem:$0x3FB3] =	sst s2  }
0x8f: {  	_ = 	snop  }
0x90: {  	(tm) =	ssettm $0x1  }
0x91: {  	s17 =	sld [smem:$0x3FFB];
	_ =	sdelay $0x3  }
0x92: {  	_ =	strace s17  }
0x93: {  	s2 =	sld [smem:$0x3FFC];
	_ =	sdelay $0x3  }
0x94: {  	_ =	strace s2  }
0x95: {  	s2 =	sld [smem:$0x3FFD];
	_ =	sdelay $0x3  }
0x96: {  	_ =	strace s2  }
0x97: {  	_ =	strace $0x8FFFFFFF  }
0x98: {  	s18 =	sld [smem:$0x3FDB];
	_ =	sdelay $0x1  }
0x99: {  	s19 =	simm.s32 $_scs_section_size  }
0x9a: {  	s4 =	simm.s32 $_size__tile_overlayer_lowered;
	s5 =	simm.s32 $_tile_overlayer_lowered  }
0x9b: {  	s22 =	simm.s32 $0x1BFF;
	s21 =	sshll.u32 s5, $0x1;
	s2 =	sadd.s32 s19, s18  }
0x9c: {  	s6 =	simm.s32 $0x0;
	s20 =	sshll.u32 s4, $0x1;
	s4 =	sadd.s32 s21, s2  }
0x9d: {  	[timem:s6], [sflag:s22] =	dma.local [hbm:s4], s20  }
0x9e: {  	_ =	swait.ge [sflag:s22], s20  }
0x9f: {  	s3 =	ssub.s32 $0x0, s20;
	[sflag:s22] =	ssyncset.done $0x0  }
0xa0: {  	[sflag:s22] =	ssyncadd.s32 s3;
	_ =	sdelay $0x1  }
0xa1: {  	s23 =	simm.s32 $0x1B8B  }
0xa2: {  	_ =	swait.ge [sflag:s23], $0x1  }
0xa3: {  	[sflag:s23] =	ssyncset.done $0x0  }
0xa4: {  	s25 =	simm.s32 $0x1B8E;
	s24 =	sld [smem:$0x3FFE];
	[sflag:s23] =	ssyncadd.s32 $0xFFFFFFFF  }
0xa5: {  	s26 =	simm.s32 $execute0_lowered;
	[smem:$0x3FD2] =	sst s25  }
0xa6: {  	s4 =	sshll.u32 s26, $0x1;
	_ =	strace $0x80000046;
	[dreg:$0x1] =	wrdreg $0xFFFFFFFF  }
0xa7: {  	s28 =	simm.s32 $_size_execute0_lowered;
	s2 =	sadd.s32 s2, s4;
	[dreg:$0x0] =	wrdreg $0x0  }
0xa8: {  	s4 =	sshll.u32 s28, $0x1;
	[dreg:$0x2] =	wrdreg s2  }
0xa9: {  	[dreg:$0x3] =	wrdreg s4  }
0xaa: {  	[dreg:$0x4] =	wrdreg $0xC0  }
0xab: {  	_ =	task [dreg:s6], $0x5FFFF  }
0xac: {  	[dreg:$0x1] =	wrdreg $0xFFFFFFFF  }
0xad: {  	[dreg:$0x0] =	wrdreg $0x60  }
0xae: {  	[dreg:$0x2] =	wrdreg s24  }
0xaf: {  	[dreg:$0x3] =	wrdreg $0x52000  }
0xb0: {  	[dreg:$0x4] =	wrdreg $0x9  }
0xb1: {  	_ =	task.clear_ibuf [dreg:s6], $0x5FFFF;
	_ =	strace $0x90000046  }
0xb2: {  	s29 =	simm.s32 $0x9;
	_ =	strace $0x80000048  }
0xb3: {  	_ =	swait.ge [sflag:s29], $0x1  }
0xb4: {  	[sflag:s29] =	ssyncadd.s32 $0xFFFFFFFF  }
0xb5: {  	_ =	strace $0x90000048  }
0xb6: {  	_ =	sfence  }
0xb7: {  	s30 =	sld [smem:$0x0];
	_ =	sdelay $0x2  }
0xb8: {  	s31 =	sshll.u32 s1, $0xD;
	s1 =	sshrl.u32 s1, $0x2  }
0xb9: {  	s3 =	sand.u32 $0x4000, s31;
	s1 =	sadd.s32 s1, s30  }
0xba: {  	s0 =	sor.u32 s3, s0;
	s1 =	sshll.u32 s1, $0x11  }
0xbb: {  	s0 =	sor.u32 s1, s0  }
0xbc: {  	s0 =	sadd.s32 $0x8F2B, s0  }
0xbd: {  	[sflag:s0] =	ssyncadd.remote.s32 $0x1  }
0xbe: {  	_ =	sfence.sel $0xFFFF  }
0xbf: {  	[dreg:$0x0] =	wrdreg $0xFFFFFFFF;
	(pc) =	sbr.abs _section_cstart, $3  }
0xc0: {  	[dreg:$0x1] =	wrdreg $0xFFFFFFFF  }
0xc1: {  	_ =	task.clear_ibuf [dreg:s6], $0x2FFFF;
	_ =	strace $0x9FFFFFFF  }
0xc2: {  	(tm) =	ssettm $0x7FFFFFFF  }
0xc3: {  	_ =	shalt  }
tec
execute0_lowered:
.L_overlay_start_1:
0x0: {  	(tag) =	ssettag $0x1  }
0x1: {  	s0 =	srdreg.scid  }
0x2: {  	s1 =	rddreg [dreg:$0x0];
	s8 =	stileid.u32  }
0x3: {  	s2 =	rddreg [dreg:$0x1];
	s3 =	simm.s32 $0x0;
	s6 =	smul.u32 $0x1400, s8  }
0x4: {  	s29 =	simm.s32 $0x1;
	s30 =	simm.s32 $0x50;
	s7 =	smul.u32 $0x2800, s8  }
0x5: {  	s31 =	simm.s32 $0x3;
	s0 =	sand.u32 $0x1, s0;
	s8 =	smul.u32 $0x50000, s8  }
0x6: {  	[smem:$0x7FF] =	sst s3;
	s21 =	sadd.s32 $0x3200, s1;
	s5 =	smul.u32 $0x14000, s0  }
0x7: {  	s4 =	smul.u32 $0x28000, s0;
	_ =	strace $0x80000047;
	s0 =	ssub.s32 $0x2, s0  }
0x8: {  	s18 =	sshrl.u32 s0, $0x1;
	s23 =	sshrl.u32 s8, $0x2;
	s5 =	sadd.s32 s6, s5  }
0x9: {  	s16 =	sadd.s32 s7, s4;
	s0 =	ssub.s32 s0, s18;
	s8 =	sadd.s32 s23, s2  }
0xa: {  	s23 =	simm.s32 $0x7;
	s17 =	sshrl.u32 s5, $0x3;
	s1 =	sadd.s32 s16, s1  }
0xb: {  	s0 =	smax.u32 s0, $0x1;
	s11 =	sadd.s32 $0x2800, s8;
	s12 =	sadd.s32 $0x5000, s8  }
0xc: {  	s13 =	sadd.s32 $0x7800, s8;
	s14 =	sadd.s32 $0xA000, s8;
	s15 =	sadd.s32 $0xC800, s8  }
0xd: {  	s24 =	sor.u32 $0x190, s5;
	s16 =	sadd.s32 $0xF000, s8;
	s25 =	sor.u32 $0x140, s5  }
0xe: {  	s26 =	sor.u32 $0xF0, s5;
	s5 =	sor.u32 $0xA0, s5;
	s4 =	sadd.s32 s21, s17  }
0xf: {  	s1 =	sadd.s32 $0x8600, s1;
	[dreg:$0x7] =	wrdreg s0;
	s17 =	sadd.s32 $0x11800, s8  }
0x10: {  	s0 =	sshrl.u32 s24, $0x3;
	s28 =	sshrl.u32 s5, $0x3;
	s19 =	sadd.s32 $0xA, s4  }
0x11: {  	s20 =	sadd.s32 $0x14, s4;
	s22 =	sadd.s32 $0x1E, s4;
	[dreg:$0x6] =	wrdreg s1  }
.Ltmp0:
0x12: {  	s18 =	sadd.s32 s0, s21;
	[dreg:$0x3] =	wrdreg s19;
	(pc) =	sbr.rel .LBB2_1-.Ltmp0, $4  }
0x13: {  	s0 =	sshrl.u32 s25, $0x3;
	s1 =	sshrl.u32 s26, $0x3;
	[dreg:$0x4] =	wrdreg s20  }
0x14: {  	s25 =	simm.s32 $0x100;
	s26 =	simm.s32 $0x180;
	[dreg:$0x5] =	wrdreg s22  }
0x15: {  	s19 =	sadd.s32 s0, s21;
	s20 =	sadd.s32 s1, s21;
	s21 =	sadd.s32 s28, s21  }
0x16: {  	v0 =	vimm.f32 $0.0e+00;
	v1 =	vimm.f32 $1.000000000e+00;
	s22 =	simm.s32 $0x200;
	s0 =	simm.s32 $0x4;
	s1 =	simm.s32 $0x0  }
.LBB2_10:
0x17: {  	s5 =	simm.s32 $0x6  }
0x18: {  	_ =	swait.ge [sflag:s5], $0x2800  }
0x19: {  	[sflag:s5] =	ssyncset.done $0x0  }
0x1a: {  	[sflag:s5] =	ssyncadd.s32 $0xFFFFD800  }
.LBB2_8:
0x1b: {  	s5 =	stileid.u32  }
0x1c: {  	[bflag:$0x0] =	sbarrier.arrive $0xFFFF;
	s5 =	sshll.u32 s5, $0x6  }
0x1d: {  	s6 =	sshrl.u32 s8, $0x3;
	s7 =	rddreg [dreg:$0x6];
	s5 =	sor.u32 $0x1C07, s5  }
0x1e: {  	[hbm:s7], [sflag:s5] =	dma.local [spmem:s6], $0x2800  }
0x1f: {  	_ =	swait.ge [sflag:s23], $0x2800  }
0x20: {  	s1 =	sadd.s32 $0x1, s1;
	s28 =	rddreg [dreg:$0x7]  }
0x21: {  	p0 =	sne.s32 s1, s28  }
.Ltmp1:
0x22: {  	_ = 	snop;
	(pc) =	sbr.rel @!p0 .LBB2_9-.Ltmp1, $3  }
0x23: {  	_ =	sdelay $0x1  }
0x24: {  	[sflag:s23] =	ssyncset.done $0x0  }
0x25: {  	[sflag:s23] =	ssyncadd.s32 $0xFFFFD800  }
.LBB2_1:
0x26: {  	s5 =	simm.s32 $0x70;
	s24 =	simm.s32 $0x3C0  }
.LBB2_2:
0x27: {  	p0 =	sne.s32 s24, $0x9FC0;
	[tilespmem:s5+$0x200] =	vst v0  }
0x28: {  	[tilespmem:s5+$0x190] =	vst v0  }
0x29: {  	[tilespmem:s5+$0x1A0] =	vst v0  }
.Ltmp2:
0x2a: {  	[tilespmem:s5+$0x1B0] =	vst v0;
	(pc) =	sbr.rel @p0 .LBB2_2-.Ltmp2, $4  }
0x2b: {  	[tilespmem:s5+$0x1C0] =	vst v0  }
0x2c: {  	[tilespmem:s5+$0x1D0] =	vst v0  }
0x2d: {  	[tilespmem:s5+$0x1E0] =	vst v0  }
0x2e: {  	[tilespmem:s5+$0x1F0] =	vst v0;
	s5 =	sshra.s32 s24, $0x2;
	s24 =	sadd.s32 $0x200, s24  }
0x2f: {  	[tilespmem:s5+$0x200] =	vst v0  }
0x30: {  	[tilespmem:s5+$0x190] =	vst v0  }
0x31: {  	[tilespmem:s5+$0x1A0] =	vst v0  }
0x32: {  	[tilespmem:s5+$0x1B0] =	vst v0  }
0x33: {  	[tilespmem:s5+$0x1C0] =	vst v0  }
0x34: {  	[tilespmem:s5+$0x1D0] =	vst v0  }
0x35: {  	[tilespmem:s5+$0x1E0] =	vst v0  }
0x36: {  	[tilespmem:s5+$0x1F0] =	vst v0  }
0x37: {  	[spmem:s8] =	stream.linear.scatter [tilespmem:s22], [sflag:$0x7], $0x2800, $0x38;
	[tilespmem:$0x19200] =	vst v63  }
0x38: {  	_ =	swait.ge [sflag:s23], $0x2800  }
0x39: {  	[sflag:s23] =	ssyncset.done $0x0  }
0x3a: {  	[sflag:s23] =	ssyncadd.s32 $0xFFFFD800  }
0x3b: {  	[spmem:s11] =	stream.linear.scatter [tilespmem:s22], [sflag:$0x7], $0x2800, $0x38;
	[tilespmem:$0x19200] =	vst v63  }
0x3c: {  	_ =	swait.ge [sflag:s23], $0x2800  }
0x3d: {  	[sflag:s23] =	ssyncset.done $0x0  }
0x3e: {  	[sflag:s23] =	ssyncadd.s32 $0xFFFFD800  }
0x3f: {  	[spmem:s12] =	stream.linear.scatter [tilespmem:s22], [sflag:$0x7], $0x2800, $0x38;
	[tilespmem:$0x19200] =	vst v63  }
0x40: {  	_ =	swait.ge [sflag:s23], $0x2800  }
0x41: {  	[sflag:s23] =	ssyncset.done $0x0  }
0x42: {  	[sflag:s23] =	ssyncadd.s32 $0xFFFFD800  }
0x43: {  	[spmem:s13] =	stream.linear.scatter [tilespmem:s22], [sflag:$0x7], $0x2800, $0x38;
	[tilespmem:$0x19200] =	vst v63  }
0x44: {  	_ =	swait.ge [sflag:s23], $0x2800  }
0x45: {  	[sflag:s23] =	ssyncset.done $0x0  }
0x46: {  	[sflag:s23] =	ssyncadd.s32 $0xFFFFD800  }
0x47: {  	[spmem:s14] =	stream.linear.scatter [tilespmem:s22], [sflag:$0x7], $0x2800, $0x38;
	[tilespmem:$0x19200] =	vst v63  }
0x48: {  	_ =	swait.ge [sflag:s23], $0x2800  }
0x49: {  	[sflag:s23] =	ssyncset.done $0x0  }
0x4a: {  	[sflag:s23] =	ssyncadd.s32 $0xFFFFD800  }
0x4b: {  	[spmem:s15] =	stream.linear.scatter [tilespmem:s22], [sflag:$0x7], $0x2800, $0x38;
	[tilespmem:$0x19200] =	vst v63  }
0x4c: {  	_ =	swait.ge [sflag:s23], $0x2800  }
0x4d: {  	[sflag:s23] =	ssyncset.done $0x0  }
0x4e: {  	[sflag:s23] =	ssyncadd.s32 $0xFFFFD800  }
0x4f: {  	[spmem:s16] =	stream.linear.scatter [tilespmem:s22], [sflag:$0x7], $0x2800, $0x38;
	[tilespmem:$0x19200] =	vst v63  }
0x50: {  	_ =	swait.ge [sflag:s23], $0x2800  }
0x51: {  	[sflag:s23] =	ssyncset.done $0x0  }
0x52: {  	[sflag:s23] =	ssyncadd.s32 $0xFFFFD800  }
0x53: {  	[spmem:s17] =	stream.linear.scatter [tilespmem:s22], [sflag:$0x7], $0x2800, $0x38;
	[tilespmem:$0x19200] =	vst v63  }
0x54: {  	_ =	swait.ge [sflag:s23], $0x2800  }
0x55: {  	[sflag:s23] =	ssyncset.done $0x0  }
0x56: {  	s5 =	simm.s32 $0x70;
	s24 =	simm.s32 $0x3C0;
	[sflag:s23] =	ssyncadd.s32 $0xFFFFD800  }
.LBB2_4:
0x57: {  	p0 =	sne.s32 s24, $0x9FC0;
	[tilespmem:s5+$0x200] =	vst v1  }
0x58: {  	[tilespmem:s5+$0x190] =	vst v1  }
0x59: {  	[tilespmem:s5+$0x1A0] =	vst v1  }
.Ltmp3:
0x5a: {  	[tilespmem:s5+$0x1B0] =	vst v1;
	(pc) =	sbr.rel @p0 .LBB2_4-.Ltmp3, $4  }
0x5b: {  	[tilespmem:s5+$0x1C0] =	vst v1  }
0x5c: {  	[tilespmem:s5+$0x1D0] =	vst v1  }
0x5d: {  	[tilespmem:s5+$0x1E0] =	vst v1  }
0x5e: {  	[tilespmem:s5+$0x1F0] =	vst v1;
	s5 =	sshra.s32 s24, $0x2;
	s24 =	sadd.s32 $0x200, s24  }
0x5f: {  	[tilespmem:s5+$0x200] =	vst v1  }
0x60: {  	[tilespmem:s5+$0x190] =	vst v1  }
0x61: {  	[tilespmem:s5+$0x1A0] =	vst v1  }
0x62: {  	[tilespmem:s5+$0x1B0] =	vst v1  }
0x63: {  	[tilespmem:s5+$0x1C0] =	vst v1  }
0x64: {  	[tilespmem:s5+$0x1D0] =	vst v1  }
0x65: {  	[tilespmem:s5+$0x1E0] =	vst v1  }
0x66: {  	[tilespmem:s5+$0x1F0] =	vst v1  }
0x67: {  	s24 =	simm.s32 $0x0;
	[bflag:$0x0] =	sbarrier.arrive $0xFFFF  }
0x68: {  	[tilespmem:s24], [sflag:$0x1] =	stream.linear.gather [hbm4b:s4+s24], $0x50, $0x38;
	[tilespmem:$0x19200] =	vst v63  }
0x69: {  	s6 =	simm.s32 $0x80;
	s7 =	rddreg [dreg:$0x3]  }
0x6a: {  	[tilespmem:s6], [sflag:$0x2] =	stream.linear.gather [hbm4b:s7+s24], $0x50, $0x38;
	[tilespmem:$0x19200] =	vst v63  }
0x6b: {  	s9 =	rddreg [dreg:$0x4]  }
0x6c: {  	[tilespmem:s25], [sflag:$0x3] =	stream.linear.gather [hbm4b:s9+s24], $0x50, $0x38;
	[tilespmem:$0x19200] =	vst v63  }
0x6d: {  	s28 =	simm.s32 $0x3;
	s5 =	simm.s32 $0x0;
	s10 =	rddreg [dreg:$0x5]  }
0x6e: {  	[tilespmem:s26], [sflag:$0x4] =	stream.linear.gather [hbm4b:s10+s24], $0x50, $0x38;
	[tilespmem:$0x19200] =	vst v63  }
.LBB2_6:
0x6f: {  	s6 =	sadd.s32 $0xFFFFFFF9, s28;
	p1 =	seq.s32 s24, $0x280  }
.Ltmp4:
0x70: {  	p0 =	sgt.u32 s6, $0x3F;
	(pc) =	sbr.rel @p1 .LBB2_10-.Ltmp4, $4  }
0x71: {  	s6 =	simm.s32 @!p0 $0x5  }
0x72: {  	_ =	swait.ge @!p0 [sflag:s6], $0x2800  }
0x73: {  	[sflag:s6] =	ssyncset.done @!p0 $0x0  }
0x74: {  	[sflag:s6] =	ssyncadd.s32 @!p0 $0xFFFFD800  }
0x75: {  	_ =	swait.ge [sflag:s29], $0x50  }
0x76: {  	[sflag:s29] =	ssyncset.done $0x0  }
0x77: {  	p0 =	sne.s32 s24, $0x0;
	[sflag:s29] =	ssyncadd.s32 $0xFFFFFFB0  }
0x78: {  	[spmem:s2] =	stream.indirect.scatter.add.f32 [tilespmem:s22], [sflag:$0x5], $0x80, s3, s30, $0xb8;
	[tilespmem:$0x19200] =	vst v63  }
0x79: {  	s6 =	sadd.s32 @p0 s24, s21;
	s7 =	simm.s32 @p0 $0x0;
	s9 =	simm.s32 @p0 $0x100  }
0x7a: {  	[tilespmem:s9], [sflag:$0x3] =	stream.linear.gather @p0 [hbm4b:s6+s7], $0x50, $0x38;
	[tilespmem:$0x19200] =	vst v63  }
0x7b: {  	s6 =	simm.s32 @p0 $0x6  }
0x7c: {  	_ =	swait.ge @p0 [sflag:s6], $0x2800  }
0x7d: {  	[sflag:s6] =	ssyncset.done @p0 $0x0  }
0x7e: {  	[sflag:s6] =	ssyncadd.s32 @p0 $0xFFFFD800;
	s6 =	simm.s32 @p0 $0x2  }
0x7f: {  	_ =	swait.ge @p0 [sflag:s6], $0x50  }
0x80: {  	s10 =	simm.s32 @p0 $0x200;
	[sflag:s6] =	ssyncset.done @p0 $0x0  }
0x81: {  	s9 =	simm.s32 @p0 $0x80;
	[sflag:s6] =	ssyncadd.s32 @p0 $0xFFFFFFB0;
	s6 =	simm.s32 @p0 $0x50  }
0x82: {  	[spmem:s2] =	stream.indirect.scatter.add.f32 @p0 [tilespmem:s10], [sflag:$0x6], $0x80, s9, s6, $0xb8;
	[tilespmem:$0x19200] =	vst v63  }
0x83: {  	s6 =	sadd.s32 @p0 s24, s20;
	s9 =	simm.s32 @p0 $0x180  }
0x84: {  	[tilespmem:s9], [sflag:$0x4] =	stream.linear.gather @p0 [hbm4b:s6+s7], $0x50, $0x38;
	[tilespmem:$0x19200] =	vst v63  }
0x85: {  	s6 =	simm.s32 @!p0 $0x2  }
0x86: {  	p1 =	slt.u32 @p0 s28, $0x42;
	p2 =	por @!p0 $0x1, $0x1;
	_ =	swait.ge @!p0 [sflag:s6], $0x50  }
0x87: {  	s10 =	sadd.s32 $0xFFFFFFFF, s28;
	s7 =	simm.s32 @!p0 $0x80;
	[sflag:s6] =	ssyncset.done @!p0 $0x0  }
0x88: {  	s9 =	simm.s32 @!p0 $0x200;
	[sflag:s6] =	ssyncadd.s32 @!p0 $0xFFFFFFB0;
	s6 =	simm.s32 @!p0 $0x50  }
0x89: {  	[spmem:s2] =	stream.indirect.scatter.add.f32 @!p0 [tilespmem:s9], [sflag:$0x6], $0x80, s7, s6, $0xb8;
	[tilespmem:$0x19200] =	vst v63  }
0x8a: {  	p1 =	por @!p0 p2, p2;
	p0 =	sgt.u32 s10, $0x41  }
0x8b: {  	s6 =	simm.s32 @!p0 $0x5  }
0x8c: {  	_ =	swait.ge @!p0 [sflag:s6], $0x2800  }
0x8d: {  	[sflag:s6] =	ssyncset.done @!p0 $0x0  }
0x8e: {  	[sflag:s6] =	ssyncadd.s32 @!p0 $0xFFFFD800  }
0x8f: {  	_ =	swait.ge [sflag:s31], $0x50  }
0x90: {  	[sflag:s31] =	ssyncset.done $0x0  }
0x91: {  	p0 =	sgt.u32 s5, $0xE;
	[sflag:s31] =	ssyncadd.s32 $0xFFFFFFB0  }
0x92: {  	[spmem:s2] =	stream.indirect.scatter.add.f32 [tilespmem:s22], [sflag:$0x5], $0x80, s25, s30, $0xb8;
	[tilespmem:$0x19200] =	vst v63  }
0x93: {  	s6 =	sadd.s32 @!p0 s24, s19;
	s7 =	simm.s32 @!p0 $0x0  }
0x94: {  	[tilespmem:s7], [sflag:$0x1] =	stream.linear.gather @!p0 [hbm4b:s6+s7], $0x50, $0x38;
	[tilespmem:$0x19200] =	vst v63  }
0x95: {  	s6 =	simm.s32 @p1 $0x6  }
0x96: {  	_ =	swait.ge @p1 [sflag:s6], $0x2800  }
0x97: {  	[sflag:s6] =	ssyncset.done @p1 $0x0  }
0x98: {  	[sflag:s6] =	ssyncadd.s32 @p1 $0xFFFFD800  }
0x99: {  	_ =	swait.ge [sflag:s0], $0x50  }
0x9a: {  	[sflag:s0] =	ssyncset.done $0x0  }
0x9b: {  	[sflag:s0] =	ssyncadd.s32 $0xFFFFFFB0  }
0x9c: {  	[spmem:s2] =	stream.indirect.scatter.add.f32 [tilespmem:s22], [sflag:$0x6], $0x80, s26, s30, $0xb8;
	[tilespmem:$0x19200] =	vst v63  }
0x9d: {  	s9 =	simm.s32 @!p0 $0x80;
	s6 =	sadd.s32 @!p0 s24, s18;
	s24 =	sadd.s32 $0x28, s24  }
0x9e: {  	[tilespmem:s9], [sflag:$0x2] =	stream.linear.gather @!p0 [hbm4b:s6+s7], $0x50, $0x38;
	[tilespmem:$0x19200] =	vst v63  }
0x9f: {  	p0 =	sne.s32 s24, $0x2A8  }
.Ltmp5:
0xa0: {  	_ = 	snop;
	(pc) =	sbr.rel @p0 .LBB2_6-.Ltmp5, $4  }
.Ltmp6:
0xa1: {  	_ = 	snop;
	(pc) =	sbr.rel @!p0 .LBB2_8-.Ltmp6, $4  }
0xa2: {  	_ = 	snop  }
0xa3: {  	_ = 	snop  }
0xa4: {  	s28 =	sadd.s32 $0x4, s28;
	s5 =	sadd.s32 $0x1, s5  }
0xa5: {  	_ = 	snop  }
.LBB2_9:
0xa6: {  	_ =	sfence.sel $0x180000  }
0xa7: {  	[bflag:$0x0] =	sbarrier.arrive $0xFFFF  }
0xa8: {  	_ =	strace $0x90000047  }
0xa9: {  	s0 =	stileid.u32;
	[bflag:$0x2] =	sbarrier.arrive $0xFFFF  }
0xaa: {  	p0 =	sne.s32 s0, $0x0;
	s0 =	rddreg [dreg:$0x2]  }
0xab: {  	s0 =	sadd.s32 @!p0 $0x100000, s0  }
0xac: {  	[sflag:s0] =	ssyncadd.tile.s32 @!p0 $0x1;
	_ =	shalt  }
.Lfunc_end2:
_tile_overlayer_lowered:
.L_overlay_start_2:
0xad: {  	(tag) =	ssettag $0x2  }
0xae: {  	s0 =	rddreg [dreg:$0x0];
	s2 =	stileid.u32  }
0xaf: {  	s1 =	rddreg [dreg:$0x1];
	p0 =	sne.s32 s2, $0x0  }
0xb0: {  	s3 =	rddreg [dreg:$0x2];
	[bflag:$0x3] =	sbarrier.arrive $0xFFFF;
	s2 =	simm.s32 @!p0 $0x1C07  }
0xb1: {  	[timem:s3], [sflag:s2] =	dma.local @!p0 [hbm:s0], s1  }
0xb2: {  	s0 =	simm.s32 @!p0 $0x7  }
0xb3: {  	_ =	swait.ge @!p0 [sflag:s0], s1  }
0xb4: {  	s1 =	ssub.s32 @!p0 $0x0, s1;
	[sflag:s0] =	ssyncset.done @!p0 $0x0  }
0xb5: {  	[sflag:s0] =	ssyncadd.s32 @!p0 s1  }
0xb6: {  	[bflag:$0x3] =	sbarrier.arrive $0xFFFF  }
0xb7: {  	_ =	shalt  }

// kernel: kernel.13.cloned.1.call-start
scs
__scs_entry_jumppad:
0x0: {  	(pc) =	sbr.rel $0x88, $3  }
0x1: {  	(tag) =	ssettag $0x0;
	lr =	simm.s32 $0x1  }
0x2: {  	[smem:$0x3F8C] =	sst lr;
	_ =	strace $0xD0000000  }
0x3: {  	_ = 	snop  }
0x4: {  	_ = 	snop  }
0x5: {  	_ = 	snop  }
0x6: {  	_ = 	snop  }
0x7: {  	_ = 	snop  }
__scs_overlays_trampoline_lowered:
0x8: {  	[smem:$0x3F9B] =	sst s0  }
0x9: {  	[smem:$0x3F9C] =	sst s1  }
0xa: {  	[smem:$0x3F9D] =	sst s2  }
0xb: {  	[smem:$0x3F9E] =	sst s3  }
0xc: {  	[smem:$0x3F9F] =	sst s4  }
0xd: {  	[smem:$0x3FA0] =	sst s5  }
0xe: {  	[smem:$0x3FA1] =	sst s6  }
0xf: {  	[smem:$0x3FA2] =	sst s7  }
0x10: {  	[smem:$0x3FA3] =	sst s8  }
0x11: {  	[smem:$0x3FA4] =	sst s9;
	s0 =	simm.s32 @!p0 $0x0  }
0x12: {  	s1 =	sld [smem:$0x3F8A];
	s0 =	simm.s32 @p0 $0x1  }
0x13: {  	[smem:$0x3FA5] =	sst s0;
	s0 =	simm.s32 @!p1 $0x0  }
0x14: {  	s2 =	sld [smem:$0x3F89];
	s0 =	simm.s32 @p1 $0x1  }
0x15: {  	[smem:$0x3FA6] =	sst s0;
	s0 =	simm.s32 @!p2 $0x0  }
0x16: {  	s3 =	sld [smem:$0x3FDB];
	s0 =	simm.s32 @p2 $0x1  }
0x17: {  	s4 =	simm.s32 $0x1BF5;
	[smem:$0x3FA8] =	sst s0  }
0x18: {  	s0 =	sld [smem:$0x3F8B];
	_ =	swait.ge [sflag:s4], $0x0  }
0x19: {  	s7 =	sld [smem:$0x3F8C]  }
0x1a: {  	s8 =	sadd.s32 $0xFFFFE003, lr  }
0x1b: {  	s9 =	sadd.s32 $0xFFFFFEF7, lr;
	s5 =	simm.s32 $0xFFFFFFFF;
	p2 =	slt.u32 s8, $0xFFFFF086  }
0x1c: {  	p1 =	slt.u32 s9, $0xF7A;
	s5 =	simm.s32 @!p2 $0x0  }
0x1d: {  	s5 =	simm.s32 @p1 $0x1;
	p0 =	seq.s32 s7, s2  }
0x1e: {  	s7 =	smul.u32 @!p0 $0xF7A, s2;
	p2 =	seq.s32 @!p0 s5, $0x0  }
0x1f: {  	s9 =	smul.u32 $0xF7A, s1;
	s8 =	simm.s32 @!p0 $0x1BF5;
	p2 =	por !p2, p0  }
0x20: {  	[sflag:s8] =	ssyncset.s32 @!p0 $0xFFFFF086;
	s6 =	sadd.s32 @!p0 s3, s7;
	s7 =	simm.s32 @!p0 $0x108  }
0x21: {  	s3 =	sadd.s32 s3, s9;
	s6 =	sadd.s32 @!p0 $0x88, s6;
	s7 =	simm.s32 @p2 $0x1082  }
0x22: {  	[simem:s7], [sflag:s8] =	dma.local @!p0 [hbm:s6], $0xF7A  }
0x23: {  	s9 =	sor.u32 $0xD0000000, s2;
	s6 =	simm.s32 $0x108;
	_ =	swait.ge @!p0 [sflag:s8], $0x0  }
0x24: {  	s3 =	sadd.s32 $0x88, s3;
	s6 =	simm.s32 @!p1 $0x1082;
	[sflag:s4] =	ssyncset.s32 $0xFFFFF086  }
0x25: {  	[simem:s6], [sflag:s4] =	dma.local [hbm:s3], $0xF7A  }
0x26: {  	[smem:$0x3F8C] =	sst s1;
	(tag) =	ssettag s2;
	_ =	strace s9  }
0x27: {  	s1 =	sld [smem:$0x3F9C]  }
0x28: {  	s2 =	sld [smem:$0x3F9D]  }
0x29: {  	s4 =	sld [smem:$0x3F9F]  }
0x2a: {  	p0 =	seq.s32 s5, $0x0;
	s5 =	sld [smem:$0x3FA0]  }
0x2b: {  	s6 =	sld [smem:$0x3FA1]  }
0x2c: {  	s7 =	sld [smem:$0x3FA2]  }
0x2d: {  	s3 =	simm.s32 $0x108;
	s8 =	sld [smem:$0x3FA3]  }
0x2e: {  	s3 =	simm.s32 @!p0 $0x1082;
	s9 =	sld [smem:$0x3FA4]  }
0x2f: {  	lr =	sadd.s32 s0, s3;
	s0 =	sld [smem:$0x3F9B]  }
0x30: {  	s3 =	sld [smem:$0x3F9E]  }
0x31: {  	[smem:$0x3FA7] =	sst s10  }
0x32: {  	s10 =	sld [smem:$0x3FA5];
	_ =	sdelay $0x3  }
0x33: {  	p0 =	seq.s32 s10, $0x1;
	s10 =	sld [smem:$0x3FA7];
	_ =	sdelay $0x3  }
0x34: {  	[smem:$0x3FA7] =	sst s10  }
0x35: {  	s10 =	sld [smem:$0x3FA6];
	_ =	sdelay $0x3  }
0x36: {  	p1 =	seq.s32 s10, $0x1;
	s10 =	sld [smem:$0x3FA7];
	_ =	sdelay $0x3  }
0x37: {  	[smem:$0x3FA7] =	sst s10  }
0x38: {  	s10 =	sld [smem:$0x3FA8]  }
0x39: {  	_ = 	snop;
	(pc) =	sbr.ind lr, $3  }
0x3a: {  	_ = 	snop  }
0x3b: {  	_ = 	snop  }
0x3c: {  	p2 =	seq.s32 s10, $0x1;
	s10 =	sld [smem:$0x3FA7]  }
0x3d: {  	_ =	shalt  }
0x3e: {  	_ =	shalt  }
0x3f: {  	_ =	shalt  }
0x40: {  	_ =	shalt  }
0x41: {  	_ =	shalt  }
0x42: {  	_ =	shalt  }
0x43: {  	_ =	shalt  }
0x44: {  	_ =	shalt  }
0x45: {  	_ =	shalt  }
0x46: {  	_ =	shalt  }
0x47: {  	_ =	shalt  }
0x48: {  	_ =	shalt  }
0x49: {  	_ =	shalt  }
0x4a: {  	_ =	shalt  }
0x4b: {  	_ =	shalt  }
0x4c: {  	_ =	shalt  }
0x4d: {  	_ =	shalt  }
0x4e: {  	_ =	shalt  }
0x4f: {  	_ =	shalt  }
0x50: {  	_ =	shalt  }
0x51: {  	_ =	shalt  }
0x52: {  	_ =	shalt  }
0x53: {  	_ =	shalt  }
0x54: {  	_ =	shalt  }
0x55: {  	_ =	shalt  }
0x56: {  	_ =	shalt  }
0x57: {  	_ =	shalt  }
0x58: {  	_ =	shalt  }
0x59: {  	_ =	shalt  }
0x5a: {  	_ =	shalt  }
0x5b: {  	_ =	shalt  }
0x5c: {  	_ =	shalt  }
0x5d: {  	_ =	shalt  }
0x5e: {  	_ =	shalt  }
0x5f: {  	_ =	shalt  }
0x60: {  	_ =	shalt  }
0x61: {  	_ =	shalt  }
0x62: {  	_ =	shalt  }
0x63: {  	_ =	shalt  }
0x64: {  	_ =	shalt  }
0x65: {  	_ =	shalt  }
0x66: {  	_ =	shalt  }
0x67: {  	_ =	shalt  }
0x68: {  	_ =	shalt  }
0x69: {  	_ =	shalt  }
0x6a: {  	_ =	shalt  }
0x6b: {  	_ =	shalt  }
0x6c: {  	_ =	shalt  }
0x6d: {  	_ =	shalt  }
0x6e: {  	_ =	shalt  }
0x6f: {  	_ =	shalt  }
0x70: {  	_ =	shalt  }
0x71: {  	_ =	shalt  }
0x72: {  	_ =	shalt  }
0x73: {  	_ =	shalt  }
0x74: {  	_ =	shalt  }
0x75: {  	_ =	shalt  }
0x76: {  	_ =	shalt  }
0x77: {  	_ =	shalt  }
0x78: {  	_ =	shalt  }
0x79: {  	_ =	shalt  }
0x7a: {  	_ =	shalt  }
0x7b: {  	_ =	shalt  }
0x7c: {  	_ =	shalt  }
0x7d: {  	_ =	shalt  }
0x7e: {  	_ =	shalt  }
0x7f: {  	_ =	shalt  }
0x80: {  	_ =	shalt  }
0x81: {  	_ =	shalt  }
0x82: {  	_ =	shalt  }
0x83: {  	_ =	shalt  }
0x84: {  	_ =	shalt  }
0x85: {  	_ =	shalt  }
0x86: {  	_ =	shalt  }
0x87: {  	_ =	shalt  }
.Lfunc_end0:
.L_simem_size_0:
called_computation.1_lowered:
.L_overlay_start_0:
0x88: {  	s2 =	sld [smem:$0x3FD9]  }
0x89: {  	s3 =	sld [smem:$0x3FFE];
	_ =	sdelay $0x1  }
0x8a: {  	s1 =	srdreg.scid  }
0x8b: {  	s0 =	sand.u32 $0x1, s1  }
0x8c: {  	s16 =	sshll.u32 s0, $0xA;
	s2 =	sadd.s32 s3, s2  }
0x8d: {  	s2 =	sadd.s32 s2, s16  }
0x8e: {  	[smem:$0x3FB3] =	sst s2  }
0x8f: {  	_ = 	snop  }
0x90: {  	(tm) =	ssettm $0x1  }
0x91: {  	s17 =	sld [smem:$0x3FFB];
	_ =	sdelay $0x3  }
0x92: {  	_ =	strace s17  }
0x93: {  	s2 =	sld [smem:$0x3FFC];
	_ =	sdelay $0x3  }
0x94: {  	_ =	strace s2  }
0x95: {  	s2 =	sld [smem:$0x3FFD];
	_ =	sdelay $0x3  }
0x96: {  	_ =	strace s2  }
0x97: {  	_ =	strace $0x8FFFFFFF  }
0x98: {  	s18 =	sld [smem:$0x3FDB];
	_ =	sdelay $0x1  }
0x99: {  	s19 =	simm.s32 $_scs_section_size  }
0x9a: {  	s4 =	simm.s32 $_size__tile_overlayer_lowered;
	s5 =	simm.s32 $_tile_overlayer_lowered  }
0x9b: {  	s22 =	simm.s32 $0x1BFF;
	s21 =	sshll.u32 s5, $0x1;
	s2 =	sadd.s32 s19, s18  }
0x9c: {  	s6 =	simm.s32 $0x0;
	s20 =	sshll.u32 s4, $0x1;
	s4 =	sadd.s32 s21, s2  }
0x9d: {  	[timem:s6], [sflag:s22] =	dma.local [hbm:s4], s20  }
0x9e: {  	_ =	swait.ge [sflag:s22], s20  }
0x9f: {  	s3 =	ssub.s32 $0x0, s20;
	[sflag:s22] =	ssyncset.done $0x0  }
0xa0: {  	[sflag:s22] =	ssyncadd.s32 s3;
	_ =	sdelay $0x1  }
0xa1: {  	s23 =	simm.s32 $0x1B8B  }
0xa2: {  	_ =	swait.ge [sflag:s23], $0x1  }
0xa3: {  	[sflag:s23] =	ssyncset.done $0x0  }
0xa4: {  	s25 =	simm.s32 $0x1B8E;
	s24 =	sld [smem:$0x3FFE];
	[sflag:s23] =	ssyncadd.s32 $0xFFFFFFFF  }
0xa5: {  	s26 =	simm.s32 $execute0_lowered;
	[smem:$0x3FD2] =	sst s25  }
0xa6: {  	s4 =	sshll.u32 s26, $0x1;
	_ =	strace $0x80000049;
	[dreg:$0x1] =	wrdreg $0xFFFFFFFF  }
0xa7: {  	s28 =	simm.s32 $_size_execute0_lowered;
	s2 =	sadd.s32 s2, s4;
	[dreg:$0x0] =	wrdreg $0x0  }
0xa8: {  	s4 =	sshll.u32 s28, $0x1;
	[dreg:$0x2] =	wrdreg s2  }
0xa9: {  	[dreg:$0x3] =	wrdreg s4  }
0xaa: {  	[dreg:$0x4] =	wrdreg $0xC0  }
0xab: {  	_ =	task [dreg:s6], $0x5FFFF  }
0xac: {  	[dreg:$0x1] =	wrdreg $0xFFFFFFFF  }
0xad: {  	[dreg:$0x0] =	wrdreg $0x60  }
0xae: {  	[dreg:$0x2] =	wrdreg s24  }
0xaf: {  	[dreg:$0x3] =	wrdreg $0x54000  }
0xb0: {  	[dreg:$0x4] =	wrdreg $0x9  }
0xb1: {  	_ =	task.clear_ibuf [dreg:s6], $0x5FFFF;
	_ =	strace $0x90000049  }
0xb2: {  	s29 =	simm.s32 $0x9;
	_ =	strace $0x8000004B  }
0xb3: {  	_ =	swait.ge [sflag:s29], $0x1  }
0xb4: {  	[sflag:s29] =	ssyncadd.s32 $0xFFFFFFFF  }
0xb5: {  	_ =	strace $0x9000004B  }
0xb6: {  	_ =	sfence  }
0xb7: {  	s30 =	sld [smem:$0x0];
	_ =	sdelay $0x2  }
0xb8: {  	s31 =	sshll.u32 s1, $0xD;
	s1 =	sshrl.u32 s1, $0x2  }
0xb9: {  	s3 =	sand.u32 $0x4000, s31;
	s1 =	sadd.s32 s1, s30  }
0xba: {  	s0 =	sor.u32 s3, s0;
	s1 =	sshll.u32 s1, $0x11  }
0xbb: {  	s0 =	sor.u32 s1, s0  }
0xbc: {  	s0 =	sadd.s32 $0x8F2B, s0  }
0xbd: {  	[sflag:s0] =	ssyncadd.remote.s32 $0x1  }
0xbe: {  	_ =	sfence.sel $0xFFFF  }
0xbf: {  	[dreg:$0x0] =	wrdreg $0xFFFFFFFF;
	(pc) =	sbr.abs _section_cstart, $3  }
0xc0: {  	[dreg:$0x1] =	wrdreg $0xFFFFFFFF  }
0xc1: {  	_ =	task.clear_ibuf [dreg:s6], $0x2FFFF;
	_ =	strace $0x9FFFFFFF  }
0xc2: {  	(tm) =	ssettm $0x7FFFFFFF  }
0xc3: {  	_ =	shalt  }
tec
execute0_lowered:
.L_overlay_start_1:
0x0: {  	(tag) =	ssettag $0x1  }
0x1: {  	s0 =	rddreg [dreg:$0x0]  }
0x2: {  	s1 =	rddreg [dreg:$0x1]  }
0x3: {  	s2 =	srdreg.scid;
	s3 =	simm.s32 $0x0;
	s12 =	stileid.u32  }
0x4: {  	s28 =	simm.s32 $0x100;
	s31 =	simm.s32 $0x2;
	s7 =	smul.u32 $0x280, s12  }
0x5: {  	s2 =	sand.u32 $0x1, s2;
	[smem:$0x7FF] =	sst s3;
	s14 =	smul.u32 $0x50000, s12  }
0x6: {  	s4 =	sadd.s32 $0x8400, s0;
	s5 =	sadd.s32 $0x58600, s0;
	s11 =	smul.u32 $0x2800, s12  }
0x7: {  	s10 =	sadd.s32 $0x3200, s0;
	s15 =	sshll.u32 s12, $0x6;
	s26 =	smul.u32 $0x500, s12  }
0x8: {  	s6 =	smul.u32 $0x2800, s2;
	_ =	strace $0x8000004A;
	s8 =	ssub.s32 $0x2, s2  }
0x9: {  	s2 =	smul.u32 $0x280A0, s2;
	s9 =	sshrl.u32 s8, $0x1;
	s16 =	sshrl.u32 s11, $0x3  }
0xa: {  	s6 =	sadd.s32 s7, s6;
	s7 =	sshrl.u32 s14, $0x2;
	s17 =	ssub.s32 s8, s9  }
0xb: {  	s2 =	sadd.s32 s11, s2;
	s8 =	sadd.s32 s10, s16;
	s6 =	sshll.u32 s6, $0x4  }
0xc: {  	s20 =	sadd.s32 s7, s1;
	s7 =	sor.u32 $0x1C09, s15;
	s18 =	sshrl.u32 s2, $0x3  }
0xd: {  	s21 =	sadd.s32 $0xA, s8;
	s22 =	sadd.s32 $0xA0, s2;
	s23 =	sadd.s32 $0x14, s8  }
0xe: {  	s24 =	sadd.s32 $0x1E, s8;
	s25 =	sadd.s32 $0xF0, s2;
	s17 =	smax.u32 s17, $0x1  }
0xf: {  	s30 =	sadd.s32 $0x140, s2;
	s0 =	sadd.s32 s6, s0;
	[dreg:$0x5] =	wrdreg s21  }
0x10: {  	s6 =	sadd.s32 s4, s6;
	s19 =	sadd.s32 s5, s18;
	[dreg:$0x7] =	wrdreg s23  }
0x11: {  	[dreg:$0x8] =	wrdreg s24;
	s18 =	sadd.s32 $0x190, s2;
	s21 =	sshrl.u32 s20, $0x3  }
0x12: {  	s2 =	simm.s32 $0x2C00;
	s23 =	simm.s32 $0x8;
	[dreg:$0x3] =	wrdreg s6  }
0x13: {  	s24 =	simm.s32 $0x0;
	[dreg:$0x4] =	wrdreg s19;
	s9 =	sadd.s32 $0xA, s19  }
.Ltmp0:
0x14: {  	s6 =	sshrl.u32 s22, $0x3;
	s0 =	sadd.s32 $0x62800, s0;
	(pc) =	sbr.rel .LBB2_1-.Ltmp0, $4  }
0x15: {  	s29 =	sshrl.u32 s18, $0x3;
	s18 =	sadd.s32 s26, s10;
	s22 =	simm.s32 $0x9  }
0x16: {  	s26 =	simm.s32 $0x300;
	[dreg:$0x6] =	wrdreg s9;
	s13 =	sadd.s32 s5, s6  }
0x17: {  	s6 =	sshrl.u32 s25, $0x3;
	[dreg:$0x9] =	wrdreg s0;
	s19 =	sadd.s32 s29, s5  }
0x18: {  	s25 =	simm.s32 $0x80;
	s0 =	simm.s32 $0x50;
	s15 =	sadd.s32 s5, s6  }
.LBB2_9:
0x19: {  	s24 =	sadd.s32 $0x1, s24  }
0x1a: {  	[bflag:$0x0] =	sbarrier.arrive $0xFFFF;
	p0 =	sne.s32 s24, s17  }
.Ltmp1:
0x1b: {  	s6 =	rddreg [dreg:$0x9];
	(pc) =	sbr.rel @!p0 .LBB2_10-.Ltmp1, $4  }
0x1c: {  	[hbm:s6], [sflag:s7] =	dma.local [spmem:s21], $0x2800  }
0x1d: {  	_ =	swait.ge [sflag:s22], $0x2800  }
0x1e: {  	[sflag:s22] =	ssyncset.done $0x0  }
0x1f: {  	[sflag:s22] =	ssyncadd.s32 $0xFFFFD800  }
.LBB2_1:
0x20: {  	s6 =	rddreg [dreg:$0x3]  }
0x21: {  	[spmem:s21], [sflag:s7] =	dma.local [hbm:s6], $0x2800  }
0x22: {  	_ =	swait.ge [sflag:s22], $0x2800  }
0x23: {  	[sflag:s22] =	ssyncset.done $0x0  }
0x24: {  	[sflag:s22] =	ssyncadd.s32 $0xFFFFD800  }
0x25: {  	s20 =	simm.s32 $0x200;
	[bflag:$0x0] =	sbarrier.arrive $0xFFFF  }
0x26: {  	[tilespmem:s20], [sflag:$0x1] =	stream.linear.gather [hbm4b:s8+s3], $0x50, $0x38;
	[tilespmem:$0x19400] =	vst v63  }
0x27: {  	s9 =	rddreg [dreg:$0x4]  }
0x28: {  	[tilespmem:s3], [sflag:$0x1] =	stream.linear.gather [hbm4b:s9+s3], $0x50, $0x38;
	[tilespmem:$0x19400] =	vst v63  }
0x29: {  	s10 =	rddreg [dreg:$0x5];
	s9 =	simm.s32 $0x280  }
0x2a: {  	[tilespmem:s9], [sflag:$0x2] =	stream.linear.gather [hbm4b:s10+s3], $0x50, $0x38;
	[tilespmem:$0x19400] =	vst v63  }
0x2b: {  	s11 =	rddreg [dreg:$0x6]  }
0x2c: {  	[tilespmem:s25], [sflag:$0x2] =	stream.linear.gather [hbm4b:s11+s3], $0x50, $0x38;
	[tilespmem:$0x19400] =	vst v63  }
0x2d: {  	s12 =	rddreg [dreg:$0x7]  }
0x2e: {  	[tilespmem:s26], [sflag:$0x3] =	stream.linear.gather [hbm4b:s12+s3], $0x50, $0x38;
	[tilespmem:$0x19400] =	vst v63  }
0x2f: {  	_ = 	snop  }
0x30: {  	[tilespmem:s28], [sflag:$0x3] =	stream.linear.gather [hbm4b:s13+s3], $0x50, $0x38;
	[tilespmem:$0x19400] =	vst v63  }
.Ltmp2:
0x31: {  	s16 =	simm.s32 $0x380;
	s14 =	rddreg [dreg:$0x8];
	(pc) =	sbr.rel .LBB2_2-.Ltmp2, $4  }
0x32: {  	[tilespmem:s16], [sflag:$0x4] =	stream.linear.gather [hbm4b:s14+s3], $0x50, $0x38;
	[tilespmem:$0x19400] =	vst v63  }
0x33: {  	s29 =	simm.s32 $0x3;
	s20 =	simm.s32 $0x180  }
0x34: {  	[tilespmem:s20], [sflag:$0x4] =	stream.linear.gather [hbm4b:s15+s3], $0x50, $0x38;
	[tilespmem:$0x19400] =	vst v63  }
0x35: {  	s6 =	simm.s32 $0x0;
	s10 =	simm.s32 $0x0;
	s20 =	smov.u32 s30  }
.LBB2_6:
0x36: {  	s9 =	sshll.u32 s10, $0x2  }
0x37: {  	s11 =	sor.u32 $0x1, s9  }
.LBB2_7:
0x38: {  	_ =	swait.ge [sflag:s31], $0x50  }
0x39: {  	[sflag:s31] =	ssyncset.done $0x0  }
0x3a: {  	[sflag:s31] =	ssyncadd.s32 $0xFFFFFFB0  }
0x3b: {  	_ =	swait.ge [sflag:s31], $0x50  }
0x3c: {  	[sflag:s31] =	ssyncset.done $0x0  }
0x3d: {  	[sflag:s31] =	ssyncadd.s32 $0xFFFFFFB0  }
0x3e: {  	[tilespmem:s2], [sflag:$0x6] =	stream.indirect.gather [hbm4b:s4+s0], $0x80, s25, s0, $0xb8;
	[tilespmem:$0x19400] =	vst v63  }
.LBB2_8:
0x3f: {  	p2 =	sgt.u32 s11, $0x80  }
0x40: {  	s9 =	simm.s32 @!p2 $0x5  }
0x41: {  	_ =	swait.ge @!p2 [sflag:s9], $0x2800  }
0x42: {  	s11 =	simm.s32 @!p2 $0x200;
	[sflag:s9] =	ssyncset.done @!p2 $0x0  }
0x43: {  	s12 =	simm.s32 @!p2 $0x400;
	[sflag:s9] =	ssyncadd.s32 @!p2 $0xFFFFD800;
	s9 =	simm.s32 @!p2 $0x50  }
0x44: {  	[spmem:s1] =	stream.indirect.scatter.add.f32 @!p2 [tilespmem:s12], [sflag:$0x7], $0x80, s11, s9, $0xb8;
	[tilespmem:$0x19400] =	vst v63  }
0x45: {  	s9 =	sadd.s32 @!p1 s6, s18  }
0x46: {  	s11 =	simm.s32 @!p1 $0x0;
	s12 =	simm.s32 @!p1 $0x380;
	s9 =	sadd.s32 @!p1 $0x1E, s9  }
0x47: {  	[tilespmem:s12], [sflag:$0x4] =	stream.linear.gather @!p1 [hbm4b:s9+s11], $0x50, $0x38;
	[tilespmem:$0x19400] =	vst v63  }
0x48: {  	s16 =	sadd.s32 $0xFFFFFFFF, s29;
	s14 =	simm.s32 @!p1 $0x180;
	s12 =	sadd.s32 @!p1 s6, s15  }
0x49: {  	[tilespmem:s14], [sflag:$0x4] =	stream.linear.gather @!p1 [hbm4b:s12+s11], $0x50, $0x38;
	[tilespmem:$0x19400] =	vst v63  }
0x4a: {  	p1 =	sgt.u32 s16, $0x81  }
0x4b: {  	s11 =	simm.s32 @!p1 $0x7  }
0x4c: {  	_ =	swait.ge @!p1 [sflag:s11], $0x2800  }
0x4d: {  	[sflag:s11] =	ssyncset.done @!p1 $0x0  }
0x4e: {  	[sflag:s11] =	ssyncadd.s32 @!p1 $0xFFFFD800;
	s11 =	simm.s32 @!p0 $0x3  }
0x4f: {  	_ =	swait.ge @!p0 [sflag:s11], $0x50  }
0x50: {  	[sflag:s11] =	ssyncset.done @!p0 $0x0  }
0x51: {  	[sflag:s11] =	ssyncadd.s32 @!p0 $0xFFFFFFB0  }
0x52: {  	s12 =	simm.s32 @!p0 $0x100;
	_ =	swait.ge @!p0 [sflag:s11], $0x50  }
0x53: {  	s14 =	simm.s32 @!p0 $0x400;
	p1 =	sgt.u32 s16, $0x80;
	[sflag:s11] =	ssyncset.done @!p0 $0x0  }
0x54: {  	s9 =	simm.s32 @!p1 $0x6;
	[sflag:s11] =	ssyncadd.s32 @!p0 $0xFFFFFFB0;
	s11 =	simm.s32 @!p0 $0x50  }
0x55: {  	[tilespmem:s14], [sflag:$0x5] =	stream.indirect.gather @!p0 [hbm4b:s4+s11], $0x80, s12, s11, $0xb8;
	[tilespmem:$0x19400] =	vst v63  }
0x56: {  	_ =	swait.ge @!p1 [sflag:s9], $0x2800  }
0x57: {  	s12 =	simm.s32 @!p1 $0x280;
	[sflag:s9] =	ssyncset.done @!p1 $0x0  }
0x58: {  	s14 =	simm.s32 @!p1 $0x2C00;
	[sflag:s9] =	ssyncadd.s32 @!p1 $0xFFFFD800;
	s9 =	simm.s32 @!p1 $0x50  }
0x59: {  	[spmem:s1] =	stream.indirect.scatter.add.f32 @!p1 [tilespmem:s14], [sflag:$0x8], $0x80, s12, s9, $0xb8;
	[tilespmem:$0x19400] =	vst v63  }
0x5a: {  	p1 =	sgt.u32 s10, $0x1E  }
0x5b: {  	s9 =	sadd.s32 @!p1 s6, s18  }
0x5c: {  	s14 =	simm.s32 @!p1 $0x0;
	s16 =	simm.s32 @!p1 $0x200;
	s12 =	sadd.s32 @!p1 $0x28, s9  }
0x5d: {  	[tilespmem:s16], [sflag:$0x1] =	stream.linear.gather @!p1 [hbm4b:s12+s14], $0x50, $0x38;
	[tilespmem:$0x19400] =	vst v63  }
0x5e: {  	s12 =	sshrl.u32 @!p1 s20, $0x3  }
0x5f: {  	p2 =	sgt.u32 s29, $0x81;
	s12 =	sadd.s32 @!p1 s5, s12  }
0x60: {  	[tilespmem:s14], [sflag:$0x1] =	stream.linear.gather @!p1 [hbm4b:s12+s14], $0x50, $0x38;
	[tilespmem:$0x19400] =	vst v63  }
0x61: {  	s12 =	simm.s32 @!p2 $0x8  }
0x62: {  	_ =	swait.ge @!p2 [sflag:s12], $0x2800  }
0x63: {  	[sflag:s12] =	ssyncset.done @!p2 $0x0  }
0x64: {  	[sflag:s12] =	ssyncadd.s32 @!p2 $0xFFFFD800;
	s12 =	simm.s32 @!p0 $0x4  }
0x65: {  	_ =	swait.ge @!p0 [sflag:s12], $0x50  }
0x66: {  	[sflag:s12] =	ssyncset.done @!p0 $0x0  }
0x67: {  	[sflag:s12] =	ssyncadd.s32 @!p0 $0xFFFFFFB0  }
0x68: {  	_ =	swait.ge @!p0 [sflag:s12], $0x50  }
0x69: {  	[sflag:s12] =	ssyncset.done @!p0 $0x0  }
0x6a: {  	s16 =	simm.s32 @!p0 $0x2C00;
	[sflag:s12] =	ssyncadd.s32 @!p0 $0xFFFFFFB0;
	s12 =	simm.s32 @!p0 $0x180  }
0x6b: {  	[tilespmem:s16], [sflag:$0x6] =	stream.indirect.gather @!p0 [hbm4b:s4+s11], $0x80, s12, s11, $0xb8;
	[tilespmem:$0x19400] =	vst v63  }
0x6c: {  	p0 =	sgt.u32 s29, $0x80  }
0x6d: {  	s11 =	simm.s32 @!p0 $0x5  }
0x6e: {  	_ =	swait.ge @!p0 [sflag:s11], $0x2800  }
0x6f: {  	s12 =	simm.s32 @!p0 $0x300;
	[sflag:s11] =	ssyncset.done @!p0 $0x0  }
0x70: {  	s16 =	simm.s32 @!p0 $0x400;
	[sflag:s11] =	ssyncadd.s32 @!p0 $0xFFFFD800;
	s11 =	simm.s32 @!p0 $0x50  }
0x71: {  	[spmem:s1] =	stream.indirect.scatter.add.f32 @!p0 [tilespmem:s16], [sflag:$0x7], $0x80, s12, s11, $0xb8;
	[tilespmem:$0x19400] =	vst v63  }
0x72: {  	s9 =	sadd.s32 @!p1 $0x32, s9;
	s11 =	simm.s32 @!p1 $0x280  }
0x73: {  	[tilespmem:s11], [sflag:$0x2] =	stream.linear.gather @!p1 [hbm4b:s9+s14], $0x50, $0x38;
	[tilespmem:$0x19400] =	vst v63  }
0x74: {  	s9 =	sadd.s32 @!p1 s6, s19;
	s6 =	sadd.s32 $0x28, s6  }
0x75: {  	p0 =	sne.s32 s6, $0x528  }
.Ltmp3:
0x76: {  	_ = 	snop;
	(pc) =	sbr.rel @!p0 .LBB2_9-.Ltmp3, $4  }
0x77: {  	_ = 	snop  }
0x78: {  	s10 =	sadd.s32 $0x1, s10  }
0x79: {  	s20 =	sadd.s32 $0x140, s20;
	s29 =	sadd.s32 $0x4, s29;
	s11 =	simm.s32 @!p1 $0x80  }
0x7a: {  	[tilespmem:s11], [sflag:$0x2] =	stream.linear.gather @!p1 [hbm4b:s9+s14], $0x50, $0x38;
	[tilespmem:$0x19400] =	vst v63  }
.LBB2_2:
0x7b: {  	s11 =	sadd.s32 $0xFFFFFFF9, s29  }
0x7c: {  	p1 =	sgt.u32 s11, $0x7F  }
0x7d: {  	s11 =	simm.s32 @!p1 $0x7  }
0x7e: {  	_ =	swait.ge @!p1 [sflag:s11], $0x2800  }
0x7f: {  	p0 =	seq.s32 s6, $0x500;
	[sflag:s11] =	ssyncset.done @!p1 $0x0  }
0x80: {  	[sflag:s11] =	ssyncadd.s32 @!p1 $0xFFFFD800;
	s11 =	simm.s32 @!p0 $0x1  }
0x81: {  	_ =	swait.ge @!p0 [sflag:s11], $0x50  }
0x82: {  	[sflag:s11] =	ssyncset.done @!p0 $0x0  }
0x83: {  	[sflag:s11] =	ssyncadd.s32 @!p0 $0xFFFFFFB0  }
0x84: {  	_ =	swait.ge @!p0 [sflag:s11], $0x50  }
0x85: {  	s12 =	simm.s32 @!p0 $0x0;
	[sflag:s11] =	ssyncset.done @!p0 $0x0  }
0x86: {  	s9 =	simm.s32 @!p0 $0x400;
	[sflag:s11] =	ssyncadd.s32 @!p0 $0xFFFFFFB0;
	s11 =	simm.s32 @!p0 $0x50  }
0x87: {  	[tilespmem:s9], [sflag:$0x5] =	stream.indirect.gather @!p0 [hbm4b:s4+s11], $0x80, s12, s11, $0xb8;
	[tilespmem:$0x19400] =	vst v63  }
0x88: {  	s9 =	simm.s32 @!p1 $0x6  }
0x89: {  	_ =	swait.ge @!p1 [sflag:s9], $0x2800  }
0x8a: {  	s16 =	sor.u32 $0x20, s10;
	s11 =	simm.s32 @!p1 $0x380;
	[sflag:s9] =	ssyncset.done @!p1 $0x0  }
0x8b: {  	s12 =	simm.s32 @!p1 $0x2C00;
	[sflag:s9] =	ssyncadd.s32 @!p1 $0xFFFFD800;
	s9 =	simm.s32 @!p1 $0x50  }
0x8c: {  	[spmem:s1] =	stream.indirect.scatter.add.f32 @!p1 [tilespmem:s12], [sflag:$0x8], $0x80, s11, s9, $0xb8;
	[tilespmem:$0x19400] =	vst v63  }
0x8d: {  	p1 =	seq.s32 s16, $0x20  }
.Ltmp4:
0x8e: {  	_ = 	snop;
	(pc) =	sbr.rel @!p1 .LBB2_3-.Ltmp4, $1  }
0x8f: {  	_ =	sdelay $0x3  }
0x90: {  	p2 =	seq.s32 s6, $0x0  }
.Ltmp5:
0x91: {  	_ = 	snop;
	(pc) =	sbr.rel @!p2 .LBB2_4-.Ltmp5, $4  }
.Ltmp6:
0x92: {  	_ = 	snop;
	(pc) =	sbr.rel @p2 .LBB2_6-.Ltmp6, $4  }
0x93: {  	_ = 	snop  }
0x94: {  	_ = 	snop  }
0x95: {  	_ = 	snop  }
0x96: {  	_ = 	snop  }
.LBB2_3:
0x97: {  	s9 =	sadd.s32 s6, s18  }
0x98: {  	s9 =	sadd.s32 $0x14, s9  }
0x99: {  	[tilespmem:s26], [sflag:$0x3] =	stream.linear.gather [hbm4b:s9+s3], $0x50, $0x38;
	[tilespmem:$0x19400] =	vst v63  }
0x9a: {  	s16 =	sadd.s32 s6, s13  }
0x9b: {  	[tilespmem:s28], [sflag:$0x3] =	stream.linear.gather [hbm4b:s16+s3], $0x50, $0x38;
	[tilespmem:$0x19400] =	vst v63  }
.LBB2_4:
.Ltmp7:
0x9c: {  	(pc) =	sbr.rel @p0 .LBB2_8-.Ltmp7, $4  }
.Ltmp8:
0x9d: {  	(pc) =	sbr.rel @!p0 .LBB2_7-.Ltmp8, $4  }
0x9e: {  	_ =	swait.ge [sflag:s23], $0x2800  }
0x9f: {  	[sflag:s23] =	ssyncset.done $0x0  }
0xa0: {  	s11 =	sadd.s32 $0xFFFFFFFE, s29;
	[sflag:s23] =	ssyncadd.s32 $0xFFFFD800  }
0xa1: {  	_ = 	snop  }
.LBB2_10:
0xa2: {  	_ =	sfence.sel $0x180000  }
0xa3: {  	[bflag:$0x0] =	sbarrier.arrive $0xFFFF  }
0xa4: {  	_ =	strace $0x9000004A  }
0xa5: {  	s0 =	stileid.u32;
	[bflag:$0x2] =	sbarrier.arrive $0xFFFF  }
0xa6: {  	p0 =	sne.s32 s0, $0x0;
	s0 =	rddreg [dreg:$0x2]  }
0xa7: {  	s0 =	sadd.s32 @!p0 $0x100000, s0  }
0xa8: {  	[sflag:s0] =	ssyncadd.tile.s32 @!p0 $0x1;
	_ =	shalt  }
.Lfunc_end2:
_tile_overlayer_lowered:
.L_overlay_start_2:
0xa9: {  	(tag) =	ssettag $0x2  }
0xaa: {  	s0 =	rddreg [dreg:$0x0];
	s2 =	stileid.u32  }
0xab: {  	s1 =	rddreg [dreg:$0x1];
	p0 =	sne.s32 s2, $0x0  }
0xac: {  	s3 =	rddreg [dreg:$0x2];
	[bflag:$0x3] =	sbarrier.arrive $0xFFFF;
	s2 =	simm.s32 @!p0 $0x1C09  }
0xad: {  	[timem:s3], [sflag:s2] =	dma.local @!p0 [hbm:s0], s1  }
0xae: {  	s0 =	simm.s32 @!p0 $0x9  }
0xaf: {  	_ =	swait.ge @!p0 [sflag:s0], s1  }
0xb0: {  	s1 =	ssub.s32 @!p0 $0x0, s1;
	[sflag:s0] =	ssyncset.done @!p0 $0x0  }
0xb1: {  	[sflag:s0] =	ssyncadd.s32 @!p0 s1  }
0xb2: {  	[bflag:$0x3] =	sbarrier.arrive $0xFFFF  }
0xb3: {  	_ =	shalt  }

// kernel: kernel.16.cloned.1.call-start
scs
__scs_entry_jumppad:
0x0: {  	(pc) =	sbr.rel $0x88, $3  }
0x1: {  	(tag) =	ssettag $0x0;
	lr =	simm.s32 $0x1  }
0x2: {  	[smem:$0x3F8C] =	sst lr;
	_ =	strace $0xD0000000  }
0x3: {  	_ = 	snop  }
0x4: {  	_ = 	snop  }
0x5: {  	_ = 	snop  }
0x6: {  	_ = 	snop  }
0x7: {  	_ = 	snop  }
__scs_overlays_trampoline_lowered:
0x8: {  	[smem:$0x3F9B] =	sst s0  }
0x9: {  	[smem:$0x3F9C] =	sst s1  }
0xa: {  	[smem:$0x3F9D] =	sst s2  }
0xb: {  	[smem:$0x3F9E] =	sst s3  }
0xc: {  	[smem:$0x3F9F] =	sst s4  }
0xd: {  	[smem:$0x3FA0] =	sst s5  }
0xe: {  	[smem:$0x3FA1] =	sst s6  }
0xf: {  	[smem:$0x3FA2] =	sst s7  }
0x10: {  	[smem:$0x3FA3] =	sst s8  }
0x11: {  	[smem:$0x3FA4] =	sst s9;
	s0 =	simm.s32 @!p0 $0x0  }
0x12: {  	s1 =	sld [smem:$0x3F8A];
	s0 =	simm.s32 @p0 $0x1  }
0x13: {  	[smem:$0x3FA5] =	sst s0;
	s0 =	simm.s32 @!p1 $0x0  }
0x14: {  	s2 =	sld [smem:$0x3F89];
	s0 =	simm.s32 @p1 $0x1  }
0x15: {  	[smem:$0x3FA6] =	sst s0;
	s0 =	simm.s32 @!p2 $0x0  }
0x16: {  	s3 =	sld [smem:$0x3FDB];
	s0 =	simm.s32 @p2 $0x1  }
0x17: {  	s4 =	simm.s32 $0x1BF5;
	[smem:$0x3FA8] =	sst s0  }
0x18: {  	s0 =	sld [smem:$0x3F8B];
	_ =	swait.ge [sflag:s4], $0x0  }
0x19: {  	s7 =	sld [smem:$0x3F8C]  }
0x1a: {  	s8 =	sadd.s32 $0xFFFFE003, lr  }
0x1b: {  	s9 =	sadd.s32 $0xFFFFFEF7, lr;
	s5 =	simm.s32 $0xFFFFFFFF;
	p2 =	slt.u32 s8, $0xFFFFF086  }
0x1c: {  	p1 =	slt.u32 s9, $0xF7A;
	s5 =	simm.s32 @!p2 $0x0  }
0x1d: {  	s5 =	simm.s32 @p1 $0x1;
	p0 =	seq.s32 s7, s2  }
0x1e: {  	s7 =	smul.u32 @!p0 $0xF7A, s2;
	p2 =	seq.s32 @!p0 s5, $0x0  }
0x1f: {  	s9 =	smul.u32 $0xF7A, s1;
	s8 =	simm.s32 @!p0 $0x1BF5;
	p2 =	por !p2, p0  }
0x20: {  	[sflag:s8] =	ssyncset.s32 @!p0 $0xFFFFF086;
	s6 =	sadd.s32 @!p0 s3, s7;
	s7 =	simm.s32 @!p0 $0x108  }
0x21: {  	s3 =	sadd.s32 s3, s9;
	s6 =	sadd.s32 @!p0 $0x88, s6;
	s7 =	simm.s32 @p2 $0x1082  }
0x22: {  	[simem:s7], [sflag:s8] =	dma.local @!p0 [hbm:s6], $0xF7A  }
0x23: {  	s9 =	sor.u32 $0xD0000000, s2;
	s6 =	simm.s32 $0x108;
	_ =	swait.ge @!p0 [sflag:s8], $0x0  }
0x24: {  	s3 =	sadd.s32 $0x88, s3;
	s6 =	simm.s32 @!p1 $0x1082;
	[sflag:s4] =	ssyncset.s32 $0xFFFFF086  }
0x25: {  	[simem:s6], [sflag:s4] =	dma.local [hbm:s3], $0xF7A  }
0x26: {  	[smem:$0x3F8C] =	sst s1;
	(tag) =	ssettag s2;
	_ =	strace s9  }
0x27: {  	s1 =	sld [smem:$0x3F9C]  }
0x28: {  	s2 =	sld [smem:$0x3F9D]  }
0x29: {  	s4 =	sld [smem:$0x3F9F]  }
0x2a: {  	p0 =	seq.s32 s5, $0x0;
	s5 =	sld [smem:$0x3FA0]  }
0x2b: {  	s6 =	sld [smem:$0x3FA1]  }
0x2c: {  	s7 =	sld [smem:$0x3FA2]  }
0x2d: {  	s3 =	simm.s32 $0x108;
	s8 =	sld [smem:$0x3FA3]  }
0x2e: {  	s3 =	simm.s32 @!p0 $0x1082;
	s9 =	sld [smem:$0x3FA4]  }
0x2f: {  	lr =	sadd.s32 s0, s3;
	s0 =	sld [smem:$0x3F9B]  }
0x30: {  	s3 =	sld [smem:$0x3F9E]  }
0x31: {  	[smem:$0x3FA7] =	sst s10  }
0x32: {  	s10 =	sld [smem:$0x3FA5];
	_ =	sdelay $0x3  }
0x33: {  	p0 =	seq.s32 s10, $0x1;
	s10 =	sld [smem:$0x3FA7];
	_ =	sdelay $0x3  }
0x34: {  	[smem:$0x3FA7] =	sst s10  }
0x35: {  	s10 =	sld [smem:$0x3FA6];
	_ =	sdelay $0x3  }
0x36: {  	p1 =	seq.s32 s10, $0x1;
	s10 =	sld [smem:$0x3FA7];
	_ =	sdelay $0x3  }
0x37: {  	[smem:$0x3FA7] =	sst s10  }
0x38: {  	s10 =	sld [smem:$0x3FA8]  }
0x39: {  	_ = 	snop;
	(pc) =	sbr.ind lr, $3  }
0x3a: {  	_ = 	snop  }
0x3b: {  	_ = 	snop  }
0x3c: {  	p2 =	seq.s32 s10, $0x1;
	s10 =	sld [smem:$0x3FA7]  }
0x3d: {  	_ =	shalt  }
0x3e: {  	_ =	shalt  }
0x3f: {  	_ =	shalt  }
0x40: {  	_ =	shalt  }
0x41: {  	_ =	shalt  }
0x42: {  	_ =	shalt  }
0x43: {  	_ =	shalt  }
0x44: {  	_ =	shalt  }
0x45: {  	_ =	shalt  }
0x46: {  	_ =	shalt  }
0x47: {  	_ =	shalt  }
0x48: {  	_ =	shalt  }
0x49: {  	_ =	shalt  }
0x4a: {  	_ =	shalt  }
0x4b: {  	_ =	shalt  }
0x4c: {  	_ =	shalt  }
0x4d: {  	_ =	shalt  }
0x4e: {  	_ =	shalt  }
0x4f: {  	_ =	shalt  }
0x50: {  	_ =	shalt  }
0x51: {  	_ =	shalt  }
0x52: {  	_ =	shalt  }
0x53: {  	_ =	shalt  }
0x54: {  	_ =	shalt  }
0x55: {  	_ =	shalt  }
0x56: {  	_ =	shalt  }
0x57: {  	_ =	shalt  }
0x58: {  	_ =	shalt  }
0x59: {  	_ =	shalt  }
0x5a: {  	_ =	shalt  }
0x5b: {  	_ =	shalt  }
0x5c: {  	_ =	shalt  }
0x5d: {  	_ =	shalt  }
0x5e: {  	_ =	shalt  }
0x5f: {  	_ =	shalt  }
0x60: {  	_ =	shalt  }
0x61: {  	_ =	shalt  }
0x62: {  	_ =	shalt  }
0x63: {  	_ =	shalt  }
0x64: {  	_ =	shalt  }
0x65: {  	_ =	shalt  }
0x66: {  	_ =	shalt  }
0x67: {  	_ =	shalt  }
0x68: {  	_ =	shalt  }
0x69: {  	_ =	shalt  }
0x6a: {  	_ =	shalt  }
0x6b: {  	_ =	shalt  }
0x6c: {  	_ =	shalt  }
0x6d: {  	_ =	shalt  }
0x6e: {  	_ =	shalt  }
0x6f: {  	_ =	shalt  }
0x70: {  	_ =	shalt  }
0x71: {  	_ =	shalt  }
0x72: {  	_ =	shalt  }
0x73: {  	_ =	shalt  }
0x74: {  	_ =	shalt  }
0x75: {  	_ =	shalt  }
0x76: {  	_ =	shalt  }
0x77: {  	_ =	shalt  }
0x78: {  	_ =	shalt  }
0x79: {  	_ =	shalt  }
0x7a: {  	_ =	shalt  }
0x7b: {  	_ =	shalt  }
0x7c: {  	_ =	shalt  }
0x7d: {  	_ =	shalt  }
0x7e: {  	_ =	shalt  }
0x7f: {  	_ =	shalt  }
0x80: {  	_ =	shalt  }
0x81: {  	_ =	shalt  }
0x82: {  	_ =	shalt  }
0x83: {  	_ =	shalt  }
0x84: {  	_ =	shalt  }
0x85: {  	_ =	shalt  }
0x86: {  	_ =	shalt  }
0x87: {  	_ =	shalt  }
.Lfunc_end0:
.L_simem_size_0:
called_computation.2_lowered:
.L_overlay_start_0:
0x88: {  	s2 =	sld [smem:$0x3FD9]  }
0x89: {  	s3 =	sld [smem:$0x3FFE];
	_ =	sdelay $0x1  }
0x8a: {  	s1 =	srdreg.scid  }
0x8b: {  	s0 =	sand.u32 $0x1, s1  }
0x8c: {  	s16 =	sshll.u32 s0, $0xA;
	s2 =	sadd.s32 s3, s2  }
0x8d: {  	s2 =	sadd.s32 s2, s16  }
0x8e: {  	[smem:$0x3FB3] =	sst s2  }
0x8f: {  	_ = 	snop  }
0x90: {  	(tm) =	ssettm $0x1  }
0x91: {  	s17 =	sld [smem:$0x3FFB];
	_ =	sdelay $0x3  }
0x92: {  	_ =	strace s17  }
0x93: {  	s2 =	sld [smem:$0x3FFC];
	_ =	sdelay $0x3  }
0x94: {  	_ =	strace s2  }
0x95: {  	s2 =	sld [smem:$0x3FFD];
	_ =	sdelay $0x3  }
0x96: {  	_ =	strace s2  }
0x97: {  	_ =	strace $0x8FFFFFFF  }
0x98: {  	s18 =	sld [smem:$0x3FDB];
	_ =	sdelay $0x1  }
0x99: {  	s19 =	simm.s32 $_scs_section_size  }
0x9a: {  	s4 =	simm.s32 $_size__tile_overlayer_lowered;
	s5 =	simm.s32 $_tile_overlayer_lowered  }
0x9b: {  	s22 =	simm.s32 $0x1BFF;
	s21 =	sshll.u32 s5, $0x1;
	s2 =	sadd.s32 s19, s18  }
0x9c: {  	s6 =	simm.s32 $0x0;
	s20 =	sshll.u32 s4, $0x1;
	s4 =	sadd.s32 s21, s2  }
0x9d: {  	[timem:s6], [sflag:s22] =	dma.local [hbm:s4], s20  }
0x9e: {  	_ =	swait.ge [sflag:s22], s20  }
0x9f: {  	s3 =	ssub.s32 $0x0, s20;
	[sflag:s22] =	ssyncset.done $0x0  }
0xa0: {  	[sflag:s22] =	ssyncadd.s32 s3;
	_ =	sdelay $0x1  }
0xa1: {  	s23 =	simm.s32 $0x1B8B  }
0xa2: {  	_ =	swait.ge [sflag:s23], $0x1  }
0xa3: {  	[sflag:s23] =	ssyncset.done $0x0  }
0xa4: {  	s25 =	simm.s32 $0x1B8E;
	s24 =	sld [smem:$0x3FFE];
	[sflag:s23] =	ssyncadd.s32 $0xFFFFFFFF  }
0xa5: {  	s26 =	simm.s32 $execute0_lowered;
	[smem:$0x3FD2] =	sst s25  }
0xa6: {  	s4 =	sshll.u32 s26, $0x1;
	_ =	strace $0x8000004C;
	[dreg:$0x1] =	wrdreg $0xFFFFFFFF  }
0xa7: {  	s28 =	simm.s32 $_size_execute0_lowered;
	s2 =	sadd.s32 s2, s4;
	[dreg:$0x0] =	wrdreg $0x0  }
0xa8: {  	s4 =	sshll.u32 s28, $0x1;
	[dreg:$0x2] =	wrdreg s2  }
0xa9: {  	[dreg:$0x3] =	wrdreg s4  }
0xaa: {  	[dreg:$0x4] =	wrdreg $0xC0  }
0xab: {  	_ =	task [dreg:s6], $0x5FFFF  }
0xac: {  	[dreg:$0x1] =	wrdreg $0xFFFFFFFF  }
0xad: {  	[dreg:$0x0] =	wrdreg $0x60  }
0xae: {  	[dreg:$0x2] =	wrdreg s24  }
0xaf: {  	[dreg:$0x3] =	wrdreg $0x54000  }
0xb0: {  	[dreg:$0x4] =	wrdreg $0x9  }
0xb1: {  	_ =	task.clear_ibuf [dreg:s6], $0x5FFFF;
	_ =	strace $0x9000004C  }
0xb2: {  	s29 =	simm.s32 $0x9;
	_ =	strace $0x8000004E  }
0xb3: {  	_ =	swait.ge [sflag:s29], $0x1  }
0xb4: {  	[sflag:s29] =	ssyncadd.s32 $0xFFFFFFFF  }
0xb5: {  	_ =	strace $0x9000004E  }
0xb6: {  	_ =	sfence  }
0xb7: {  	s30 =	sld [smem:$0x0];
	_ =	sdelay $0x2  }
0xb8: {  	s31 =	sshll.u32 s1, $0xD;
	s1 =	sshrl.u32 s1, $0x2  }
0xb9: {  	s3 =	sand.u32 $0x4000, s31;
	s1 =	sadd.s32 s1, s30  }
0xba: {  	s0 =	sor.u32 s3, s0;
	s1 =	sshll.u32 s1, $0x11  }
0xbb: {  	s0 =	sor.u32 s1, s0  }
0xbc: {  	s0 =	sadd.s32 $0x8F2B, s0  }
0xbd: {  	[sflag:s0] =	ssyncadd.remote.s32 $0x1  }
0xbe: {  	_ =	sfence.sel $0xFFFF  }
0xbf: {  	[dreg:$0x0] =	wrdreg $0xFFFFFFFF;
	(pc) =	sbr.abs _section_cstart, $3  }
0xc0: {  	[dreg:$0x1] =	wrdreg $0xFFFFFFFF  }
0xc1: {  	_ =	task.clear_ibuf [dreg:s6], $0x2FFFF;
	_ =	strace $0x9FFFFFFF  }
0xc2: {  	(tm) =	ssettm $0x7FFFFFFF  }
0xc3: {  	_ =	shalt  }
tec
execute0_lowered:
.L_overlay_start_1:
0x0: {  	(tag) =	ssettag $0x1  }
0x1: {  	s0 =	rddreg [dreg:$0x0]  }
0x2: {  	s1 =	rddreg [dreg:$0x1]  }
0x3: {  	s2 =	srdreg.scid;
	s3 =	simm.s32 $0x0;
	s12 =	stileid.u32  }
0x4: {  	s28 =	simm.s32 $0x100;
	s31 =	simm.s32 $0x2;
	s7 =	smul.u32 $0x280, s12  }
0x5: {  	s2 =	sand.u32 $0x1, s2;
	[smem:$0x7FF] =	sst s3;
	s14 =	smul.u32 $0x50000, s12  }
0x6: {  	s4 =	sadd.s32 $0x8400, s0;
	s5 =	sadd.s32 $0x58600, s0;
	s11 =	smul.u32 $0x2800, s12  }
0x7: {  	s10 =	sadd.s32 $0x3200, s0;
	s15 =	sshll.u32 s12, $0x6;
	s26 =	smul.u32 $0x500, s12  }
0x8: {  	s6 =	smul.u32 $0x2800, s2;
	_ =	strace $0x8000004D;
	s8 =	ssub.s32 $0x2, s2  }
0x9: {  	s2 =	smul.u32 $0x280A0, s2;
	s9 =	sshrl.u32 s8, $0x1;
	s16 =	sshrl.u32 s11, $0x3  }
0xa: {  	s6 =	sadd.s32 s7, s6;
	s7 =	sshrl.u32 s14, $0x2;
	s17 =	ssub.s32 s8, s9  }
0xb: {  	s2 =	sadd.s32 s11, s2;
	s8 =	sadd.s32 s10, s16;
	s6 =	sshll.u32 s6, $0x4  }
0xc: {  	s20 =	sadd.s32 s7, s1;
	s7 =	sor.u32 $0x1C09, s15;
	s18 =	sshrl.u32 s2, $0x3  }
0xd: {  	s21 =	sadd.s32 $0xA, s8;
	s22 =	sadd.s32 $0xA0, s2;
	s23 =	sadd.s32 $0x14, s8  }
0xe: {  	s24 =	sadd.s32 $0x1E, s8;
	s25 =	sadd.s32 $0xF0, s2;
	s17 =	smax.u32 s17, $0x1  }
0xf: {  	s30 =	sadd.s32 $0x140, s2;
	s0 =	sadd.s32 s6, s0;
	[dreg:$0x5] =	wrdreg s21  }
0x10: {  	s6 =	sadd.s32 s4, s6;
	s19 =	sadd.s32 s5, s18;
	[dreg:$0x7] =	wrdreg s23  }
0x11: {  	[dreg:$0x8] =	wrdreg s24;
	s18 =	sadd.s32 $0x190, s2;
	s21 =	sshrl.u32 s20, $0x3  }
0x12: {  	s2 =	simm.s32 $0x2C00;
	s23 =	simm.s32 $0x8;
	[dreg:$0x3] =	wrdreg s6  }
0x13: {  	s24 =	simm.s32 $0x0;
	[dreg:$0x4] =	wrdreg s19;
	s9 =	sadd.s32 $0xA, s19  }
.Ltmp0:
0x14: {  	s6 =	sshrl.u32 s22, $0x3;
	s0 =	sadd.s32 $0x62800, s0;
	(pc) =	sbr.rel .LBB2_1-.Ltmp0, $4  }
0x15: {  	s29 =	sshrl.u32 s18, $0x3;
	s18 =	sadd.s32 s26, s10;
	s22 =	simm.s32 $0x9  }
0x16: {  	s26 =	simm.s32 $0x300;
	[dreg:$0x6] =	wrdreg s9;
	s13 =	sadd.s32 s5, s6  }
0x17: {  	s6 =	sshrl.u32 s25, $0x3;
	[dreg:$0x9] =	wrdreg s0;
	s19 =	sadd.s32 s29, s5  }
0x18: {  	s25 =	simm.s32 $0x80;
	s0 =	simm.s32 $0x50;
	s15 =	sadd.s32 s5, s6  }
.LBB2_9:
0x19: {  	s24 =	sadd.s32 $0x1, s24  }
0x1a: {  	[bflag:$0x0] =	sbarrier.arrive $0xFFFF;
	p0 =	sne.s32 s24, s17  }
.Ltmp1:
0x1b: {  	s6 =	rddreg [dreg:$0x9];
	(pc) =	sbr.rel @!p0 .LBB2_10-.Ltmp1, $4  }
0x1c: {  	[hbm:s6], [sflag:s7] =	dma.local [spmem:s21], $0x2800  }
0x1d: {  	_ =	swait.ge [sflag:s22], $0x2800  }
0x1e: {  	[sflag:s22] =	ssyncset.done $0x0  }
0x1f: {  	[sflag:s22] =	ssyncadd.s32 $0xFFFFD800  }
.LBB2_1:
0x20: {  	s6 =	rddreg [dreg:$0x3]  }
0x21: {  	[spmem:s21], [sflag:s7] =	dma.local [hbm:s6], $0x2800  }
0x22: {  	_ =	swait.ge [sflag:s22], $0x2800  }
0x23: {  	[sflag:s22] =	ssyncset.done $0x0  }
0x24: {  	[sflag:s22] =	ssyncadd.s32 $0xFFFFD800  }
0x25: {  	s20 =	simm.s32 $0x200;
	[bflag:$0x0] =	sbarrier.arrive $0xFFFF  }
0x26: {  	[tilespmem:s20], [sflag:$0x1] =	stream.linear.gather [hbm4b:s8+s3], $0x50, $0x38;
	[tilespmem:$0x19400] =	vst v63  }
0x27: {  	s9 =	rddreg [dreg:$0x4]  }
0x28: {  	[tilespmem:s3], [sflag:$0x1] =	stream.linear.gather [hbm4b:s9+s3], $0x50, $0x38;
	[tilespmem:$0x19400] =	vst v63  }
0x29: {  	s10 =	rddreg [dreg:$0x5];
	s9 =	simm.s32 $0x280  }
0x2a: {  	[tilespmem:s9], [sflag:$0x2] =	stream.linear.gather [hbm4b:s10+s3], $0x50, $0x38;
	[tilespmem:$0x19400] =	vst v63  }
0x2b: {  	s11 =	rddreg [dreg:$0x6]  }
0x2c: {  	[tilespmem:s25], [sflag:$0x2] =	stream.linear.gather [hbm4b:s11+s3], $0x50, $0x38;
	[tilespmem:$0x19400] =	vst v63  }
0x2d: {  	s12 =	rddreg [dreg:$0x7]  }
0x2e: {  	[tilespmem:s26], [sflag:$0x3] =	stream.linear.gather [hbm4b:s12+s3], $0x50, $0x38;
	[tilespmem:$0x19400] =	vst v63  }
0x2f: {  	_ = 	snop  }
0x30: {  	[tilespmem:s28], [sflag:$0x3] =	stream.linear.gather [hbm4b:s13+s3], $0x50, $0x38;
	[tilespmem:$0x19400] =	vst v63  }
.Ltmp2:
0x31: {  	s16 =	simm.s32 $0x380;
	s14 =	rddreg [dreg:$0x8];
	(pc) =	sbr.rel .LBB2_2-.Ltmp2, $4  }
0x32: {  	[tilespmem:s16], [sflag:$0x4] =	stream.linear.gather [hbm4b:s14+s3], $0x50, $0x38;
	[tilespmem:$0x19400] =	vst v63  }
0x33: {  	s29 =	simm.s32 $0x3;
	s20 =	simm.s32 $0x180  }
0x34: {  	[tilespmem:s20], [sflag:$0x4] =	stream.linear.gather [hbm4b:s15+s3], $0x50, $0x38;
	[tilespmem:$0x19400] =	vst v63  }
0x35: {  	s6 =	simm.s32 $0x0;
	s10 =	simm.s32 $0x0;
	s20 =	smov.u32 s30  }
.LBB2_6:
0x36: {  	s9 =	sshll.u32 s10, $0x2  }
0x37: {  	s11 =	sor.u32 $0x1, s9  }
.LBB2_7:
0x38: {  	_ =	swait.ge [sflag:s31], $0x50  }
0x39: {  	[sflag:s31] =	ssyncset.done $0x0  }
0x3a: {  	[sflag:s31] =	ssyncadd.s32 $0xFFFFFFB0  }
0x3b: {  	_ =	swait.ge [sflag:s31], $0x50  }
0x3c: {  	[sflag:s31] =	ssyncset.done $0x0  }
0x3d: {  	[sflag:s31] =	ssyncadd.s32 $0xFFFFFFB0  }
0x3e: {  	[tilespmem:s2], [sflag:$0x6] =	stream.indirect.gather [hbm4b:s4+s0], $0x80, s25, s0, $0xb8;
	[tilespmem:$0x19400] =	vst v63  }
.LBB2_8:
0x3f: {  	p2 =	sgt.u32 s11, $0x80  }
0x40: {  	s9 =	simm.s32 @!p2 $0x5  }
0x41: {  	_ =	swait.ge @!p2 [sflag:s9], $0x2800  }
0x42: {  	s11 =	simm.s32 @!p2 $0x200;
	[sflag:s9] =	ssyncset.done @!p2 $0x0  }
0x43: {  	s12 =	simm.s32 @!p2 $0x400;
	[sflag:s9] =	ssyncadd.s32 @!p2 $0xFFFFD800;
	s9 =	simm.s32 @!p2 $0x50  }
0x44: {  	[spmem:s1] =	stream.indirect.scatter.add.f32 @!p2 [tilespmem:s12], [sflag:$0x7], $0x80, s11, s9, $0xb8;
	[tilespmem:$0x19400] =	vst v63  }
0x45: {  	s9 =	sadd.s32 @!p1 s6, s18  }
0x46: {  	s11 =	simm.s32 @!p1 $0x0;
	s12 =	simm.s32 @!p1 $0x380;
	s9 =	sadd.s32 @!p1 $0x1E, s9  }
0x47: {  	[tilespmem:s12], [sflag:$0x4] =	stream.linear.gather @!p1 [hbm4b:s9+s11], $0x50, $0x38;
	[tilespmem:$0x19400] =	vst v63  }
0x48: {  	s16 =	sadd.s32 $0xFFFFFFFF, s29;
	s14 =	simm.s32 @!p1 $0x180;
	s12 =	sadd.s32 @!p1 s6, s15  }
0x49: {  	[tilespmem:s14], [sflag:$0x4] =	stream.linear.gather @!p1 [hbm4b:s12+s11], $0x50, $0x38;
	[tilespmem:$0x19400] =	vst v63  }
0x4a: {  	p1 =	sgt.u32 s16, $0x81  }
0x4b: {  	s11 =	simm.s32 @!p1 $0x7  }
0x4c: {  	_ =	swait.ge @!p1 [sflag:s11], $0x2800  }
0x4d: {  	[sflag:s11] =	ssyncset.done @!p1 $0x0  }
0x4e: {  	[sflag:s11] =	ssyncadd.s32 @!p1 $0xFFFFD800;
	s11 =	simm.s32 @!p0 $0x3  }
0x4f: {  	_ =	swait.ge @!p0 [sflag:s11], $0x50  }
0x50: {  	[sflag:s11] =	ssyncset.done @!p0 $0x0  }
0x51: {  	[sflag:s11] =	ssyncadd.s32 @!p0 $0xFFFFFFB0  }
0x52: {  	s12 =	simm.s32 @!p0 $0x100;
	_ =	swait.ge @!p0 [sflag:s11], $0x50  }
0x53: {  	s14 =	simm.s32 @!p0 $0x400;
	p1 =	sgt.u32 s16, $0x80;
	[sflag:s11] =	ssyncset.done @!p0 $0x0  }
0x54: {  	s9 =	simm.s32 @!p1 $0x6;
	[sflag:s11] =	ssyncadd.s32 @!p0 $0xFFFFFFB0;
	s11 =	simm.s32 @!p0 $0x50  }
0x55: {  	[tilespmem:s14], [sflag:$0x5] =	stream.indirect.gather @!p0 [hbm4b:s4+s11], $0x80, s12, s11, $0xb8;
	[tilespmem:$0x19400] =	vst v63  }
0x56: {  	_ =	swait.ge @!p1 [sflag:s9], $0x2800  }
0x57: {  	s12 =	simm.s32 @!p1 $0x280;
	[sflag:s9] =	ssyncset.done @!p1 $0x0  }
0x58: {  	s14 =	simm.s32 @!p1 $0x2C00;
	[sflag:s9] =	ssyncadd.s32 @!p1 $0xFFFFD800;
	s9 =	simm.s32 @!p1 $0x50  }
0x59: {  	[spmem:s1] =	stream.indirect.scatter.add.f32 @!p1 [tilespmem:s14], [sflag:$0x8], $0x80, s12, s9, $0xb8;
	[tilespmem:$0x19400] =	vst v63  }
0x5a: {  	p1 =	sgt.u32 s10, $0x1E  }
0x5b: {  	s9 =	sadd.s32 @!p1 s6, s18  }
0x5c: {  	s14 =	simm.s32 @!p1 $0x0;
	s16 =	simm.s32 @!p1 $0x200;
	s12 =	sadd.s32 @!p1 $0x28, s9  }
0x5d: {  	[tilespmem:s16], [sflag:$0x1] =	stream.linear.gather @!p1 [hbm4b:s12+s14], $0x50, $0x38;
	[tilespmem:$0x19400] =	vst v63  }
0x5e: {  	s12 =	sshrl.u32 @!p1 s20, $0x3  }
0x5f: {  	p2 =	sgt.u32 s29, $0x81;
	s12 =	sadd.s32 @!p1 s5, s12  }
0x60: {  	[tilespmem:s14], [sflag:$0x1] =	stream.linear.gather @!p1 [hbm4b:s12+s14], $0x50, $0x38;
	[tilespmem:$0x19400] =	vst v63  }
0x61: {  	s12 =	simm.s32 @!p2 $0x8  }
0x62: {  	_ =	swait.ge @!p2 [sflag:s12], $0x2800  }
0x63: {  	[sflag:s12] =	ssyncset.done @!p2 $0x0  }
0x64: {  	[sflag:s12] =	ssyncadd.s32 @!p2 $0xFFFFD800;
	s12 =	simm.s32 @!p0 $0x4  }
0x65: {  	_ =	swait.ge @!p0 [sflag:s12], $0x50  }
0x66: {  	[sflag:s12] =	ssyncset.done @!p0 $0x0  }
0x67: {  	[sflag:s12] =	ssyncadd.s32 @!p0 $0xFFFFFFB0  }
0x68: {  	_ =	swait.ge @!p0 [sflag:s12], $0x50  }
0x69: {  	[sflag:s12] =	ssyncset.done @!p0 $0x0  }
0x6a: {  	s16 =	simm.s32 @!p0 $0x2C00;
	[sflag:s12] =	ssyncadd.s32 @!p0 $0xFFFFFFB0;
	s12 =	simm.s32 @!p0 $0x180  }
0x6b: {  	[tilespmem:s16], [sflag:$0x6] =	stream.indirect.gather @!p0 [hbm4b:s4+s11], $0x80, s12, s11, $0xb8;
	[tilespmem:$0x19400] =	vst v63  }
0x6c: {  	p0 =	sgt.u32 s29, $0x80  }
0x6d: {  	s11 =	simm.s32 @!p0 $0x5  }
0x6e: {  	_ =	swait.ge @!p0 [sflag:s11], $0x2800  }
0x6f: {  	s12 =	simm.s32 @!p0 $0x300;
	[sflag:s11] =	ssyncset.done @!p0 $0x0  }
0x70: {  	s16 =	simm.s32 @!p0 $0x400;
	[sflag:s11] =	ssyncadd.s32 @!p0 $0xFFFFD800;
	s11 =	simm.s32 @!p0 $0x50  }
0x71: {  	[spmem:s1] =	stream.indirect.scatter.add.f32 @!p0 [tilespmem:s16], [sflag:$0x7], $0x80, s12, s11, $0xb8;
	[tilespmem:$0x19400] =	vst v63  }
0x72: {  	s9 =	sadd.s32 @!p1 $0x32, s9;
	s11 =	simm.s32 @!p1 $0x280  }
0x73: {  	[tilespmem:s11], [sflag:$0x2] =	stream.linear.gather @!p1 [hbm4b:s9+s14], $0x50, $0x38;
	[tilespmem:$0x19400] =	vst v63  }
0x74: {  	s9 =	sadd.s32 @!p1 s6, s19;
	s6 =	sadd.s32 $0x28, s6  }
0x75: {  	p0 =	sne.s32 s6, $0x528  }
.Ltmp3:
0x76: {  	_ = 	snop;
	(pc) =	sbr.rel @!p0 .LBB2_9-.Ltmp3, $4  }
0x77: {  	_ = 	snop  }
0x78: {  	s10 =	sadd.s32 $0x1, s10  }
0x79: {  	s20 =	sadd.s32 $0x140, s20;
	s29 =	sadd.s32 $0x4, s29;
	s11 =	simm.s32 @!p1 $0x80  }
0x7a: {  	[tilespmem:s11], [sflag:$0x2] =	stream.linear.gather @!p1 [hbm4b:s9+s14], $0x50, $0x38;
	[tilespmem:$0x19400] =	vst v63  }
.LBB2_2:
0x7b: {  	s11 =	sadd.s32 $0xFFFFFFF9, s29  }
0x7c: {  	p1 =	sgt.u32 s11, $0x7F  }
0x7d: {  	s11 =	simm.s32 @!p1 $0x7  }
0x7e: {  	_ =	swait.ge @!p1 [sflag:s11], $0x2800  }
0x7f: {  	p0 =	seq.s32 s6, $0x500;
	[sflag:s11] =	ssyncset.done @!p1 $0x0  }
0x80: {  	[sflag:s11] =	ssyncadd.s32 @!p1 $0xFFFFD800;
	s11 =	simm.s32 @!p0 $0x1  }
0x81: {  	_ =	swait.ge @!p0 [sflag:s11], $0x50  }
0x82: {  	[sflag:s11] =	ssyncset.done @!p0 $0x0  }
0x83: {  	[sflag:s11] =	ssyncadd.s32 @!p0 $0xFFFFFFB0  }
0x84: {  	_ =	swait.ge @!p0 [sflag:s11], $0x50  }
0x85: {  	s12 =	simm.s32 @!p0 $0x0;
	[sflag:s11] =	ssyncset.done @!p0 $0x0  }
0x86: {  	s9 =	simm.s32 @!p0 $0x400;
	[sflag:s11] =	ssyncadd.s32 @!p0 $0xFFFFFFB0;
	s11 =	simm.s32 @!p0 $0x50  }
0x87: {  	[tilespmem:s9], [sflag:$0x5] =	stream.indirect.gather @!p0 [hbm4b:s4+s11], $0x80, s12, s11, $0xb8;
	[tilespmem:$0x19400] =	vst v63  }
0x88: {  	s9 =	simm.s32 @!p1 $0x6  }
0x89: {  	_ =	swait.ge @!p1 [sflag:s9], $0x2800  }
0x8a: {  	s16 =	sor.u32 $0x20, s10;
	s11 =	simm.s32 @!p1 $0x380;
	[sflag:s9] =	ssyncset.done @!p1 $0x0  }
0x8b: {  	s12 =	simm.s32 @!p1 $0x2C00;
	[sflag:s9] =	ssyncadd.s32 @!p1 $0xFFFFD800;
	s9 =	simm.s32 @!p1 $0x50  }
0x8c: {  	[spmem:s1] =	stream.indirect.scatter.add.f32 @!p1 [tilespmem:s12], [sflag:$0x8], $0x80, s11, s9, $0xb8;
	[tilespmem:$0x19400] =	vst v63  }
0x8d: {  	p1 =	seq.s32 s16, $0x20  }
.Ltmp4:
0x8e: {  	_ = 	snop;
	(pc) =	sbr.rel @!p1 .LBB2_3-.Ltmp4, $1  }
0x8f: {  	_ =	sdelay $0x3  }
0x90: {  	p2 =	seq.s32 s6, $0x0  }
.Ltmp5:
0x91: {  	_ = 	snop;
	(pc) =	sbr.rel @!p2 .LBB2_4-.Ltmp5, $4  }
.Ltmp6:
0x92: {  	_ = 	snop;
	(pc) =	sbr.rel @p2 .LBB2_6-.Ltmp6, $4  }
0x93: {  	_ = 	snop  }
0x94: {  	_ = 	snop  }
0x95: {  	_ = 	snop  }
0x96: {  	_ = 	snop  }
.LBB2_3:
0x97: {  	s9 =	sadd.s32 s6, s18  }
0x98: {  	s9 =	sadd.s32 $0x14, s9  }
0x99: {  	[tilespmem:s26], [sflag:$0x3] =	stream.linear.gather [hbm4b:s9+s3], $0x50, $0x38;
	[tilespmem:$0x19400] =	vst v63  }
0x9a: {  	s16 =	sadd.s32 s6, s13  }
0x9b: {  	[tilespmem:s28], [sflag:$0x3] =	stream.linear.gather [hbm4b:s16+s3], $0x50, $0x38;
	[tilespmem:$0x19400] =	vst v63  }
.LBB2_4:
.Ltmp7:
0x9c: {  	(pc) =	sbr.rel @p0 .LBB2_8-.Ltmp7, $4  }
.Ltmp8:
0x9d: {  	(pc) =	sbr.rel @!p0 .LBB2_7-.Ltmp8, $4  }
0x9e: {  	_ =	swait.ge [sflag:s23], $0x2800  }
0x9f: {  	[sflag:s23] =	ssyncset.done $0x0  }
0xa0: {  	s11 =	sadd.s32 $0xFFFFFFFE, s29;
	[sflag:s23] =	ssyncadd.s32 $0xFFFFD800  }
0xa1: {  	_ = 	snop  }
.LBB2_10:
0xa2: {  	_ =	sfence.sel $0x180000  }
0xa3: {  	[bflag:$0x0] =	sbarrier.arrive $0xFFFF  }
0xa4: {  	_ =	strace $0x9000004D  }
0xa5: {  	s0 =	stileid.u32;
	[bflag:$0x2] =	sbarrier.arrive $0xFFFF  }
0xa6: {  	p0 =	sne.s32 s0, $0x0;
	s0 =	rddreg [dreg:$0x2]  }
0xa7: {  	s0 =	sadd.s32 @!p0 $0x100000, s0  }
0xa8: {  	[sflag:s0] =	ssyncadd.tile.s32 @!p0 $0x1;
	_ =	shalt  }
.Lfunc_end2:
_tile_overlayer_lowered:
.L_overlay_start_2:
0xa9: {  	(tag) =	ssettag $0x2  }
0xaa: {  	s0 =	rddreg [dreg:$0x0];
	s2 =	stileid.u32  }
0xab: {  	s1 =	rddreg [dreg:$0x1];
	p0 =	sne.s32 s2, $0x0  }
0xac: {  	s3 =	rddreg [dreg:$0x2];
	[bflag:$0x3] =	sbarrier.arrive $0xFFFF;
	s2 =	simm.s32 @!p0 $0x1C09  }
0xad: {  	[timem:s3], [sflag:s2] =	dma.local @!p0 [hbm:s0], s1  }
0xae: {  	s0 =	simm.s32 @!p0 $0x9  }
0xaf: {  	_ =	swait.ge @!p0 [sflag:s0], s1  }
0xb0: {  	s1 =	ssub.s32 @!p0 $0x0, s1;
	[sflag:s0] =	ssyncset.done @!p0 $0x0  }
0xb1: {  	[sflag:s0] =	ssyncadd.s32 @!p0 s1  }
0xb2: {  	[bflag:$0x3] =	sbarrier.arrive $0xFFFF  }
0xb3: {  	_ =	shalt  }

// kernel: kernel.19.cloned.1.call-start
scs
__scs_entry_jumppad:
0x0: {  	(pc) =	sbr.rel $0x88, $3  }
0x1: {  	(tag) =	ssettag $0x0;
	lr =	simm.s32 $0x1  }
0x2: {  	[smem:$0x3F8C] =	sst lr;
	_ =	strace $0xD0000000  }
0x3: {  	_ = 	snop  }
0x4: {  	_ = 	snop  }
0x5: {  	_ = 	snop  }
0x6: {  	_ = 	snop  }
0x7: {  	_ = 	snop  }
__scs_overlays_trampoline_lowered:
0x8: {  	[smem:$0x3F9B] =	sst s0  }
0x9: {  	[smem:$0x3F9C] =	sst s1  }
0xa: {  	[smem:$0x3F9D] =	sst s2  }
0xb: {  	[smem:$0x3F9E] =	sst s3  }
0xc: {  	[smem:$0x3F9F] =	sst s4  }
0xd: {  	[smem:$0x3FA0] =	sst s5  }
0xe: {  	[smem:$0x3FA1] =	sst s6  }
0xf: {  	[smem:$0x3FA2] =	sst s7  }
0x10: {  	[smem:$0x3FA3] =	sst s8  }
0x11: {  	[smem:$0x3FA4] =	sst s9;
	s0 =	simm.s32 @!p0 $0x0  }
0x12: {  	s1 =	sld [smem:$0x3F8A];
	s0 =	simm.s32 @p0 $0x1  }
0x13: {  	[smem:$0x3FA5] =	sst s0;
	s0 =	simm.s32 @!p1 $0x0  }
0x14: {  	s2 =	sld [smem:$0x3F89];
	s0 =	simm.s32 @p1 $0x1  }
0x15: {  	[smem:$0x3FA6] =	sst s0;
	s0 =	simm.s32 @!p2 $0x0  }
0x16: {  	s3 =	sld [smem:$0x3FDB];
	s0 =	simm.s32 @p2 $0x1  }
0x17: {  	s4 =	simm.s32 $0x1BF5;
	[smem:$0x3FA8] =	sst s0  }
0x18: {  	s0 =	sld [smem:$0x3F8B];
	_ =	swait.ge [sflag:s4], $0x0  }
0x19: {  	s7 =	sld [smem:$0x3F8C]  }
0x1a: {  	s8 =	sadd.s32 $0xFFFFE003, lr  }
0x1b: {  	s9 =	sadd.s32 $0xFFFFFEF7, lr;
	s5 =	simm.s32 $0xFFFFFFFF;
	p2 =	slt.u32 s8, $0xFFFFF086  }
0x1c: {  	p1 =	slt.u32 s9, $0xF7A;
	s5 =	simm.s32 @!p2 $0x0  }
0x1d: {  	s5 =	simm.s32 @p1 $0x1;
	p0 =	seq.s32 s7, s2  }
0x1e: {  	s7 =	smul.u32 @!p0 $0xF7A, s2;
	p2 =	seq.s32 @!p0 s5, $0x0  }
0x1f: {  	s9 =	smul.u32 $0xF7A, s1;
	s8 =	simm.s32 @!p0 $0x1BF5;
	p2 =	por !p2, p0  }
0x20: {  	[sflag:s8] =	ssyncset.s32 @!p0 $0xFFFFF086;
	s6 =	sadd.s32 @!p0 s3, s7;
	s7 =	simm.s32 @!p0 $0x108  }
0x21: {  	s3 =	sadd.s32 s3, s9;
	s6 =	sadd.s32 @!p0 $0x88, s6;
	s7 =	simm.s32 @p2 $0x1082  }
0x22: {  	[simem:s7], [sflag:s8] =	dma.local @!p0 [hbm:s6], $0xF7A  }
0x23: {  	s9 =	sor.u32 $0xD0000000, s2;
	s6 =	simm.s32 $0x108;
	_ =	swait.ge @!p0 [sflag:s8], $0x0  }
0x24: {  	s3 =	sadd.s32 $0x88, s3;
	s6 =	simm.s32 @!p1 $0x1082;
	[sflag:s4] =	ssyncset.s32 $0xFFFFF086  }
0x25: {  	[simem:s6], [sflag:s4] =	dma.local [hbm:s3], $0xF7A  }
0x26: {  	[smem:$0x3F8C] =	sst s1;
	(tag) =	ssettag s2;
	_ =	strace s9  }
0x27: {  	s1 =	sld [smem:$0x3F9C]  }
0x28: {  	s2 =	sld [smem:$0x3F9D]  }
0x29: {  	s4 =	sld [smem:$0x3F9F]  }
0x2a: {  	p0 =	seq.s32 s5, $0x0;
	s5 =	sld [smem:$0x3FA0]  }
0x2b: {  	s6 =	sld [smem:$0x3FA1]  }
0x2c: {  	s7 =	sld [smem:$0x3FA2]  }
0x2d: {  	s3 =	simm.s32 $0x108;
	s8 =	sld [smem:$0x3FA3]  }
0x2e: {  	s3 =	simm.s32 @!p0 $0x1082;
	s9 =	sld [smem:$0x3FA4]  }
0x2f: {  	lr =	sadd.s32 s0, s3;
	s0 =	sld [smem:$0x3F9B]  }
0x30: {  	s3 =	sld [smem:$0x3F9E]  }
0x31: {  	[smem:$0x3FA7] =	sst s10  }
0x32: {  	s10 =	sld [smem:$0x3FA5];
	_ =	sdelay $0x3  }
0x33: {  	p0 =	seq.s32 s10, $0x1;
	s10 =	sld [smem:$0x3FA7];
	_ =	sdelay $0x3  }
0x34: {  	[smem:$0x3FA7] =	sst s10  }
0x35: {  	s10 =	sld [smem:$0x3FA6];
	_ =	sdelay $0x3  }
0x36: {  	p1 =	seq.s32 s10, $0x1;
	s10 =	sld [smem:$0x3FA7];
	_ =	sdelay $0x3  }
0x37: {  	[smem:$0x3FA7] =	sst s10  }
0x38: {  	s10 =	sld [smem:$0x3FA8]  }
0x39: {  	_ = 	snop;
	(pc) =	sbr.ind lr, $3  }
0x3a: {  	_ = 	snop  }
0x3b: {  	_ = 	snop  }
0x3c: {  	p2 =	seq.s32 s10, $0x1;
	s10 =	sld [smem:$0x3FA7]  }
0x3d: {  	_ =	shalt  }
0x3e: {  	_ =	shalt  }
0x3f: {  	_ =	shalt  }
0x40: {  	_ =	shalt  }
0x41: {  	_ =	shalt  }
0x42: {  	_ =	shalt  }
0x43: {  	_ =	shalt  }
0x44: {  	_ =	shalt  }
0x45: {  	_ =	shalt  }
0x46: {  	_ =	shalt  }
0x47: {  	_ =	shalt  }
0x48: {  	_ =	shalt  }
0x49: {  	_ =	shalt  }
0x4a: {  	_ =	shalt  }
0x4b: {  	_ =	shalt  }
0x4c: {  	_ =	shalt  }
0x4d: {  	_ =	shalt  }
0x4e: {  	_ =	shalt  }
0x4f: {  	_ =	shalt  }
0x50: {  	_ =	shalt  }
0x51: {  	_ =	shalt  }
0x52: {  	_ =	shalt  }
0x53: {  	_ =	shalt  }
0x54: {  	_ =	shalt  }
0x55: {  	_ =	shalt  }
0x56: {  	_ =	shalt  }
0x57: {  	_ =	shalt  }
0x58: {  	_ =	shalt  }
0x59: {  	_ =	shalt  }
0x5a: {  	_ =	shalt  }
0x5b: {  	_ =	shalt  }
0x5c: {  	_ =	shalt  }
0x5d: {  	_ =	shalt  }
0x5e: {  	_ =	shalt  }
0x5f: {  	_ =	shalt  }
0x60: {  	_ =	shalt  }
0x61: {  	_ =	shalt  }
0x62: {  	_ =	shalt  }
0x63: {  	_ =	shalt  }
0x64: {  	_ =	shalt  }
0x65: {  	_ =	shalt  }
0x66: {  	_ =	shalt  }
0x67: {  	_ =	shalt  }
0x68: {  	_ =	shalt  }
0x69: {  	_ =	shalt  }
0x6a: {  	_ =	shalt  }
0x6b: {  	_ =	shalt  }
0x6c: {  	_ =	shalt  }
0x6d: {  	_ =	shalt  }
0x6e: {  	_ =	shalt  }
0x6f: {  	_ =	shalt  }
0x70: {  	_ =	shalt  }
0x71: {  	_ =	shalt  }
0x72: {  	_ =	shalt  }
0x73: {  	_ =	shalt  }
0x74: {  	_ =	shalt  }
0x75: {  	_ =	shalt  }
0x76: {  	_ =	shalt  }
0x77: {  	_ =	shalt  }
0x78: {  	_ =	shalt  }
0x79: {  	_ =	shalt  }
0x7a: {  	_ =	shalt  }
0x7b: {  	_ =	shalt  }
0x7c: {  	_ =	shalt  }
0x7d: {  	_ =	shalt  }
0x7e: {  	_ =	shalt  }
0x7f: {  	_ =	shalt  }
0x80: {  	_ =	shalt  }
0x81: {  	_ =	shalt  }
0x82: {  	_ =	shalt  }
0x83: {  	_ =	shalt  }
0x84: {  	_ =	shalt  }
0x85: {  	_ =	shalt  }
0x86: {  	_ =	shalt  }
0x87: {  	_ =	shalt  }
.Lfunc_end0:
.L_simem_size_0:
called_computation.3_lowered:
.L_overlay_start_0:
0x88: {  	s2 =	sld [smem:$0x3FD9]  }
0x89: {  	s3 =	sld [smem:$0x3FFE];
	_ =	sdelay $0x1  }
0x8a: {  	s1 =	srdreg.scid  }
0x8b: {  	s0 =	sand.u32 $0x1, s1  }
0x8c: {  	s16 =	sshll.u32 s0, $0xA;
	s2 =	sadd.s32 s3, s2  }
0x8d: {  	s2 =	sadd.s32 s2, s16  }
0x8e: {  	[smem:$0x3FB3] =	sst s2  }
0x8f: {  	_ = 	snop  }
0x90: {  	(tm) =	ssettm $0x1  }
0x91: {  	s17 =	sld [smem:$0x3FFB];
	_ =	sdelay $0x3  }
0x92: {  	_ =	strace s17  }
0x93: {  	s2 =	sld [smem:$0x3FFC];
	_ =	sdelay $0x3  }
0x94: {  	_ =	strace s2  }
0x95: {  	s2 =	sld [smem:$0x3FFD];
	_ =	sdelay $0x3  }
0x96: {  	_ =	strace s2  }
0x97: {  	_ =	strace $0x8FFFFFFF  }
0x98: {  	s18 =	sld [smem:$0x3FDB];
	_ =	sdelay $0x1  }
0x99: {  	s19 =	simm.s32 $_scs_section_size  }
0x9a: {  	s4 =	simm.s32 $_size__tile_overlayer_lowered;
	s5 =	simm.s32 $_tile_overlayer_lowered  }
0x9b: {  	s22 =	simm.s32 $0x1BFF;
	s21 =	sshll.u32 s5, $0x1;
	s2 =	sadd.s32 s19, s18  }
0x9c: {  	s6 =	simm.s32 $0x0;
	s20 =	sshll.u32 s4, $0x1;
	s4 =	sadd.s32 s21, s2  }
0x9d: {  	[timem:s6], [sflag:s22] =	dma.local [hbm:s4], s20  }
0x9e: {  	_ =	swait.ge [sflag:s22], s20  }
0x9f: {  	s3 =	ssub.s32 $0x0, s20;
	[sflag:s22] =	ssyncset.done $0x0  }
0xa0: {  	[sflag:s22] =	ssyncadd.s32 s3;
	_ =	sdelay $0x1  }
0xa1: {  	s23 =	simm.s32 $0x1B8B  }
0xa2: {  	_ =	swait.ge [sflag:s23], $0x1  }
0xa3: {  	[sflag:s23] =	ssyncset.done $0x0  }
0xa4: {  	s25 =	simm.s32 $0x1B8E;
	s24 =	sld [smem:$0x3FFE];
	[sflag:s23] =	ssyncadd.s32 $0xFFFFFFFF  }
0xa5: {  	s26 =	simm.s32 $execute0_lowered;
	[smem:$0x3FD2] =	sst s25  }
0xa6: {  	s4 =	sshll.u32 s26, $0x1;
	_ =	strace $0x8000004F;
	[dreg:$0x1] =	wrdreg $0xFFFFFFFF  }
0xa7: {  	s28 =	simm.s32 $_size_execute0_lowered;
	s2 =	sadd.s32 s2, s4;
	[dreg:$0x0] =	wrdreg $0x0  }
0xa8: {  	s4 =	sshll.u32 s28, $0x1;
	[dreg:$0x2] =	wrdreg s2  }
0xa9: {  	[dreg:$0x3] =	wrdreg s4  }
0xaa: {  	[dreg:$0x4] =	wrdreg $0xC0  }
0xab: {  	_ =	task [dreg:s6], $0x5FFFF  }
0xac: {  	[dreg:$0x1] =	wrdreg $0xFFFFFFFF  }
0xad: {  	[dreg:$0x0] =	wrdreg $0x60  }
0xae: {  	[dreg:$0x2] =	wrdreg s24  }
0xaf: {  	[dreg:$0x3] =	wrdreg $0x54000  }
0xb0: {  	[dreg:$0x4] =	wrdreg $0x9  }
0xb1: {  	_ =	task.clear_ibuf [dreg:s6], $0x5FFFF;
	_ =	strace $0x9000004F  }
0xb2: {  	s29 =	simm.s32 $0x9;
	_ =	strace $0x80000051  }
0xb3: {  	_ =	swait.ge [sflag:s29], $0x1  }
0xb4: {  	[sflag:s29] =	ssyncadd.s32 $0xFFFFFFFF  }
0xb5: {  	_ =	strace $0x90000051  }
0xb6: {  	_ =	sfence  }
0xb7: {  	s30 =	sld [smem:$0x0];
	_ =	sdelay $0x2  }
0xb8: {  	s31 =	sshll.u32 s1, $0xD;
	s1 =	sshrl.u32 s1, $0x2  }
0xb9: {  	s3 =	sand.u32 $0x4000, s31;
	s1 =	sadd.s32 s1, s30  }
0xba: {  	s0 =	sor.u32 s3, s0;
	s1 =	sshll.u32 s1, $0x11  }
0xbb: {  	s0 =	sor.u32 s1, s0  }
0xbc: {  	s0 =	sadd.s32 $0x8F2B, s0  }
0xbd: {  	[sflag:s0] =	ssyncadd.remote.s32 $0x1  }
0xbe: {  	_ =	sfence.sel $0xFFFF  }
0xbf: {  	[dreg:$0x0] =	wrdreg $0xFFFFFFFF;
	(pc) =	sbr.abs _section_cstart, $3  }
0xc0: {  	[dreg:$0x1] =	wrdreg $0xFFFFFFFF  }
0xc1: {  	_ =	task.clear_ibuf [dreg:s6], $0x2FFFF;
	_ =	strace $0x9FFFFFFF  }
0xc2: {  	(tm) =	ssettm $0x7FFFFFFF  }
0xc3: {  	_ =	shalt  }
tec
execute0_lowered:
.L_overlay_start_1:
0x0: {  	(tag) =	ssettag $0x1  }
0x1: {  	s0 =	rddreg [dreg:$0x0]  }
0x2: {  	s1 =	rddreg [dreg:$0x1]  }
0x3: {  	s2 =	srdreg.scid;
	s3 =	simm.s32 $0x0;
	s12 =	stileid.u32  }
0x4: {  	s28 =	simm.s32 $0x100;
	s31 =	simm.s32 $0x2;
	s7 =	smul.u32 $0x280, s12  }
0x5: {  	s2 =	sand.u32 $0x1, s2;
	[smem:$0x7FF] =	sst s3;
	s14 =	smul.u32 $0x50000, s12  }
0x6: {  	s4 =	sadd.s32 $0x8400, s0;
	s5 =	sadd.s32 $0x58600, s0;
	s11 =	smul.u32 $0x2800, s12  }
0x7: {  	s10 =	sadd.s32 $0x3200, s0;
	s15 =	sshll.u32 s12, $0x6;
	s26 =	smul.u32 $0x500, s12  }
0x8: {  	s6 =	smul.u32 $0x2800, s2;
	_ =	strace $0x80000050;
	s8 =	ssub.s32 $0x2, s2  }
0x9: {  	s2 =	smul.u32 $0x280A0, s2;
	s9 =	sshrl.u32 s8, $0x1;
	s16 =	sshrl.u32 s11, $0x3  }
0xa: {  	s6 =	sadd.s32 s7, s6;
	s7 =	sshrl.u32 s14, $0x2;
	s17 =	ssub.s32 s8, s9  }
0xb: {  	s2 =	sadd.s32 s11, s2;
	s8 =	sadd.s32 s10, s16;
	s6 =	sshll.u32 s6, $0x4  }
0xc: {  	s20 =	sadd.s32 s7, s1;
	s7 =	sor.u32 $0x1C09, s15;
	s18 =	sshrl.u32 s2, $0x3  }
0xd: {  	s21 =	sadd.s32 $0xA, s8;
	s22 =	sadd.s32 $0xA0, s2;
	s23 =	sadd.s32 $0x14, s8  }
0xe: {  	s24 =	sadd.s32 $0x1E, s8;
	s25 =	sadd.s32 $0xF0, s2;
	s17 =	smax.u32 s17, $0x1  }
0xf: {  	s30 =	sadd.s32 $0x140, s2;
	s0 =	sadd.s32 s6, s0;
	[dreg:$0x5] =	wrdreg s21  }
0x10: {  	s6 =	sadd.s32 s4, s6;
	s19 =	sadd.s32 s5, s18;
	[dreg:$0x7] =	wrdreg s23  }
0x11: {  	[dreg:$0x8] =	wrdreg s24;
	s18 =	sadd.s32 $0x190, s2;
	s21 =	sshrl.u32 s20, $0x3  }
0x12: {  	s2 =	simm.s32 $0x2C00;
	s23 =	simm.s32 $0x8;
	[dreg:$0x3] =	wrdreg s6  }
0x13: {  	s24 =	simm.s32 $0x0;
	[dreg:$0x4] =	wrdreg s19;
	s9 =	sadd.s32 $0xA, s19  }
.Ltmp0:
0x14: {  	s6 =	sshrl.u32 s22, $0x3;
	s0 =	sadd.s32 $0x62800, s0;
	(pc) =	sbr.rel .LBB2_1-.Ltmp0, $4  }
0x15: {  	s29 =	sshrl.u32 s18, $0x3;
	s18 =	sadd.s32 s26, s10;
	s22 =	simm.s32 $0x9  }
0x16: {  	s26 =	simm.s32 $0x300;
	[dreg:$0x6] =	wrdreg s9;
	s13 =	sadd.s32 s5, s6  }
0x17: {  	s6 =	sshrl.u32 s25, $0x3;
	[dreg:$0x9] =	wrdreg s0;
	s19 =	sadd.s32 s29, s5  }
0x18: {  	s25 =	simm.s32 $0x80;
	s0 =	simm.s32 $0x50;
	s15 =	sadd.s32 s5, s6  }
.LBB2_9:
0x19: {  	s24 =	sadd.s32 $0x1, s24  }
0x1a: {  	[bflag:$0x0] =	sbarrier.arrive $0xFFFF;
	p0 =	sne.s32 s24, s17  }
.Ltmp1:
0x1b: {  	s6 =	rddreg [dreg:$0x9];
	(pc) =	sbr.rel @!p0 .LBB2_10-.Ltmp1, $4  }
0x1c: {  	[hbm:s6], [sflag:s7] =	dma.local [spmem:s21], $0x2800  }
0x1d: {  	_ =	swait.ge [sflag:s22], $0x2800  }
0x1e: {  	[sflag:s22] =	ssyncset.done $0x0  }
0x1f: {  	[sflag:s22] =	ssyncadd.s32 $0xFFFFD800  }
.LBB2_1:
0x20: {  	s6 =	rddreg [dreg:$0x3]  }
0x21: {  	[spmem:s21], [sflag:s7] =	dma.local [hbm:s6], $0x2800  }
0x22: {  	_ =	swait.ge [sflag:s22], $0x2800  }
0x23: {  	[sflag:s22] =	ssyncset.done $0x0  }
0x24: {  	[sflag:s22] =	ssyncadd.s32 $0xFFFFD800  }
0x25: {  	s20 =	simm.s32 $0x200;
	[bflag:$0x0] =	sbarrier.arrive $0xFFFF  }
0x26: {  	[tilespmem:s20], [sflag:$0x1] =	stream.linear.gather [hbm4b:s8+s3], $0x50, $0x38;
	[tilespmem:$0x19400] =	vst v63  }
0x27: {  	s9 =	rddreg [dreg:$0x4]  }
0x28: {  	[tilespmem:s3], [sflag:$0x1] =	stream.linear.gather [hbm4b:s9+s3], $0x50, $0x38;
	[tilespmem:$0x19400] =	vst v63  }
0x29: {  	s10 =	rddreg [dreg:$0x5];
	s9 =	simm.s32 $0x280  }
0x2a: {  	[tilespmem:s9], [sflag:$0x2] =	stream.linear.gather [hbm4b:s10+s3], $0x50, $0x38;
	[tilespmem:$0x19400] =	vst v63  }
0x2b: {  	s11 =	rddreg [dreg:$0x6]  }
0x2c: {  	[tilespmem:s25], [sflag:$0x2] =	stream.linear.gather [hbm4b:s11+s3], $0x50, $0x38;
	[tilespmem:$0x19400] =	vst v63  }
0x2d: {  	s12 =	rddreg [dreg:$0x7]  }
0x2e: {  	[tilespmem:s26], [sflag:$0x3] =	stream.linear.gather [hbm4b:s12+s3], $0x50, $0x38;
	[tilespmem:$0x19400] =	vst v63  }
0x2f: {  	_ = 	snop  }
0x30: {  	[tilespmem:s28], [sflag:$0x3] =	stream.linear.gather [hbm4b:s13+s3], $0x50, $0x38;
	[tilespmem:$0x19400] =	vst v63  }
.Ltmp2:
0x31: {  	s16 =	simm.s32 $0x380;
	s14 =	rddreg [dreg:$0x8];
	(pc) =	sbr.rel .LBB2_2-.Ltmp2, $4  }
0x32: {  	[tilespmem:s16], [sflag:$0x4] =	stream.linear.gather [hbm4b:s14+s3], $0x50, $0x38;
	[tilespmem:$0x19400] =	vst v63  }
0x33: {  	s29 =	simm.s32 $0x3;
	s20 =	simm.s32 $0x180  }
0x34: {  	[tilespmem:s20], [sflag:$0x4] =	stream.linear.gather [hbm4b:s15+s3], $0x50, $0x38;
	[tilespmem:$0x19400] =	vst v63  }
0x35: {  	s6 =	simm.s32 $0x0;
	s10 =	simm.s32 $0x0;
	s20 =	smov.u32 s30  }
.LBB2_6:
0x36: {  	s9 =	sshll.u32 s10, $0x2  }
0x37: {  	s11 =	sor.u32 $0x1, s9  }
.LBB2_7:
0x38: {  	_ =	swait.ge [sflag:s31], $0x50  }
0x39: {  	[sflag:s31] =	ssyncset.done $0x0  }
0x3a: {  	[sflag:s31] =	ssyncadd.s32 $0xFFFFFFB0  }
0x3b: {  	_ =	swait.ge [sflag:s31], $0x50  }
0x3c: {  	[sflag:s31] =	ssyncset.done $0x0  }
0x3d: {  	[sflag:s31] =	ssyncadd.s32 $0xFFFFFFB0  }
0x3e: {  	[tilespmem:s2], [sflag:$0x6] =	stream.indirect.gather [hbm4b:s4+s0], $0x80, s25, s0, $0xb8;
	[tilespmem:$0x19400] =	vst v63  }
.LBB2_8:
0x3f: {  	p2 =	sgt.u32 s11, $0x80  }
0x40: {  	s9 =	simm.s32 @!p2 $0x5  }
0x41: {  	_ =	swait.ge @!p2 [sflag:s9], $0x2800  }
0x42: {  	s11 =	simm.s32 @!p2 $0x200;
	[sflag:s9] =	ssyncset.done @!p2 $0x0  }
0x43: {  	s12 =	simm.s32 @!p2 $0x400;
	[sflag:s9] =	ssyncadd.s32 @!p2 $0xFFFFD800;
	s9 =	simm.s32 @!p2 $0x50  }
0x44: {  	[spmem:s1] =	stream.indirect.scatter.add.f32 @!p2 [tilespmem:s12], [sflag:$0x7], $0x80, s11, s9, $0xb8;
	[tilespmem:$0x19400] =	vst v63  }
0x45: {  	s9 =	sadd.s32 @!p1 s6, s18  }
0x46: {  	s11 =	simm.s32 @!p1 $0x0;
	s12 =	simm.s32 @!p1 $0x380;
	s9 =	sadd.s32 @!p1 $0x1E, s9  }
0x47: {  	[tilespmem:s12], [sflag:$0x4] =	stream.linear.gather @!p1 [hbm4b:s9+s11], $0x50, $0x38;
	[tilespmem:$0x19400] =	vst v63  }
0x48: {  	s16 =	sadd.s32 $0xFFFFFFFF, s29;
	s14 =	simm.s32 @!p1 $0x180;
	s12 =	sadd.s32 @!p1 s6, s15  }
0x49: {  	[tilespmem:s14], [sflag:$0x4] =	stream.linear.gather @!p1 [hbm4b:s12+s11], $0x50, $0x38;
	[tilespmem:$0x19400] =	vst v63  }
0x4a: {  	p1 =	sgt.u32 s16, $0x81  }
0x4b: {  	s11 =	simm.s32 @!p1 $0x7  }
0x4c: {  	_ =	swait.ge @!p1 [sflag:s11], $0x2800  }
0x4d: {  	[sflag:s11] =	ssyncset.done @!p1 $0x0  }
0x4e: {  	[sflag:s11] =	ssyncadd.s32 @!p1 $0xFFFFD800;
	s11 =	simm.s32 @!p0 $0x3  }
0x4f: {  	_ =	swait.ge @!p0 [sflag:s11], $0x50  }
0x50: {  	[sflag:s11] =	ssyncset.done @!p0 $0x0  }
0x51: {  	[sflag:s11] =	ssyncadd.s32 @!p0 $0xFFFFFFB0  }
0x52: {  	s12 =	simm.s32 @!p0 $0x100;
	_ =	swait.ge @!p0 [sflag:s11], $0x50  }
0x53: {  	s14 =	simm.s32 @!p0 $0x400;
	p1 =	sgt.u32 s16, $0x80;
	[sflag:s11] =	ssyncset.done @!p0 $0x0  }
0x54: {  	s9 =	simm.s32 @!p1 $0x6;
	[sflag:s11] =	ssyncadd.s32 @!p0 $0xFFFFFFB0;
	s11 =	simm.s32 @!p0 $0x50  }
0x55: {  	[tilespmem:s14], [sflag:$0x5] =	stream.indirect.gather @!p0 [hbm4b:s4+s11], $0x80, s12, s11, $0xb8;
	[tilespmem:$0x19400] =	vst v63  }
0x56: {  	_ =	swait.ge @!p1 [sflag:s9], $0x2800  }
0x57: {  	s12 =	simm.s32 @!p1 $0x280;
	[sflag:s9] =	ssyncset.done @!p1 $0x0  }
0x58: {  	s14 =	simm.s32 @!p1 $0x2C00;
	[sflag:s9] =	ssyncadd.s32 @!p1 $0xFFFFD800;
	s9 =	simm.s32 @!p1 $0x50  }
0x59: {  	[spmem:s1] =	stream.indirect.scatter.add.f32 @!p1 [tilespmem:s14], [sflag:$0x8], $0x80, s12, s9, $0xb8;
	[tilespmem:$0x19400] =	vst v63  }
0x5a: {  	p1 =	sgt.u32 s10, $0x1E  }
0x5b: {  	s9 =	sadd.s32 @!p1 s6, s18  }
0x5c: {  	s14 =	simm.s32 @!p1 $0x0;
	s16 =	simm.s32 @!p1 $0x200;
	s12 =	sadd.s32 @!p1 $0x28, s9  }
0x5d: {  	[tilespmem:s16], [sflag:$0x1] =	stream.linear.gather @!p1 [hbm4b:s12+s14], $0x50, $0x38;
	[tilespmem:$0x19400] =	vst v63  }
0x5e: {  	s12 =	sshrl.u32 @!p1 s20, $0x3  }
0x5f: {  	p2 =	sgt.u32 s29, $0x81;
	s12 =	sadd.s32 @!p1 s5, s12  }
0x60: {  	[tilespmem:s14], [sflag:$0x1] =	stream.linear.gather @!p1 [hbm4b:s12+s14], $0x50, $0x38;
	[tilespmem:$0x19400] =	vst v63  }
0x61: {  	s12 =	simm.s32 @!p2 $0x8  }
0x62: {  	_ =	swait.ge @!p2 [sflag:s12], $0x2800  }
0x63: {  	[sflag:s12] =	ssyncset.done @!p2 $0x0  }
0x64: {  	[sflag:s12] =	ssyncadd.s32 @!p2 $0xFFFFD800;
	s12 =	simm.s32 @!p0 $0x4  }
0x65: {  	_ =	swait.ge @!p0 [sflag:s12], $0x50  }
0x66: {  	[sflag:s12] =	ssyncset.done @!p0 $0x0  }
0x67: {  	[sflag:s12] =	ssyncadd.s32 @!p0 $0xFFFFFFB0  }
0x68: {  	_ =	swait.ge @!p0 [sflag:s12], $0x50  }
0x69: {  	[sflag:s12] =	ssyncset.done @!p0 $0x0  }
0x6a: {  	s16 =	simm.s32 @!p0 $0x2C00;
	[sflag:s12] =	ssyncadd.s32 @!p0 $0xFFFFFFB0;
	s12 =	simm.s32 @!p0 $0x180  }
0x6b: {  	[tilespmem:s16], [sflag:$0x6] =	stream.indirect.gather @!p0 [hbm4b:s4+s11], $0x80, s12, s11, $0xb8;
	[tilespmem:$0x19400] =	vst v63  }
0x6c: {  	p0 =	sgt.u32 s29, $0x80  }
0x6d: {  	s11 =	simm.s32 @!p0 $0x5  }
0x6e: {  	_ =	swait.ge @!p0 [sflag:s11], $0x2800  }
0x6f: {  	s12 =	simm.s32 @!p0 $0x300;
	[sflag:s11] =	ssyncset.done @!p0 $0x0  }
0x70: {  	s16 =	simm.s32 @!p0 $0x400;
	[sflag:s11] =	ssyncadd.s32 @!p0 $0xFFFFD800;
	s11 =	simm.s32 @!p0 $0x50  }
0x71: {  	[spmem:s1] =	stream.indirect.scatter.add.f32 @!p0 [tilespmem:s16], [sflag:$0x7], $0x80, s12, s11, $0xb8;
	[tilespmem:$0x19400] =	vst v63  }
0x72: {  	s9 =	sadd.s32 @!p1 $0x32, s9;
	s11 =	simm.s32 @!p1 $0x280  }
0x73: {  	[tilespmem:s11], [sflag:$0x2] =	stream.linear.gather @!p1 [hbm4b:s9+s14], $0x50, $0x38;
	[tilespmem:$0x19400] =	vst v63  }
0x74: {  	s9 =	sadd.s32 @!p1 s6, s19;
	s6 =	sadd.s32 $0x28, s6  }
0x75: {  	p0 =	sne.s32 s6, $0x528  }
.Ltmp3:
0x76: {  	_ = 	snop;
	(pc) =	sbr.rel @!p0 .LBB2_9-.Ltmp3, $4  }
0x77: {  	_ = 	snop  }
0x78: {  	s10 =	sadd.s32 $0x1, s10  }
0x79: {  	s20 =	sadd.s32 $0x140, s20;
	s29 =	sadd.s32 $0x4, s29;
	s11 =	simm.s32 @!p1 $0x80  }
0x7a: {  	[tilespmem:s11], [sflag:$0x2] =	stream.linear.gather @!p1 [hbm4b:s9+s14], $0x50, $0x38;
	[tilespmem:$0x19400] =	vst v63  }
.LBB2_2:
0x7b: {  	s11 =	sadd.s32 $0xFFFFFFF9, s29  }
0x7c: {  	p1 =	sgt.u32 s11, $0x7F  }
0x7d: {  	s11 =	simm.s32 @!p1 $0x7  }
0x7e: {  	_ =	swait.ge @!p1 [sflag:s11], $0x2800  }
0x7f: {  	p0 =	seq.s32 s6, $0x500;
	[sflag:s11] =	ssyncset.done @!p1 $0x0  }
0x80: {  	[sflag:s11] =	ssyncadd.s32 @!p1 $0xFFFFD800;
	s11 =	simm.s32 @!p0 $0x1  }
0x81: {  	_ =	swait.ge @!p0 [sflag:s11], $0x50  }
0x82: {  	[sflag:s11] =	ssyncset.done @!p0 $0x0  }
0x83: {  	[sflag:s11] =	ssyncadd.s32 @!p0 $0xFFFFFFB0  }
0x84: {  	_ =	swait.ge @!p0 [sflag:s11], $0x50  }
0x85: {  	s12 =	simm.s32 @!p0 $0x0;
	[sflag:s11] =	ssyncset.done @!p0 $0x0  }
0x86: {  	s9 =	simm.s32 @!p0 $0x400;
	[sflag:s11] =	ssyncadd.s32 @!p0 $0xFFFFFFB0;
	s11 =	simm.s32 @!p0 $0x50  }
0x87: {  	[tilespmem:s9], [sflag:$0x5] =	stream.indirect.gather @!p0 [hbm4b:s4+s11], $0x80, s12, s11, $0xb8;
	[tilespmem:$0x19400] =	vst v63  }
0x88: {  	s9 =	simm.s32 @!p1 $0x6  }
0x89: {  	_ =	swait.ge @!p1 [sflag:s9], $0x2800  }
0x8a: {  	s16 =	sor.u32 $0x20, s10;
	s11 =	simm.s32 @!p1 $0x380;
	[sflag:s9] =	ssyncset.done @!p1 $0x0  }
0x8b: {  	s12 =	simm.s32 @!p1 $0x2C00;
	[sflag:s9] =	ssyncadd.s32 @!p1 $0xFFFFD800;
	s9 =	simm.s32 @!p1 $0x50  }
0x8c: {  	[spmem:s1] =	stream.indirect.scatter.add.f32 @!p1 [tilespmem:s12], [sflag:$0x8], $0x80, s11, s9, $0xb8;
	[tilespmem:$0x19400] =	vst v63  }
0x8d: {  	p1 =	seq.s32 s16, $0x20  }
.Ltmp4:
0x8e: {  	_ = 	snop;
	(pc) =	sbr.rel @!p1 .LBB2_3-.Ltmp4, $1  }
0x8f: {  	_ =	sdelay $0x3  }
0x90: {  	p2 =	seq.s32 s6, $0x0  }
.Ltmp5:
0x91: {  	_ = 	snop;
	(pc) =	sbr.rel @!p2 .LBB2_4-.Ltmp5, $4  }
.Ltmp6:
0x92: {  	_ = 	snop;
	(pc) =	sbr.rel @p2 .LBB2_6-.Ltmp6, $4  }
0x93: {  	_ = 	snop  }
0x94: {  	_ = 	snop  }
0x95: {  	_ = 	snop  }
0x96: {  	_ = 	snop  }
.LBB2_3:
0x97: {  	s9 =	sadd.s32 s6, s18  }
0x98: {  	s9 =	sadd.s32 $0x14, s9  }
0x99: {  	[tilespmem:s26], [sflag:$0x3] =	stream.linear.gather [hbm4b:s9+s3], $0x50, $0x38;
	[tilespmem:$0x19400] =	vst v63  }
0x9a: {  	s16 =	sadd.s32 s6, s13  }
0x9b: {  	[tilespmem:s28], [sflag:$0x3] =	stream.linear.gather [hbm4b:s16+s3], $0x50, $0x38;
	[tilespmem:$0x19400] =	vst v63  }
.LBB2_4:
.Ltmp7:
0x9c: {  	(pc) =	sbr.rel @p0 .LBB2_8-.Ltmp7, $4  }
.Ltmp8:
0x9d: {  	(pc) =	sbr.rel @!p0 .LBB2_7-.Ltmp8, $4  }
0x9e: {  	_ =	swait.ge [sflag:s23], $0x2800  }
0x9f: {  	[sflag:s23] =	ssyncset.done $0x0  }
0xa0: {  	s11 =	sadd.s32 $0xFFFFFFFE, s29;
	[sflag:s23] =	ssyncadd.s32 $0xFFFFD800  }
0xa1: {  	_ = 	snop  }
.LBB2_10:
0xa2: {  	_ =	sfence.sel $0x180000  }
0xa3: {  	[bflag:$0x0] =	sbarrier.arrive $0xFFFF  }
0xa4: {  	_ =	strace $0x90000050  }
0xa5: {  	s0 =	stileid.u32;
	[bflag:$0x2] =	sbarrier.arrive $0xFFFF  }
0xa6: {  	p0 =	sne.s32 s0, $0x0;
	s0 =	rddreg [dreg:$0x2]  }
0xa7: {  	s0 =	sadd.s32 @!p0 $0x100000, s0  }
0xa8: {  	[sflag:s0] =	ssyncadd.tile.s32 @!p0 $0x1;
	_ =	shalt  }
.Lfunc_end2:
_tile_overlayer_lowered:
.L_overlay_start_2:
0xa9: {  	(tag) =	ssettag $0x2  }
0xaa: {  	s0 =	rddreg [dreg:$0x0];
	s2 =	stileid.u32  }
0xab: {  	s1 =	rddreg [dreg:$0x1];
	p0 =	sne.s32 s2, $0x0  }
0xac: {  	s3 =	rddreg [dreg:$0x2];
	[bflag:$0x3] =	sbarrier.arrive $0xFFFF;
	s2 =	simm.s32 @!p0 $0x1C09  }
0xad: {  	[timem:s3], [sflag:s2] =	dma.local @!p0 [hbm:s0], s1  }
0xae: {  	s0 =	simm.s32 @!p0 $0x9  }
0xaf: {  	_ =	swait.ge @!p0 [sflag:s0], s1  }
0xb0: {  	s1 =	ssub.s32 @!p0 $0x0, s1;
	[sflag:s0] =	ssyncset.done @!p0 $0x0  }
0xb1: {  	[sflag:s0] =	ssyncadd.s32 @!p0 s1  }
0xb2: {  	[bflag:$0x3] =	sbarrier.arrive $0xFFFF  }
0xb3: {  	_ =	shalt  }

</sc_bundles>
